<compile_context>
chip_gen: v7x
topology: tpu7x:2x2x1
jax: 0.10.2.dev20260603
libtpu: 0.0.44.dev20260713+nightly
codegen_flags: <defaults>
</compile_context>

<pallas_src>
import dataclasses
import functools

import jax
import jax.numpy as jnp
from jax import lax
from jax.experimental import pallas as pl
from jax.experimental.pallas import tpu as pltpu
from jax.experimental.pallas import tpu_sc as plsc

N = 10000
E = 320000
NC = 2
NS = 16
NW = NC * NS
CHUNK = 128
EPW = E // NW
CHUNKS_PER_CORE = (E // NC) // CHUNK
KMAX = (CHUNKS_PER_CORE + NS - 1) // NS
NACC = N + 8
RPT = 624
ZROWS = 16

_mesh = plsc.VectorSubcoreMesh(core_axis_name="c", subcore_axis_name="s")

_sc_params = pltpu.CompilerParams()
if "needs_layout_passes" in pltpu.CompilerParams.__dataclass_fields__:
    _sc_params = dataclasses.replace(_sc_params, needs_layout_passes=False)


@functools.partial(
    pl.kernel,
    mesh=_mesh,
    out_type=jax.ShapeDtypeStruct((NW, 1, 2 * N), jnp.float32),
    compiler_params=_sc_params,
    scratch_types=[
        pltpu.VMEM((EPW,), jnp.int32),
        pltpu.VMEM((EPW,), jnp.int32),
        pltpu.VMEM((2 * N,), jnp.float32),
        pltpu.SemaphoreType.DMA,
    ],
)
def _deg_kernel(src_hbm, dst_hbm, out_hbm, src_v, dst_v, h_v, sem):
    c = lax.axis_index("c")
    s = lax.axis_index("s")
    w = s * NC + c
    base = w * EPW
    pltpu.sync_copy(src_hbm.at[pl.ds(base, EPW)], src_v)
    pltpu.sync_copy(dst_hbm.at[pl.ds(base, EPW)], dst_v)

    zeros16 = jnp.zeros((16,), jnp.float32)

    @pl.loop(0, 2 * N, step=16)
    def _(i):
        h_v[pl.ds(i, 16)] = zeros16

    ones16 = jnp.ones((16,), jnp.float32)
    n_vec = jnp.full((16,), N, jnp.int32)

    @pl.loop(0, EPW, step=16)
    def _(i):
        plsc.addupdate_scatter(h_v, [src_v[pl.ds(i, 16)]], ones16)
        plsc.addupdate_scatter(h_v, [dst_v[pl.ds(i, 16)] + n_vec], ones16)

    pltpu.sync_copy(h_v, out_hbm.at[w, 0])


def _make_agg(F):
    @functools.partial(
        pl.kernel,
        mesh=_mesh,
        out_type=jax.ShapeDtypeStruct((NC, N, F), jnp.float32),
        scratch_types=[
            pltpu.VMEM((CHUNK,), jnp.int32),
            pltpu.VMEM((CHUNK,), jnp.int32),
            pltpu.VMEM((CHUNK,), jnp.int32),
            pltpu.VMEM((CHUNK,), jnp.int32),
            pltpu.VMEM((CHUNK, F), jnp.float32),
            pltpu.VMEM((CHUNK, F), jnp.float32),
            pltpu.VMEM_SHARED((NACC, F), jnp.float32),
            pltpu.SemaphoreType.DMA,
            pltpu.SemaphoreType.DMA,
            pltpu.SemaphoreType.DMA,
            pltpu.SemaphoreType.DMA,
            pltpu.SemaphoreType.DMA,
            pltpu.SemaphoreType.DMA,
        ],
    )
    def _agg(t_hbm, src_hbm, dst_hbm, out_hbm, src0_v, dst0_v, src1_v,
             dst1_v, rows0_v, rows1_v, acc_sh, sem0, sem1, sem0s, sem1s,
             semi0, semi1):
        c = lax.axis_index("c")
        s = lax.axis_index("s")
        w = s * NC + c
        row0 = s * RPT

        zeros16 = jnp.zeros((16,), jnp.float32)

        @pl.loop(0, CHUNK)
        def _(r):
            for f in range(0, F, 16):
                rows0_v[r, pl.ds(f, 16)] = zeros16

        @pl.loop(0, 512, step=CHUNK)
        def _(r):
            pltpu.sync_copy(rows0_v, acc_sh.at[pl.ds(row0 + r, CHUNK)])

        pltpu.sync_copy(rows0_v.at[pl.ds(0, RPT - 512)],
                        acc_sh.at[pl.ds(row0 + 512, RPT - 512)])

        @pl.when(s == NS - 1)
        def _():
            pltpu.sync_copy(rows0_v.at[pl.ds(0, NACC - NS * RPT)],
                            acc_sh.at[pl.ds(NS * RPT, NACC - NS * RPT)])

        plsc.subcore_barrier()

        ebase = c * (E // NC)

        @pl.loop(0, KMAX + 1, step=2)
        def _(k):
            ch0 = s + k * NS
            ch1 = s + (k + 1) * NS

            @pl.when(jnp.logical_and(k >= 2,
                                     s + (k - 2) * NS < CHUNKS_PER_CORE))
            def _():
                pltpu.make_async_copy(rows0_v, acc_sh.at[dst0_v],
                                      sem0s).wait()

            @pl.when(ch0 < CHUNKS_PER_CORE)
            def _():
                base = ebase + ch0 * CHUNK
                pltpu.async_copy(src_hbm.at[pl.ds(base, CHUNK)], src0_v,
                                 semi0)
                pltpu.async_copy(dst_hbm.at[pl.ds(base, CHUNK)], dst0_v,
                                 semi0)
                pltpu.make_async_copy(src_hbm.at[pl.ds(base, CHUNK)],
                                      src0_v, semi0).wait()
                pltpu.make_async_copy(dst_hbm.at[pl.ds(base, CHUNK)],
                                      dst0_v, semi0).wait()
                pltpu.async_copy(t_hbm.at[src0_v], rows0_v, sem0)

            @pl.when(jnp.logical_and(k >= 2,
                                     s + (k - 1) * NS < CHUNKS_PER_CORE))
            def _():
                pltpu.make_async_copy(rows1_v, acc_sh.at[dst1_v],
                                      sem1s).wait()

            @pl.when(ch1 < CHUNKS_PER_CORE)
            def _():
                base = ebase + ch1 * CHUNK
                pltpu.async_copy(src_hbm.at[pl.ds(base, CHUNK)], src1_v,
                                 semi1)
                pltpu.async_copy(dst_hbm.at[pl.ds(base, CHUNK)], dst1_v,
                                 semi1)
                pltpu.make_async_copy(src_hbm.at[pl.ds(base, CHUNK)],
                                      src1_v, semi1).wait()
                pltpu.make_async_copy(dst_hbm.at[pl.ds(base, CHUNK)],
                                      dst1_v, semi1).wait()
                pltpu.async_copy(t_hbm.at[src1_v], rows1_v, sem1)

            @pl.when(ch0 < CHUNKS_PER_CORE)
            def _():
                pltpu.make_async_copy(t_hbm.at[src0_v], rows0_v, sem0).wait()
                pltpu.async_copy(rows0_v, acc_sh.at[dst0_v], sem0s, add=True)

            @pl.when(ch1 < CHUNKS_PER_CORE)
            def _():
                pltpu.make_async_copy(t_hbm.at[src1_v], rows1_v, sem1).wait()
                pltpu.async_copy(rows1_v, acc_sh.at[dst1_v], sem1s, add=True)

        @pl.when(s + (KMAX - 1) * NS < CHUNKS_PER_CORE)
        def _():
            pltpu.make_async_copy(rows0_v, acc_sh.at[dst0_v], sem0s).wait()

        plsc.subcore_barrier()
        pltpu.sync_copy(
            acc_sh.at[pl.ds(row0, RPT)],
            out_hbm.at[c, pl.ds(row0, RPT)],
        )

        @pl.when(s == NS - 1)
        def _():
            pltpu.sync_copy(
                acc_sh.at[pl.ds(NS * RPT, ZROWS)],
                out_hbm.at[c, pl.ds(NS * RPT, ZROWS)],
            )

    return _agg


_agg128 = _make_agg(128)


def _scales_t1_body(degp_ref, x_ref, t1_ref, so_ref, si_ref):
    deg = jnp.sum(degp_ref[...], axis=0)
    so = lax.rsqrt(jnp.maximum(deg[0], 1.0))[:, None]
    so_ref[...] = so
    si_ref[...] = lax.rsqrt(jnp.maximum(deg[1], 1.0))[:, None]
    t1_ref[...] = x_ref[...] * so


def _tc_scales_t1(degp, x):
    return pl.pallas_call(
        _scales_t1_body,
        out_shape=(
            jax.ShapeDtypeStruct((N, x.shape[1]), jnp.float32),
            jax.ShapeDtypeStruct((N, 1), jnp.float32),
            jax.ShapeDtypeStruct((N, 1), jnp.float32),
        ),
    )(degp, x)


def _step2_body(p_ref, si_ref, so_ref, W1_ref, b1_ref, W2_ref, t2_ref):
    u = (p_ref[0] + p_ref[1]) * si_ref[...]
    h1 = jnp.dot(u, W1_ref[...], preferred_element_type=jnp.float32)
    h1 = jnp.maximum(h1 + b1_ref[...], 0.0)
    t2_ref[...] = jnp.dot(h1 * so_ref[...], W2_ref[...],
                          preferred_element_type=jnp.float32)


def _tc_step2(p1, si, so, W1, b1, W2):
    return pl.pallas_call(
        _step2_body,
        out_shape=jax.ShapeDtypeStruct((N, W2.shape[1]), jnp.float32),
    )(p1, si, so, W1, b1, W2)


def _step_body(p_ref, si_ref, so_ref, b_ref, W_ref, t_ref):
    h = jnp.maximum((p_ref[0] + p_ref[1]) * si_ref[...] + b_ref[...], 0.0)
    t_ref[...] = jnp.dot(h * so_ref[...], W_ref[...],
                         preferred_element_type=jnp.float32)


def _tc_step(p, si, so, b_prev, W):
    return pl.pallas_call(
        _step_body,
        out_shape=jax.ShapeDtypeStruct((N, W.shape[1]), jnp.float32),
    )(p, si, so, b_prev, W)


def _final_body(p_ref, si_ref, b_ref, o_ref):
    nc = b_ref.shape[1]
    agg = (p_ref[0, :, :nc] + p_ref[1, :, :nc]) * si_ref[...]
    o_ref[...] = jnp.maximum(agg + b_ref[...], 0.0)


def _tc_final(p, si, b):
    return pl.pallas_call(
        _final_body,
        out_shape=jax.ShapeDtypeStruct((N, b.shape[1]), jnp.float32),
    )(p, si, b)


def kernel(g, x, W1, b1, W2, b2, W3, b3, W4, b4, W5, b5):
    g = g.astype(jnp.int32)
    src, dst = g[0], g[1]
    degp = _deg_kernel(src, dst).reshape(NW, 2, N)
    t1, so, si = _tc_scales_t1(degp, x)
    p1 = _agg128(t1, src, dst)
    W3p = jnp.pad(W3, ((0, 0), (0, 128 - W3.shape[1])))
    W4p = jnp.pad(W4, ((0, 128 - W4.shape[0]), (0, 128 - W4.shape[1])))
    W5p = jnp.pad(W5, ((0, 128 - W5.shape[0]), (0, 128 - W5.shape[1])))
    b3p = jnp.pad(b3, (0, 128 - b3.shape[0])).reshape(1, -1)
    b4p = jnp.pad(b4, (0, 128 - b4.shape[0])).reshape(1, -1)
    t2 = _tc_step2(p1, si, so, W1, b1.reshape(1, -1), W2)
    p2 = _agg128(t2, src, dst)
    t3 = _tc_step(p2, si, so, b2.reshape(1, -1), W3p)
    p3 = _agg128(t3, src, dst)
    t4 = _tc_step(p3, si, so, b3p, W4p)
    p4 = _agg128(t4, src, dst)
    t5 = _tc_step(p4, si, so, b4p, W5p)
    p5 = _agg128(t5, src, dst)
    return _tc_final(p5, si, b5.reshape(1, -1))

# --- scband reference (transcript-rebuilt; emitter-appended) ---
"""Pipeline reference for scband-gcn-18528488915141 (READ-ONLY COPY).

The authoritative reference and input builder live on the scoring server;
editing this copy changes nothing except your own understanding.
"""

import jax, jax.numpy as jnp
import numpy as np

N = 10000
E = 320000
IN_FEATS = 128
HIDDEN = 256
NUM_CLASSES = 16


def setup_inputs(seed: int = 0) -> dict:
    key = jax.random.key(seed)
    ks = jax.random.split(key, 12)
    edge_index = jax.random.randint(ks[0], (2, E), 0, N)
    x = jax.random.normal(ks[1], (N, IN_FEATS), dtype=jnp.float32)
    dims = [(IN_FEATS, HIDDEN), (HIDDEN, HIDDEN // 2), (HIDDEN // 2, HIDDEN // 4),
            (HIDDEN // 4, HIDDEN // 8), (HIDDEN // 8, NUM_CLASSES)]
    inp = {"g": edge_index, "x": x}
    for i, (fi, fo) in enumerate(dims):
        inp[f"W{i+1}"] = jax.random.normal(ks[2 + i], (fi, fo), dtype=jnp.float32) * (1.0 / np.sqrt(fi))
        inp[f"b{i+1}"] = jnp.zeros((fo,), dtype=jnp.float32)
    return inp


def graph_conv(x, src, dst, W, b, n):
    # DGL-style GraphConv with norm='both':
    # h = D_dst^{-1/2} * sum_{(u,v) in E} D_src^{-1/2} * (x_u W) + b
    ones = jnp.ones((src.shape[0],), dtype=x.dtype)
    deg_out = jnp.clip(jax.ops.segment_sum(ones, src, num_segments=n), 1.0)
    deg_in = jnp.clip(jax.ops.segment_sum(ones, dst, num_segments=n), 1.0)
    h = x * (deg_out ** -0.5)[:, None]
    h = h @ W
    msg = jnp.take(h, src, axis=0)
    agg = jax.ops.segment_sum(msg, dst, num_segments=n)
    return agg * (deg_in ** -0.5)[:, None] + b


def reference(g, x, W1, b1, W2, b2, W3, b3, W4, b4, W5, b5):
    src, dst = g[0], g[1]
    h = jax.nn.relu(graph_conv(x, src, dst, W1, b1, N))
    h = jax.nn.relu(graph_conv(h, src, dst, W2, b2, N))
    h = jax.nn.relu(graph_conv(h, src, dst, W3, b3, N))
    h = jax.nn.relu(graph_conv(h, src, dst, W4, b4, N))
    h = jax.nn.relu(graph_conv(h, src, dst, W5, b5, N))
    return h

if __name__ == "__main__":
    import jax
    _d = setup_inputs()
    print(jax.jit(kernel)(*tuple(_d.values())))

</pallas_src>

<mosaic_0001>
#map = affine_map<(d0, d1) -> (0, 0)>
#map1 = affine_map<(d0, d1) -> (0)>
#map2 = affine_map<(d0, d1) -> (0, 0, 0)>
module attributes {stable_mosaic.version = 14 : i64} {
  func.func @_agg(%arg0: i32, %arg1: i32, %arg2: memref<10000x128xf32, #tpu.memory_space<hbm>>, %arg3: memref<320000xi32, #tpu.memory_space<hbm>>, %arg4: memref<320000xi32, #tpu.memory_space<hbm>>, %arg5: memref<2x10000x128xf32, #tpu.memory_space<hbm>>, %arg6: memref<128xi32, #tpu.memory_space<vmem>>, %arg7: memref<128xi32, #tpu.memory_space<vmem>>, %arg8: memref<128xi32, #tpu.memory_space<vmem>>, %arg9: memref<128xi32, #tpu.memory_space<vmem>>, %arg10: memref<128x128xf32, #tpu.memory_space<vmem>>, %arg11: memref<128x128xf32, #tpu.memory_space<vmem>>, %arg12: memref<10008x128xf32, #tpu.memory_space<vmem_shared>>, %arg13: memref<!tpu.dma_semaphore, #tpu.memory_space<semaphore_mem>>, %arg14: memref<!tpu.dma_semaphore, #tpu.memory_space<semaphore_mem>>, %arg15: memref<!tpu.dma_semaphore, #tpu.memory_space<semaphore_mem>>, %arg16: memref<!tpu.dma_semaphore, #tpu.memory_space<semaphore_mem>>, %arg17: memref<!tpu.dma_semaphore, #tpu.memory_space<semaphore_mem>>, %arg18: memref<!tpu.dma_semaphore, #tpu.memory_space<semaphore_mem>>) attributes {dimension_semantics = [#tpu.dimension_semantics<core_parallel>, #tpu.dimension_semantics<subcore_parallel>], iteration_bounds = array<i64: 2, 16>, scalar_prefetch = 0 : i64, scratch_operands = 13 : i64, tpu.core_type = #tpu.core_type<sc_vector_subcore>, window_params = [{transform_indices = #map}, {transform_indices = #map1}, {transform_indices = #map1}, {transform_indices = #map2}]} {
    %mul3A = arith.constant 2 : i32
    %mul3A_0 = arith.muli %arg1, %mul3A : i32
    %add3A = arith.addi %mul3A_0, %arg0 : i32
    %mul3A_1 = arith.constant 624 : i32
    %mul3A_2 = arith.muli %arg1, %mul3A_1 : i32
    %broadcast_in_dim3A = arith.constant 0.000000e+00 : f32
    %broadcast_in_dim3A_3 = vector.broadcast %broadcast_in_dim3A : f32 to vector<16xf32>
    %scan3A = arith.constant 0 : i32
    %scan3A_4 = arith.constant 128 : i32
    %scan3A_5 = arith.addi %scan3A, %scan3A_4 : i32
    %scan3A_6 = arith.constant 1 : i32
    scf.for %scan3A_36 = %scan3A to %scan3A_5 step %scan3A_6  : i32 {
      %mul3A_37 = arith.constant 1 : i32
      %mul3A_38 = arith.muli %scan3A_36, %mul3A_37 : i32
      %add3A_39 = arith.constant 0 : i32
      %add3A_40 = arith.addi %add3A_39, %mul3A_38 : i32
      %swap3A = arith.index_cast %add3A_40 : i32 to index
      %swap3A_41 = arith.constant 0 : index
      %swap3A_42 = tpu.vector_load %arg10[%swap3A, %swap3A_41] {strides = array<i32>} : memref<128x128xf32, #tpu.memory_space<vmem>>, vector<1x16xf32>,
      %swap3A_43 = vector.shape_cast %swap3A_42 : vector<1x16xf32> to vector<16xf32>
      %swap3A_44 = vector.shape_cast %broadcast_in_dim3A_3 : vector<16xf32> to vector<1x16xf32>
      tpu.vector_store %arg10[%swap3A, %swap3A_41], %swap3A_44 {strides = array<i32>} : memref<128x128xf32, #tpu.memory_space<vmem>>, vector<1x16xf32>,
      %swap3A_45 = arith.index_cast %add3A_40 : i32 to index
      %swap3A_46 = arith.constant 16 : index
      %swap3A_47 = tpu.vector_load %arg10[%swap3A_45, %swap3A_46] {strides = array<i32>} : memref<128x128xf32, #tpu.memory_space<vmem>>, vector<1x16xf32>,
      %swap3A_48 = vector.shape_cast %swap3A_47 : vector<1x16xf32> to vector<16xf32>
      %swap3A_49 = vector.shape_cast %broadcast_in_dim3A_3 : vector<16xf32> to vector<1x16xf32>
      tpu.vector_store %arg10[%swap3A_45, %swap3A_46], %swap3A_49 {strides = array<i32>} : memref<128x128xf32, #tpu.memory_space<vmem>>, vector<1x16xf32>,
      %swap3A_50 = arith.index_cast %add3A_40 : i32 to index
      %swap3A_51 = arith.constant 32 : index
      %swap3A_52 = tpu.vector_load %arg10[%swap3A_50, %swap3A_51] {strides = array<i32>} : memref<128x128xf32, #tpu.memory_space<vmem>>, vector<1x16xf32>,
      %swap3A_53 = vector.shape_cast %swap3A_52 : vector<1x16xf32> to vector<16xf32>
      %swap3A_54 = vector.shape_cast %broadcast_in_dim3A_3 : vector<16xf32> to vector<1x16xf32>
      tpu.vector_store %arg10[%swap3A_50, %swap3A_51], %swap3A_54 {strides = array<i32>} : memref<128x128xf32, #tpu.memory_space<vmem>>, vector<1x16xf32>,
      %swap3A_55 = arith.index_cast %add3A_40 : i32 to index
      %swap3A_56 = arith.constant 48 : index
      %swap3A_57 = tpu.vector_load %arg10[%swap3A_55, %swap3A_56] {strides = array<i32>} : memref<128x128xf32, #tpu.memory_space<vmem>>, vector<1x16xf32>,
      %swap3A_58 = vector.shape_cast %swap3A_57 : vector<1x16xf32> to vector<16xf32>
      %swap3A_59 = vector.shape_cast %broadcast_in_dim3A_3 : vector<16xf32> to vector<1x16xf32>
      tpu.vector_store %arg10[%swap3A_55, %swap3A_56], %swap3A_59 {strides = array<i32>} : memref<128x128xf32, #tpu.memory_space<vmem>>, vector<1x16xf32>,
      %swap3A_60 = arith.index_cast %add3A_40 : i32 to index
      %swap3A_61 = arith.constant 64 : index
      %swap3A_62 = tpu.vector_load %arg10[%swap3A_60, %swap3A_61] {strides = array<i32>} : memref<128x128xf32, #tpu.memory_space<vmem>>, vector<1x16xf32>,
      %swap3A_63 = vector.shape_cast %swap3A_62 : vector<1x16xf32> to vector<16xf32>
      %swap3A_64 = vector.shape_cast %broadcast_in_dim3A_3 : vector<16xf32> to vector<1x16xf32>
      tpu.vector_store %arg10[%swap3A_60, %swap3A_61], %swap3A_64 {strides = array<i32>} : memref<128x128xf32, #tpu.memory_space<vmem>>, vector<1x16xf32>,
      %swap3A_65 = arith.index_cast %add3A_40 : i32 to index
      %swap3A_66 = arith.constant 80 : index
      %swap3A_67 = tpu.vector_load %arg10[%swap3A_65, %swap3A_66] {strides = array<i32>} : memref<128x128xf32, #tpu.memory_space<vmem>>, vector<1x16xf32>,
      %swap3A_68 = vector.shape_cast %swap3A_67 : vector<1x16xf32> to vector<16xf32>
      %swap3A_69 = vector.shape_cast %broadcast_in_dim3A_3 : vector<16xf32> to vector<1x16xf32>
      tpu.vector_store %arg10[%swap3A_65, %swap3A_66], %swap3A_69 {strides = array<i32>} : memref<128x128xf32, #tpu.memory_space<vmem>>, vector<1x16xf32>,
      %swap3A_70 = arith.index_cast %add3A_40 : i32 to index
      %swap3A_71 = arith.constant 96 : index
      %swap3A_72 = tpu.vector_load %arg10[%swap3A_70, %swap3A_71] {strides = array<i32>} : memref<128x128xf32, #tpu.memory_space<vmem>>, vector<1x16xf32>,
      %swap3A_73 = vector.shape_cast %swap3A_72 : vector<1x16xf32> to vector<16xf32>
      %swap3A_74 = vector.shape_cast %broadcast_in_dim3A_3 : vector<16xf32> to vector<1x16xf32>
      tpu.vector_store %arg10[%swap3A_70, %swap3A_71], %swap3A_74 {strides = array<i32>} : memref<128x128xf32, #tpu.memory_space<vmem>>, vector<1x16xf32>,
      %swap3A_75 = arith.index_cast %add3A_40 : i32 to index
      %swap3A_76 = arith.constant 112 : index
      %swap3A_77 = tpu.vector_load %arg10[%swap3A_75, %swap3A_76] {strides = array<i32>} : memref<128x128xf32, #tpu.memory_space<vmem>>, vector<1x16xf32>,
      %swap3A_78 = vector.shape_cast %swap3A_77 : vector<1x16xf32> to vector<16xf32>
      %swap3A_79 = vector.shape_cast %broadcast_in_dim3A_3 : vector<16xf32> to vector<1x16xf32>
      tpu.vector_store %arg10[%swap3A_75, %swap3A_76], %swap3A_79 {strides = array<i32>} : memref<128x128xf32, #tpu.memory_space<vmem>>, vector<1x16xf32>,
    }
    %scan3A_7 = arith.constant 128 : i32
    %scan3A_8 = arith.constant 0 : i32
    %scan3A_9 = arith.constant 4 : i32
    %scan3A_10 = arith.addi %scan3A_8, %scan3A_9 : i32
    %scan3A_11 = arith.constant 1 : i32
    scf.for %scan3A_36 = %scan3A_8 to %scan3A_10 step %scan3A_11  : i32 {
      %mul3A_37 = arith.constant 128 : i32
      %mul3A_38 = arith.muli %scan3A_36, %mul3A_37 : i32
      %add3A_39 = arith.constant 0 : i32
      %add3A_40 = arith.addi %add3A_39, %mul3A_38 : i32
      %add3A_41 = arith.addi %mul3A_2, %add3A_40 : i32
      "tpu.region"() ({
        %run_scoped3A = tpu.sem_alloc : memref<!tpu.dma_semaphore, #tpu.memory_space<semaphore_mem>>
        %dma_start3A = arith.constant 0 : i32
        %dma_start3A_42 = tpu.memref_slice %arg12[%add3A_41, %dma_start3A] : memref<10008x128xf32, #tpu.memory_space<vmem_shared>> -> memref<128x128xf32, #tpu.memory_space<vmem_shared>>
        %dma_start3A_43 = arith.constant 0 : i32
        %dma_start3A_44 = tpu.memref_slice %arg12[%add3A_41, %dma_start3A_43] : memref<10008x128xf32, #tpu.memory_space<vmem_shared>> -> memref<128x128xf32, #tpu.memory_space<vmem_shared>>
        tpu.enqueue_dma source(%arg10 : memref<128x128xf32, #tpu.memory_space<vmem>>) target(%dma_start3A_44 : memref<128x128xf32, #tpu.memory_space<vmem_shared>>) target_semaphore(%run_scoped3A : memref<!tpu.dma_semaphore, #tpu.memory_space<semaphore_mem>>)
        %dma_wait3A = arith.constant 0 : i32
        %dma_wait3A_45 = tpu.memref_slice %arg12[%add3A_41, %dma_wait3A] : memref<10008x128xf32, #tpu.memory_space<vmem_shared>> -> memref<128x128xf32, #tpu.memory_space<vmem_shared>>
        %dma_wait3A_46 = arith.constant 0 : i32
        %dma_wait3A_47 = tpu.memref_slice %arg12[%add3A_41, %dma_wait3A_46] : memref<10008x128xf32, #tpu.memory_space<vmem_shared>> -> memref<128x128xf32, #tpu.memory_space<vmem_shared>>
        tpu.wait_dma2 semaphore(%run_scoped3A : memref<!tpu.dma_semaphore, #tpu.memory_space<semaphore_mem>>) src(%arg10 : memref<128x128xf32, #tpu.memory_space<vmem>>) dst(%dma_wait3A_47 : memref<128x128xf32, #tpu.memory_space<vmem_shared>>)
        tpu.yield
      }) : () -> ()
    }
    %scan3A_12 = arith.constant 4 : i32
    %add3A_13 = arith.constant 512 : i32
    %add3A_14 = arith.addi %mul3A_2, %add3A_13 : i32
    "tpu.region"() ({
      %run_scoped3A = tpu.sem_alloc : memref<!tpu.dma_semaphore, #tpu.memory_space<semaphore_mem>>
      %dma_start3A = arith.constant 0 : i32
      %dma_start3A_36 = arith.constant 0 : i32
      %dma_start3A_37 = tpu.memref_slice %arg10[%dma_start3A, %dma_start3A_36] : memref<128x128xf32, #tpu.memory_space<vmem>> -> memref<112x128xf32, #tpu.memory_space<vmem>>
      %dma_start3A_38 = arith.constant 0 : i32
      %dma_start3A_39 = tpu.memref_slice %arg12[%add3A_14, %dma_start3A_38] : memref<10008x128xf32, #tpu.memory_space<vmem_shared>> -> memref<112x128xf32, #tpu.memory_space<vmem_shared>>
      %dma_start3A_40 = arith.constant 0 : i32
      %dma_start3A_41 = tpu.memref_slice %arg12[%add3A_14, %dma_start3A_40] : memref<10008x128xf32, #tpu.memory_space<vmem_shared>> -> memref<112x128xf32, #tpu.memory_space<vmem_shared>>
      %dma_start3A_42 = arith.constant 0 : i32
      %dma_start3A_43 = arith.constant 0 : i32
      %dma_start3A_44 = tpu.memref_slice %arg10[%dma_start3A_42, %dma_start3A_43] : memref<128x128xf32, #tpu.memory_space<vmem>> -> memref<112x128xf32, #tpu.memory_space<vmem>>
      tpu.enqueue_dma source(%dma_start3A_44 : memref<112x128xf32, #tpu.memory_space<vmem>>) target(%dma_start3A_41 : memref<112x128xf32, #tpu.memory_space<vmem_shared>>) target_semaphore(%run_scoped3A : memref<!tpu.dma_semaphore, #tpu.memory_space<semaphore_mem>>)
      %dma_wait3A = arith.constant 0 : i32
      %dma_wait3A_45 = arith.constant 0 : i32
      %dma_wait3A_46 = tpu.memref_slice %arg10[%dma_wait3A, %dma_wait3A_45] : memref<128x128xf32, #tpu.memory_space<vmem>> -> memref<112x128xf32, #tpu.memory_space<vmem>>
      %dma_wait3A_47 = arith.constant 0 : i32
      %dma_wait3A_48 = tpu.memref_slice %arg12[%add3A_14, %dma_wait3A_47] : memref<10008x128xf32, #tpu.memory_space<vmem_shared>> -> memref<112x128xf32, #tpu.memory_space<vmem_shared>>
      %dma_wait3A_49 = arith.constant 0 : i32
      %dma_wait3A_50 = tpu.memref_slice %arg12[%add3A_14, %dma_wait3A_49] : memref<10008x128xf32, #tpu.memory_space<vmem_shared>> -> memref<112x128xf32, #tpu.memory_space<vmem_shared>>
      %dma_wait3A_51 = arith.constant 0 : i32
      %dma_wait3A_52 = arith.constant 0 : i32
      %dma_wait3A_53 = tpu.memref_slice %arg10[%dma_wait3A_51, %dma_wait3A_52] : memref<128x128xf32, #tpu.memory_space<vmem>> -> memref<112x128xf32, #tpu.memory_space<vmem>>
      tpu.wait_dma2 semaphore(%run_scoped3A : memref<!tpu.dma_semaphore, #tpu.memory_space<semaphore_mem>>) src(%dma_wait3A_53 : memref<112x128xf32, #tpu.memory_space<vmem>>) dst(%dma_wait3A_50 : memref<112x128xf32, #tpu.memory_space<vmem_shared>>)
      tpu.yield
    }) : () -> ()
    %eq3A = arith.constant 15 : i32
    %eq3A_15 = arith.cmpi eq, %arg1, %eq3A : i32
    %convert_element_type3A = arith.extui %eq3A_15 : i1 to i32
    %cond3A = arith.constant 0 : i32
    %cond3A_16 = arith.cmpi ne, %convert_element_type3A, %cond3A : i32
    scf.if %cond3A_16 {
      "tpu.region"() ({
        %run_scoped3A = tpu.sem_alloc : memref<!tpu.dma_semaphore, #tpu.memory_space<semaphore_mem>>
        %dma_start3A = arith.constant 0 : i32
        %dma_start3A_36 = arith.constant 0 : i32
        %dma_start3A_37 = tpu.memref_slice %arg10[%dma_start3A, %dma_start3A_36] : memref<128x128xf32, #tpu.memory_space<vmem>> -> memref<24x128xf32, #tpu.memory_space<vmem>>
        %dma_start3A_38 = arith.constant 9984 : i32
        %dma_start3A_39 = arith.constant 0 : i32
        %dma_start3A_40 = tpu.memref_slice %arg12[%dma_start3A_38, %dma_start3A_39] : memref<10008x128xf32, #tpu.memory_space<vmem_shared>> -> memref<24x128xf32, #tpu.memory_space<vmem_shared>>
        %dma_start3A_41 = arith.constant 9984 : i32
        %dma_start3A_42 = arith.constant 0 : i32
        %dma_start3A_43 = tpu.memref_slice %arg12[%dma_start3A_41, %dma_start3A_42] : memref<10008x128xf32, #tpu.memory_space<vmem_shared>> -> memref<24x128xf32, #tpu.memory_space<vmem_shared>>
        %dma_start3A_44 = arith.constant 0 : i32
        %dma_start3A_45 = arith.constant 0 : i32
        %dma_start3A_46 = tpu.memref_slice %arg10[%dma_start3A_44, %dma_start3A_45] : memref<128x128xf32, #tpu.memory_space<vmem>> -> memref<24x128xf32, #tpu.memory_space<vmem>>
        tpu.enqueue_dma source(%dma_start3A_46 : memref<24x128xf32, #tpu.memory_space<vmem>>) target(%dma_start3A_43 : memref<24x128xf32, #tpu.memory_space<vmem_shared>>) target_semaphore(%run_scoped3A : memref<!tpu.dma_semaphore, #tpu.memory_space<semaphore_mem>>)
        %dma_wait3A = arith.constant 0 : i32
        %dma_wait3A_47 = arith.constant 0 : i32
        %dma_wait3A_48 = tpu.memref_slice %arg10[%dma_wait3A, %dma_wait3A_47] : memref<128x128xf32, #tpu.memory_space<vmem>> -> memref<24x128xf32, #tpu.memory_space<vmem>>
        %dma_wait3A_49 = arith.constant 9984 : i32
        %dma_wait3A_50 = arith.constant 0 : i32
        %dma_wait3A_51 = tpu.memref_slice %arg12[%dma_wait3A_49, %dma_wait3A_50] : memref<10008x128xf32, #tpu.memory_space<vmem_shared>> -> memref<24x128xf32, #tpu.memory_space<vmem_shared>>
        %dma_wait3A_52 = arith.constant 9984 : i32
        %dma_wait3A_53 = arith.constant 0 : i32
        %dma_wait3A_54 = tpu.memref_slice %arg12[%dma_wait3A_52, %dma_wait3A_53] : memref<10008x128xf32, #tpu.memory_space<vmem_shared>> -> memref<24x128xf32, #tpu.memory_space<vmem_shared>>
        %dma_wait3A_55 = arith.constant 0 : i32
        %dma_wait3A_56 = arith.constant 0 : i32
        %dma_wait3A_57 = tpu.memref_slice %arg10[%dma_wait3A_55, %dma_wait3A_56] : memref<128x128xf32, #tpu.memory_space<vmem>> -> memref<24x128xf32, #tpu.memory_space<vmem>>
        tpu.wait_dma2 semaphore(%run_scoped3A : memref<!tpu.dma_semaphore, #tpu.memory_space<semaphore_mem>>) src(%dma_wait3A_57 : memref<24x128xf32, #tpu.memory_space<vmem>>) dst(%dma_wait3A_54 : memref<24x128xf32, #tpu.memory_space<vmem_shared>>)
        tpu.yield
      }) : () -> ()
    } else {
    }
    %barrier3A = arith.constant 0 : index
    tpu.barrier barrier_id(%barrier3A)
    %mul3A_17 = arith.constant 160000 : i32
    %mul3A_18 = arith.muli %arg0, %mul3A_17 : i32
    %scan3A_19 = arith.constant 0 : i32
    %scan3A_20 = arith.constant 40 : i32
    %scan3A_21 = arith.addi %scan3A_19, %scan3A_20 : i32
    %scan3A_22 = arith.constant 1 : i32
    scf.for %scan3A_36 = %scan3A_19 to %scan3A_21 step %scan3A_22  : i32 {
      %mul3A_37 = arith.constant 2 : i32
      %mul3A_38 = arith.muli %scan3A_36, %mul3A_37 : i32
      %add3A_39 = arith.constant 0 : i32
      %add3A_40 = arith.addi %add3A_39, %mul3A_38 : i32
      %mul3A_41 = arith.constant 16 : i32
      %mul3A_42 = arith.muli %add3A_40, %mul3A_41 : i32
      %add3A_43 = arith.addi %arg1, %mul3A_42 : i32
      %add3A_44 = arith.constant 1 : i32
      %add3A_45 = arith.addi %add3A_40, %add3A_44 : i32
      %mul3A_46 = arith.constant 16 : i32
      %mul3A_47 = arith.muli %add3A_45, %mul3A_46 : i32
      %add3A_48 = arith.addi %arg1, %mul3A_47 : i32
      %ge3A = arith.constant 2 : i32
      %ge3A_49 = arith.cmpi sge, %add3A_40, %ge3A : i32
      %sub3A = arith.constant 2 : i32
      %sub3A_50 = arith.subi %add3A_40, %sub3A : i32
      %mul3A_51 = arith.constant 16 : i32
      %mul3A_52 = arith.muli %sub3A_50, %mul3A_51 : i32
      %add3A_53 = arith.addi %arg1, %mul3A_52 : i32
      %lt3A_54 = arith.constant 1250 : i32
      %lt3A_55 = arith.cmpi slt, %add3A_53, %lt3A_54 : i32
      %and3A = arith.andi %ge3A_49, %lt3A_55 : i1
      %convert_element_type3A_56 = arith.extui %and3A : i1 to i32
      %cond3A_57 = arith.constant 0 : i32
      %cond3A_58 = arith.cmpi ne, %convert_element_type3A_56, %cond3A_57 : i32
      scf.if %cond3A_58 {
        %dma_wait3A = arith.constant 0 : i32
        %dma_wait3A_92 = arith.constant 0 : i32
        %dma_wait3A_93 = tpu.memref_slice %arg12[%dma_wait3A, %dma_wait3A_92] : memref<10008x128xf32, #tpu.memory_space<vmem_shared>> -> memref<10008x128xf32, #tpu.memory_space<vmem_shared>>
        tpu.wait_indirect_dma semaphore(%arg15 : memref<!tpu.dma_semaphore, #tpu.memory_space<semaphore_mem>>) src(%arg10 : memref<128x128xf32, #tpu.memory_space<vmem>>) dst(%dma_wait3A_93 : memref<10008x128xf32, #tpu.memory_space<vmem_shared>>)
      } else {
      }
      %lt3A_59 = arith.constant 1250 : i32
      %lt3A_60 = arith.cmpi slt, %add3A_43, %lt3A_59 : i32
      %convert_element_type3A_61 = arith.extui %lt3A_60 : i1 to i32
      %cond3A_62 = arith.constant 0 : i32
      %cond3A_63 = arith.cmpi ne, %convert_element_type3A_61, %cond3A_62 : i32
      scf.if %cond3A_63 {
        %mul3A_92 = arith.constant 128 : i32
        %mul3A_93 = arith.muli %add3A_43, %mul3A_92 : i32
        %add3A_94 = arith.addi %mul3A_18, %mul3A_93 : i32
        %dma_start3A = tpu.memref_slice %arg3[%add3A_94] : memref<320000xi32, #tpu.memory_space<hbm>> -> memref<128xi32, #tpu.memory_space<hbm>>
        %dma_start3A_95 = tpu.memref_slice %arg3[%add3A_94] : memref<320000xi32, #tpu.memory_space<hbm>> -> memref<128xi32, #tpu.memory_space<hbm>>
        tpu.enqueue_dma source(%dma_start3A_95 : memref<128xi32, #tpu.memory_space<hbm>>) target(%arg6 : memref<128xi32, #tpu.memory_space<vmem>>) target_semaphore(%arg17 : memref<!tpu.dma_semaphore, #tpu.memory_space<semaphore_mem>>)
        %dma_start3A_96 = tpu.memref_slice %arg4[%add3A_94] : memref<320000xi32, #tpu.memory_space<hbm>> -> memref<128xi32, #tpu.memory_space<hbm>>
        %dma_start3A_97 = tpu.memref_slice %arg4[%add3A_94] : memref<320000xi32, #tpu.memory_space<hbm>> -> memref<128xi32, #tpu.memory_space<hbm>>
        tpu.enqueue_dma source(%dma_start3A_97 : memref<128xi32, #tpu.memory_space<hbm>>) target(%arg7 : memref<128xi32, #tpu.memory_space<vmem>>) target_semaphore(%arg17 : memref<!tpu.dma_semaphore, #tpu.memory_space<semaphore_mem>>)
        %dma_wait3A = tpu.memref_slice %arg3[%add3A_94] : memref<320000xi32, #tpu.memory_space<hbm>> -> memref<128xi32, #tpu.memory_space<hbm>>
        %dma_wait3A_98 = tpu.memref_slice %arg3[%add3A_94] : memref<320000xi32, #tpu.memory_space<hbm>> -> memref<128xi32, #tpu.memory_space<hbm>>
        tpu.wait_dma2 semaphore(%arg17 : memref<!tpu.dma_semaphore, #tpu.memory_space<semaphore_mem>>) src(%dma_wait3A_98 : memref<128xi32, #tpu.memory_space<hbm>>) dst(%arg6 : memref<128xi32, #tpu.memory_space<vmem>>)
        %dma_wait3A_99 = tpu.memref_slice %arg4[%add3A_94] : memref<320000xi32, #tpu.memory_space<hbm>> -> memref<128xi32, #tpu.memory_space<hbm>>
        %dma_wait3A_100 = tpu.memref_slice %arg4[%add3A_94] : memref<320000xi32, #tpu.memory_space<hbm>> -> memref<128xi32, #tpu.memory_space<hbm>>
        tpu.wait_dma2 semaphore(%arg17 : memref<!tpu.dma_semaphore, #tpu.memory_space<semaphore_mem>>) src(%dma_wait3A_100 : memref<128xi32, #tpu.memory_space<hbm>>) dst(%arg7 : memref<128xi32, #tpu.memory_space<vmem>>)
        %dma_start3A_101 = arith.constant 0 : i32
        %dma_start3A_102 = arith.constant 0 : i32
        %dma_start3A_103 = tpu.memref_slice %arg2[%dma_start3A_101, %dma_start3A_102] : memref<10000x128xf32, #tpu.memory_space<hbm>> -> memref<10000x128xf32, #tpu.memory_space<hbm>>
        tpu.enqueue_indirect_dma source(%dma_start3A_103 : memref<10000x128xf32, #tpu.memory_space<hbm>>) target(%arg10 : memref<128x128xf32, #tpu.memory_space<vmem>>) offsets(%arg6 : memref<128xi32, #tpu.memory_space<vmem>>) semaphore(%arg13 : memref<!tpu.dma_semaphore, #tpu.memory_space<semaphore_mem>>)
      } else {
      }
      %ge3A_64 = arith.constant 2 : i32
      %ge3A_65 = arith.cmpi sge, %add3A_40, %ge3A_64 : i32
      %sub3A_66 = arith.constant 1 : i32
      %sub3A_67 = arith.subi %add3A_40, %sub3A_66 : i32
      %mul3A_68 = arith.constant 16 : i32
      %mul3A_69 = arith.muli %sub3A_67, %mul3A_68 : i32
      %add3A_70 = arith.addi %arg1, %mul3A_69 : i32
      %lt3A_71 = arith.constant 1250 : i32
      %lt3A_72 = arith.cmpi slt, %add3A_70, %lt3A_71 : i32
      %and3A_73 = arith.andi %ge3A_65, %lt3A_72 : i1
      %convert_element_type3A_74 = arith.extui %and3A_73 : i1 to i32
      %cond3A_75 = arith.constant 0 : i32
      %cond3A_76 = arith.cmpi ne, %convert_element_type3A_74, %cond3A_75 : i32
      scf.if %cond3A_76 {
        %dma_wait3A = arith.constant 0 : i32
        %dma_wait3A_92 = arith.constant 0 : i32
        %dma_wait3A_93 = tpu.memref_slice %arg12[%dma_wait3A, %dma_wait3A_92] : memref<10008x128xf32, #tpu.memory_space<vmem_shared>> -> memref<10008x128xf32, #tpu.memory_space<vmem_shared>>
        tpu.wait_indirect_dma semaphore(%arg16 : memref<!tpu.dma_semaphore, #tpu.memory_space<semaphore_mem>>) src(%arg11 : memref<128x128xf32, #tpu.memory_space<vmem>>) dst(%dma_wait3A_93 : memref<10008x128xf32, #tpu.memory_space<vmem_shared>>)
      } else {
      }
      %lt3A_77 = arith.constant 1250 : i32
      %lt3A_78 = arith.cmpi slt, %add3A_48, %lt3A_77 : i32
      %convert_element_type3A_79 = arith.extui %lt3A_78 : i1 to i32
      %cond3A_80 = arith.constant 0 : i32
      %cond3A_81 = arith.cmpi ne, %convert_element_type3A_79, %cond3A_80 : i32
      scf.if %cond3A_81 {
        %mul3A_92 = arith.constant 128 : i32
        %mul3A_93 = arith.muli %add3A_48, %mul3A_92 : i32
        %add3A_94 = arith.addi %mul3A_18, %mul3A_93 : i32
        %dma_start3A = tpu.memref_slice %arg3[%add3A_94] : memref<320000xi32, #tpu.memory_space<hbm>> -> memref<128xi32, #tpu.memory_space<hbm>>
        %dma_start3A_95 = tpu.memref_slice %arg3[%add3A_94] : memref<320000xi32, #tpu.memory_space<hbm>> -> memref<128xi32, #tpu.memory_space<hbm>>
        tpu.enqueue_dma source(%dma_start3A_95 : memref<128xi32, #tpu.memory_space<hbm>>) target(%arg8 : memref<128xi32, #tpu.memory_space<vmem>>) target_semaphore(%arg18 : memref<!tpu.dma_semaphore, #tpu.memory_space<semaphore_mem>>)
        %dma_start3A_96 = tpu.memref_slice %arg4[%add3A_94] : memref<320000xi32, #tpu.memory_space<hbm>> -> memref<128xi32, #tpu.memory_space<hbm>>
        %dma_start3A_97 = tpu.memref_slice %arg4[%add3A_94] : memref<320000xi32, #tpu.memory_space<hbm>> -> memref<128xi32, #tpu.memory_space<hbm>>
        tpu.enqueue_dma source(%dma_start3A_97 : memref<128xi32, #tpu.memory_space<hbm>>) target(%arg9 : memref<128xi32, #tpu.memory_space<vmem>>) target_semaphore(%arg18 : memref<!tpu.dma_semaphore, #tpu.memory_space<semaphore_mem>>)
        %dma_wait3A = tpu.memref_slice %arg3[%add3A_94] : memref<320000xi32, #tpu.memory_space<hbm>> -> memref<128xi32, #tpu.memory_space<hbm>>
        %dma_wait3A_98 = tpu.memref_slice %arg3[%add3A_94] : memref<320000xi32, #tpu.memory_space<hbm>> -> memref<128xi32, #tpu.memory_space<hbm>>
        tpu.wait_dma2 semaphore(%arg18 : memref<!tpu.dma_semaphore, #tpu.memory_space<semaphore_mem>>) src(%dma_wait3A_98 : memref<128xi32, #tpu.memory_space<hbm>>) dst(%arg8 : memref<128xi32, #tpu.memory_space<vmem>>)
        %dma_wait3A_99 = tpu.memref_slice %arg4[%add3A_94] : memref<320000xi32, #tpu.memory_space<hbm>> -> memref<128xi32, #tpu.memory_space<hbm>>
        %dma_wait3A_100 = tpu.memref_slice %arg4[%add3A_94] : memref<320000xi32, #tpu.memory_space<hbm>> -> memref<128xi32, #tpu.memory_space<hbm>>
        tpu.wait_dma2 semaphore(%arg18 : memref<!tpu.dma_semaphore, #tpu.memory_space<semaphore_mem>>) src(%dma_wait3A_100 : memref<128xi32, #tpu.memory_space<hbm>>) dst(%arg9 : memref<128xi32, #tpu.memory_space<vmem>>)
        %dma_start3A_101 = arith.constant 0 : i32
        %dma_start3A_102 = arith.constant 0 : i32
        %dma_start3A_103 = tpu.memref_slice %arg2[%dma_start3A_101, %dma_start3A_102] : memref<10000x128xf32, #tpu.memory_space<hbm>> -> memref<10000x128xf32, #tpu.memory_space<hbm>>
        tpu.enqueue_indirect_dma source(%dma_start3A_103 : memref<10000x128xf32, #tpu.memory_space<hbm>>) target(%arg11 : memref<128x128xf32, #tpu.memory_space<vmem>>) offsets(%arg8 : memref<128xi32, #tpu.memory_space<vmem>>) semaphore(%arg14 : memref<!tpu.dma_semaphore, #tpu.memory_space<semaphore_mem>>)
      } else {
      }
      %lt3A_82 = arith.constant 1250 : i32
      %lt3A_83 = arith.cmpi slt, %add3A_43, %lt3A_82 : i32
      %convert_element_type3A_84 = arith.extui %lt3A_83 : i1 to i32
      %cond3A_85 = arith.constant 0 : i32
      %cond3A_86 = arith.cmpi ne, %convert_element_type3A_84, %cond3A_85 : i32
      scf.if %cond3A_86 {
        %dma_wait3A = arith.constant 0 : i32
        %dma_wait3A_92 = arith.constant 0 : i32
        %dma_wait3A_93 = tpu.memref_slice %arg2[%dma_wait3A, %dma_wait3A_92] : memref<10000x128xf32, #tpu.memory_space<hbm>> -> memref<10000x128xf32, #tpu.memory_space<hbm>>
        tpu.wait_indirect_dma semaphore(%arg13 : memref<!tpu.dma_semaphore, #tpu.memory_space<semaphore_mem>>) src(%dma_wait3A_93 : memref<10000x128xf32, #tpu.memory_space<hbm>>) dst(%arg10 : memref<128x128xf32, #tpu.memory_space<vmem>>)
        %dma_start3A = arith.constant 0 : i32
        %dma_start3A_94 = arith.constant 0 : i32
        %dma_start3A_95 = tpu.memref_slice %arg12[%dma_start3A, %dma_start3A_94] : memref<10008x128xf32, #tpu.memory_space<vmem_shared>> -> memref<10008x128xf32, #tpu.memory_space<vmem_shared>>
        tpu.enqueue_indirect_dma source(%arg10 : memref<128x128xf32, #tpu.memory_space<vmem>>) target(%dma_start3A_95 : memref<10008x128xf32, #tpu.memory_space<vmem_shared>>) offsets(%arg7 : memref<128xi32, #tpu.memory_space<vmem>>) semaphore(%arg15 : memref<!tpu.dma_semaphore, #tpu.memory_space<semaphore_mem>>) {add = true}
      } else {
      }
      %lt3A_87 = arith.constant 1250 : i32
      %lt3A_88 = arith.cmpi slt, %add3A_48, %lt3A_87 : i32
      %convert_element_type3A_89 = arith.extui %lt3A_88 : i1 to i32
      %cond3A_90 = arith.constant 0 : i32
      %cond3A_91 = arith.cmpi ne, %convert_element_type3A_89, %cond3A_90 : i32
      scf.if %cond3A_91 {
        %dma_wait3A = arith.constant 0 : i32
        %dma_wait3A_92 = arith.constant 0 : i32
        %dma_wait3A_93 = tpu.memref_slice %arg2[%dma_wait3A, %dma_wait3A_92] : memref<10000x128xf32, #tpu.memory_space<hbm>> -> memref<10000x128xf32, #tpu.memory_space<hbm>>
        tpu.wait_indirect_dma semaphore(%arg14 : memref<!tpu.dma_semaphore, #tpu.memory_space<semaphore_mem>>) src(%dma_wait3A_93 : memref<10000x128xf32, #tpu.memory_space<hbm>>) dst(%arg11 : memref<128x128xf32, #tpu.memory_space<vmem>>)
        %dma_start3A = arith.constant 0 : i32
        %dma_start3A_94 = arith.constant 0 : i32
        %dma_start3A_95 = tpu.memref_slice %arg12[%dma_start3A, %dma_start3A_94] : memref<10008x128xf32, #tpu.memory_space<vmem_shared>> -> memref<10008x128xf32, #tpu.memory_space<vmem_shared>>
        tpu.enqueue_indirect_dma source(%arg11 : memref<128x128xf32, #tpu.memory_space<vmem>>) target(%dma_start3A_95 : memref<10008x128xf32, #tpu.memory_space<vmem_shared>>) offsets(%arg9 : memref<128xi32, #tpu.memory_space<vmem>>) semaphore(%arg16 : memref<!tpu.dma_semaphore, #tpu.memory_space<semaphore_mem>>) {add = true}
      } else {
      }
    }
    %scan3A_23 = arith.constant 40 : i32
    %add3A_24 = arith.constant 1248 : i32
    %add3A_25 = arith.addi %arg1, %add3A_24 : i32
    %lt3A = arith.constant 1250 : i32
    %lt3A_26 = arith.cmpi slt, %add3A_25, %lt3A : i32
    %convert_element_type3A_27 = arith.extui %lt3A_26 : i1 to i32
    %cond3A_28 = arith.constant 0 : i32
    %cond3A_29 = arith.cmpi ne, %convert_element_type3A_27, %cond3A_28 : i32
    scf.if %cond3A_29 {
      %dma_wait3A = arith.constant 0 : i32
      %dma_wait3A_36 = arith.constant 0 : i32
      %dma_wait3A_37 = tpu.memref_slice %arg12[%dma_wait3A, %dma_wait3A_36] : memref<10008x128xf32, #tpu.memory_space<vmem_shared>> -> memref<10008x128xf32, #tpu.memory_space<vmem_shared>>
      tpu.wait_indirect_dma semaphore(%arg15 : memref<!tpu.dma_semaphore, #tpu.memory_space<semaphore_mem>>) src(%arg10 : memref<128x128xf32, #tpu.memory_space<vmem>>) dst(%dma_wait3A_37 : memref<10008x128xf32, #tpu.memory_space<vmem_shared>>)
    } else {
    }
    %barrier3A_30 = arith.constant 0 : index
    tpu.barrier barrier_id(%barrier3A_30)
    "tpu.region"() ({
      %run_scoped3A = tpu.sem_alloc : memref<!tpu.dma_semaphore, #tpu.memory_space<semaphore_mem>>
      %dma_start3A = arith.constant 0 : i32
      %dma_start3A_36 = tpu.memref_slice %arg5[%arg0, %mul3A_2, %dma_start3A] : memref<2x10000x128xf32, #tpu.memory_space<hbm>> -> memref<1x624x128xf32, #tpu.memory_space<hbm>>
      %dma_start3A_37 = tpu.memref_squeeze %dma_start3A_36 : memref<1x624x128xf32, #tpu.memory_space<hbm>> -> memref<624x128xf32, #tpu.memory_space<hbm>>
      %dma_start3A_38 = arith.constant 0 : i32
      %dma_start3A_39 = tpu.memref_slice %arg12[%mul3A_2, %dma_start3A_38] : memref<10008x128xf32, #tpu.memory_space<vmem_shared>> -> memref<624x128xf32, #tpu.memory_space<vmem_shared>>
      tpu.enqueue_dma source(%dma_start3A_39 : memref<624x128xf32, #tpu.memory_space<vmem_shared>>) target(%dma_start3A_37 : memref<624x128xf32, #tpu.memory_space<hbm>>) target_semaphore(%run_scoped3A : memref<!tpu.dma_semaphore, #tpu.memory_space<semaphore_mem>>)
      %dma_wait3A = arith.constant 0 : i32
      %dma_wait3A_40 = tpu.memref_slice %arg5[%arg0, %mul3A_2, %dma_wait3A] : memref<2x10000x128xf32, #tpu.memory_space<hbm>> -> memref<1x624x128xf32, #tpu.memory_space<hbm>>
      %dma_wait3A_41 = tpu.memref_squeeze %dma_wait3A_40 : memref<1x624x128xf32, #tpu.memory_space<hbm>> -> memref<624x128xf32, #tpu.memory_space<hbm>>
      %dma_wait3A_42 = arith.constant 0 : i32
      %dma_wait3A_43 = tpu.memref_slice %arg12[%mul3A_2, %dma_wait3A_42] : memref<10008x128xf32, #tpu.memory_space<vmem_shared>> -> memref<624x128xf32, #tpu.memory_space<vmem_shared>>
      tpu.wait_dma2 semaphore(%run_scoped3A : memref<!tpu.dma_semaphore, #tpu.memory_space<semaphore_mem>>) src(%dma_wait3A_43 : memref<624x128xf32, #tpu.memory_space<vmem_shared>>) dst(%dma_wait3A_41 : memref<624x128xf32, #tpu.memory_space<hbm>>)
      tpu.yield
    }) : () -> ()
    %eq3A_31 = arith.constant 15 : i32
    %eq3A_32 = arith.cmpi eq, %arg1, %eq3A_31 : i32
    %convert_element_type3A_33 = arith.extui %eq3A_32 : i1 to i32
    %cond3A_34 = arith.constant 0 : i32
    %cond3A_35 = arith.cmpi ne, %convert_element_type3A_33, %cond3A_34 : i32
    scf.if %cond3A_35 {
      "tpu.region"() ({
        %run_scoped3A = tpu.sem_alloc : memref<!tpu.dma_semaphore, #tpu.memory_space<semaphore_mem>>
        %dma_start3A = arith.constant 9984 : i32
        %dma_start3A_36 = arith.constant 0 : i32
        %dma_start3A_37 = tpu.memref_slice %arg5[%arg0, %dma_start3A, %dma_start3A_36] : memref<2x10000x128xf32, #tpu.memory_space<hbm>> -> memref<1x16x128xf32, #tpu.memory_space<hbm>>
        %dma_start3A_38 = tpu.memref_squeeze %dma_start3A_37 : memref<1x16x128xf32, #tpu.memory_space<hbm>> -> memref<16x128xf32, #tpu.memory_space<hbm>>
        %dma_start3A_39 = arith.constant 9984 : i32
        %dma_start3A_40 = arith.constant 0 : i32
        %dma_start3A_41 = tpu.memref_slice %arg12[%dma_start3A_39, %dma_start3A_40] : memref<10008x128xf32, #tpu.memory_space<vmem_shared>> -> memref<16x128xf32, #tpu.memory_space<vmem_shared>>
        tpu.enqueue_dma source(%dma_start3A_41 : memref<16x128xf32, #tpu.memory_space<vmem_shared>>) target(%dma_start3A_38 : memref<16x128xf32, #tpu.memory_space<hbm>>) target_semaphore(%run_scoped3A : memref<!tpu.dma_semaphore, #tpu.memory_space<semaphore_mem>>)
        %dma_wait3A = arith.constant 9984 : i32
        %dma_wait3A_42 = arith.constant 0 : i32
        %dma_wait3A_43 = tpu.memref_slice %arg5[%arg0, %dma_wait3A, %dma_wait3A_42] : memref<2x10000x128xf32, #tpu.memory_space<hbm>> -> memref<1x16x128xf32, #tpu.memory_space<hbm>>
        %dma_wait3A_44 = tpu.memref_squeeze %dma_wait3A_43 : memref<1x16x128xf32, #tpu.memory_space<hbm>> -> memref<16x128xf32, #tpu.memory_space<hbm>>
        %dma_wait3A_45 = arith.constant 9984 : i32
        %dma_wait3A_46 = arith.constant 0 : i32
        %dma_wait3A_47 = tpu.memref_slice %arg12[%dma_wait3A_45, %dma_wait3A_46] : memref<10008x128xf32, #tpu.memory_space<vmem_shared>> -> memref<16x128xf32, #tpu.memory_space<vmem_shared>>
        tpu.wait_dma2 semaphore(%run_scoped3A : memref<!tpu.dma_semaphore, #tpu.memory_space<semaphore_mem>>) src(%dma_wait3A_47 : memref<16x128xf32, #tpu.memory_space<vmem_shared>>) dst(%dma_wait3A_44 : memref<16x128xf32, #tpu.memory_space<hbm>>)
        tpu.yield
      }) : () -> ()
    } else {
    }
    return
  }
}

#map = affine_map<(d0, d1) -> (0)>
#map1 = affine_map<(d0, d1) -> (0, 0, 0)>
module attributes {stable_mosaic.version = 14 : i64} {
  func.func @_deg_kernel(%arg0: i32, %arg1: i32, %arg2: memref<320000xi32, #tpu.memory_space<hbm>>, %arg3: memref<320000xi32, #tpu.memory_space<hbm>>, %arg4: memref<32x1x20000xf32, #tpu.memory_space<hbm>>, %arg5: memref<10000xi32, #tpu.memory_space<vmem>>, %arg6: memref<10000xi32, #tpu.memory_space<vmem>>, %arg7: memref<20000xf32, #tpu.memory_space<vmem>>, %arg8: memref<!tpu.dma_semaphore, #tpu.memory_space<semaphore_mem>>) attributes {dimension_semantics = [#tpu.dimension_semantics<core_parallel>, #tpu.dimension_semantics<subcore_parallel>], iteration_bounds = array<i64: 2, 16>, scalar_prefetch = 0 : i64, scratch_operands = 4 : i64, tpu.core_type = #tpu.core_type<sc_vector_subcore>, window_params = [{transform_indices = #map}, {transform_indices = #map}, {transform_indices = #map1}]} {
    %mul3A = arith.constant 2 : i32
    %mul3A_0 = arith.muli %arg1, %mul3A : i32
    %add3A = arith.addi %mul3A_0, %arg0 : i32
    %mul3A_1 = arith.constant 10000 : i32
    %mul3A_2 = arith.muli %add3A, %mul3A_1 : i32
    "tpu.region"() ({
      %run_scoped3A_17 = tpu.sem_alloc : memref<!tpu.dma_semaphore, #tpu.memory_space<semaphore_mem>>
      %dma_start3A = tpu.memref_slice %arg2[%mul3A_2] : memref<320000xi32, #tpu.memory_space<hbm>> -> memref<10000xi32, #tpu.memory_space<hbm>>
      %dma_start3A_18 = tpu.memref_slice %arg2[%mul3A_2] : memref<320000xi32, #tpu.memory_space<hbm>> -> memref<10000xi32, #tpu.memory_space<hbm>>
      tpu.enqueue_dma source(%dma_start3A_18 : memref<10000xi32, #tpu.memory_space<hbm>>) target(%arg5 : memref<10000xi32, #tpu.memory_space<vmem>>) target_semaphore(%run_scoped3A_17 : memref<!tpu.dma_semaphore, #tpu.memory_space<semaphore_mem>>)
      %dma_wait3A = tpu.memref_slice %arg2[%mul3A_2] : memref<320000xi32, #tpu.memory_space<hbm>> -> memref<10000xi32, #tpu.memory_space<hbm>>
      %dma_wait3A_19 = tpu.memref_slice %arg2[%mul3A_2] : memref<320000xi32, #tpu.memory_space<hbm>> -> memref<10000xi32, #tpu.memory_space<hbm>>
      tpu.wait_dma2 semaphore(%run_scoped3A_17 : memref<!tpu.dma_semaphore, #tpu.memory_space<semaphore_mem>>) src(%dma_wait3A_19 : memref<10000xi32, #tpu.memory_space<hbm>>) dst(%arg5 : memref<10000xi32, #tpu.memory_space<vmem>>)
      tpu.yield
    }) : () -> ()
    "tpu.region"() ({
      %run_scoped3A_17 = tpu.sem_alloc : memref<!tpu.dma_semaphore, #tpu.memory_space<semaphore_mem>>
      %dma_start3A = tpu.memref_slice %arg3[%mul3A_2] : memref<320000xi32, #tpu.memory_space<hbm>> -> memref<10000xi32, #tpu.memory_space<hbm>>
      %dma_start3A_18 = tpu.memref_slice %arg3[%mul3A_2] : memref<320000xi32, #tpu.memory_space<hbm>> -> memref<10000xi32, #tpu.memory_space<hbm>>
      tpu.enqueue_dma source(%dma_start3A_18 : memref<10000xi32, #tpu.memory_space<hbm>>) target(%arg6 : memref<10000xi32, #tpu.memory_space<vmem>>) target_semaphore(%run_scoped3A_17 : memref<!tpu.dma_semaphore, #tpu.memory_space<semaphore_mem>>)
      %dma_wait3A = tpu.memref_slice %arg3[%mul3A_2] : memref<320000xi32, #tpu.memory_space<hbm>> -> memref<10000xi32, #tpu.memory_space<hbm>>
      %dma_wait3A_19 = tpu.memref_slice %arg3[%mul3A_2] : memref<320000xi32, #tpu.memory_space<hbm>> -> memref<10000xi32, #tpu.memory_space<hbm>>
      tpu.wait_dma2 semaphore(%run_scoped3A_17 : memref<!tpu.dma_semaphore, #tpu.memory_space<semaphore_mem>>) src(%dma_wait3A_19 : memref<10000xi32, #tpu.memory_space<hbm>>) dst(%arg6 : memref<10000xi32, #tpu.memory_space<vmem>>)
      tpu.yield
    }) : () -> ()
    %broadcast_in_dim3A = arith.constant 0.000000e+00 : f32
    %broadcast_in_dim3A_3 = vector.broadcast %broadcast_in_dim3A : f32 to vector<16xf32>
    %scan3A = arith.constant 0 : i32
    %scan3A_4 = arith.constant 1250 : i32
    %scan3A_5 = arith.addi %scan3A, %scan3A_4 : i32
    %scan3A_6 = arith.constant 1 : i32
    scf.for %scan3A_17 = %scan3A to %scan3A_5 step %scan3A_6  : i32 {
      %mul3A_18 = arith.constant 16 : i32
      %mul3A_19 = arith.muli %scan3A_17, %mul3A_18 : i32
      %add3A_20 = arith.constant 0 : i32
      %add3A_21 = arith.addi %add3A_20, %mul3A_19 : i32
      %swap3A = arith.index_cast %add3A_21 : i32 to index
      %swap3A_22 = tpu.vector_load %arg7[%swap3A] {strides = array<i32>} : memref<20000xf32, #tpu.memory_space<vmem>>, vector<16xf32>,
      tpu.vector_store %arg7[%swap3A], %broadcast_in_dim3A_3 {strides = array<i32>} : memref<20000xf32, #tpu.memory_space<vmem>>, vector<16xf32>,
    }
    %scan3A_7 = arith.constant 1250 : i32
    %broadcast_in_dim3A_8 = arith.constant 1.000000e+00 : f32
    %broadcast_in_dim3A_9 = vector.broadcast %broadcast_in_dim3A_8 : f32 to vector<16xf32>
    %broadcast_in_dim3A_10 = arith.constant 10000 : i32
    %broadcast_in_dim3A_11 = vector.broadcast %broadcast_in_dim3A_10 : i32 to vector<16xi32>
    %scan3A_12 = arith.constant 0 : i32
    %scan3A_13 = arith.constant 625 : i32
    %scan3A_14 = arith.addi %scan3A_12, %scan3A_13 : i32
    %scan3A_15 = arith.constant 1 : i32
    scf.for %scan3A_17 = %scan3A_12 to %scan3A_14 step %scan3A_15  : i32 {
      %mul3A_18 = arith.constant 16 : i32
      %mul3A_19 = arith.muli %scan3A_17, %mul3A_18 : i32
      %add3A_20 = arith.constant 0 : i32
      %add3A_21 = arith.addi %add3A_20, %mul3A_19 : i32
      %get3A = arith.index_cast %add3A_21 : i32 to index
      %get3A_22 = tpu.vector_load %arg5[%get3A] {strides = array<i32>} : memref<10000xi32, #tpu.memory_space<vmem>>, vector<16xi32>,
      tpu.vector_store_idx %arg7[%get3A_22], %broadcast_in_dim3A_9 {add = true} : memref<20000xf32, #tpu.memory_space<vmem>>[vector<16xi32>], vector<16xf32>,
      %get3A_23 = arith.index_cast %add3A_21 : i32 to index
      %get3A_24 = tpu.vector_load %arg6[%get3A_23] {strides = array<i32>} : memref<10000xi32, #tpu.memory_space<vmem>>, vector<16xi32>,
      %add3A_25 = arith.addi %get3A_24, %broadcast_in_dim3A_11 : vector<16xi32>
      tpu.vector_store_idx %arg7[%add3A_25], %broadcast_in_dim3A_9 {add = true} : memref<20000xf32, #tpu.memory_space<vmem>>[vector<16xi32>], vector<16xf32>,
    }
    %scan3A_16 = arith.constant 625 : i32
    %run_scoped3A = arith.constant 0 : i32
    "tpu.region"() ({
      %run_scoped3A_17 = tpu.sem_alloc : memref<!tpu.dma_semaphore, #tpu.memory_space<semaphore_mem>>
      %dma_start3A = arith.constant 0 : i32
      %dma_start3A_18 = tpu.memref_slice %arg4[%add3A, %run_scoped3A, %dma_start3A] : memref<32x1x20000xf32, #tpu.memory_space<hbm>> -> memref<1x1x20000xf32, #tpu.memory_space<hbm>>
      %dma_start3A_19 = tpu.memref_squeeze %dma_start3A_18 : memref<1x1x20000xf32, #tpu.memory_space<hbm>> -> memref<20000xf32, #tpu.memory_space<hbm>>
      %dma_start3A_20 = arith.constant 0 : i32
      %dma_start3A_21 = tpu.memref_slice %arg4[%add3A, %run_scoped3A, %dma_start3A_20] : memref<32x1x20000xf32, #tpu.memory_space<hbm>> -> memref<1x1x20000xf32, #tpu.memory_space<hbm>>
      %dma_start3A_22 = tpu.memref_squeeze %dma_start3A_21 : memref<1x1x20000xf32, #tpu.memory_space<hbm>> -> memref<20000xf32, #tpu.memory_space<hbm>>
      tpu.enqueue_dma source(%arg7 : memref<20000xf32, #tpu.memory_space<vmem>>) target(%dma_start3A_22 : memref<20000xf32, #tpu.memory_space<hbm>>) target_semaphore(%run_scoped3A_17 : memref<!tpu.dma_semaphore, #tpu.memory_space<semaphore_mem>>)
      %dma_wait3A = arith.constant 0 : i32
      %dma_wait3A_23 = tpu.memref_slice %arg4[%add3A, %run_scoped3A, %dma_wait3A] : memref<32x1x20000xf32, #tpu.memory_space<hbm>> -> memref<1x1x20000xf32, #tpu.memory_space<hbm>>
      %dma_wait3A_24 = tpu.memref_squeeze %dma_wait3A_23 : memref<1x1x20000xf32, #tpu.memory_space<hbm>> -> memref<20000xf32, #tpu.memory_space<hbm>>
      %dma_wait3A_25 = arith.constant 0 : i32
      %dma_wait3A_26 = tpu.memref_slice %arg4[%add3A, %run_scoped3A, %dma_wait3A_25] : memref<32x1x20000xf32, #tpu.memory_space<hbm>> -> memref<1x1x20000xf32, #tpu.memory_space<hbm>>
      %dma_wait3A_27 = tpu.memref_squeeze %dma_wait3A_26 : memref<1x1x20000xf32, #tpu.memory_space<hbm>> -> memref<20000xf32, #tpu.memory_space<hbm>>
      tpu.wait_dma2 semaphore(%run_scoped3A_17 : memref<!tpu.dma_semaphore, #tpu.memory_space<semaphore_mem>>) src(%arg7 : memref<20000xf32, #tpu.memory_space<vmem>>) dst(%dma_wait3A_27 : memref<20000xf32, #tpu.memory_space<hbm>>)
      tpu.yield
    }) : () -> ()
    return
  }
}

#map = affine_map<(d0, d1) -> (0, 0)>
#map1 = affine_map<(d0, d1) -> (0)>
#map2 = affine_map<(d0, d1) -> (0, 0, 0)>
module attributes {stable_mosaic.version = 14 : i64} {
  func.func @_agg(%arg0: i32, %arg1: i32, %arg2: memref<10000x128xf32, #tpu.memory_space<hbm>>, %arg3: memref<320000xi32, #tpu.memory_space<hbm>>, %arg4: memref<320000xi32, #tpu.memory_space<hbm>>, %arg5: memref<2x10000x128xf32, #tpu.memory_space<hbm>>, %arg6: memref<128xi32, #tpu.memory_space<vmem>>, %arg7: memref<128xi32, #tpu.memory_space<vmem>>, %arg8: memref<128xi32, #tpu.memory_space<vmem>>, %arg9: memref<128xi32, #tpu.memory_space<vmem>>, %arg10: memref<128x128xf32, #tpu.memory_space<vmem>>, %arg11: memref<128x128xf32, #tpu.memory_space<vmem>>, %arg12: memref<10008x128xf32, #tpu.memory_space<vmem_shared>>, %arg13: memref<!tpu.dma_semaphore, #tpu.memory_space<semaphore_mem>>, %arg14: memref<!tpu.dma_semaphore, #tpu.memory_space<semaphore_mem>>, %arg15: memref<!tpu.dma_semaphore, #tpu.memory_space<semaphore_mem>>, %arg16: memref<!tpu.dma_semaphore, #tpu.memory_space<semaphore_mem>>, %arg17: memref<!tpu.dma_semaphore, #tpu.memory_space<semaphore_mem>>, %arg18: memref<!tpu.dma_semaphore, #tpu.memory_space<semaphore_mem>>) attributes {dimension_semantics = [#tpu.dimension_semantics<core_parallel>, #tpu.dimension_semantics<subcore_parallel>], iteration_bounds = array<i64: 2, 16>, scalar_prefetch = 0 : i64, scratch_operands = 13 : i64, tpu.core_type = #tpu.core_type<sc_vector_subcore>, window_params = [{transform_indices = #map}, {transform_indices = #map1}, {transform_indices = #map1}, {transform_indices = #map2}]} {
    %mul3A = arith.constant 2 : i32
    %mul3A_0 = arith.muli %arg1, %mul3A : i32
    %add3A = arith.addi %mul3A_0, %arg0 : i32
    %mul3A_1 = arith.constant 624 : i32
    %mul3A_2 = arith.muli %arg1, %mul3A_1 : i32
    %broadcast_in_dim3A = arith.constant 0.000000e+00 : f32
    %broadcast_in_dim3A_3 = vector.broadcast %broadcast_in_dim3A : f32 to vector<16xf32>
    %scan3A = arith.constant 0 : i32
    %scan3A_4 = arith.constant 128 : i32
    %scan3A_5 = arith.addi %scan3A, %scan3A_4 : i32
    %scan3A_6 = arith.constant 1 : i32
    scf.for %scan3A_36 = %scan3A to %scan3A_5 step %scan3A_6  : i32 {
      %mul3A_37 = arith.constant 1 : i32
      %mul3A_38 = arith.muli %scan3A_36, %mul3A_37 : i32
      %add3A_39 = arith.constant 0 : i32
      %add3A_40 = arith.addi %add3A_39, %mul3A_38 : i32
      %swap3A = arith.index_cast %add3A_40 : i32 to index
      %swap3A_41 = arith.constant 0 : index
      %swap3A_42 = tpu.vector_load %arg10[%swap3A, %swap3A_41] {strides = array<i32>} : memref<128x128xf32, #tpu.memory_space<vmem>>, vector<1x16xf32>,
      %swap3A_43 = vector.shape_cast %swap3A_42 : vector<1x16xf32> to vector<16xf32>
      %swap3A_44 = vector.shape_cast %broadcast_in_dim3A_3 : vector<16xf32> to vector<1x16xf32>
      tpu.vector_store %arg10[%swap3A, %swap3A_41], %swap3A_44 {strides = array<i32>} : memref<128x128xf32, #tpu.memory_space<vmem>>, vector<1x16xf32>,
      %swap3A_45 = arith.index_cast %add3A_40 : i32 to index
      %swap3A_46 = arith.constant 16 : index
      %swap3A_47 = tpu.vector_load %arg10[%swap3A_45, %swap3A_46] {strides = array<i32>} : memref<128x128xf32, #tpu.memory_space<vmem>>, vector<1x16xf32>,
      %swap3A_48 = vector.shape_cast %swap3A_47 : vector<1x16xf32> to vector<16xf32>
      %swap3A_49 = vector.shape_cast %broadcast_in_dim3A_3 : vector<16xf32> to vector<1x16xf32>
      tpu.vector_store %arg10[%swap3A_45, %swap3A_46], %swap3A_49 {strides = array<i32>} : memref<128x128xf32, #tpu.memory_space<vmem>>, vector<1x16xf32>,
      %swap3A_50 = arith.index_cast %add3A_40 : i32 to index
      %swap3A_51 = arith.constant 32 : index
      %swap3A_52 = tpu.vector_load %arg10[%swap3A_50, %swap3A_51] {strides = array<i32>} : memref<128x128xf32, #tpu.memory_space<vmem>>, vector<1x16xf32>,
      %swap3A_53 = vector.shape_cast %swap3A_52 : vector<1x16xf32> to vector<16xf32>
      %swap3A_54 = vector.shape_cast %broadcast_in_dim3A_3 : vector<16xf32> to vector<1x16xf32>
      tpu.vector_store %arg10[%swap3A_50, %swap3A_51], %swap3A_54 {strides = array<i32>} : memref<128x128xf32, #tpu.memory_space<vmem>>, vector<1x16xf32>,
      %swap3A_55 = arith.index_cast %add3A_40 : i32 to index
      %swap3A_56 = arith.constant 48 : index
      %swap3A_57 = tpu.vector_load %arg10[%swap3A_55, %swap3A_56] {strides = array<i32>} : memref<128x128xf32, #tpu.memory_space<vmem>>, vector<1x16xf32>,
      %swap3A_58 = vector.shape_cast %swap3A_57 : vector<1x16xf32> to vector<16xf32>
      %swap3A_59 = vector.shape_cast %broadcast_in_dim3A_3 : vector<16xf32> to vector<1x16xf32>
      tpu.vector_store %arg10[%swap3A_55, %swap3A_56], %swap3A_59 {strides = array<i32>} : memref<128x128xf32, #tpu.memory_space<vmem>>, vector<1x16xf32>,
      %swap3A_60 = arith.index_cast %add3A_40 : i32 to index
      %swap3A_61 = arith.constant 64 : index
      %swap3A_62 = tpu.vector_load %arg10[%swap3A_60, %swap3A_61] {strides = array<i32>} : memref<128x128xf32, #tpu.memory_space<vmem>>, vector<1x16xf32>,
      %swap3A_63 = vector.shape_cast %swap3A_62 : vector<1x16xf32> to vector<16xf32>
      %swap3A_64 = vector.shape_cast %broadcast_in_dim3A_3 : vector<16xf32> to vector<1x16xf32>
      tpu.vector_store %arg10[%swap3A_60, %swap3A_61], %swap3A_64 {strides = array<i32>} : memref<128x128xf32, #tpu.memory_space<vmem>>, vector<1x16xf32>,
      %swap3A_65 = arith.index_cast %add3A_40 : i32 to index
      %swap3A_66 = arith.constant 80 : index
      %swap3A_67 = tpu.vector_load %arg10[%swap3A_65, %swap3A_66] {strides = array<i32>} : memref<128x128xf32, #tpu.memory_space<vmem>>, vector<1x16xf32>,
      %swap3A_68 = vector.shape_cast %swap3A_67 : vector<1x16xf32> to vector<16xf32>
      %swap3A_69 = vector.shape_cast %broadcast_in_dim3A_3 : vector<16xf32> to vector<1x16xf32>
      tpu.vector_store %arg10[%swap3A_65, %swap3A_66], %swap3A_69 {strides = array<i32>} : memref<128x128xf32, #tpu.memory_space<vmem>>, vector<1x16xf32>,
      %swap3A_70 = arith.index_cast %add3A_40 : i32 to index
      %swap3A_71 = arith.constant 96 : index
      %swap3A_72 = tpu.vector_load %arg10[%swap3A_70, %swap3A_71] {strides = array<i32>} : memref<128x128xf32, #tpu.memory_space<vmem>>, vector<1x16xf32>,
      %swap3A_73 = vector.shape_cast %swap3A_72 : vector<1x16xf32> to vector<16xf32>
      %swap3A_74 = vector.shape_cast %broadcast_in_dim3A_3 : vector<16xf32> to vector<1x16xf32>
      tpu.vector_store %arg10[%swap3A_70, %swap3A_71], %swap3A_74 {strides = array<i32>} : memref<128x128xf32, #tpu.memory_space<vmem>>, vector<1x16xf32>,
      %swap3A_75 = arith.index_cast %add3A_40 : i32 to index
      %swap3A_76 = arith.constant 112 : index
      %swap3A_77 = tpu.vector_load %arg10[%swap3A_75, %swap3A_76] {strides = array<i32>} : memref<128x128xf32, #tpu.memory_space<vmem>>, vector<1x16xf32>,
      %swap3A_78 = vector.shape_cast %swap3A_77 : vector<1x16xf32> to vector<16xf32>
      %swap3A_79 = vector.shape_cast %broadcast_in_dim3A_3 : vector<16xf32> to vector<1x16xf32>
      tpu.vector_store %arg10[%swap3A_75, %swap3A_76], %swap3A_79 {strides = array<i32>} : memref<128x128xf32, #tpu.memory_space<vmem>>, vector<1x16xf32>,
    }
    %scan3A_7 = arith.constant 128 : i32
    %scan3A_8 = arith.constant 0 : i32
    %scan3A_9 = arith.constant 4 : i32
    %scan3A_10 = arith.addi %scan3A_8, %scan3A_9 : i32
    %scan3A_11 = arith.constant 1 : i32
    scf.for %scan3A_36 = %scan3A_8 to %scan3A_10 step %scan3A_11  : i32 {
      %mul3A_37 = arith.constant 128 : i32
      %mul3A_38 = arith.muli %scan3A_36, %mul3A_37 : i32
      %add3A_39 = arith.constant 0 : i32
      %add3A_40 = arith.addi %add3A_39, %mul3A_38 : i32
      %add3A_41 = arith.addi %mul3A_2, %add3A_40 : i32
      "tpu.region"() ({
        %run_scoped3A = tpu.sem_alloc : memref<!tpu.dma_semaphore, #tpu.memory_space<semaphore_mem>>
        %dma_start3A = arith.constant 0 : i32
        %dma_start3A_42 = tpu.memref_slice %arg12[%add3A_41, %dma_start3A] : memref<10008x128xf32, #tpu.memory_space<vmem_shared>> -> memref<128x128xf32, #tpu.memory_space<vmem_shared>>
        %dma_start3A_43 = arith.constant 0 : i32
        %dma_start3A_44 = tpu.memref_slice %arg12[%add3A_41, %dma_start3A_43] : memref<10008x128xf32, #tpu.memory_space<vmem_shared>> -> memref<128x128xf32, #tpu.memory_space<vmem_shared>>
        tpu.enqueue_dma source(%arg10 : memref<128x128xf32, #tpu.memory_space<vmem>>) target(%dma_start3A_44 : memref<128x128xf32, #tpu.memory_space<vmem_shared>>) target_semaphore(%run_scoped3A : memref<!tpu.dma_semaphore, #tpu.memory_space<semaphore_mem>>)
        %dma_wait3A = arith.constant 0 : i32
        %dma_wait3A_45 = tpu.memref_slice %arg12[%add3A_41, %dma_wait3A] : memref<10008x128xf32, #tpu.memory_space<vmem_shared>> -> memref<128x128xf32, #tpu.memory_space<vmem_shared>>
        %dma_wait3A_46 = arith.constant 0 : i32
        %dma_wait3A_47 = tpu.memref_slice %arg12[%add3A_41, %dma_wait3A_46] : memref<10008x128xf32, #tpu.memory_space<vmem_shared>> -> memref<128x128xf32, #tpu.memory_space<vmem_shared>>
        tpu.wait_dma2 semaphore(%run_scoped3A : memref<!tpu.dma_semaphore, #tpu.memory_space<semaphore_mem>>) src(%arg10 : memref<128x128xf32, #tpu.memory_space<vmem>>) dst(%dma_wait3A_47 : memref<128x128xf32, #tpu.memory_space<vmem_shared>>)
        tpu.yield
      }) : () -> ()
    }
    %scan3A_12 = arith.constant 4 : i32
    %add3A_13 = arith.constant 512 : i32
    %add3A_14 = arith.addi %mul3A_2, %add3A_13 : i32
    "tpu.region"() ({
      %run_scoped3A = tpu.sem_alloc : memref<!tpu.dma_semaphore, #tpu.memory_space<semaphore_mem>>
      %dma_start3A = arith.constant 0 : i32
      %dma_start3A_36 = arith.constant 0 : i32
      %dma_start3A_37 = tpu.memref_slice %arg10[%dma_start3A, %dma_start3A_36] : memref<128x128xf32, #tpu.memory_space<vmem>> -> memref<112x128xf32, #tpu.memory_space<vmem>>
      %dma_start3A_38 = arith.constant 0 : i32
      %dma_start3A_39 = tpu.memref_slice %arg12[%add3A_14, %dma_start3A_38] : memref<10008x128xf32, #tpu.memory_space<vmem_shared>> -> memref<112x128xf32, #tpu.memory_space<vmem_shared>>
      %dma_start3A_40 = arith.constant 0 : i32
      %dma_start3A_41 = tpu.memref_slice %arg12[%add3A_14, %dma_start3A_40] : memref<10008x128xf32, #tpu.memory_space<vmem_shared>> -> memref<112x128xf32, #tpu.memory_space<vmem_shared>>
      %dma_start3A_42 = arith.constant 0 : i32
      %dma_start3A_43 = arith.constant 0 : i32
      %dma_start3A_44 = tpu.memref_slice %arg10[%dma_start3A_42, %dma_start3A_43] : memref<128x128xf32, #tpu.memory_space<vmem>> -> memref<112x128xf32, #tpu.memory_space<vmem>>
      tpu.enqueue_dma source(%dma_start3A_44 : memref<112x128xf32, #tpu.memory_space<vmem>>) target(%dma_start3A_41 : memref<112x128xf32, #tpu.memory_space<vmem_shared>>) target_semaphore(%run_scoped3A : memref<!tpu.dma_semaphore, #tpu.memory_space<semaphore_mem>>)
      %dma_wait3A = arith.constant 0 : i32
      %dma_wait3A_45 = arith.constant 0 : i32
      %dma_wait3A_46 = tpu.memref_slice %arg10[%dma_wait3A, %dma_wait3A_45] : memref<128x128xf32, #tpu.memory_space<vmem>> -> memref<112x128xf32, #tpu.memory_space<vmem>>
      %dma_wait3A_47 = arith.constant 0 : i32
      %dma_wait3A_48 = tpu.memref_slice %arg12[%add3A_14, %dma_wait3A_47] : memref<10008x128xf32, #tpu.memory_space<vmem_shared>> -> memref<112x128xf32, #tpu.memory_space<vmem_shared>>
      %dma_wait3A_49 = arith.constant 0 : i32
      %dma_wait3A_50 = tpu.memref_slice %arg12[%add3A_14, %dma_wait3A_49] : memref<10008x128xf32, #tpu.memory_space<vmem_shared>> -> memref<112x128xf32, #tpu.memory_space<vmem_shared>>
      %dma_wait3A_51 = arith.constant 0 : i32
      %dma_wait3A_52 = arith.constant 0 : i32
      %dma_wait3A_53 = tpu.memref_slice %arg10[%dma_wait3A_51, %dma_wait3A_52] : memref<128x128xf32, #tpu.memory_space<vmem>> -> memref<112x128xf32, #tpu.memory_space<vmem>>
      tpu.wait_dma2 semaphore(%run_scoped3A : memref<!tpu.dma_semaphore, #tpu.memory_space<semaphore_mem>>) src(%dma_wait3A_53 : memref<112x128xf32, #tpu.memory_space<vmem>>) dst(%dma_wait3A_50 : memref<112x128xf32, #tpu.memory_space<vmem_shared>>)
      tpu.yield
    }) : () -> ()
    %eq3A = arith.constant 15 : i32
    %eq3A_15 = arith.cmpi eq, %arg1, %eq3A : i32
    %convert_element_type3A = arith.extui %eq3A_15 : i1 to i32
    %cond3A = arith.constant 0 : i32
    %cond3A_16 = arith.cmpi ne, %convert_element_type3A, %cond3A : i32
    scf.if %cond3A_16 {
      "tpu.region"() ({
        %run_scoped3A = tpu.sem_alloc : memref<!tpu.dma_semaphore, #tpu.memory_space<semaphore_mem>>
        %dma_start3A = arith.constant 0 : i32
        %dma_start3A_36 = arith.constant 0 : i32
        %dma_start3A_37 = tpu.memref_slice %arg10[%dma_start3A, %dma_start3A_36] : memref<128x128xf32, #tpu.memory_space<vmem>> -> memref<24x128xf32, #tpu.memory_space<vmem>>
        %dma_start3A_38 = arith.constant 9984 : i32
        %dma_start3A_39 = arith.constant 0 : i32
        %dma_start3A_40 = tpu.memref_slice %arg12[%dma_start3A_38, %dma_start3A_39] : memref<10008x128xf32, #tpu.memory_space<vmem_shared>> -> memref<24x128xf32, #tpu.memory_space<vmem_shared>>
        %dma_start3A_41 = arith.constant 9984 : i32
        %dma_start3A_42 = arith.constant 0 : i32
        %dma_start3A_43 = tpu.memref_slice %arg12[%dma_start3A_41, %dma_start3A_42] : memref<10008x128xf32, #tpu.memory_space<vmem_shared>> -> memref<24x128xf32, #tpu.memory_space<vmem_shared>>
        %dma_start3A_44 = arith.constant 0 : i32
        %dma_start3A_45 = arith.constant 0 : i32
        %dma_start3A_46 = tpu.memref_slice %arg10[%dma_start3A_44, %dma_start3A_45] : memref<128x128xf32, #tpu.memory_space<vmem>> -> memref<24x128xf32, #tpu.memory_space<vmem>>
        tpu.enqueue_dma source(%dma_start3A_46 : memref<24x128xf32, #tpu.memory_space<vmem>>) target(%dma_start3A_43 : memref<24x128xf32, #tpu.memory_space<vmem_shared>>) target_semaphore(%run_scoped3A : memref<!tpu.dma_semaphore, #tpu.memory_space<semaphore_mem>>)
        %dma_wait3A = arith.constant 0 : i32
        %dma_wait3A_47 = arith.constant 0 : i32
        %dma_wait3A_48 = tpu.memref_slice %arg10[%dma_wait3A, %dma_wait3A_47] : memref<128x128xf32, #tpu.memory_space<vmem>> -> memref<24x128xf32, #tpu.memory_space<vmem>>
        %dma_wait3A_49 = arith.constant 9984 : i32
        %dma_wait3A_50 = arith.constant 0 : i32
        %dma_wait3A_51 = tpu.memref_slice %arg12[%dma_wait3A_49, %dma_wait3A_50] : memref<10008x128xf32, #tpu.memory_space<vmem_shared>> -> memref<24x128xf32, #tpu.memory_space<vmem_shared>>
        %dma_wait3A_52 = arith.constant 9984 : i32
        %dma_wait3A_53 = arith.constant 0 : i32
        %dma_wait3A_54 = tpu.memref_slice %arg12[%dma_wait3A_52, %dma_wait3A_53] : memref<10008x128xf32, #tpu.memory_space<vmem_shared>> -> memref<24x128xf32, #tpu.memory_space<vmem_shared>>
        %dma_wait3A_55 = arith.constant 0 : i32
        %dma_wait3A_56 = arith.constant 0 : i32
        %dma_wait3A_57 = tpu.memref_slice %arg10[%dma_wait3A_55, %dma_wait3A_56] : memref<128x128xf32, #tpu.memory_space<vmem>> -> memref<24x128xf32, #tpu.memory_space<vmem>>
        tpu.wait_dma2 semaphore(%run_scoped3A : memref<!tpu.dma_semaphore, #tpu.memory_space<semaphore_mem>>) src(%dma_wait3A_57 : memref<24x128xf32, #tpu.memory_space<vmem>>) dst(%dma_wait3A_54 : memref<24x128xf32, #tpu.memory_space<vmem_shared>>)
        tpu.yield
      }) : () -> ()
    } else {
    }
    %barrier3A = arith.constant 0 : index
    tpu.barrier barrier_id(%barrier3A)
    %mul3A_17 = arith.constant 160000 : i32
    %mul3A_18 = arith.muli %arg0, %mul3A_17 : i32
    %scan3A_19 = arith.constant 0 : i32
    %scan3A_20 = arith.constant 40 : i32
    %scan3A_21 = arith.addi %scan3A_19, %scan3A_20 : i32
    %scan3A_22 = arith.constant 1 : i32
    scf.for %scan3A_36 = %scan3A_19 to %scan3A_21 step %scan3A_22  : i32 {
      %mul3A_37 = arith.constant 2 : i32
      %mul3A_38 = arith.muli %scan3A_36, %mul3A_37 : i32
      %add3A_39 = arith.constant 0 : i32
      %add3A_40 = arith.addi %add3A_39, %mul3A_38 : i32
      %mul3A_41 = arith.constant 16 : i32
      %mul3A_42 = arith.muli %add3A_40, %mul3A_41 : i32
      %add3A_43 = arith.addi %arg1, %mul3A_42 : i32
      %add3A_44 = arith.constant 1 : i32
      %add3A_45 = arith.addi %add3A_40, %add3A_44 : i32
      %mul3A_46 = arith.constant 16 : i32
      %mul3A_47 = arith.muli %add3A_45, %mul3A_46 : i32
      %add3A_48 = arith.addi %arg1, %mul3A_47 : i32
      %ge3A = arith.constant 2 : i32
      %ge3A_49 = arith.cmpi sge, %add3A_40, %ge3A : i32
      %sub3A = arith.constant 2 : i32
      %sub3A_50 = arith.subi %add3A_40, %sub3A : i32
      %mul3A_51 = arith.constant 16 : i32
      %mul3A_52 = arith.muli %sub3A_50, %mul3A_51 : i32
      %add3A_53 = arith.addi %arg1, %mul3A_52 : i32
      %lt3A_54 = arith.constant 1250 : i32
      %lt3A_55 = arith.cmpi slt, %add3A_53, %lt3A_54 : i32
      %and3A = arith.andi %ge3A_49, %lt3A_55 : i1
      %convert_element_type3A_56 = arith.extui %and3A : i1 to i32
      %cond3A_57 = arith.constant 0 : i32
      %cond3A_58 = arith.cmpi ne, %convert_element_type3A_56, %cond3A_57 : i32
      scf.if %cond3A_58 {
        %dma_wait3A = arith.constant 0 : i32
        %dma_wait3A_92 = arith.constant 0 : i32
        %dma_wait3A_93 = tpu.memref_slice %arg12[%dma_wait3A, %dma_wait3A_92] : memref<10008x128xf32, #tpu.memory_space<vmem_shared>> -> memref<10008x128xf32, #tpu.memory_space<vmem_shared>>
        tpu.wait_indirect_dma semaphore(%arg15 : memref<!tpu.dma_semaphore, #tpu.memory_space<semaphore_mem>>) src(%arg10 : memref<128x128xf32, #tpu.memory_space<vmem>>) dst(%dma_wait3A_93 : memref<10008x128xf32, #tpu.memory_space<vmem_shared>>)
      } else {
      }
      %lt3A_59 = arith.constant 1250 : i32
      %lt3A_60 = arith.cmpi slt, %add3A_43, %lt3A_59 : i32
      %convert_element_type3A_61 = arith.extui %lt3A_60 : i1 to i32
      %cond3A_62 = arith.constant 0 : i32
      %cond3A_63 = arith.cmpi ne, %convert_element_type3A_61, %cond3A_62 : i32
      scf.if %cond3A_63 {
        %mul3A_92 = arith.constant 128 : i32
        %mul3A_93 = arith.muli %add3A_43, %mul3A_92 : i32
        %add3A_94 = arith.addi %mul3A_18, %mul3A_93 : i32
        %dma_start3A = tpu.memref_slice %arg3[%add3A_94] : memref<320000xi32, #tpu.memory_space<hbm>> -> memref<128xi32, #tpu.memory_space<hbm>>
        %dma_start3A_95 = tpu.memref_slice %arg3[%add3A_94] : memref<320000xi32, #tpu.memory_space<hbm>> -> memref<128xi32, #tpu.memory_space<hbm>>
        tpu.enqueue_dma source(%dma_start3A_95 : memref<128xi32, #tpu.memory_space<hbm>>) target(%arg6 : memref<128xi32, #tpu.memory_space<vmem>>) target_semaphore(%arg17 : memref<!tpu.dma_semaphore, #tpu.memory_space<semaphore_mem>>)
        %dma_start3A_96 = tpu.memref_slice %arg4[%add3A_94] : memref<320000xi32, #tpu.memory_space<hbm>> -> memref<128xi32, #tpu.memory_space<hbm>>
        %dma_start3A_97 = tpu.memref_slice %arg4[%add3A_94] : memref<320000xi32, #tpu.memory_space<hbm>> -> memref<128xi32, #tpu.memory_space<hbm>>
        tpu.enqueue_dma source(%dma_start3A_97 : memref<128xi32, #tpu.memory_space<hbm>>) target(%arg7 : memref<128xi32, #tpu.memory_space<vmem>>) target_semaphore(%arg17 : memref<!tpu.dma_semaphore, #tpu.memory_space<semaphore_mem>>)
        %dma_wait3A = tpu.memref_slice %arg3[%add3A_94] : memref<320000xi32, #tpu.memory_space<hbm>> -> memref<128xi32, #tpu.memory_space<hbm>>
        %dma_wait3A_98 = tpu.memref_slice %arg3[%add3A_94] : memref<320000xi32, #tpu.memory_space<hbm>> -> memref<128xi32, #tpu.memory_space<hbm>>
        tpu.wait_dma2 semaphore(%arg17 : memref<!tpu.dma_semaphore, #tpu.memory_space<semaphore_mem>>) src(%dma_wait3A_98 : memref<128xi32, #tpu.memory_space<hbm>>) dst(%arg6 : memref<128xi32, #tpu.memory_space<vmem>>)
        %dma_wait3A_99 = tpu.memref_slice %arg4[%add3A_94] : memref<320000xi32, #tpu.memory_space<hbm>> -> memref<128xi32, #tpu.memory_space<hbm>>
        %dma_wait3A_100 = tpu.memref_slice %arg4[%add3A_94] : memref<320000xi32, #tpu.memory_space<hbm>> -> memref<128xi32, #tpu.memory_space<hbm>>
        tpu.wait_dma2 semaphore(%arg17 : memref<!tpu.dma_semaphore, #tpu.memory_space<semaphore_mem>>) src(%dma_wait3A_100 : memref<128xi32, #tpu.memory_space<hbm>>) dst(%arg7 : memref<128xi32, #tpu.memory_space<vmem>>)
        %dma_start3A_101 = arith.constant 0 : i32
        %dma_start3A_102 = arith.constant 0 : i32
        %dma_start3A_103 = tpu.memref_slice %arg2[%dma_start3A_101, %dma_start3A_102] : memref<10000x128xf32, #tpu.memory_space<hbm>> -> memref<10000x128xf32, #tpu.memory_space<hbm>>
        tpu.enqueue_indirect_dma source(%dma_start3A_103 : memref<10000x128xf32, #tpu.memory_space<hbm>>) target(%arg10 : memref<128x128xf32, #tpu.memory_space<vmem>>) offsets(%arg6 : memref<128xi32, #tpu.memory_space<vmem>>) semaphore(%arg13 : memref<!tpu.dma_semaphore, #tpu.memory_space<semaphore_mem>>)
      } else {
      }
      %ge3A_64 = arith.constant 2 : i32
      %ge3A_65 = arith.cmpi sge, %add3A_40, %ge3A_64 : i32
      %sub3A_66 = arith.constant 1 : i32
      %sub3A_67 = arith.subi %add3A_40, %sub3A_66 : i32
      %mul3A_68 = arith.constant 16 : i32
      %mul3A_69 = arith.muli %sub3A_67, %mul3A_68 : i32
      %add3A_70 = arith.addi %arg1, %mul3A_69 : i32
      %lt3A_71 = arith.constant 1250 : i32
      %lt3A_72 = arith.cmpi slt, %add3A_70, %lt3A_71 : i32
      %and3A_73 = arith.andi %ge3A_65, %lt3A_72 : i1
      %convert_element_type3A_74 = arith.extui %and3A_73 : i1 to i32
      %cond3A_75 = arith.constant 0 : i32
      %cond3A_76 = arith.cmpi ne, %convert_element_type3A_74, %cond3A_75 : i32
      scf.if %cond3A_76 {
        %dma_wait3A = arith.constant 0 : i32
        %dma_wait3A_92 = arith.constant 0 : i32
        %dma_wait3A_93 = tpu.memref_slice %arg12[%dma_wait3A, %dma_wait3A_92] : memref<10008x128xf32, #tpu.memory_space<vmem_shared>> -> memref<10008x128xf32, #tpu.memory_space<vmem_shared>>
        tpu.wait_indirect_dma semaphore(%arg16 : memref<!tpu.dma_semaphore, #tpu.memory_space<semaphore_mem>>) src(%arg11 : memref<128x128xf32, #tpu.memory_space<vmem>>) dst(%dma_wait3A_93 : memref<10008x128xf32, #tpu.memory_space<vmem_shared>>)
      } else {
      }
      %lt3A_77 = arith.constant 1250 : i32
      %lt3A_78 = arith.cmpi slt, %add3A_48, %lt3A_77 : i32
      %convert_element_type3A_79 = arith.extui %lt3A_78 : i1 to i32
      %cond3A_80 = arith.constant 0 : i32
      %cond3A_81 = arith.cmpi ne, %convert_element_type3A_79, %cond3A_80 : i32
      scf.if %cond3A_81 {
        %mul3A_92 = arith.constant 128 : i32
        %mul3A_93 = arith.muli %add3A_48, %mul3A_92 : i32
        %add3A_94 = arith.addi %mul3A_18, %mul3A_93 : i32
        %dma_start3A = tpu.memref_slice %arg3[%add3A_94] : memref<320000xi32, #tpu.memory_space<hbm>> -> memref<128xi32, #tpu.memory_space<hbm>>
        %dma_start3A_95 = tpu.memref_slice %arg3[%add3A_94] : memref<320000xi32, #tpu.memory_space<hbm>> -> memref<128xi32, #tpu.memory_space<hbm>>
        tpu.enqueue_dma source(%dma_start3A_95 : memref<128xi32, #tpu.memory_space<hbm>>) target(%arg8 : memref<128xi32, #tpu.memory_space<vmem>>) target_semaphore(%arg18 : memref<!tpu.dma_semaphore, #tpu.memory_space<semaphore_mem>>)
        %dma_start3A_96 = tpu.memref_slice %arg4[%add3A_94] : memref<320000xi32, #tpu.memory_space<hbm>> -> memref<128xi32, #tpu.memory_space<hbm>>
        %dma_start3A_97 = tpu.memref_slice %arg4[%add3A_94] : memref<320000xi32, #tpu.memory_space<hbm>> -> memref<128xi32, #tpu.memory_space<hbm>>
        tpu.enqueue_dma source(%dma_start3A_97 : memref<128xi32, #tpu.memory_space<hbm>>) target(%arg9 : memref<128xi32, #tpu.memory_space<vmem>>) target_semaphore(%arg18 : memref<!tpu.dma_semaphore, #tpu.memory_space<semaphore_mem>>)
        %dma_wait3A = tpu.memref_slice %arg3[%add3A_94] : memref<320000xi32, #tpu.memory_space<hbm>> -> memref<128xi32, #tpu.memory_space<hbm>>
        %dma_wait3A_98 = tpu.memref_slice %arg3[%add3A_94] : memref<320000xi32, #tpu.memory_space<hbm>> -> memref<128xi32, #tpu.memory_space<hbm>>
        tpu.wait_dma2 semaphore(%arg18 : memref<!tpu.dma_semaphore, #tpu.memory_space<semaphore_mem>>) src(%dma_wait3A_98 : memref<128xi32, #tpu.memory_space<hbm>>) dst(%arg8 : memref<128xi32, #tpu.memory_space<vmem>>)
        %dma_wait3A_99 = tpu.memref_slice %arg4[%add3A_94] : memref<320000xi32, #tpu.memory_space<hbm>> -> memref<128xi32, #tpu.memory_space<hbm>>
        %dma_wait3A_100 = tpu.memref_slice %arg4[%add3A_94] : memref<320000xi32, #tpu.memory_space<hbm>> -> memref<128xi32, #tpu.memory_space<hbm>>
        tpu.wait_dma2 semaphore(%arg18 : memref<!tpu.dma_semaphore, #tpu.memory_space<semaphore_mem>>) src(%dma_wait3A_100 : memref<128xi32, #tpu.memory_space<hbm>>) dst(%arg9 : memref<128xi32, #tpu.memory_space<vmem>>)
        %dma_start3A_101 = arith.constant 0 : i32
        %dma_start3A_102 = arith.constant 0 : i32
        %dma_start3A_103 = tpu.memref_slice %arg2[%dma_start3A_101, %dma_start3A_102] : memref<10000x128xf32, #tpu.memory_space<hbm>> -> memref<10000x128xf32, #tpu.memory_space<hbm>>
        tpu.enqueue_indirect_dma source(%dma_start3A_103 : memref<10000x128xf32, #tpu.memory_space<hbm>>) target(%arg11 : memref<128x128xf32, #tpu.memory_space<vmem>>) offsets(%arg8 : memref<128xi32, #tpu.memory_space<vmem>>) semaphore(%arg14 : memref<!tpu.dma_semaphore, #tpu.memory_space<semaphore_mem>>)
      } else {
      }
      %lt3A_82 = arith.constant 1250 : i32
      %lt3A_83 = arith.cmpi slt, %add3A_43, %lt3A_82 : i32
      %convert_element_type3A_84 = arith.extui %lt3A_83 : i1 to i32
      %cond3A_85 = arith.constant 0 : i32
      %cond3A_86 = arith.cmpi ne, %convert_element_type3A_84, %cond3A_85 : i32
      scf.if %cond3A_86 {
        %dma_wait3A = arith.constant 0 : i32
        %dma_wait3A_92 = arith.constant 0 : i32
        %dma_wait3A_93 = tpu.memref_slice %arg2[%dma_wait3A, %dma_wait3A_92] : memref<10000x128xf32, #tpu.memory_space<hbm>> -> memref<10000x128xf32, #tpu.memory_space<hbm>>
        tpu.wait_indirect_dma semaphore(%arg13 : memref<!tpu.dma_semaphore, #tpu.memory_space<semaphore_mem>>) src(%dma_wait3A_93 : memref<10000x128xf32, #tpu.memory_space<hbm>>) dst(%arg10 : memref<128x128xf32, #tpu.memory_space<vmem>>)
        %dma_start3A = arith.constant 0 : i32
        %dma_start3A_94 = arith.constant 0 : i32
        %dma_start3A_95 = tpu.memref_slice %arg12[%dma_start3A, %dma_start3A_94] : memref<10008x128xf32, #tpu.memory_space<vmem_shared>> -> memref<10008x128xf32, #tpu.memory_space<vmem_shared>>
        tpu.enqueue_indirect_dma source(%arg10 : memref<128x128xf32, #tpu.memory_space<vmem>>) target(%dma_start3A_95 : memref<10008x128xf32, #tpu.memory_space<vmem_shared>>) offsets(%arg7 : memref<128xi32, #tpu.memory_space<vmem>>) semaphore(%arg15 : memref<!tpu.dma_semaphore, #tpu.memory_space<semaphore_mem>>) {add = true}
      } else {
      }
      %lt3A_87 = arith.constant 1250 : i32
      %lt3A_88 = arith.cmpi slt, %add3A_48, %lt3A_87 : i32
      %convert_element_type3A_89 = arith.extui %lt3A_88 : i1 to i32
      %cond3A_90 = arith.constant 0 : i32
      %cond3A_91 = arith.cmpi ne, %convert_element_type3A_89, %cond3A_90 : i32
      scf.if %cond3A_91 {
        %dma_wait3A = arith.constant 0 : i32
        %dma_wait3A_92 = arith.constant 0 : i32
        %dma_wait3A_93 = tpu.memref_slice %arg2[%dma_wait3A, %dma_wait3A_92] : memref<10000x128xf32, #tpu.memory_space<hbm>> -> memref<10000x128xf32, #tpu.memory_space<hbm>>
        tpu.wait_indirect_dma semaphore(%arg14 : memref<!tpu.dma_semaphore, #tpu.memory_space<semaphore_mem>>) src(%dma_wait3A_93 : memref<10000x128xf32, #tpu.memory_space<hbm>>) dst(%arg11 : memref<128x128xf32, #tpu.memory_space<vmem>>)
        %dma_start3A = arith.constant 0 : i32
        %dma_start3A_94 = arith.constant 0 : i32
        %dma_start3A_95 = tpu.memref_slice %arg12[%dma_start3A, %dma_start3A_94] : memref<10008x128xf32, #tpu.memory_space<vmem_shared>> -> memref<10008x128xf32, #tpu.memory_space<vmem_shared>>
        tpu.enqueue_indirect_dma source(%arg11 : memref<128x128xf32, #tpu.memory_space<vmem>>) target(%dma_start3A_95 : memref<10008x128xf32, #tpu.memory_space<vmem_shared>>) offsets(%arg9 : memref<128xi32, #tpu.memory_space<vmem>>) semaphore(%arg16 : memref<!tpu.dma_semaphore, #tpu.memory_space<semaphore_mem>>) {add = true}
      } else {
      }
    }
    %scan3A_23 = arith.constant 40 : i32
    %add3A_24 = arith.constant 1248 : i32
    %add3A_25 = arith.addi %arg1, %add3A_24 : i32
    %lt3A = arith.constant 1250 : i32
    %lt3A_26 = arith.cmpi slt, %add3A_25, %lt3A : i32
    %convert_element_type3A_27 = arith.extui %lt3A_26 : i1 to i32
    %cond3A_28 = arith.constant 0 : i32
    %cond3A_29 = arith.cmpi ne, %convert_element_type3A_27, %cond3A_28 : i32
    scf.if %cond3A_29 {
      %dma_wait3A = arith.constant 0 : i32
      %dma_wait3A_36 = arith.constant 0 : i32
      %dma_wait3A_37 = tpu.memref_slice %arg12[%dma_wait3A, %dma_wait3A_36] : memref<10008x128xf32, #tpu.memory_space<vmem_shared>> -> memref<10008x128xf32, #tpu.memory_space<vmem_shared>>
      tpu.wait_indirect_dma semaphore(%arg15 : memref<!tpu.dma_semaphore, #tpu.memory_space<semaphore_mem>>) src(%arg10 : memref<128x128xf32, #tpu.memory_space<vmem>>) dst(%dma_wait3A_37 : memref<10008x128xf32, #tpu.memory_space<vmem_shared>>)
    } else {
    }
    %barrier3A_30 = arith.constant 0 : index
    tpu.barrier barrier_id(%barrier3A_30)
    "tpu.region"() ({
      %run_scoped3A = tpu.sem_alloc : memref<!tpu.dma_semaphore, #tpu.memory_space<semaphore_mem>>
      %dma_start3A = arith.constant 0 : i32
      %dma_start3A_36 = tpu.memref_slice %arg5[%arg0, %mul3A_2, %dma_start3A] : memref<2x10000x128xf32, #tpu.memory_space<hbm>> -> memref<1x624x128xf32, #tpu.memory_space<hbm>>
      %dma_start3A_37 = tpu.memref_squeeze %dma_start3A_36 : memref<1x624x128xf32, #tpu.memory_space<hbm>> -> memref<624x128xf32, #tpu.memory_space<hbm>>
      %dma_start3A_38 = arith.constant 0 : i32
      %dma_start3A_39 = tpu.memref_slice %arg12[%mul3A_2, %dma_start3A_38] : memref<10008x128xf32, #tpu.memory_space<vmem_shared>> -> memref<624x128xf32, #tpu.memory_space<vmem_shared>>
      tpu.enqueue_dma source(%dma_start3A_39 : memref<624x128xf32, #tpu.memory_space<vmem_shared>>) target(%dma_start3A_37 : memref<624x128xf32, #tpu.memory_space<hbm>>) target_semaphore(%run_scoped3A : memref<!tpu.dma_semaphore, #tpu.memory_space<semaphore_mem>>)
      %dma_wait3A = arith.constant 0 : i32
      %dma_wait3A_40 = tpu.memref_slice %arg5[%arg0, %mul3A_2, %dma_wait3A] : memref<2x10000x128xf32, #tpu.memory_space<hbm>> -> memref<1x624x128xf32, #tpu.memory_space<hbm>>
      %dma_wait3A_41 = tpu.memref_squeeze %dma_wait3A_40 : memref<1x624x128xf32, #tpu.memory_space<hbm>> -> memref<624x128xf32, #tpu.memory_space<hbm>>
      %dma_wait3A_42 = arith.constant 0 : i32
      %dma_wait3A_43 = tpu.memref_slice %arg12[%mul3A_2, %dma_wait3A_42] : memref<10008x128xf32, #tpu.memory_space<vmem_shared>> -> memref<624x128xf32, #tpu.memory_space<vmem_shared>>
      tpu.wait_dma2 semaphore(%run_scoped3A : memref<!tpu.dma_semaphore, #tpu.memory_space<semaphore_mem>>) src(%dma_wait3A_43 : memref<624x128xf32, #tpu.memory_space<vmem_shared>>) dst(%dma_wait3A_41 : memref<624x128xf32, #tpu.memory_space<hbm>>)
      tpu.yield
    }) : () -> ()
    %eq3A_31 = arith.constant 15 : i32
    %eq3A_32 = arith.cmpi eq, %arg1, %eq3A_31 : i32
    %convert_element_type3A_33 = arith.extui %eq3A_32 : i1 to i32
    %cond3A_34 = arith.constant 0 : i32
    %cond3A_35 = arith.cmpi ne, %convert_element_type3A_33, %cond3A_34 : i32
    scf.if %cond3A_35 {
      "tpu.region"() ({
        %run_scoped3A = tpu.sem_alloc : memref<!tpu.dma_semaphore, #tpu.memory_space<semaphore_mem>>
        %dma_start3A = arith.constant 9984 : i32
        %dma_start3A_36 = arith.constant 0 : i32
        %dma_start3A_37 = tpu.memref_slice %arg5[%arg0, %dma_start3A, %dma_start3A_36] : memref<2x10000x128xf32, #tpu.memory_space<hbm>> -> memref<1x16x128xf32, #tpu.memory_space<hbm>>
        %dma_start3A_38 = tpu.memref_squeeze %dma_start3A_37 : memref<1x16x128xf32, #tpu.memory_space<hbm>> -> memref<16x128xf32, #tpu.memory_space<hbm>>
        %dma_start3A_39 = arith.constant 9984 : i32
        %dma_start3A_40 = arith.constant 0 : i32
        %dma_start3A_41 = tpu.memref_slice %arg12[%dma_start3A_39, %dma_start3A_40] : memref<10008x128xf32, #tpu.memory_space<vmem_shared>> -> memref<16x128xf32, #tpu.memory_space<vmem_shared>>
        tpu.enqueue_dma source(%dma_start3A_41 : memref<16x128xf32, #tpu.memory_space<vmem_shared>>) target(%dma_start3A_38 : memref<16x128xf32, #tpu.memory_space<hbm>>) target_semaphore(%run_scoped3A : memref<!tpu.dma_semaphore, #tpu.memory_space<semaphore_mem>>)
        %dma_wait3A = arith.constant 9984 : i32
        %dma_wait3A_42 = arith.constant 0 : i32
        %dma_wait3A_43 = tpu.memref_slice %arg5[%arg0, %dma_wait3A, %dma_wait3A_42] : memref<2x10000x128xf32, #tpu.memory_space<hbm>> -> memref<1x16x128xf32, #tpu.memory_space<hbm>>
        %dma_wait3A_44 = tpu.memref_squeeze %dma_wait3A_43 : memref<1x16x128xf32, #tpu.memory_space<hbm>> -> memref<16x128xf32, #tpu.memory_space<hbm>>
        %dma_wait3A_45 = arith.constant 9984 : i32
        %dma_wait3A_46 = arith.constant 0 : i32
        %dma_wait3A_47 = tpu.memref_slice %arg12[%dma_wait3A_45, %dma_wait3A_46] : memref<10008x128xf32, #tpu.memory_space<vmem_shared>> -> memref<16x128xf32, #tpu.memory_space<vmem_shared>>
        tpu.wait_dma2 semaphore(%run_scoped3A : memref<!tpu.dma_semaphore, #tpu.memory_space<semaphore_mem>>) src(%dma_wait3A_47 : memref<16x128xf32, #tpu.memory_space<vmem_shared>>) dst(%dma_wait3A_44 : memref<16x128xf32, #tpu.memory_space<hbm>>)
        tpu.yield
      }) : () -> ()
    } else {
    }
    return
  }
}

#map = affine_map<(d0, d1) -> (0, 0)>
#map1 = affine_map<(d0, d1) -> (0)>
#map2 = affine_map<(d0, d1) -> (0, 0, 0)>
module attributes {stable_mosaic.version = 14 : i64} {
  func.func @_agg(%arg0: i32, %arg1: i32, %arg2: memref<10000x128xf32, #tpu.memory_space<hbm>>, %arg3: memref<320000xi32, #tpu.memory_space<hbm>>, %arg4: memref<320000xi32, #tpu.memory_space<hbm>>, %arg5: memref<2x10000x128xf32, #tpu.memory_space<hbm>>, %arg6: memref<128xi32, #tpu.memory_space<vmem>>, %arg7: memref<128xi32, #tpu.memory_space<vmem>>, %arg8: memref<128xi32, #tpu.memory_space<vmem>>, %arg9: memref<128xi32, #tpu.memory_space<vmem>>, %arg10: memref<128x128xf32, #tpu.memory_space<vmem>>, %arg11: memref<128x128xf32, #tpu.memory_space<vmem>>, %arg12: memref<10008x128xf32, #tpu.memory_space<vmem_shared>>, %arg13: memref<!tpu.dma_semaphore, #tpu.memory_space<semaphore_mem>>, %arg14: memref<!tpu.dma_semaphore, #tpu.memory_space<semaphore_mem>>, %arg15: memref<!tpu.dma_semaphore, #tpu.memory_space<semaphore_mem>>, %arg16: memref<!tpu.dma_semaphore, #tpu.memory_space<semaphore_mem>>, %arg17: memref<!tpu.dma_semaphore, #tpu.memory_space<semaphore_mem>>, %arg18: memref<!tpu.dma_semaphore, #tpu.memory_space<semaphore_mem>>) attributes {dimension_semantics = [#tpu.dimension_semantics<core_parallel>, #tpu.dimension_semantics<subcore_parallel>], iteration_bounds = array<i64: 2, 16>, scalar_prefetch = 0 : i64, scratch_operands = 13 : i64, tpu.core_type = #tpu.core_type<sc_vector_subcore>, window_params = [{transform_indices = #map}, {transform_indices = #map1}, {transform_indices = #map1}, {transform_indices = #map2}]} {
    %mul3A = arith.constant 2 : i32
    %mul3A_0 = arith.muli %arg1, %mul3A : i32
    %add3A = arith.addi %mul3A_0, %arg0 : i32
    %mul3A_1 = arith.constant 624 : i32
    %mul3A_2 = arith.muli %arg1, %mul3A_1 : i32
    %broadcast_in_dim3A = arith.constant 0.000000e+00 : f32
    %broadcast_in_dim3A_3 = vector.broadcast %broadcast_in_dim3A : f32 to vector<16xf32>
    %scan3A = arith.constant 0 : i32
    %scan3A_4 = arith.constant 128 : i32
    %scan3A_5 = arith.addi %scan3A, %scan3A_4 : i32
    %scan3A_6 = arith.constant 1 : i32
    scf.for %scan3A_36 = %scan3A to %scan3A_5 step %scan3A_6  : i32 {
      %mul3A_37 = arith.constant 1 : i32
      %mul3A_38 = arith.muli %scan3A_36, %mul3A_37 : i32
      %add3A_39 = arith.constant 0 : i32
      %add3A_40 = arith.addi %add3A_39, %mul3A_38 : i32
      %swap3A = arith.index_cast %add3A_40 : i32 to index
      %swap3A_41 = arith.constant 0 : index
      %swap3A_42 = tpu.vector_load %arg10[%swap3A, %swap3A_41] {strides = array<i32>} : memref<128x128xf32, #tpu.memory_space<vmem>>, vector<1x16xf32>,
      %swap3A_43 = vector.shape_cast %swap3A_42 : vector<1x16xf32> to vector<16xf32>
      %swap3A_44 = vector.shape_cast %broadcast_in_dim3A_3 : vector<16xf32> to vector<1x16xf32>
      tpu.vector_store %arg10[%swap3A, %swap3A_41], %swap3A_44 {strides = array<i32>} : memref<128x128xf32, #tpu.memory_space<vmem>>, vector<1x16xf32>,
      %swap3A_45 = arith.index_cast %add3A_40 : i32 to index
      %swap3A_46 = arith.constant 16 : index
      %swap3A_47 = tpu.vector_load %arg10[%swap3A_45, %swap3A_46] {strides = array<i32>} : memref<128x128xf32, #tpu.memory_space<vmem>>, vector<1x16xf32>,
      %swap3A_48 = vector.shape_cast %swap3A_47 : vector<1x16xf32> to vector<16xf32>
      %swap3A_49 = vector.shape_cast %broadcast_in_dim3A_3 : vector<16xf32> to vector<1x16xf32>
      tpu.vector_store %arg10[%swap3A_45, %swap3A_46], %swap3A_49 {strides = array<i32>} : memref<128x128xf32, #tpu.memory_space<vmem>>, vector<1x16xf32>,
      %swap3A_50 = arith.index_cast %add3A_40 : i32 to index
      %swap3A_51 = arith.constant 32 : index
      %swap3A_52 = tpu.vector_load %arg10[%swap3A_50, %swap3A_51] {strides = array<i32>} : memref<128x128xf32, #tpu.memory_space<vmem>>, vector<1x16xf32>,
      %swap3A_53 = vector.shape_cast %swap3A_52 : vector<1x16xf32> to vector<16xf32>
      %swap3A_54 = vector.shape_cast %broadcast_in_dim3A_3 : vector<16xf32> to vector<1x16xf32>
      tpu.vector_store %arg10[%swap3A_50, %swap3A_51], %swap3A_54 {strides = array<i32>} : memref<128x128xf32, #tpu.memory_space<vmem>>, vector<1x16xf32>,
      %swap3A_55 = arith.index_cast %add3A_40 : i32 to index
      %swap3A_56 = arith.constant 48 : index
      %swap3A_57 = tpu.vector_load %arg10[%swap3A_55, %swap3A_56] {strides = array<i32>} : memref<128x128xf32, #tpu.memory_space<vmem>>, vector<1x16xf32>,
      %swap3A_58 = vector.shape_cast %swap3A_57 : vector<1x16xf32> to vector<16xf32>
      %swap3A_59 = vector.shape_cast %broadcast_in_dim3A_3 : vector<16xf32> to vector<1x16xf32>
      tpu.vector_store %arg10[%swap3A_55, %swap3A_56], %swap3A_59 {strides = array<i32>} : memref<128x128xf32, #tpu.memory_space<vmem>>, vector<1x16xf32>,
      %swap3A_60 = arith.index_cast %add3A_40 : i32 to index
      %swap3A_61 = arith.constant 64 : index
      %swap3A_62 = tpu.vector_load %arg10[%swap3A_60, %swap3A_61] {strides = array<i32>} : memref<128x128xf32, #tpu.memory_space<vmem>>, vector<1x16xf32>,
      %swap3A_63 = vector.shape_cast %swap3A_62 : vector<1x16xf32> to vector<16xf32>
      %swap3A_64 = vector.shape_cast %broadcast_in_dim3A_3 : vector<16xf32> to vector<1x16xf32>
      tpu.vector_store %arg10[%swap3A_60, %swap3A_61], %swap3A_64 {strides = array<i32>} : memref<128x128xf32, #tpu.memory_space<vmem>>, vector<1x16xf32>,
      %swap3A_65 = arith.index_cast %add3A_40 : i32 to index
      %swap3A_66 = arith.constant 80 : index
      %swap3A_67 = tpu.vector_load %arg10[%swap3A_65, %swap3A_66] {strides = array<i32>} : memref<128x128xf32, #tpu.memory_space<vmem>>, vector<1x16xf32>,
      %swap3A_68 = vector.shape_cast %swap3A_67 : vector<1x16xf32> to vector<16xf32>
      %swap3A_69 = vector.shape_cast %broadcast_in_dim3A_3 : vector<16xf32> to vector<1x16xf32>
      tpu.vector_store %arg10[%swap3A_65, %swap3A_66], %swap3A_69 {strides = array<i32>} : memref<128x128xf32, #tpu.memory_space<vmem>>, vector<1x16xf32>,
      %swap3A_70 = arith.index_cast %add3A_40 : i32 to index
      %swap3A_71 = arith.constant 96 : index
      %swap3A_72 = tpu.vector_load %arg10[%swap3A_70, %swap3A_71] {strides = array<i32>} : memref<128x128xf32, #tpu.memory_space<vmem>>, vector<1x16xf32>,
      %swap3A_73 = vector.shape_cast %swap3A_72 : vector<1x16xf32> to vector<16xf32>
      %swap3A_74 = vector.shape_cast %broadcast_in_dim3A_3 : vector<16xf32> to vector<1x16xf32>
      tpu.vector_store %arg10[%swap3A_70, %swap3A_71], %swap3A_74 {strides = array<i32>} : memref<128x128xf32, #tpu.memory_space<vmem>>, vector<1x16xf32>,
      %swap3A_75 = arith.index_cast %add3A_40 : i32 to index
      %swap3A_76 = arith.constant 112 : index
      %swap3A_77 = tpu.vector_load %arg10[%swap3A_75, %swap3A_76] {strides = array<i32>} : memref<128x128xf32, #tpu.memory_space<vmem>>, vector<1x16xf32>,
      %swap3A_78 = vector.shape_cast %swap3A_77 : vector<1x16xf32> to vector<16xf32>
      %swap3A_79 = vector.shape_cast %broadcast_in_dim3A_3 : vector<16xf32> to vector<1x16xf32>
      tpu.vector_store %arg10[%swap3A_75, %swap3A_76], %swap3A_79 {strides = array<i32>} : memref<128x128xf32, #tpu.memory_space<vmem>>, vector<1x16xf32>,
    }
    %scan3A_7 = arith.constant 128 : i32
    %scan3A_8 = arith.constant 0 : i32
    %scan3A_9 = arith.constant 4 : i32
    %scan3A_10 = arith.addi %scan3A_8, %scan3A_9 : i32
    %scan3A_11 = arith.constant 1 : i32
    scf.for %scan3A_36 = %scan3A_8 to %scan3A_10 step %scan3A_11  : i32 {
      %mul3A_37 = arith.constant 128 : i32
      %mul3A_38 = arith.muli %scan3A_36, %mul3A_37 : i32
      %add3A_39 = arith.constant 0 : i32
      %add3A_40 = arith.addi %add3A_39, %mul3A_38 : i32
      %add3A_41 = arith.addi %mul3A_2, %add3A_40 : i32
      "tpu.region"() ({
        %run_scoped3A = tpu.sem_alloc : memref<!tpu.dma_semaphore, #tpu.memory_space<semaphore_mem>>
        %dma_start3A = arith.constant 0 : i32
        %dma_start3A_42 = tpu.memref_slice %arg12[%add3A_41, %dma_start3A] : memref<10008x128xf32, #tpu.memory_space<vmem_shared>> -> memref<128x128xf32, #tpu.memory_space<vmem_shared>>
        %dma_start3A_43 = arith.constant 0 : i32
        %dma_start3A_44 = tpu.memref_slice %arg12[%add3A_41, %dma_start3A_43] : memref<10008x128xf32, #tpu.memory_space<vmem_shared>> -> memref<128x128xf32, #tpu.memory_space<vmem_shared>>
        tpu.enqueue_dma source(%arg10 : memref<128x128xf32, #tpu.memory_space<vmem>>) target(%dma_start3A_44 : memref<128x128xf32, #tpu.memory_space<vmem_shared>>) target_semaphore(%run_scoped3A : memref<!tpu.dma_semaphore, #tpu.memory_space<semaphore_mem>>)
        %dma_wait3A = arith.constant 0 : i32
        %dma_wait3A_45 = tpu.memref_slice %arg12[%add3A_41, %dma_wait3A] : memref<10008x128xf32, #tpu.memory_space<vmem_shared>> -> memref<128x128xf32, #tpu.memory_space<vmem_shared>>
        %dma_wait3A_46 = arith.constant 0 : i32
        %dma_wait3A_47 = tpu.memref_slice %arg12[%add3A_41, %dma_wait3A_46] : memref<10008x128xf32, #tpu.memory_space<vmem_shared>> -> memref<128x128xf32, #tpu.memory_space<vmem_shared>>
        tpu.wait_dma2 semaphore(%run_scoped3A : memref<!tpu.dma_semaphore, #tpu.memory_space<semaphore_mem>>) src(%arg10 : memref<128x128xf32, #tpu.memory_space<vmem>>) dst(%dma_wait3A_47 : memref<128x128xf32, #tpu.memory_space<vmem_shared>>)
        tpu.yield
      }) : () -> ()
    }
    %scan3A_12 = arith.constant 4 : i32
    %add3A_13 = arith.constant 512 : i32
    %add3A_14 = arith.addi %mul3A_2, %add3A_13 : i32
    "tpu.region"() ({
      %run_scoped3A = tpu.sem_alloc : memref<!tpu.dma_semaphore, #tpu.memory_space<semaphore_mem>>
      %dma_start3A = arith.constant 0 : i32
      %dma_start3A_36 = arith.constant 0 : i32
      %dma_start3A_37 = tpu.memref_slice %arg10[%dma_start3A, %dma_start3A_36] : memref<128x128xf32, #tpu.memory_space<vmem>> -> memref<112x128xf32, #tpu.memory_space<vmem>>
      %dma_start3A_38 = arith.constant 0 : i32
      %dma_start3A_39 = tpu.memref_slice %arg12[%add3A_14, %dma_start3A_38] : memref<10008x128xf32, #tpu.memory_space<vmem_shared>> -> memref<112x128xf32, #tpu.memory_space<vmem_shared>>
      %dma_start3A_40 = arith.constant 0 : i32
      %dma_start3A_41 = tpu.memref_slice %arg12[%add3A_14, %dma_start3A_40] : memref<10008x128xf32, #tpu.memory_space<vmem_shared>> -> memref<112x128xf32, #tpu.memory_space<vmem_shared>>
      %dma_start3A_42 = arith.constant 0 : i32
      %dma_start3A_43 = arith.constant 0 : i32
      %dma_start3A_44 = tpu.memref_slice %arg10[%dma_start3A_42, %dma_start3A_43] : memref<128x128xf32, #tpu.memory_space<vmem>> -> memref<112x128xf32, #tpu.memory_space<vmem>>
      tpu.enqueue_dma source(%dma_start3A_44 : memref<112x128xf32, #tpu.memory_space<vmem>>) target(%dma_start3A_41 : memref<112x128xf32, #tpu.memory_space<vmem_shared>>) target_semaphore(%run_scoped3A : memref<!tpu.dma_semaphore, #tpu.memory_space<semaphore_mem>>)
      %dma_wait3A = arith.constant 0 : i32
      %dma_wait3A_45 = arith.constant 0 : i32
      %dma_wait3A_46 = tpu.memref_slice %arg10[%dma_wait3A, %dma_wait3A_45] : memref<128x128xf32, #tpu.memory_space<vmem>> -> memref<112x128xf32, #tpu.memory_space<vmem>>
      %dma_wait3A_47 = arith.constant 0 : i32
      %dma_wait3A_48 = tpu.memref_slice %arg12[%add3A_14, %dma_wait3A_47] : memref<10008x128xf32, #tpu.memory_space<vmem_shared>> -> memref<112x128xf32, #tpu.memory_space<vmem_shared>>
      %dma_wait3A_49 = arith.constant 0 : i32
      %dma_wait3A_50 = tpu.memref_slice %arg12[%add3A_14, %dma_wait3A_49] : memref<10008x128xf32, #tpu.memory_space<vmem_shared>> -> memref<112x128xf32, #tpu.memory_space<vmem_shared>>
      %dma_wait3A_51 = arith.constant 0 : i32
      %dma_wait3A_52 = arith.constant 0 : i32
      %dma_wait3A_53 = tpu.memref_slice %arg10[%dma_wait3A_51, %dma_wait3A_52] : memref<128x128xf32, #tpu.memory_space<vmem>> -> memref<112x128xf32, #tpu.memory_space<vmem>>
      tpu.wait_dma2 semaphore(%run_scoped3A : memref<!tpu.dma_semaphore, #tpu.memory_space<semaphore_mem>>) src(%dma_wait3A_53 : memref<112x128xf32, #tpu.memory_space<vmem>>) dst(%dma_wait3A_50 : memref<112x128xf32, #tpu.memory_space<vmem_shared>>)
      tpu.yield
    }) : () -> ()
    %eq3A = arith.constant 15 : i32
    %eq3A_15 = arith.cmpi eq, %arg1, %eq3A : i32
    %convert_element_type3A = arith.extui %eq3A_15 : i1 to i32
    %cond3A = arith.constant 0 : i32
    %cond3A_16 = arith.cmpi ne, %convert_element_type3A, %cond3A : i32
    scf.if %cond3A_16 {
      "tpu.region"() ({
        %run_scoped3A = tpu.sem_alloc : memref<!tpu.dma_semaphore, #tpu.memory_space<semaphore_mem>>
        %dma_start3A = arith.constant 0 : i32
        %dma_start3A_36 = arith.constant 0 : i32
        %dma_start3A_37 = tpu.memref_slice %arg10[%dma_start3A, %dma_start3A_36] : memref<128x128xf32, #tpu.memory_space<vmem>> -> memref<24x128xf32, #tpu.memory_space<vmem>>
        %dma_start3A_38 = arith.constant 9984 : i32
        %dma_start3A_39 = arith.constant 0 : i32
        %dma_start3A_40 = tpu.memref_slice %arg12[%dma_start3A_38, %dma_start3A_39] : memref<10008x128xf32, #tpu.memory_space<vmem_shared>> -> memref<24x128xf32, #tpu.memory_space<vmem_shared>>
        %dma_start3A_41 = arith.constant 9984 : i32
        %dma_start3A_42 = arith.constant 0 : i32
        %dma_start3A_43 = tpu.memref_slice %arg12[%dma_start3A_41, %dma_start3A_42] : memref<10008x128xf32, #tpu.memory_space<vmem_shared>> -> memref<24x128xf32, #tpu.memory_space<vmem_shared>>
        %dma_start3A_44 = arith.constant 0 : i32
        %dma_start3A_45 = arith.constant 0 : i32
        %dma_start3A_46 = tpu.memref_slice %arg10[%dma_start3A_44, %dma_start3A_45] : memref<128x128xf32, #tpu.memory_space<vmem>> -> memref<24x128xf32, #tpu.memory_space<vmem>>
        tpu.enqueue_dma source(%dma_start3A_46 : memref<24x128xf32, #tpu.memory_space<vmem>>) target(%dma_start3A_43 : memref<24x128xf32, #tpu.memory_space<vmem_shared>>) target_semaphore(%run_scoped3A : memref<!tpu.dma_semaphore, #tpu.memory_space<semaphore_mem>>)
        %dma_wait3A = arith.constant 0 : i32
        %dma_wait3A_47 = arith.constant 0 : i32
        %dma_wait3A_48 = tpu.memref_slice %arg10[%dma_wait3A, %dma_wait3A_47] : memref<128x128xf32, #tpu.memory_space<vmem>> -> memref<24x128xf32, #tpu.memory_space<vmem>>
        %dma_wait3A_49 = arith.constant 9984 : i32
        %dma_wait3A_50 = arith.constant 0 : i32
        %dma_wait3A_51 = tpu.memref_slice %arg12[%dma_wait3A_49, %dma_wait3A_50] : memref<10008x128xf32, #tpu.memory_space<vmem_shared>> -> memref<24x128xf32, #tpu.memory_space<vmem_shared>>
        %dma_wait3A_52 = arith.constant 9984 : i32
        %dma_wait3A_53 = arith.constant 0 : i32
        %dma_wait3A_54 = tpu.memref_slice %arg12[%dma_wait3A_52, %dma_wait3A_53] : memref<10008x128xf32, #tpu.memory_space<vmem_shared>> -> memref<24x128xf32, #tpu.memory_space<vmem_shared>>
        %dma_wait3A_55 = arith.constant 0 : i32
        %dma_wait3A_56 = arith.constant 0 : i32
        %dma_wait3A_57 = tpu.memref_slice %arg10[%dma_wait3A_55, %dma_wait3A_56] : memref<128x128xf32, #tpu.memory_space<vmem>> -> memref<24x128xf32, #tpu.memory_space<vmem>>
        tpu.wait_dma2 semaphore(%run_scoped3A : memref<!tpu.dma_semaphore, #tpu.memory_space<semaphore_mem>>) src(%dma_wait3A_57 : memref<24x128xf32, #tpu.memory_space<vmem>>) dst(%dma_wait3A_54 : memref<24x128xf32, #tpu.memory_space<vmem_shared>>)
        tpu.yield
      }) : () -> ()
    } else {
    }
    %barrier3A = arith.constant 0 : index
    tpu.barrier barrier_id(%barrier3A)
    %mul3A_17 = arith.constant 160000 : i32
    %mul3A_18 = arith.muli %arg0, %mul3A_17 : i32
    %scan3A_19 = arith.constant 0 : i32
    %scan3A_20 = arith.constant 40 : i32
    %scan3A_21 = arith.addi %scan3A_19, %scan3A_20 : i32
    %scan3A_22 = arith.constant 1 : i32
    scf.for %scan3A_36 = %scan3A_19 to %scan3A_21 step %scan3A_22  : i32 {
      %mul3A_37 = arith.constant 2 : i32
      %mul3A_38 = arith.muli %scan3A_36, %mul3A_37 : i32
      %add3A_39 = arith.constant 0 : i32
      %add3A_40 = arith.addi %add3A_39, %mul3A_38 : i32
      %mul3A_41 = arith.constant 16 : i32
      %mul3A_42 = arith.muli %add3A_40, %mul3A_41 : i32
      %add3A_43 = arith.addi %arg1, %mul3A_42 : i32
      %add3A_44 = arith.constant 1 : i32
      %add3A_45 = arith.addi %add3A_40, %add3A_44 : i32
      %mul3A_46 = arith.constant 16 : i32
      %mul3A_47 = arith.muli %add3A_45, %mul3A_46 : i32
      %add3A_48 = arith.addi %arg1, %mul3A_47 : i32
      %ge3A = arith.constant 2 : i32
      %ge3A_49 = arith.cmpi sge, %add3A_40, %ge3A : i32
      %sub3A = arith.constant 2 : i32
      %sub3A_50 = arith.subi %add3A_40, %sub3A : i32
      %mul3A_51 = arith.constant 16 : i32
      %mul3A_52 = arith.muli %sub3A_50, %mul3A_51 : i32
      %add3A_53 = arith.addi %arg1, %mul3A_52 : i32
      %lt3A_54 = arith.constant 1250 : i32
      %lt3A_55 = arith.cmpi slt, %add3A_53, %lt3A_54 : i32
      %and3A = arith.andi %ge3A_49, %lt3A_55 : i1
      %convert_element_type3A_56 = arith.extui %and3A : i1 to i32
      %cond3A_57 = arith.constant 0 : i32
      %cond3A_58 = arith.cmpi ne, %convert_element_type3A_56, %cond3A_57 : i32
      scf.if %cond3A_58 {
        %dma_wait3A = arith.constant 0 : i32
        %dma_wait3A_92 = arith.constant 0 : i32
        %dma_wait3A_93 = tpu.memref_slice %arg12[%dma_wait3A, %dma_wait3A_92] : memref<10008x128xf32, #tpu.memory_space<vmem_shared>> -> memref<10008x128xf32, #tpu.memory_space<vmem_shared>>
        tpu.wait_indirect_dma semaphore(%arg15 : memref<!tpu.dma_semaphore, #tpu.memory_space<semaphore_mem>>) src(%arg10 : memref<128x128xf32, #tpu.memory_space<vmem>>) dst(%dma_wait3A_93 : memref<10008x128xf32, #tpu.memory_space<vmem_shared>>)
      } else {
      }
      %lt3A_59 = arith.constant 1250 : i32
      %lt3A_60 = arith.cmpi slt, %add3A_43, %lt3A_59 : i32
      %convert_element_type3A_61 = arith.extui %lt3A_60 : i1 to i32
      %cond3A_62 = arith.constant 0 : i32
      %cond3A_63 = arith.cmpi ne, %convert_element_type3A_61, %cond3A_62 : i32
      scf.if %cond3A_63 {
        %mul3A_92 = arith.constant 128 : i32
        %mul3A_93 = arith.muli %add3A_43, %mul3A_92 : i32
        %add3A_94 = arith.addi %mul3A_18, %mul3A_93 : i32
        %dma_start3A = tpu.memref_slice %arg3[%add3A_94] : memref<320000xi32, #tpu.memory_space<hbm>> -> memref<128xi32, #tpu.memory_space<hbm>>
        %dma_start3A_95 = tpu.memref_slice %arg3[%add3A_94] : memref<320000xi32, #tpu.memory_space<hbm>> -> memref<128xi32, #tpu.memory_space<hbm>>
        tpu.enqueue_dma source(%dma_start3A_95 : memref<128xi32, #tpu.memory_space<hbm>>) target(%arg6 : memref<128xi32, #tpu.memory_space<vmem>>) target_semaphore(%arg17 : memref<!tpu.dma_semaphore, #tpu.memory_space<semaphore_mem>>)
        %dma_start3A_96 = tpu.memref_slice %arg4[%add3A_94] : memref<320000xi32, #tpu.memory_space<hbm>> -> memref<128xi32, #tpu.memory_space<hbm>>
        %dma_start3A_97 = tpu.memref_slice %arg4[%add3A_94] : memref<320000xi32, #tpu.memory_space<hbm>> -> memref<128xi32, #tpu.memory_space<hbm>>
        tpu.enqueue_dma source(%dma_start3A_97 : memref<128xi32, #tpu.memory_space<hbm>>) target(%arg7 : memref<128xi32, #tpu.memory_space<vmem>>) target_semaphore(%arg17 : memref<!tpu.dma_semaphore, #tpu.memory_space<semaphore_mem>>)
        %dma_wait3A = tpu.memref_slice %arg3[%add3A_94] : memref<320000xi32, #tpu.memory_space<hbm>> -> memref<128xi32, #tpu.memory_space<hbm>>
        %dma_wait3A_98 = tpu.memref_slice %arg3[%add3A_94] : memref<320000xi32, #tpu.memory_space<hbm>> -> memref<128xi32, #tpu.memory_space<hbm>>
        tpu.wait_dma2 semaphore(%arg17 : memref<!tpu.dma_semaphore, #tpu.memory_space<semaphore_mem>>) src(%dma_wait3A_98 : memref<128xi32, #tpu.memory_space<hbm>>) dst(%arg6 : memref<128xi32, #tpu.memory_space<vmem>>)
        %dma_wait3A_99 = tpu.memref_slice %arg4[%add3A_94] : memref<320000xi32, #tpu.memory_space<hbm>> -> memref<128xi32, #tpu.memory_space<hbm>>
        %dma_wait3A_100 = tpu.memref_slice %arg4[%add3A_94] : memref<320000xi32, #tpu.memory_space<hbm>> -> memref<128xi32, #tpu.memory_space<hbm>>
        tpu.wait_dma2 semaphore(%arg17 : memref<!tpu.dma_semaphore, #tpu.memory_space<semaphore_mem>>) src(%dma_wait3A_100 : memref<128xi32, #tpu.memory_space<hbm>>) dst(%arg7 : memref<128xi32, #tpu.memory_space<vmem>>)
        %dma_start3A_101 = arith.constant 0 : i32
        %dma_start3A_102 = arith.constant 0 : i32
        %dma_start3A_103 = tpu.memref_slice %arg2[%dma_start3A_101, %dma_start3A_102] : memref<10000x128xf32, #tpu.memory_space<hbm>> -> memref<10000x128xf32, #tpu.memory_space<hbm>>
        tpu.enqueue_indirect_dma source(%dma_start3A_103 : memref<10000x128xf32, #tpu.memory_space<hbm>>) target(%arg10 : memref<128x128xf32, #tpu.memory_space<vmem>>) offsets(%arg6 : memref<128xi32, #tpu.memory_space<vmem>>) semaphore(%arg13 : memref<!tpu.dma_semaphore, #tpu.memory_space<semaphore_mem>>)
      } else {
      }
      %ge3A_64 = arith.constant 2 : i32
      %ge3A_65 = arith.cmpi sge, %add3A_40, %ge3A_64 : i32
      %sub3A_66 = arith.constant 1 : i32
      %sub3A_67 = arith.subi %add3A_40, %sub3A_66 : i32
      %mul3A_68 = arith.constant 16 : i32
      %mul3A_69 = arith.muli %sub3A_67, %mul3A_68 : i32
      %add3A_70 = arith.addi %arg1, %mul3A_69 : i32
      %lt3A_71 = arith.constant 1250 : i32
      %lt3A_72 = arith.cmpi slt, %add3A_70, %lt3A_71 : i32
      %and3A_73 = arith.andi %ge3A_65, %lt3A_72 : i1
      %convert_element_type3A_74 = arith.extui %and3A_73 : i1 to i32
      %cond3A_75 = arith.constant 0 : i32
      %cond3A_76 = arith.cmpi ne, %convert_element_type3A_74, %cond3A_75 : i32
      scf.if %cond3A_76 {
        %dma_wait3A = arith.constant 0 : i32
        %dma_wait3A_92 = arith.constant 0 : i32
        %dma_wait3A_93 = tpu.memref_slice %arg12[%dma_wait3A, %dma_wait3A_92] : memref<10008x128xf32, #tpu.memory_space<vmem_shared>> -> memref<10008x128xf32, #tpu.memory_space<vmem_shared>>
        tpu.wait_indirect_dma semaphore(%arg16 : memref<!tpu.dma_semaphore, #tpu.memory_space<semaphore_mem>>) src(%arg11 : memref<128x128xf32, #tpu.memory_space<vmem>>) dst(%dma_wait3A_93 : memref<10008x128xf32, #tpu.memory_space<vmem_shared>>)
      } else {
      }
      %lt3A_77 = arith.constant 1250 : i32
      %lt3A_78 = arith.cmpi slt, %add3A_48, %lt3A_77 : i32
      %convert_element_type3A_79 = arith.extui %lt3A_78 : i1 to i32
      %cond3A_80 = arith.constant 0 : i32
      %cond3A_81 = arith.cmpi ne, %convert_element_type3A_79, %cond3A_80 : i32
      scf.if %cond3A_81 {
        %mul3A_92 = arith.constant 128 : i32
        %mul3A_93 = arith.muli %add3A_48, %mul3A_92 : i32
        %add3A_94 = arith.addi %mul3A_18, %mul3A_93 : i32
        %dma_start3A = tpu.memref_slice %arg3[%add3A_94] : memref<320000xi32, #tpu.memory_space<hbm>> -> memref<128xi32, #tpu.memory_space<hbm>>
        %dma_start3A_95 = tpu.memref_slice %arg3[%add3A_94] : memref<320000xi32, #tpu.memory_space<hbm>> -> memref<128xi32, #tpu.memory_space<hbm>>
        tpu.enqueue_dma source(%dma_start3A_95 : memref<128xi32, #tpu.memory_space<hbm>>) target(%arg8 : memref<128xi32, #tpu.memory_space<vmem>>) target_semaphore(%arg18 : memref<!tpu.dma_semaphore, #tpu.memory_space<semaphore_mem>>)
        %dma_start3A_96 = tpu.memref_slice %arg4[%add3A_94] : memref<320000xi32, #tpu.memory_space<hbm>> -> memref<128xi32, #tpu.memory_space<hbm>>
        %dma_start3A_97 = tpu.memref_slice %arg4[%add3A_94] : memref<320000xi32, #tpu.memory_space<hbm>> -> memref<128xi32, #tpu.memory_space<hbm>>
        tpu.enqueue_dma source(%dma_start3A_97 : memref<128xi32, #tpu.memory_space<hbm>>) target(%arg9 : memref<128xi32, #tpu.memory_space<vmem>>) target_semaphore(%arg18 : memref<!tpu.dma_semaphore, #tpu.memory_space<semaphore_mem>>)
        %dma_wait3A = tpu.memref_slice %arg3[%add3A_94] : memref<320000xi32, #tpu.memory_space<hbm>> -> memref<128xi32, #tpu.memory_space<hbm>>
        %dma_wait3A_98 = tpu.memref_slice %arg3[%add3A_94] : memref<320000xi32, #tpu.memory_space<hbm>> -> memref<128xi32, #tpu.memory_space<hbm>>
        tpu.wait_dma2 semaphore(%arg18 : memref<!tpu.dma_semaphore, #tpu.memory_space<semaphore_mem>>) src(%dma_wait3A_98 : memref<128xi32, #tpu.memory_space<hbm>>) dst(%arg8 : memref<128xi32, #tpu.memory_space<vmem>>)
        %dma_wait3A_99 = tpu.memref_slice %arg4[%add3A_94] : memref<320000xi32, #tpu.memory_space<hbm>> -> memref<128xi32, #tpu.memory_space<hbm>>
        %dma_wait3A_100 = tpu.memref_slice %arg4[%add3A_94] : memref<320000xi32, #tpu.memory_space<hbm>> -> memref<128xi32, #tpu.memory_space<hbm>>
        tpu.wait_dma2 semaphore(%arg18 : memref<!tpu.dma_semaphore, #tpu.memory_space<semaphore_mem>>) src(%dma_wait3A_100 : memref<128xi32, #tpu.memory_space<hbm>>) dst(%arg9 : memref<128xi32, #tpu.memory_space<vmem>>)
        %dma_start3A_101 = arith.constant 0 : i32
        %dma_start3A_102 = arith.constant 0 : i32
        %dma_start3A_103 = tpu.memref_slice %arg2[%dma_start3A_101, %dma_start3A_102] : memref<10000x128xf32, #tpu.memory_space<hbm>> -> memref<10000x128xf32, #tpu.memory_space<hbm>>
        tpu.enqueue_indirect_dma source(%dma_start3A_103 : memref<10000x128xf32, #tpu.memory_space<hbm>>) target(%arg11 : memref<128x128xf32, #tpu.memory_space<vmem>>) offsets(%arg8 : memref<128xi32, #tpu.memory_space<vmem>>) semaphore(%arg14 : memref<!tpu.dma_semaphore, #tpu.memory_space<semaphore_mem>>)
      } else {
      }
      %lt3A_82 = arith.constant 1250 : i32
      %lt3A_83 = arith.cmpi slt, %add3A_43, %lt3A_82 : i32
      %convert_element_type3A_84 = arith.extui %lt3A_83 : i1 to i32
      %cond3A_85 = arith.constant 0 : i32
      %cond3A_86 = arith.cmpi ne, %convert_element_type3A_84, %cond3A_85 : i32
      scf.if %cond3A_86 {
        %dma_wait3A = arith.constant 0 : i32
        %dma_wait3A_92 = arith.constant 0 : i32
        %dma_wait3A_93 = tpu.memref_slice %arg2[%dma_wait3A, %dma_wait3A_92] : memref<10000x128xf32, #tpu.memory_space<hbm>> -> memref<10000x128xf32, #tpu.memory_space<hbm>>
        tpu.wait_indirect_dma semaphore(%arg13 : memref<!tpu.dma_semaphore, #tpu.memory_space<semaphore_mem>>) src(%dma_wait3A_93 : memref<10000x128xf32, #tpu.memory_space<hbm>>) dst(%arg10 : memref<128x128xf32, #tpu.memory_space<vmem>>)
        %dma_start3A = arith.constant 0 : i32
        %dma_start3A_94 = arith.constant 0 : i32
        %dma_start3A_95 = tpu.memref_slice %arg12[%dma_start3A, %dma_start3A_94] : memref<10008x128xf32, #tpu.memory_space<vmem_shared>> -> memref<10008x128xf32, #tpu.memory_space<vmem_shared>>
        tpu.enqueue_indirect_dma source(%arg10 : memref<128x128xf32, #tpu.memory_space<vmem>>) target(%dma_start3A_95 : memref<10008x128xf32, #tpu.memory_space<vmem_shared>>) offsets(%arg7 : memref<128xi32, #tpu.memory_space<vmem>>) semaphore(%arg15 : memref<!tpu.dma_semaphore, #tpu.memory_space<semaphore_mem>>) {add = true}
      } else {
      }
      %lt3A_87 = arith.constant 1250 : i32
      %lt3A_88 = arith.cmpi slt, %add3A_48, %lt3A_87 : i32
      %convert_element_type3A_89 = arith.extui %lt3A_88 : i1 to i32
      %cond3A_90 = arith.constant 0 : i32
      %cond3A_91 = arith.cmpi ne, %convert_element_type3A_89, %cond3A_90 : i32
      scf.if %cond3A_91 {
        %dma_wait3A = arith.constant 0 : i32
        %dma_wait3A_92 = arith.constant 0 : i32
        %dma_wait3A_93 = tpu.memref_slice %arg2[%dma_wait3A, %dma_wait3A_92] : memref<10000x128xf32, #tpu.memory_space<hbm>> -> memref<10000x128xf32, #tpu.memory_space<hbm>>
        tpu.wait_indirect_dma semaphore(%arg14 : memref<!tpu.dma_semaphore, #tpu.memory_space<semaphore_mem>>) src(%dma_wait3A_93 : memref<10000x128xf32, #tpu.memory_space<hbm>>) dst(%arg11 : memref<128x128xf32, #tpu.memory_space<vmem>>)
        %dma_start3A = arith.constant 0 : i32
        %dma_start3A_94 = arith.constant 0 : i32
        %dma_start3A_95 = tpu.memref_slice %arg12[%dma_start3A, %dma_start3A_94] : memref<10008x128xf32, #tpu.memory_space<vmem_shared>> -> memref<10008x128xf32, #tpu.memory_space<vmem_shared>>
        tpu.enqueue_indirect_dma source(%arg11 : memref<128x128xf32, #tpu.memory_space<vmem>>) target(%dma_start3A_95 : memref<10008x128xf32, #tpu.memory_space<vmem_shared>>) offsets(%arg9 : memref<128xi32, #tpu.memory_space<vmem>>) semaphore(%arg16 : memref<!tpu.dma_semaphore, #tpu.memory_space<semaphore_mem>>) {add = true}
      } else {
      }
    }
    %scan3A_23 = arith.constant 40 : i32
    %add3A_24 = arith.constant 1248 : i32
    %add3A_25 = arith.addi %arg1, %add3A_24 : i32
    %lt3A = arith.constant 1250 : i32
    %lt3A_26 = arith.cmpi slt, %add3A_25, %lt3A : i32
    %convert_element_type3A_27 = arith.extui %lt3A_26 : i1 to i32
    %cond3A_28 = arith.constant 0 : i32
    %cond3A_29 = arith.cmpi ne, %convert_element_type3A_27, %cond3A_28 : i32
    scf.if %cond3A_29 {
      %dma_wait3A = arith.constant 0 : i32
      %dma_wait3A_36 = arith.constant 0 : i32
      %dma_wait3A_37 = tpu.memref_slice %arg12[%dma_wait3A, %dma_wait3A_36] : memref<10008x128xf32, #tpu.memory_space<vmem_shared>> -> memref<10008x128xf32, #tpu.memory_space<vmem_shared>>
      tpu.wait_indirect_dma semaphore(%arg15 : memref<!tpu.dma_semaphore, #tpu.memory_space<semaphore_mem>>) src(%arg10 : memref<128x128xf32, #tpu.memory_space<vmem>>) dst(%dma_wait3A_37 : memref<10008x128xf32, #tpu.memory_space<vmem_shared>>)
    } else {
    }
    %barrier3A_30 = arith.constant 0 : index
    tpu.barrier barrier_id(%barrier3A_30)
    "tpu.region"() ({
      %run_scoped3A = tpu.sem_alloc : memref<!tpu.dma_semaphore, #tpu.memory_space<semaphore_mem>>
      %dma_start3A = arith.constant 0 : i32
      %dma_start3A_36 = tpu.memref_slice %arg5[%arg0, %mul3A_2, %dma_start3A] : memref<2x10000x128xf32, #tpu.memory_space<hbm>> -> memref<1x624x128xf32, #tpu.memory_space<hbm>>
      %dma_start3A_37 = tpu.memref_squeeze %dma_start3A_36 : memref<1x624x128xf32, #tpu.memory_space<hbm>> -> memref<624x128xf32, #tpu.memory_space<hbm>>
      %dma_start3A_38 = arith.constant 0 : i32
      %dma_start3A_39 = tpu.memref_slice %arg12[%mul3A_2, %dma_start3A_38] : memref<10008x128xf32, #tpu.memory_space<vmem_shared>> -> memref<624x128xf32, #tpu.memory_space<vmem_shared>>
      tpu.enqueue_dma source(%dma_start3A_39 : memref<624x128xf32, #tpu.memory_space<vmem_shared>>) target(%dma_start3A_37 : memref<624x128xf32, #tpu.memory_space<hbm>>) target_semaphore(%run_scoped3A : memref<!tpu.dma_semaphore, #tpu.memory_space<semaphore_mem>>)
      %dma_wait3A = arith.constant 0 : i32
      %dma_wait3A_40 = tpu.memref_slice %arg5[%arg0, %mul3A_2, %dma_wait3A] : memref<2x10000x128xf32, #tpu.memory_space<hbm>> -> memref<1x624x128xf32, #tpu.memory_space<hbm>>
      %dma_wait3A_41 = tpu.memref_squeeze %dma_wait3A_40 : memref<1x624x128xf32, #tpu.memory_space<hbm>> -> memref<624x128xf32, #tpu.memory_space<hbm>>
      %dma_wait3A_42 = arith.constant 0 : i32
      %dma_wait3A_43 = tpu.memref_slice %arg12[%mul3A_2, %dma_wait3A_42] : memref<10008x128xf32, #tpu.memory_space<vmem_shared>> -> memref<624x128xf32, #tpu.memory_space<vmem_shared>>
      tpu.wait_dma2 semaphore(%run_scoped3A : memref<!tpu.dma_semaphore, #tpu.memory_space<semaphore_mem>>) src(%dma_wait3A_43 : memref<624x128xf32, #tpu.memory_space<vmem_shared>>) dst(%dma_wait3A_41 : memref<624x128xf32, #tpu.memory_space<hbm>>)
      tpu.yield
    }) : () -> ()
    %eq3A_31 = arith.constant 15 : i32
    %eq3A_32 = arith.cmpi eq, %arg1, %eq3A_31 : i32
    %convert_element_type3A_33 = arith.extui %eq3A_32 : i1 to i32
    %cond3A_34 = arith.constant 0 : i32
    %cond3A_35 = arith.cmpi ne, %convert_element_type3A_33, %cond3A_34 : i32
    scf.if %cond3A_35 {
      "tpu.region"() ({
        %run_scoped3A = tpu.sem_alloc : memref<!tpu.dma_semaphore, #tpu.memory_space<semaphore_mem>>
        %dma_start3A = arith.constant 9984 : i32
        %dma_start3A_36 = arith.constant 0 : i32
        %dma_start3A_37 = tpu.memref_slice %arg5[%arg0, %dma_start3A, %dma_start3A_36] : memref<2x10000x128xf32, #tpu.memory_space<hbm>> -> memref<1x16x128xf32, #tpu.memory_space<hbm>>
        %dma_start3A_38 = tpu.memref_squeeze %dma_start3A_37 : memref<1x16x128xf32, #tpu.memory_space<hbm>> -> memref<16x128xf32, #tpu.memory_space<hbm>>
        %dma_start3A_39 = arith.constant 9984 : i32
        %dma_start3A_40 = arith.constant 0 : i32
        %dma_start3A_41 = tpu.memref_slice %arg12[%dma_start3A_39, %dma_start3A_40] : memref<10008x128xf32, #tpu.memory_space<vmem_shared>> -> memref<16x128xf32, #tpu.memory_space<vmem_shared>>
        tpu.enqueue_dma source(%dma_start3A_41 : memref<16x128xf32, #tpu.memory_space<vmem_shared>>) target(%dma_start3A_38 : memref<16x128xf32, #tpu.memory_space<hbm>>) target_semaphore(%run_scoped3A : memref<!tpu.dma_semaphore, #tpu.memory_space<semaphore_mem>>)
        %dma_wait3A = arith.constant 9984 : i32
        %dma_wait3A_42 = arith.constant 0 : i32
        %dma_wait3A_43 = tpu.memref_slice %arg5[%arg0, %dma_wait3A, %dma_wait3A_42] : memref<2x10000x128xf32, #tpu.memory_space<hbm>> -> memref<1x16x128xf32, #tpu.memory_space<hbm>>
        %dma_wait3A_44 = tpu.memref_squeeze %dma_wait3A_43 : memref<1x16x128xf32, #tpu.memory_space<hbm>> -> memref<16x128xf32, #tpu.memory_space<hbm>>
        %dma_wait3A_45 = arith.constant 9984 : i32
        %dma_wait3A_46 = arith.constant 0 : i32
        %dma_wait3A_47 = tpu.memref_slice %arg12[%dma_wait3A_45, %dma_wait3A_46] : memref<10008x128xf32, #tpu.memory_space<vmem_shared>> -> memref<16x128xf32, #tpu.memory_space<vmem_shared>>
        tpu.wait_dma2 semaphore(%run_scoped3A : memref<!tpu.dma_semaphore, #tpu.memory_space<semaphore_mem>>) src(%dma_wait3A_47 : memref<16x128xf32, #tpu.memory_space<vmem_shared>>) dst(%dma_wait3A_44 : memref<16x128xf32, #tpu.memory_space<hbm>>)
        tpu.yield
      }) : () -> ()
    } else {
    }
    return
  }
}

#map = affine_map<(d0, d1) -> (0, 0)>
#map1 = affine_map<(d0, d1) -> (0)>
#map2 = affine_map<(d0, d1) -> (0, 0, 0)>
module attributes {stable_mosaic.version = 14 : i64} {
  func.func @_agg(%arg0: i32, %arg1: i32, %arg2: memref<10000x128xf32, #tpu.memory_space<hbm>>, %arg3: memref<320000xi32, #tpu.memory_space<hbm>>, %arg4: memref<320000xi32, #tpu.memory_space<hbm>>, %arg5: memref<2x10000x128xf32, #tpu.memory_space<hbm>>, %arg6: memref<128xi32, #tpu.memory_space<vmem>>, %arg7: memref<128xi32, #tpu.memory_space<vmem>>, %arg8: memref<128xi32, #tpu.memory_space<vmem>>, %arg9: memref<128xi32, #tpu.memory_space<vmem>>, %arg10: memref<128x128xf32, #tpu.memory_space<vmem>>, %arg11: memref<128x128xf32, #tpu.memory_space<vmem>>, %arg12: memref<10008x128xf32, #tpu.memory_space<vmem_shared>>, %arg13: memref<!tpu.dma_semaphore, #tpu.memory_space<semaphore_mem>>, %arg14: memref<!tpu.dma_semaphore, #tpu.memory_space<semaphore_mem>>, %arg15: memref<!tpu.dma_semaphore, #tpu.memory_space<semaphore_mem>>, %arg16: memref<!tpu.dma_semaphore, #tpu.memory_space<semaphore_mem>>, %arg17: memref<!tpu.dma_semaphore, #tpu.memory_space<semaphore_mem>>, %arg18: memref<!tpu.dma_semaphore, #tpu.memory_space<semaphore_mem>>) attributes {dimension_semantics = [#tpu.dimension_semantics<core_parallel>, #tpu.dimension_semantics<subcore_parallel>], iteration_bounds = array<i64: 2, 16>, scalar_prefetch = 0 : i64, scratch_operands = 13 : i64, tpu.core_type = #tpu.core_type<sc_vector_subcore>, window_params = [{transform_indices = #map}, {transform_indices = #map1}, {transform_indices = #map1}, {transform_indices = #map2}]} {
    %mul3A = arith.constant 2 : i32
    %mul3A_0 = arith.muli %arg1, %mul3A : i32
    %add3A = arith.addi %mul3A_0, %arg0 : i32
    %mul3A_1 = arith.constant 624 : i32
    %mul3A_2 = arith.muli %arg1, %mul3A_1 : i32
    %broadcast_in_dim3A = arith.constant 0.000000e+00 : f32
    %broadcast_in_dim3A_3 = vector.broadcast %broadcast_in_dim3A : f32 to vector<16xf32>
    %scan3A = arith.constant 0 : i32
    %scan3A_4 = arith.constant 128 : i32
    %scan3A_5 = arith.addi %scan3A, %scan3A_4 : i32
    %scan3A_6 = arith.constant 1 : i32
    scf.for %scan3A_36 = %scan3A to %scan3A_5 step %scan3A_6  : i32 {
      %mul3A_37 = arith.constant 1 : i32
      %mul3A_38 = arith.muli %scan3A_36, %mul3A_37 : i32
      %add3A_39 = arith.constant 0 : i32
      %add3A_40 = arith.addi %add3A_39, %mul3A_38 : i32
      %swap3A = arith.index_cast %add3A_40 : i32 to index
      %swap3A_41 = arith.constant 0 : index
      %swap3A_42 = tpu.vector_load %arg10[%swap3A, %swap3A_41] {strides = array<i32>} : memref<128x128xf32, #tpu.memory_space<vmem>>, vector<1x16xf32>,
      %swap3A_43 = vector.shape_cast %swap3A_42 : vector<1x16xf32> to vector<16xf32>
      %swap3A_44 = vector.shape_cast %broadcast_in_dim3A_3 : vector<16xf32> to vector<1x16xf32>
      tpu.vector_store %arg10[%swap3A, %swap3A_41], %swap3A_44 {strides = array<i32>} : memref<128x128xf32, #tpu.memory_space<vmem>>, vector<1x16xf32>,
      %swap3A_45 = arith.index_cast %add3A_40 : i32 to index
      %swap3A_46 = arith.constant 16 : index
      %swap3A_47 = tpu.vector_load %arg10[%swap3A_45, %swap3A_46] {strides = array<i32>} : memref<128x128xf32, #tpu.memory_space<vmem>>, vector<1x16xf32>,
      %swap3A_48 = vector.shape_cast %swap3A_47 : vector<1x16xf32> to vector<16xf32>
      %swap3A_49 = vector.shape_cast %broadcast_in_dim3A_3 : vector<16xf32> to vector<1x16xf32>
      tpu.vector_store %arg10[%swap3A_45, %swap3A_46], %swap3A_49 {strides = array<i32>} : memref<128x128xf32, #tpu.memory_space<vmem>>, vector<1x16xf32>,
      %swap3A_50 = arith.index_cast %add3A_40 : i32 to index
      %swap3A_51 = arith.constant 32 : index
      %swap3A_52 = tpu.vector_load %arg10[%swap3A_50, %swap3A_51] {strides = array<i32>} : memref<128x128xf32, #tpu.memory_space<vmem>>, vector<1x16xf32>,
      %swap3A_53 = vector.shape_cast %swap3A_52 : vector<1x16xf32> to vector<16xf32>
      %swap3A_54 = vector.shape_cast %broadcast_in_dim3A_3 : vector<16xf32> to vector<1x16xf32>
      tpu.vector_store %arg10[%swap3A_50, %swap3A_51], %swap3A_54 {strides = array<i32>} : memref<128x128xf32, #tpu.memory_space<vmem>>, vector<1x16xf32>,
      %swap3A_55 = arith.index_cast %add3A_40 : i32 to index
      %swap3A_56 = arith.constant 48 : index
      %swap3A_57 = tpu.vector_load %arg10[%swap3A_55, %swap3A_56] {strides = array<i32>} : memref<128x128xf32, #tpu.memory_space<vmem>>, vector<1x16xf32>,
      %swap3A_58 = vector.shape_cast %swap3A_57 : vector<1x16xf32> to vector<16xf32>
      %swap3A_59 = vector.shape_cast %broadcast_in_dim3A_3 : vector<16xf32> to vector<1x16xf32>
      tpu.vector_store %arg10[%swap3A_55, %swap3A_56], %swap3A_59 {strides = array<i32>} : memref<128x128xf32, #tpu.memory_space<vmem>>, vector<1x16xf32>,
      %swap3A_60 = arith.index_cast %add3A_40 : i32 to index
      %swap3A_61 = arith.constant 64 : index
      %swap3A_62 = tpu.vector_load %arg10[%swap3A_60, %swap3A_61] {strides = array<i32>} : memref<128x128xf32, #tpu.memory_space<vmem>>, vector<1x16xf32>,
      %swap3A_63 = vector.shape_cast %swap3A_62 : vector<1x16xf32> to vector<16xf32>
      %swap3A_64 = vector.shape_cast %broadcast_in_dim3A_3 : vector<16xf32> to vector<1x16xf32>
      tpu.vector_store %arg10[%swap3A_60, %swap3A_61], %swap3A_64 {strides = array<i32>} : memref<128x128xf32, #tpu.memory_space<vmem>>, vector<1x16xf32>,
      %swap3A_65 = arith.index_cast %add3A_40 : i32 to index
      %swap3A_66 = arith.constant 80 : index
      %swap3A_67 = tpu.vector_load %arg10[%swap3A_65, %swap3A_66] {strides = array<i32>} : memref<128x128xf32, #tpu.memory_space<vmem>>, vector<1x16xf32>,
      %swap3A_68 = vector.shape_cast %swap3A_67 : vector<1x16xf32> to vector<16xf32>
      %swap3A_69 = vector.shape_cast %broadcast_in_dim3A_3 : vector<16xf32> to vector<1x16xf32>
      tpu.vector_store %arg10[%swap3A_65, %swap3A_66], %swap3A_69 {strides = array<i32>} : memref<128x128xf32, #tpu.memory_space<vmem>>, vector<1x16xf32>,
      %swap3A_70 = arith.index_cast %add3A_40 : i32 to index
      %swap3A_71 = arith.constant 96 : index
      %swap3A_72 = tpu.vector_load %arg10[%swap3A_70, %swap3A_71] {strides = array<i32>} : memref<128x128xf32, #tpu.memory_space<vmem>>, vector<1x16xf32>,
      %swap3A_73 = vector.shape_cast %swap3A_72 : vector<1x16xf32> to vector<16xf32>
      %swap3A_74 = vector.shape_cast %broadcast_in_dim3A_3 : vector<16xf32> to vector<1x16xf32>
      tpu.vector_store %arg10[%swap3A_70, %swap3A_71], %swap3A_74 {strides = array<i32>} : memref<128x128xf32, #tpu.memory_space<vmem>>, vector<1x16xf32>,
      %swap3A_75 = arith.index_cast %add3A_40 : i32 to index
      %swap3A_76 = arith.constant 112 : index
      %swap3A_77 = tpu.vector_load %arg10[%swap3A_75, %swap3A_76] {strides = array<i32>} : memref<128x128xf32, #tpu.memory_space<vmem>>, vector<1x16xf32>,
      %swap3A_78 = vector.shape_cast %swap3A_77 : vector<1x16xf32> to vector<16xf32>
      %swap3A_79 = vector.shape_cast %broadcast_in_dim3A_3 : vector<16xf32> to vector<1x16xf32>
      tpu.vector_store %arg10[%swap3A_75, %swap3A_76], %swap3A_79 {strides = array<i32>} : memref<128x128xf32, #tpu.memory_space<vmem>>, vector<1x16xf32>,
    }
    %scan3A_7 = arith.constant 128 : i32
    %scan3A_8 = arith.constant 0 : i32
    %scan3A_9 = arith.constant 4 : i32
    %scan3A_10 = arith.addi %scan3A_8, %scan3A_9 : i32
    %scan3A_11 = arith.constant 1 : i32
    scf.for %scan3A_36 = %scan3A_8 to %scan3A_10 step %scan3A_11  : i32 {
      %mul3A_37 = arith.constant 128 : i32
      %mul3A_38 = arith.muli %scan3A_36, %mul3A_37 : i32
      %add3A_39 = arith.constant 0 : i32
      %add3A_40 = arith.addi %add3A_39, %mul3A_38 : i32
      %add3A_41 = arith.addi %mul3A_2, %add3A_40 : i32
      "tpu.region"() ({
        %run_scoped3A = tpu.sem_alloc : memref<!tpu.dma_semaphore, #tpu.memory_space<semaphore_mem>>
        %dma_start3A = arith.constant 0 : i32
        %dma_start3A_42 = tpu.memref_slice %arg12[%add3A_41, %dma_start3A] : memref<10008x128xf32, #tpu.memory_space<vmem_shared>> -> memref<128x128xf32, #tpu.memory_space<vmem_shared>>
        %dma_start3A_43 = arith.constant 0 : i32
        %dma_start3A_44 = tpu.memref_slice %arg12[%add3A_41, %dma_start3A_43] : memref<10008x128xf32, #tpu.memory_space<vmem_shared>> -> memref<128x128xf32, #tpu.memory_space<vmem_shared>>
        tpu.enqueue_dma source(%arg10 : memref<128x128xf32, #tpu.memory_space<vmem>>) target(%dma_start3A_44 : memref<128x128xf32, #tpu.memory_space<vmem_shared>>) target_semaphore(%run_scoped3A : memref<!tpu.dma_semaphore, #tpu.memory_space<semaphore_mem>>)
        %dma_wait3A = arith.constant 0 : i32
        %dma_wait3A_45 = tpu.memref_slice %arg12[%add3A_41, %dma_wait3A] : memref<10008x128xf32, #tpu.memory_space<vmem_shared>> -> memref<128x128xf32, #tpu.memory_space<vmem_shared>>
        %dma_wait3A_46 = arith.constant 0 : i32
        %dma_wait3A_47 = tpu.memref_slice %arg12[%add3A_41, %dma_wait3A_46] : memref<10008x128xf32, #tpu.memory_space<vmem_shared>> -> memref<128x128xf32, #tpu.memory_space<vmem_shared>>
        tpu.wait_dma2 semaphore(%run_scoped3A : memref<!tpu.dma_semaphore, #tpu.memory_space<semaphore_mem>>) src(%arg10 : memref<128x128xf32, #tpu.memory_space<vmem>>) dst(%dma_wait3A_47 : memref<128x128xf32, #tpu.memory_space<vmem_shared>>)
        tpu.yield
      }) : () -> ()
    }
    %scan3A_12 = arith.constant 4 : i32
    %add3A_13 = arith.constant 512 : i32
    %add3A_14 = arith.addi %mul3A_2, %add3A_13 : i32
    "tpu.region"() ({
      %run_scoped3A = tpu.sem_alloc : memref<!tpu.dma_semaphore, #tpu.memory_space<semaphore_mem>>
      %dma_start3A = arith.constant 0 : i32
      %dma_start3A_36 = arith.constant 0 : i32
      %dma_start3A_37 = tpu.memref_slice %arg10[%dma_start3A, %dma_start3A_36] : memref<128x128xf32, #tpu.memory_space<vmem>> -> memref<112x128xf32, #tpu.memory_space<vmem>>
      %dma_start3A_38 = arith.constant 0 : i32
      %dma_start3A_39 = tpu.memref_slice %arg12[%add3A_14, %dma_start3A_38] : memref<10008x128xf32, #tpu.memory_space<vmem_shared>> -> memref<112x128xf32, #tpu.memory_space<vmem_shared>>
      %dma_start3A_40 = arith.constant 0 : i32
      %dma_start3A_41 = tpu.memref_slice %arg12[%add3A_14, %dma_start3A_40] : memref<10008x128xf32, #tpu.memory_space<vmem_shared>> -> memref<112x128xf32, #tpu.memory_space<vmem_shared>>
      %dma_start3A_42 = arith.constant 0 : i32
      %dma_start3A_43 = arith.constant 0 : i32
      %dma_start3A_44 = tpu.memref_slice %arg10[%dma_start3A_42, %dma_start3A_43] : memref<128x128xf32, #tpu.memory_space<vmem>> -> memref<112x128xf32, #tpu.memory_space<vmem>>
      tpu.enqueue_dma source(%dma_start3A_44 : memref<112x128xf32, #tpu.memory_space<vmem>>) target(%dma_start3A_41 : memref<112x128xf32, #tpu.memory_space<vmem_shared>>) target_semaphore(%run_scoped3A : memref<!tpu.dma_semaphore, #tpu.memory_space<semaphore_mem>>)
      %dma_wait3A = arith.constant 0 : i32
      %dma_wait3A_45 = arith.constant 0 : i32
      %dma_wait3A_46 = tpu.memref_slice %arg10[%dma_wait3A, %dma_wait3A_45] : memref<128x128xf32, #tpu.memory_space<vmem>> -> memref<112x128xf32, #tpu.memory_space<vmem>>
      %dma_wait3A_47 = arith.constant 0 : i32
      %dma_wait3A_48 = tpu.memref_slice %arg12[%add3A_14, %dma_wait3A_47] : memref<10008x128xf32, #tpu.memory_space<vmem_shared>> -> memref<112x128xf32, #tpu.memory_space<vmem_shared>>
      %dma_wait3A_49 = arith.constant 0 : i32
      %dma_wait3A_50 = tpu.memref_slice %arg12[%add3A_14, %dma_wait3A_49] : memref<10008x128xf32, #tpu.memory_space<vmem_shared>> -> memref<112x128xf32, #tpu.memory_space<vmem_shared>>
      %dma_wait3A_51 = arith.constant 0 : i32
      %dma_wait3A_52 = arith.constant 0 : i32
      %dma_wait3A_53 = tpu.memref_slice %arg10[%dma_wait3A_51, %dma_wait3A_52] : memref<128x128xf32, #tpu.memory_space<vmem>> -> memref<112x128xf32, #tpu.memory_space<vmem>>
      tpu.wait_dma2 semaphore(%run_scoped3A : memref<!tpu.dma_semaphore, #tpu.memory_space<semaphore_mem>>) src(%dma_wait3A_53 : memref<112x128xf32, #tpu.memory_space<vmem>>) dst(%dma_wait3A_50 : memref<112x128xf32, #tpu.memory_space<vmem_shared>>)
      tpu.yield
    }) : () -> ()
    %eq3A = arith.constant 15 : i32
    %eq3A_15 = arith.cmpi eq, %arg1, %eq3A : i32
    %convert_element_type3A = arith.extui %eq3A_15 : i1 to i32
    %cond3A = arith.constant 0 : i32
    %cond3A_16 = arith.cmpi ne, %convert_element_type3A, %cond3A : i32
    scf.if %cond3A_16 {
      "tpu.region"() ({
        %run_scoped3A = tpu.sem_alloc : memref<!tpu.dma_semaphore, #tpu.memory_space<semaphore_mem>>
        %dma_start3A = arith.constant 0 : i32
        %dma_start3A_36 = arith.constant 0 : i32
        %dma_start3A_37 = tpu.memref_slice %arg10[%dma_start3A, %dma_start3A_36] : memref<128x128xf32, #tpu.memory_space<vmem>> -> memref<24x128xf32, #tpu.memory_space<vmem>>
        %dma_start3A_38 = arith.constant 9984 : i32
        %dma_start3A_39 = arith.constant 0 : i32
        %dma_start3A_40 = tpu.memref_slice %arg12[%dma_start3A_38, %dma_start3A_39] : memref<10008x128xf32, #tpu.memory_space<vmem_shared>> -> memref<24x128xf32, #tpu.memory_space<vmem_shared>>
        %dma_start3A_41 = arith.constant 9984 : i32
        %dma_start3A_42 = arith.constant 0 : i32
        %dma_start3A_43 = tpu.memref_slice %arg12[%dma_start3A_41, %dma_start3A_42] : memref<10008x128xf32, #tpu.memory_space<vmem_shared>> -> memref<24x128xf32, #tpu.memory_space<vmem_shared>>
        %dma_start3A_44 = arith.constant 0 : i32
        %dma_start3A_45 = arith.constant 0 : i32
        %dma_start3A_46 = tpu.memref_slice %arg10[%dma_start3A_44, %dma_start3A_45] : memref<128x128xf32, #tpu.memory_space<vmem>> -> memref<24x128xf32, #tpu.memory_space<vmem>>
        tpu.enqueue_dma source(%dma_start3A_46 : memref<24x128xf32, #tpu.memory_space<vmem>>) target(%dma_start3A_43 : memref<24x128xf32, #tpu.memory_space<vmem_shared>>) target_semaphore(%run_scoped3A : memref<!tpu.dma_semaphore, #tpu.memory_space<semaphore_mem>>)
        %dma_wait3A = arith.constant 0 : i32
        %dma_wait3A_47 = arith.constant 0 : i32
        %dma_wait3A_48 = tpu.memref_slice %arg10[%dma_wait3A, %dma_wait3A_47] : memref<128x128xf32, #tpu.memory_space<vmem>> -> memref<24x128xf32, #tpu.memory_space<vmem>>
        %dma_wait3A_49 = arith.constant 9984 : i32
        %dma_wait3A_50 = arith.constant 0 : i32
        %dma_wait3A_51 = tpu.memref_slice %arg12[%dma_wait3A_49, %dma_wait3A_50] : memref<10008x128xf32, #tpu.memory_space<vmem_shared>> -> memref<24x128xf32, #tpu.memory_space<vmem_shared>>
        %dma_wait3A_52 = arith.constant 9984 : i32
        %dma_wait3A_53 = arith.constant 0 : i32
        %dma_wait3A_54 = tpu.memref_slice %arg12[%dma_wait3A_52, %dma_wait3A_53] : memref<10008x128xf32, #tpu.memory_space<vmem_shared>> -> memref<24x128xf32, #tpu.memory_space<vmem_shared>>
        %dma_wait3A_55 = arith.constant 0 : i32
        %dma_wait3A_56 = arith.constant 0 : i32
        %dma_wait3A_57 = tpu.memref_slice %arg10[%dma_wait3A_55, %dma_wait3A_56] : memref<128x128xf32, #tpu.memory_space<vmem>> -> memref<24x128xf32, #tpu.memory_space<vmem>>
        tpu.wait_dma2 semaphore(%run_scoped3A : memref<!tpu.dma_semaphore, #tpu.memory_space<semaphore_mem>>) src(%dma_wait3A_57 : memref<24x128xf32, #tpu.memory_space<vmem>>) dst(%dma_wait3A_54 : memref<24x128xf32, #tpu.memory_space<vmem_shared>>)
        tpu.yield
      }) : () -> ()
    } else {
    }
    %barrier3A = arith.constant 0 : index
    tpu.barrier barrier_id(%barrier3A)
    %mul3A_17 = arith.constant 160000 : i32
    %mul3A_18 = arith.muli %arg0, %mul3A_17 : i32
    %scan3A_19 = arith.constant 0 : i32
    %scan3A_20 = arith.constant 40 : i32
    %scan3A_21 = arith.addi %scan3A_19, %scan3A_20 : i32
    %scan3A_22 = arith.constant 1 : i32
    scf.for %scan3A_36 = %scan3A_19 to %scan3A_21 step %scan3A_22  : i32 {
      %mul3A_37 = arith.constant 2 : i32
      %mul3A_38 = arith.muli %scan3A_36, %mul3A_37 : i32
      %add3A_39 = arith.constant 0 : i32
      %add3A_40 = arith.addi %add3A_39, %mul3A_38 : i32
      %mul3A_41 = arith.constant 16 : i32
      %mul3A_42 = arith.muli %add3A_40, %mul3A_41 : i32
      %add3A_43 = arith.addi %arg1, %mul3A_42 : i32
      %add3A_44 = arith.constant 1 : i32
      %add3A_45 = arith.addi %add3A_40, %add3A_44 : i32
      %mul3A_46 = arith.constant 16 : i32
      %mul3A_47 = arith.muli %add3A_45, %mul3A_46 : i32
      %add3A_48 = arith.addi %arg1, %mul3A_47 : i32
      %ge3A = arith.constant 2 : i32
      %ge3A_49 = arith.cmpi sge, %add3A_40, %ge3A : i32
      %sub3A = arith.constant 2 : i32
      %sub3A_50 = arith.subi %add3A_40, %sub3A : i32
      %mul3A_51 = arith.constant 16 : i32
      %mul3A_52 = arith.muli %sub3A_50, %mul3A_51 : i32
      %add3A_53 = arith.addi %arg1, %mul3A_52 : i32
      %lt3A_54 = arith.constant 1250 : i32
      %lt3A_55 = arith.cmpi slt, %add3A_53, %lt3A_54 : i32
      %and3A = arith.andi %ge3A_49, %lt3A_55 : i1
      %convert_element_type3A_56 = arith.extui %and3A : i1 to i32
      %cond3A_57 = arith.constant 0 : i32
      %cond3A_58 = arith.cmpi ne, %convert_element_type3A_56, %cond3A_57 : i32
      scf.if %cond3A_58 {
        %dma_wait3A = arith.constant 0 : i32
        %dma_wait3A_92 = arith.constant 0 : i32
        %dma_wait3A_93 = tpu.memref_slice %arg12[%dma_wait3A, %dma_wait3A_92] : memref<10008x128xf32, #tpu.memory_space<vmem_shared>> -> memref<10008x128xf32, #tpu.memory_space<vmem_shared>>
        tpu.wait_indirect_dma semaphore(%arg15 : memref<!tpu.dma_semaphore, #tpu.memory_space<semaphore_mem>>) src(%arg10 : memref<128x128xf32, #tpu.memory_space<vmem>>) dst(%dma_wait3A_93 : memref<10008x128xf32, #tpu.memory_space<vmem_shared>>)
      } else {
      }
      %lt3A_59 = arith.constant 1250 : i32
      %lt3A_60 = arith.cmpi slt, %add3A_43, %lt3A_59 : i32
      %convert_element_type3A_61 = arith.extui %lt3A_60 : i1 to i32
      %cond3A_62 = arith.constant 0 : i32
      %cond3A_63 = arith.cmpi ne, %convert_element_type3A_61, %cond3A_62 : i32
      scf.if %cond3A_63 {
        %mul3A_92 = arith.constant 128 : i32
        %mul3A_93 = arith.muli %add3A_43, %mul3A_92 : i32
        %add3A_94 = arith.addi %mul3A_18, %mul3A_93 : i32
        %dma_start3A = tpu.memref_slice %arg3[%add3A_94] : memref<320000xi32, #tpu.memory_space<hbm>> -> memref<128xi32, #tpu.memory_space<hbm>>
        %dma_start3A_95 = tpu.memref_slice %arg3[%add3A_94] : memref<320000xi32, #tpu.memory_space<hbm>> -> memref<128xi32, #tpu.memory_space<hbm>>
        tpu.enqueue_dma source(%dma_start3A_95 : memref<128xi32, #tpu.memory_space<hbm>>) target(%arg6 : memref<128xi32, #tpu.memory_space<vmem>>) target_semaphore(%arg17 : memref<!tpu.dma_semaphore, #tpu.memory_space<semaphore_mem>>)
        %dma_start3A_96 = tpu.memref_slice %arg4[%add3A_94] : memref<320000xi32, #tpu.memory_space<hbm>> -> memref<128xi32, #tpu.memory_space<hbm>>
        %dma_start3A_97 = tpu.memref_slice %arg4[%add3A_94] : memref<320000xi32, #tpu.memory_space<hbm>> -> memref<128xi32, #tpu.memory_space<hbm>>
        tpu.enqueue_dma source(%dma_start3A_97 : memref<128xi32, #tpu.memory_space<hbm>>) target(%arg7 : memref<128xi32, #tpu.memory_space<vmem>>) target_semaphore(%arg17 : memref<!tpu.dma_semaphore, #tpu.memory_space<semaphore_mem>>)
        %dma_wait3A = tpu.memref_slice %arg3[%add3A_94] : memref<320000xi32, #tpu.memory_space<hbm>> -> memref<128xi32, #tpu.memory_space<hbm>>
        %dma_wait3A_98 = tpu.memref_slice %arg3[%add3A_94] : memref<320000xi32, #tpu.memory_space<hbm>> -> memref<128xi32, #tpu.memory_space<hbm>>
        tpu.wait_dma2 semaphore(%arg17 : memref<!tpu.dma_semaphore, #tpu.memory_space<semaphore_mem>>) src(%dma_wait3A_98 : memref<128xi32, #tpu.memory_space<hbm>>) dst(%arg6 : memref<128xi32, #tpu.memory_space<vmem>>)
        %dma_wait3A_99 = tpu.memref_slice %arg4[%add3A_94] : memref<320000xi32, #tpu.memory_space<hbm>> -> memref<128xi32, #tpu.memory_space<hbm>>
        %dma_wait3A_100 = tpu.memref_slice %arg4[%add3A_94] : memref<320000xi32, #tpu.memory_space<hbm>> -> memref<128xi32, #tpu.memory_space<hbm>>
        tpu.wait_dma2 semaphore(%arg17 : memref<!tpu.dma_semaphore, #tpu.memory_space<semaphore_mem>>) src(%dma_wait3A_100 : memref<128xi32, #tpu.memory_space<hbm>>) dst(%arg7 : memref<128xi32, #tpu.memory_space<vmem>>)
        %dma_start3A_101 = arith.constant 0 : i32
        %dma_start3A_102 = arith.constant 0 : i32
        %dma_start3A_103 = tpu.memref_slice %arg2[%dma_start3A_101, %dma_start3A_102] : memref<10000x128xf32, #tpu.memory_space<hbm>> -> memref<10000x128xf32, #tpu.memory_space<hbm>>
        tpu.enqueue_indirect_dma source(%dma_start3A_103 : memref<10000x128xf32, #tpu.memory_space<hbm>>) target(%arg10 : memref<128x128xf32, #tpu.memory_space<vmem>>) offsets(%arg6 : memref<128xi32, #tpu.memory_space<vmem>>) semaphore(%arg13 : memref<!tpu.dma_semaphore, #tpu.memory_space<semaphore_mem>>)
      } else {
      }
      %ge3A_64 = arith.constant 2 : i32
      %ge3A_65 = arith.cmpi sge, %add3A_40, %ge3A_64 : i32
      %sub3A_66 = arith.constant 1 : i32
      %sub3A_67 = arith.subi %add3A_40, %sub3A_66 : i32
      %mul3A_68 = arith.constant 16 : i32
      %mul3A_69 = arith.muli %sub3A_67, %mul3A_68 : i32
      %add3A_70 = arith.addi %arg1, %mul3A_69 : i32
      %lt3A_71 = arith.constant 1250 : i32
      %lt3A_72 = arith.cmpi slt, %add3A_70, %lt3A_71 : i32
      %and3A_73 = arith.andi %ge3A_65, %lt3A_72 : i1
      %convert_element_type3A_74 = arith.extui %and3A_73 : i1 to i32
      %cond3A_75 = arith.constant 0 : i32
      %cond3A_76 = arith.cmpi ne, %convert_element_type3A_74, %cond3A_75 : i32
      scf.if %cond3A_76 {
        %dma_wait3A = arith.constant 0 : i32
        %dma_wait3A_92 = arith.constant 0 : i32
        %dma_wait3A_93 = tpu.memref_slice %arg12[%dma_wait3A, %dma_wait3A_92] : memref<10008x128xf32, #tpu.memory_space<vmem_shared>> -> memref<10008x128xf32, #tpu.memory_space<vmem_shared>>
        tpu.wait_indirect_dma semaphore(%arg16 : memref<!tpu.dma_semaphore, #tpu.memory_space<semaphore_mem>>) src(%arg11 : memref<128x128xf32, #tpu.memory_space<vmem>>) dst(%dma_wait3A_93 : memref<10008x128xf32, #tpu.memory_space<vmem_shared>>)
      } else {
      }
      %lt3A_77 = arith.constant 1250 : i32
      %lt3A_78 = arith.cmpi slt, %add3A_48, %lt3A_77 : i32
      %convert_element_type3A_79 = arith.extui %lt3A_78 : i1 to i32
      %cond3A_80 = arith.constant 0 : i32
      %cond3A_81 = arith.cmpi ne, %convert_element_type3A_79, %cond3A_80 : i32
      scf.if %cond3A_81 {
        %mul3A_92 = arith.constant 128 : i32
        %mul3A_93 = arith.muli %add3A_48, %mul3A_92 : i32
        %add3A_94 = arith.addi %mul3A_18, %mul3A_93 : i32
        %dma_start3A = tpu.memref_slice %arg3[%add3A_94] : memref<320000xi32, #tpu.memory_space<hbm>> -> memref<128xi32, #tpu.memory_space<hbm>>
        %dma_start3A_95 = tpu.memref_slice %arg3[%add3A_94] : memref<320000xi32, #tpu.memory_space<hbm>> -> memref<128xi32, #tpu.memory_space<hbm>>
        tpu.enqueue_dma source(%dma_start3A_95 : memref<128xi32, #tpu.memory_space<hbm>>) target(%arg8 : memref<128xi32, #tpu.memory_space<vmem>>) target_semaphore(%arg18 : memref<!tpu.dma_semaphore, #tpu.memory_space<semaphore_mem>>)
        %dma_start3A_96 = tpu.memref_slice %arg4[%add3A_94] : memref<320000xi32, #tpu.memory_space<hbm>> -> memref<128xi32, #tpu.memory_space<hbm>>
        %dma_start3A_97 = tpu.memref_slice %arg4[%add3A_94] : memref<320000xi32, #tpu.memory_space<hbm>> -> memref<128xi32, #tpu.memory_space<hbm>>
        tpu.enqueue_dma source(%dma_start3A_97 : memref<128xi32, #tpu.memory_space<hbm>>) target(%arg9 : memref<128xi32, #tpu.memory_space<vmem>>) target_semaphore(%arg18 : memref<!tpu.dma_semaphore, #tpu.memory_space<semaphore_mem>>)
        %dma_wait3A = tpu.memref_slice %arg3[%add3A_94] : memref<320000xi32, #tpu.memory_space<hbm>> -> memref<128xi32, #tpu.memory_space<hbm>>
        %dma_wait3A_98 = tpu.memref_slice %arg3[%add3A_94] : memref<320000xi32, #tpu.memory_space<hbm>> -> memref<128xi32, #tpu.memory_space<hbm>>
        tpu.wait_dma2 semaphore(%arg18 : memref<!tpu.dma_semaphore, #tpu.memory_space<semaphore_mem>>) src(%dma_wait3A_98 : memref<128xi32, #tpu.memory_space<hbm>>) dst(%arg8 : memref<128xi32, #tpu.memory_space<vmem>>)
        %dma_wait3A_99 = tpu.memref_slice %arg4[%add3A_94] : memref<320000xi32, #tpu.memory_space<hbm>> -> memref<128xi32, #tpu.memory_space<hbm>>
        %dma_wait3A_100 = tpu.memref_slice %arg4[%add3A_94] : memref<320000xi32, #tpu.memory_space<hbm>> -> memref<128xi32, #tpu.memory_space<hbm>>
        tpu.wait_dma2 semaphore(%arg18 : memref<!tpu.dma_semaphore, #tpu.memory_space<semaphore_mem>>) src(%dma_wait3A_100 : memref<128xi32, #tpu.memory_space<hbm>>) dst(%arg9 : memref<128xi32, #tpu.memory_space<vmem>>)
        %dma_start3A_101 = arith.constant 0 : i32
        %dma_start3A_102 = arith.constant 0 : i32
        %dma_start3A_103 = tpu.memref_slice %arg2[%dma_start3A_101, %dma_start3A_102] : memref<10000x128xf32, #tpu.memory_space<hbm>> -> memref<10000x128xf32, #tpu.memory_space<hbm>>
        tpu.enqueue_indirect_dma source(%dma_start3A_103 : memref<10000x128xf32, #tpu.memory_space<hbm>>) target(%arg11 : memref<128x128xf32, #tpu.memory_space<vmem>>) offsets(%arg8 : memref<128xi32, #tpu.memory_space<vmem>>) semaphore(%arg14 : memref<!tpu.dma_semaphore, #tpu.memory_space<semaphore_mem>>)
      } else {
      }
      %lt3A_82 = arith.constant 1250 : i32
      %lt3A_83 = arith.cmpi slt, %add3A_43, %lt3A_82 : i32
      %convert_element_type3A_84 = arith.extui %lt3A_83 : i1 to i32
      %cond3A_85 = arith.constant 0 : i32
      %cond3A_86 = arith.cmpi ne, %convert_element_type3A_84, %cond3A_85 : i32
      scf.if %cond3A_86 {
        %dma_wait3A = arith.constant 0 : i32
        %dma_wait3A_92 = arith.constant 0 : i32
        %dma_wait3A_93 = tpu.memref_slice %arg2[%dma_wait3A, %dma_wait3A_92] : memref<10000x128xf32, #tpu.memory_space<hbm>> -> memref<10000x128xf32, #tpu.memory_space<hbm>>
        tpu.wait_indirect_dma semaphore(%arg13 : memref<!tpu.dma_semaphore, #tpu.memory_space<semaphore_mem>>) src(%dma_wait3A_93 : memref<10000x128xf32, #tpu.memory_space<hbm>>) dst(%arg10 : memref<128x128xf32, #tpu.memory_space<vmem>>)
        %dma_start3A = arith.constant 0 : i32
        %dma_start3A_94 = arith.constant 0 : i32
        %dma_start3A_95 = tpu.memref_slice %arg12[%dma_start3A, %dma_start3A_94] : memref<10008x128xf32, #tpu.memory_space<vmem_shared>> -> memref<10008x128xf32, #tpu.memory_space<vmem_shared>>
        tpu.enqueue_indirect_dma source(%arg10 : memref<128x128xf32, #tpu.memory_space<vmem>>) target(%dma_start3A_95 : memref<10008x128xf32, #tpu.memory_space<vmem_shared>>) offsets(%arg7 : memref<128xi32, #tpu.memory_space<vmem>>) semaphore(%arg15 : memref<!tpu.dma_semaphore, #tpu.memory_space<semaphore_mem>>) {add = true}
      } else {
      }
      %lt3A_87 = arith.constant 1250 : i32
      %lt3A_88 = arith.cmpi slt, %add3A_48, %lt3A_87 : i32
      %convert_element_type3A_89 = arith.extui %lt3A_88 : i1 to i32
      %cond3A_90 = arith.constant 0 : i32
      %cond3A_91 = arith.cmpi ne, %convert_element_type3A_89, %cond3A_90 : i32
      scf.if %cond3A_91 {
        %dma_wait3A = arith.constant 0 : i32
        %dma_wait3A_92 = arith.constant 0 : i32
        %dma_wait3A_93 = tpu.memref_slice %arg2[%dma_wait3A, %dma_wait3A_92] : memref<10000x128xf32, #tpu.memory_space<hbm>> -> memref<10000x128xf32, #tpu.memory_space<hbm>>
        tpu.wait_indirect_dma semaphore(%arg14 : memref<!tpu.dma_semaphore, #tpu.memory_space<semaphore_mem>>) src(%dma_wait3A_93 : memref<10000x128xf32, #tpu.memory_space<hbm>>) dst(%arg11 : memref<128x128xf32, #tpu.memory_space<vmem>>)
        %dma_start3A = arith.constant 0 : i32
        %dma_start3A_94 = arith.constant 0 : i32
        %dma_start3A_95 = tpu.memref_slice %arg12[%dma_start3A, %dma_start3A_94] : memref<10008x128xf32, #tpu.memory_space<vmem_shared>> -> memref<10008x128xf32, #tpu.memory_space<vmem_shared>>
        tpu.enqueue_indirect_dma source(%arg11 : memref<128x128xf32, #tpu.memory_space<vmem>>) target(%dma_start3A_95 : memref<10008x128xf32, #tpu.memory_space<vmem_shared>>) offsets(%arg9 : memref<128xi32, #tpu.memory_space<vmem>>) semaphore(%arg16 : memref<!tpu.dma_semaphore, #tpu.memory_space<semaphore_mem>>) {add = true}
      } else {
      }
    }
    %scan3A_23 = arith.constant 40 : i32
    %add3A_24 = arith.constant 1248 : i32
    %add3A_25 = arith.addi %arg1, %add3A_24 : i32
    %lt3A = arith.constant 1250 : i32
    %lt3A_26 = arith.cmpi slt, %add3A_25, %lt3A : i32
    %convert_element_type3A_27 = arith.extui %lt3A_26 : i1 to i32
    %cond3A_28 = arith.constant 0 : i32
    %cond3A_29 = arith.cmpi ne, %convert_element_type3A_27, %cond3A_28 : i32
    scf.if %cond3A_29 {
      %dma_wait3A = arith.constant 0 : i32
      %dma_wait3A_36 = arith.constant 0 : i32
      %dma_wait3A_37 = tpu.memref_slice %arg12[%dma_wait3A, %dma_wait3A_36] : memref<10008x128xf32, #tpu.memory_space<vmem_shared>> -> memref<10008x128xf32, #tpu.memory_space<vmem_shared>>
      tpu.wait_indirect_dma semaphore(%arg15 : memref<!tpu.dma_semaphore, #tpu.memory_space<semaphore_mem>>) src(%arg10 : memref<128x128xf32, #tpu.memory_space<vmem>>) dst(%dma_wait3A_37 : memref<10008x128xf32, #tpu.memory_space<vmem_shared>>)
    } else {
    }
    %barrier3A_30 = arith.constant 0 : index
    tpu.barrier barrier_id(%barrier3A_30)
    "tpu.region"() ({
      %run_scoped3A = tpu.sem_alloc : memref<!tpu.dma_semaphore, #tpu.memory_space<semaphore_mem>>
      %dma_start3A = arith.constant 0 : i32
      %dma_start3A_36 = tpu.memref_slice %arg5[%arg0, %mul3A_2, %dma_start3A] : memref<2x10000x128xf32, #tpu.memory_space<hbm>> -> memref<1x624x128xf32, #tpu.memory_space<hbm>>
      %dma_start3A_37 = tpu.memref_squeeze %dma_start3A_36 : memref<1x624x128xf32, #tpu.memory_space<hbm>> -> memref<624x128xf32, #tpu.memory_space<hbm>>
      %dma_start3A_38 = arith.constant 0 : i32
      %dma_start3A_39 = tpu.memref_slice %arg12[%mul3A_2, %dma_start3A_38] : memref<10008x128xf32, #tpu.memory_space<vmem_shared>> -> memref<624x128xf32, #tpu.memory_space<vmem_shared>>
      tpu.enqueue_dma source(%dma_start3A_39 : memref<624x128xf32, #tpu.memory_space<vmem_shared>>) target(%dma_start3A_37 : memref<624x128xf32, #tpu.memory_space<hbm>>) target_semaphore(%run_scoped3A : memref<!tpu.dma_semaphore, #tpu.memory_space<semaphore_mem>>)
      %dma_wait3A = arith.constant 0 : i32
      %dma_wait3A_40 = tpu.memref_slice %arg5[%arg0, %mul3A_2, %dma_wait3A] : memref<2x10000x128xf32, #tpu.memory_space<hbm>> -> memref<1x624x128xf32, #tpu.memory_space<hbm>>
      %dma_wait3A_41 = tpu.memref_squeeze %dma_wait3A_40 : memref<1x624x128xf32, #tpu.memory_space<hbm>> -> memref<624x128xf32, #tpu.memory_space<hbm>>
      %dma_wait3A_42 = arith.constant 0 : i32
      %dma_wait3A_43 = tpu.memref_slice %arg12[%mul3A_2, %dma_wait3A_42] : memref<10008x128xf32, #tpu.memory_space<vmem_shared>> -> memref<624x128xf32, #tpu.memory_space<vmem_shared>>
      tpu.wait_dma2 semaphore(%run_scoped3A : memref<!tpu.dma_semaphore, #tpu.memory_space<semaphore_mem>>) src(%dma_wait3A_43 : memref<624x128xf32, #tpu.memory_space<vmem_shared>>) dst(%dma_wait3A_41 : memref<624x128xf32, #tpu.memory_space<hbm>>)
      tpu.yield
    }) : () -> ()
    %eq3A_31 = arith.constant 15 : i32
    %eq3A_32 = arith.cmpi eq, %arg1, %eq3A_31 : i32
    %convert_element_type3A_33 = arith.extui %eq3A_32 : i1 to i32
    %cond3A_34 = arith.constant 0 : i32
    %cond3A_35 = arith.cmpi ne, %convert_element_type3A_33, %cond3A_34 : i32
    scf.if %cond3A_35 {
      "tpu.region"() ({
        %run_scoped3A = tpu.sem_alloc : memref<!tpu.dma_semaphore, #tpu.memory_space<semaphore_mem>>
        %dma_start3A = arith.constant 9984 : i32
        %dma_start3A_36 = arith.constant 0 : i32
        %dma_start3A_37 = tpu.memref_slice %arg5[%arg0, %dma_start3A, %dma_start3A_36] : memref<2x10000x128xf32, #tpu.memory_space<hbm>> -> memref<1x16x128xf32, #tpu.memory_space<hbm>>
        %dma_start3A_38 = tpu.memref_squeeze %dma_start3A_37 : memref<1x16x128xf32, #tpu.memory_space<hbm>> -> memref<16x128xf32, #tpu.memory_space<hbm>>
        %dma_start3A_39 = arith.constant 9984 : i32
        %dma_start3A_40 = arith.constant 0 : i32
        %dma_start3A_41 = tpu.memref_slice %arg12[%dma_start3A_39, %dma_start3A_40] : memref<10008x128xf32, #tpu.memory_space<vmem_shared>> -> memref<16x128xf32, #tpu.memory_space<vmem_shared>>
        tpu.enqueue_dma source(%dma_start3A_41 : memref<16x128xf32, #tpu.memory_space<vmem_shared>>) target(%dma_start3A_38 : memref<16x128xf32, #tpu.memory_space<hbm>>) target_semaphore(%run_scoped3A : memref<!tpu.dma_semaphore, #tpu.memory_space<semaphore_mem>>)
        %dma_wait3A = arith.constant 9984 : i32
        %dma_wait3A_42 = arith.constant 0 : i32
        %dma_wait3A_43 = tpu.memref_slice %arg5[%arg0, %dma_wait3A, %dma_wait3A_42] : memref<2x10000x128xf32, #tpu.memory_space<hbm>> -> memref<1x16x128xf32, #tpu.memory_space<hbm>>
        %dma_wait3A_44 = tpu.memref_squeeze %dma_wait3A_43 : memref<1x16x128xf32, #tpu.memory_space<hbm>> -> memref<16x128xf32, #tpu.memory_space<hbm>>
        %dma_wait3A_45 = arith.constant 9984 : i32
        %dma_wait3A_46 = arith.constant 0 : i32
        %dma_wait3A_47 = tpu.memref_slice %arg12[%dma_wait3A_45, %dma_wait3A_46] : memref<10008x128xf32, #tpu.memory_space<vmem_shared>> -> memref<16x128xf32, #tpu.memory_space<vmem_shared>>
        tpu.wait_dma2 semaphore(%run_scoped3A : memref<!tpu.dma_semaphore, #tpu.memory_space<semaphore_mem>>) src(%dma_wait3A_47 : memref<16x128xf32, #tpu.memory_space<vmem_shared>>) dst(%dma_wait3A_44 : memref<16x128xf32, #tpu.memory_space<hbm>>)
        tpu.yield
      }) : () -> ()
    } else {
    }
    return
  }
}

#map = affine_map<(d0, d1) -> (0, 0)>
#map1 = affine_map<(d0, d1) -> (0)>
#map2 = affine_map<(d0, d1) -> (0, 0, 0)>
module attributes {stable_mosaic.version = 14 : i64} {
  func.func @_agg(%arg0: i32, %arg1: i32, %arg2: memref<10000x128xf32, #tpu.memory_space<hbm>>, %arg3: memref<320000xi32, #tpu.memory_space<hbm>>, %arg4: memref<320000xi32, #tpu.memory_space<hbm>>, %arg5: memref<2x10000x128xf32, #tpu.memory_space<hbm>>, %arg6: memref<128xi32, #tpu.memory_space<vmem>>, %arg7: memref<128xi32, #tpu.memory_space<vmem>>, %arg8: memref<128xi32, #tpu.memory_space<vmem>>, %arg9: memref<128xi32, #tpu.memory_space<vmem>>, %arg10: memref<128x128xf32, #tpu.memory_space<vmem>>, %arg11: memref<128x128xf32, #tpu.memory_space<vmem>>, %arg12: memref<10008x128xf32, #tpu.memory_space<vmem_shared>>, %arg13: memref<!tpu.dma_semaphore, #tpu.memory_space<semaphore_mem>>, %arg14: memref<!tpu.dma_semaphore, #tpu.memory_space<semaphore_mem>>, %arg15: memref<!tpu.dma_semaphore, #tpu.memory_space<semaphore_mem>>, %arg16: memref<!tpu.dma_semaphore, #tpu.memory_space<semaphore_mem>>, %arg17: memref<!tpu.dma_semaphore, #tpu.memory_space<semaphore_mem>>, %arg18: memref<!tpu.dma_semaphore, #tpu.memory_space<semaphore_mem>>) attributes {dimension_semantics = [#tpu.dimension_semantics<core_parallel>, #tpu.dimension_semantics<subcore_parallel>], iteration_bounds = array<i64: 2, 16>, scalar_prefetch = 0 : i64, scratch_operands = 13 : i64, tpu.core_type = #tpu.core_type<sc_vector_subcore>, window_params = [{transform_indices = #map}, {transform_indices = #map1}, {transform_indices = #map1}, {transform_indices = #map2}]} {
    %mul3A = arith.constant 2 : i32
    %mul3A_0 = arith.muli %arg1, %mul3A : i32
    %add3A = arith.addi %mul3A_0, %arg0 : i32
    %mul3A_1 = arith.constant 624 : i32
    %mul3A_2 = arith.muli %arg1, %mul3A_1 : i32
    %broadcast_in_dim3A = arith.constant 0.000000e+00 : f32
    %broadcast_in_dim3A_3 = vector.broadcast %broadcast_in_dim3A : f32 to vector<16xf32>
    %scan3A = arith.constant 0 : i32
    %scan3A_4 = arith.constant 128 : i32
    %scan3A_5 = arith.addi %scan3A, %scan3A_4 : i32
    %scan3A_6 = arith.constant 1 : i32
    scf.for %scan3A_36 = %scan3A to %scan3A_5 step %scan3A_6  : i32 {
      %mul3A_37 = arith.constant 1 : i32
      %mul3A_38 = arith.muli %scan3A_36, %mul3A_37 : i32
      %add3A_39 = arith.constant 0 : i32
      %add3A_40 = arith.addi %add3A_39, %mul3A_38 : i32
      %swap3A = arith.index_cast %add3A_40 : i32 to index
      %swap3A_41 = arith.constant 0 : index
      %swap3A_42 = tpu.vector_load %arg10[%swap3A, %swap3A_41] {strides = array<i32>} : memref<128x128xf32, #tpu.memory_space<vmem>>, vector<1x16xf32>,
      %swap3A_43 = vector.shape_cast %swap3A_42 : vector<1x16xf32> to vector<16xf32>
      %swap3A_44 = vector.shape_cast %broadcast_in_dim3A_3 : vector<16xf32> to vector<1x16xf32>
      tpu.vector_store %arg10[%swap3A, %swap3A_41], %swap3A_44 {strides = array<i32>} : memref<128x128xf32, #tpu.memory_space<vmem>>, vector<1x16xf32>,
      %swap3A_45 = arith.index_cast %add3A_40 : i32 to index
      %swap3A_46 = arith.constant 16 : index
      %swap3A_47 = tpu.vector_load %arg10[%swap3A_45, %swap3A_46] {strides = array<i32>} : memref<128x128xf32, #tpu.memory_space<vmem>>, vector<1x16xf32>,
      %swap3A_48 = vector.shape_cast %swap3A_47 : vector<1x16xf32> to vector<16xf32>
      %swap3A_49 = vector.shape_cast %broadcast_in_dim3A_3 : vector<16xf32> to vector<1x16xf32>
      tpu.vector_store %arg10[%swap3A_45, %swap3A_46], %swap3A_49 {strides = array<i32>} : memref<128x128xf32, #tpu.memory_space<vmem>>, vector<1x16xf32>,
      %swap3A_50 = arith.index_cast %add3A_40 : i32 to index
      %swap3A_51 = arith.constant 32 : index
      %swap3A_52 = tpu.vector_load %arg10[%swap3A_50, %swap3A_51] {strides = array<i32>} : memref<128x128xf32, #tpu.memory_space<vmem>>, vector<1x16xf32>,
      %swap3A_53 = vector.shape_cast %swap3A_52 : vector<1x16xf32> to vector<16xf32>
      %swap3A_54 = vector.shape_cast %broadcast_in_dim3A_3 : vector<16xf32> to vector<1x16xf32>
      tpu.vector_store %arg10[%swap3A_50, %swap3A_51], %swap3A_54 {strides = array<i32>} : memref<128x128xf32, #tpu.memory_space<vmem>>, vector<1x16xf32>,
      %swap3A_55 = arith.index_cast %add3A_40 : i32 to index
      %swap3A_56 = arith.constant 48 : index
      %swap3A_57 = tpu.vector_load %arg10[%swap3A_55, %swap3A_56] {strides = array<i32>} : memref<128x128xf32, #tpu.memory_space<vmem>>, vector<1x16xf32>,
      %swap3A_58 = vector.shape_cast %swap3A_57 : vector<1x16xf32> to vector<16xf32>
      %swap3A_59 = vector.shape_cast %broadcast_in_dim3A_3 : vector<16xf32> to vector<1x16xf32>
      tpu.vector_store %arg10[%swap3A_55, %swap3A_56], %swap3A_59 {strides = array<i32>} : memref<128x128xf32, #tpu.memory_space<vmem>>, vector<1x16xf32>,
      %swap3A_60 = arith.index_cast %add3A_40 : i32 to index
      %swap3A_61 = arith.constant 64 : index
      %swap3A_62 = tpu.vector_load %arg10[%swap3A_60, %swap3A_61] {strides = array<i32>} : memref<128x128xf32, #tpu.memory_space<vmem>>, vector<1x16xf32>,
      %swap3A_63 = vector.shape_cast %swap3A_62 : vector<1x16xf32> to vector<16xf32>
      %swap3A_64 = vector.shape_cast %broadcast_in_dim3A_3 : vector<16xf32> to vector<1x16xf32>
      tpu.vector_store %arg10[%swap3A_60, %swap3A_61], %swap3A_64 {strides = array<i32>} : memref<128x128xf32, #tpu.memory_space<vmem>>, vector<1x16xf32>,
      %swap3A_65 = arith.index_cast %add3A_40 : i32 to index
      %swap3A_66 = arith.constant 80 : index
      %swap3A_67 = tpu.vector_load %arg10[%swap3A_65, %swap3A_66] {strides = array<i32>} : memref<128x128xf32, #tpu.memory_space<vmem>>, vector<1x16xf32>,
      %swap3A_68 = vector.shape_cast %swap3A_67 : vector<1x16xf32> to vector<16xf32>
      %swap3A_69 = vector.shape_cast %broadcast_in_dim3A_3 : vector<16xf32> to vector<1x16xf32>
      tpu.vector_store %arg10[%swap3A_65, %swap3A_66], %swap3A_69 {strides = array<i32>} : memref<128x128xf32, #tpu.memory_space<vmem>>, vector<1x16xf32>,
      %swap3A_70 = arith.index_cast %add3A_40 : i32 to index
      %swap3A_71 = arith.constant 96 : index
      %swap3A_72 = tpu.vector_load %arg10[%swap3A_70, %swap3A_71] {strides = array<i32>} : memref<128x128xf32, #tpu.memory_space<vmem>>, vector<1x16xf32>,
      %swap3A_73 = vector.shape_cast %swap3A_72 : vector<1x16xf32> to vector<16xf32>
      %swap3A_74 = vector.shape_cast %broadcast_in_dim3A_3 : vector<16xf32> to vector<1x16xf32>
      tpu.vector_store %arg10[%swap3A_70, %swap3A_71], %swap3A_74 {strides = array<i32>} : memref<128x128xf32, #tpu.memory_space<vmem>>, vector<1x16xf32>,
      %swap3A_75 = arith.index_cast %add3A_40 : i32 to index
      %swap3A_76 = arith.constant 112 : index
      %swap3A_77 = tpu.vector_load %arg10[%swap3A_75, %swap3A_76] {strides = array<i32>} : memref<128x128xf32, #tpu.memory_space<vmem>>, vector<1x16xf32>,
      %swap3A_78 = vector.shape_cast %swap3A_77 : vector<1x16xf32> to vector<16xf32>
      %swap3A_79 = vector.shape_cast %broadcast_in_dim3A_3 : vector<16xf32> to vector<1x16xf32>
      tpu.vector_store %arg10[%swap3A_75, %swap3A_76], %swap3A_79 {strides = array<i32>} : memref<128x128xf32, #tpu.memory_space<vmem>>, vector<1x16xf32>,
    }
    %scan3A_7 = arith.constant 128 : i32
    %scan3A_8 = arith.constant 0 : i32
    %scan3A_9 = arith.constant 4 : i32
    %scan3A_10 = arith.addi %scan3A_8, %scan3A_9 : i32
    %scan3A_11 = arith.constant 1 : i32
    scf.for %scan3A_36 = %scan3A_8 to %scan3A_10 step %scan3A_11  : i32 {
      %mul3A_37 = arith.constant 128 : i32
      %mul3A_38 = arith.muli %scan3A_36, %mul3A_37 : i32
      %add3A_39 = arith.constant 0 : i32
      %add3A_40 = arith.addi %add3A_39, %mul3A_38 : i32
      %add3A_41 = arith.addi %mul3A_2, %add3A_40 : i32
      "tpu.region"() ({
        %run_scoped3A = tpu.sem_alloc : memref<!tpu.dma_semaphore, #tpu.memory_space<semaphore_mem>>
        %dma_start3A = arith.constant 0 : i32
        %dma_start3A_42 = tpu.memref_slice %arg12[%add3A_41, %dma_start3A] : memref<10008x128xf32, #tpu.memory_space<vmem_shared>> -> memref<128x128xf32, #tpu.memory_space<vmem_shared>>
        %dma_start3A_43 = arith.constant 0 : i32
        %dma_start3A_44 = tpu.memref_slice %arg12[%add3A_41, %dma_start3A_43] : memref<10008x128xf32, #tpu.memory_space<vmem_shared>> -> memref<128x128xf32, #tpu.memory_space<vmem_shared>>
        tpu.enqueue_dma source(%arg10 : memref<128x128xf32, #tpu.memory_space<vmem>>) target(%dma_start3A_44 : memref<128x128xf32, #tpu.memory_space<vmem_shared>>) target_semaphore(%run_scoped3A : memref<!tpu.dma_semaphore, #tpu.memory_space<semaphore_mem>>)
        %dma_wait3A = arith.constant 0 : i32
        %dma_wait3A_45 = tpu.memref_slice %arg12[%add3A_41, %dma_wait3A] : memref<10008x128xf32, #tpu.memory_space<vmem_shared>> -> memref<128x128xf32, #tpu.memory_space<vmem_shared>>
        %dma_wait3A_46 = arith.constant 0 : i32
        %dma_wait3A_47 = tpu.memref_slice %arg12[%add3A_41, %dma_wait3A_46] : memref<10008x128xf32, #tpu.memory_space<vmem_shared>> -> memref<128x128xf32, #tpu.memory_space<vmem_shared>>
        tpu.wait_dma2 semaphore(%run_scoped3A : memref<!tpu.dma_semaphore, #tpu.memory_space<semaphore_mem>>) src(%arg10 : memref<128x128xf32, #tpu.memory_space<vmem>>) dst(%dma_wait3A_47 : memref<128x128xf32, #tpu.memory_space<vmem_shared>>)
        tpu.yield
      }) : () -> ()
    }
    %scan3A_12 = arith.constant 4 : i32
    %add3A_13 = arith.constant 512 : i32
    %add3A_14 = arith.addi %mul3A_2, %add3A_13 : i32
    "tpu.region"() ({
      %run_scoped3A = tpu.sem_alloc : memref<!tpu.dma_semaphore, #tpu.memory_space<semaphore_mem>>
      %dma_start3A = arith.constant 0 : i32
      %dma_start3A_36 = arith.constant 0 : i32
      %dma_start3A_37 = tpu.memref_slice %arg10[%dma_start3A, %dma_start3A_36] : memref<128x128xf32, #tpu.memory_space<vmem>> -> memref<112x128xf32, #tpu.memory_space<vmem>>
      %dma_start3A_38 = arith.constant 0 : i32
      %dma_start3A_39 = tpu.memref_slice %arg12[%add3A_14, %dma_start3A_38] : memref<10008x128xf32, #tpu.memory_space<vmem_shared>> -> memref<112x128xf32, #tpu.memory_space<vmem_shared>>
      %dma_start3A_40 = arith.constant 0 : i32
      %dma_start3A_41 = tpu.memref_slice %arg12[%add3A_14, %dma_start3A_40] : memref<10008x128xf32, #tpu.memory_space<vmem_shared>> -> memref<112x128xf32, #tpu.memory_space<vmem_shared>>
      %dma_start3A_42 = arith.constant 0 : i32
      %dma_start3A_43 = arith.constant 0 : i32
      %dma_start3A_44 = tpu.memref_slice %arg10[%dma_start3A_42, %dma_start3A_43] : memref<128x128xf32, #tpu.memory_space<vmem>> -> memref<112x128xf32, #tpu.memory_space<vmem>>
      tpu.enqueue_dma source(%dma_start3A_44 : memref<112x128xf32, #tpu.memory_space<vmem>>) target(%dma_start3A_41 : memref<112x128xf32, #tpu.memory_space<vmem_shared>>) target_semaphore(%run_scoped3A : memref<!tpu.dma_semaphore, #tpu.memory_space<semaphore_mem>>)
      %dma_wait3A = arith.constant 0 : i32
      %dma_wait3A_45 = arith.constant 0 : i32
      %dma_wait3A_46 = tpu.memref_slice %arg10[%dma_wait3A, %dma_wait3A_45] : memref<128x128xf32, #tpu.memory_space<vmem>> -> memref<112x128xf32, #tpu.memory_space<vmem>>
      %dma_wait3A_47 = arith.constant 0 : i32
      %dma_wait3A_48 = tpu.memref_slice %arg12[%add3A_14, %dma_wait3A_47] : memref<10008x128xf32, #tpu.memory_space<vmem_shared>> -> memref<112x128xf32, #tpu.memory_space<vmem_shared>>
      %dma_wait3A_49 = arith.constant 0 : i32
      %dma_wait3A_50 = tpu.memref_slice %arg12[%add3A_14, %dma_wait3A_49] : memref<10008x128xf32, #tpu.memory_space<vmem_shared>> -> memref<112x128xf32, #tpu.memory_space<vmem_shared>>
      %dma_wait3A_51 = arith.constant 0 : i32
      %dma_wait3A_52 = arith.constant 0 : i32
      %dma_wait3A_53 = tpu.memref_slice %arg10[%dma_wait3A_51, %dma_wait3A_52] : memref<128x128xf32, #tpu.memory_space<vmem>> -> memref<112x128xf32, #tpu.memory_space<vmem>>
      tpu.wait_dma2 semaphore(%run_scoped3A : memref<!tpu.dma_semaphore, #tpu.memory_space<semaphore_mem>>) src(%dma_wait3A_53 : memref<112x128xf32, #tpu.memory_space<vmem>>) dst(%dma_wait3A_50 : memref<112x128xf32, #tpu.memory_space<vmem_shared>>)
      tpu.yield
    }) : () -> ()
    %eq3A = arith.constant 15 : i32
    %eq3A_15 = arith.cmpi eq, %arg1, %eq3A : i32
    %convert_element_type3A = arith.extui %eq3A_15 : i1 to i32
    %cond3A = arith.constant 0 : i32
    %cond3A_16 = arith.cmpi ne, %convert_element_type3A, %cond3A : i32
    scf.if %cond3A_16 {
      "tpu.region"() ({
        %run_scoped3A = tpu.sem_alloc : memref<!tpu.dma_semaphore, #tpu.memory_space<semaphore_mem>>
        %dma_start3A = arith.constant 0 : i32
        %dma_start3A_36 = arith.constant 0 : i32
        %dma_start3A_37 = tpu.memref_slice %arg10[%dma_start3A, %dma_start3A_36] : memref<128x128xf32, #tpu.memory_space<vmem>> -> memref<24x128xf32, #tpu.memory_space<vmem>>
        %dma_start3A_38 = arith.constant 9984 : i32
        %dma_start3A_39 = arith.constant 0 : i32
        %dma_start3A_40 = tpu.memref_slice %arg12[%dma_start3A_38, %dma_start3A_39] : memref<10008x128xf32, #tpu.memory_space<vmem_shared>> -> memref<24x128xf32, #tpu.memory_space<vmem_shared>>
        %dma_start3A_41 = arith.constant 9984 : i32
        %dma_start3A_42 = arith.constant 0 : i32
        %dma_start3A_43 = tpu.memref_slice %arg12[%dma_start3A_41, %dma_start3A_42] : memref<10008x128xf32, #tpu.memory_space<vmem_shared>> -> memref<24x128xf32, #tpu.memory_space<vmem_shared>>
        %dma_start3A_44 = arith.constant 0 : i32
        %dma_start3A_45 = arith.constant 0 : i32
        %dma_start3A_46 = tpu.memref_slice %arg10[%dma_start3A_44, %dma_start3A_45] : memref<128x128xf32, #tpu.memory_space<vmem>> -> memref<24x128xf32, #tpu.memory_space<vmem>>
        tpu.enqueue_dma source(%dma_start3A_46 : memref<24x128xf32, #tpu.memory_space<vmem>>) target(%dma_start3A_43 : memref<24x128xf32, #tpu.memory_space<vmem_shared>>) target_semaphore(%run_scoped3A : memref<!tpu.dma_semaphore, #tpu.memory_space<semaphore_mem>>)
        %dma_wait3A = arith.constant 0 : i32
        %dma_wait3A_47 = arith.constant 0 : i32
        %dma_wait3A_48 = tpu.memref_slice %arg10[%dma_wait3A, %dma_wait3A_47] : memref<128x128xf32, #tpu.memory_space<vmem>> -> memref<24x128xf32, #tpu.memory_space<vmem>>
        %dma_wait3A_49 = arith.constant 9984 : i32
        %dma_wait3A_50 = arith.constant 0 : i32
        %dma_wait3A_51 = tpu.memref_slice %arg12[%dma_wait3A_49, %dma_wait3A_50] : memref<10008x128xf32, #tpu.memory_space<vmem_shared>> -> memref<24x128xf32, #tpu.memory_space<vmem_shared>>
        %dma_wait3A_52 = arith.constant 9984 : i32
        %dma_wait3A_53 = arith.constant 0 : i32
        %dma_wait3A_54 = tpu.memref_slice %arg12[%dma_wait3A_52, %dma_wait3A_53] : memref<10008x128xf32, #tpu.memory_space<vmem_shared>> -> memref<24x128xf32, #tpu.memory_space<vmem_shared>>
        %dma_wait3A_55 = arith.constant 0 : i32
        %dma_wait3A_56 = arith.constant 0 : i32
        %dma_wait3A_57 = tpu.memref_slice %arg10[%dma_wait3A_55, %dma_wait3A_56] : memref<128x128xf32, #tpu.memory_space<vmem>> -> memref<24x128xf32, #tpu.memory_space<vmem>>
        tpu.wait_dma2 semaphore(%run_scoped3A : memref<!tpu.dma_semaphore, #tpu.memory_space<semaphore_mem>>) src(%dma_wait3A_57 : memref<24x128xf32, #tpu.memory_space<vmem>>) dst(%dma_wait3A_54 : memref<24x128xf32, #tpu.memory_space<vmem_shared>>)
        tpu.yield
      }) : () -> ()
    } else {
    }
    %barrier3A = arith.constant 0 : index
    tpu.barrier barrier_id(%barrier3A)
    %mul3A_17 = arith.constant 160000 : i32
    %mul3A_18 = arith.muli %arg0, %mul3A_17 : i32
    %scan3A_19 = arith.constant 0 : i32
    %scan3A_20 = arith.constant 40 : i32
    %scan3A_21 = arith.addi %scan3A_19, %scan3A_20 : i32
    %scan3A_22 = arith.constant 1 : i32
    scf.for %scan3A_36 = %scan3A_19 to %scan3A_21 step %scan3A_22  : i32 {
      %mul3A_37 = arith.constant 2 : i32
      %mul3A_38 = arith.muli %scan3A_36, %mul3A_37 : i32
      %add3A_39 = arith.constant 0 : i32
      %add3A_40 = arith.addi %add3A_39, %mul3A_38 : i32
      %mul3A_41 = arith.constant 16 : i32
      %mul3A_42 = arith.muli %add3A_40, %mul3A_41 : i32
      %add3A_43 = arith.addi %arg1, %mul3A_42 : i32
      %add3A_44 = arith.constant 1 : i32
      %add3A_45 = arith.addi %add3A_40, %add3A_44 : i32
      %mul3A_46 = arith.constant 16 : i32
      %mul3A_47 = arith.muli %add3A_45, %mul3A_46 : i32
      %add3A_48 = arith.addi %arg1, %mul3A_47 : i32
      %ge3A = arith.constant 2 : i32
      %ge3A_49 = arith.cmpi sge, %add3A_40, %ge3A : i32
      %sub3A = arith.constant 2 : i32
      %sub3A_50 = arith.subi %add3A_40, %sub3A : i32
      %mul3A_51 = arith.constant 16 : i32
      %mul3A_52 = arith.muli %sub3A_50, %mul3A_51 : i32
      %add3A_53 = arith.addi %arg1, %mul3A_52 : i32
      %lt3A_54 = arith.constant 1250 : i32
      %lt3A_55 = arith.cmpi slt, %add3A_53, %lt3A_54 : i32
      %and3A = arith.andi %ge3A_49, %lt3A_55 : i1
      %convert_element_type3A_56 = arith.extui %and3A : i1 to i32
      %cond3A_57 = arith.constant 0 : i32
      %cond3A_58 = arith.cmpi ne, %convert_element_type3A_56, %cond3A_57 : i32
      scf.if %cond3A_58 {
        %dma_wait3A = arith.constant 0 : i32
        %dma_wait3A_92 = arith.constant 0 : i32
        %dma_wait3A_93 = tpu.memref_slice %arg12[%dma_wait3A, %dma_wait3A_92] : memref<10008x128xf32, #tpu.memory_space<vmem_shared>> -> memref<10008x128xf32, #tpu.memory_space<vmem_shared>>
        tpu.wait_indirect_dma semaphore(%arg15 : memref<!tpu.dma_semaphore, #tpu.memory_space<semaphore_mem>>) src(%arg10 : memref<128x128xf32, #tpu.memory_space<vmem>>) dst(%dma_wait3A_93 : memref<10008x128xf32, #tpu.memory_space<vmem_shared>>)
      } else {
      }
      %lt3A_59 = arith.constant 1250 : i32
      %lt3A_60 = arith.cmpi slt, %add3A_43, %lt3A_59 : i32
      %convert_element_type3A_61 = arith.extui %lt3A_60 : i1 to i32
      %cond3A_62 = arith.constant 0 : i32
      %cond3A_63 = arith.cmpi ne, %convert_element_type3A_61, %cond3A_62 : i32
      scf.if %cond3A_63 {
        %mul3A_92 = arith.constant 128 : i32
        %mul3A_93 = arith.muli %add3A_43, %mul3A_92 : i32
        %add3A_94 = arith.addi %mul3A_18, %mul3A_93 : i32
        %dma_start3A = tpu.memref_slice %arg3[%add3A_94] : memref<320000xi32, #tpu.memory_space<hbm>> -> memref<128xi32, #tpu.memory_space<hbm>>
        %dma_start3A_95 = tpu.memref_slice %arg3[%add3A_94] : memref<320000xi32, #tpu.memory_space<hbm>> -> memref<128xi32, #tpu.memory_space<hbm>>
        tpu.enqueue_dma source(%dma_start3A_95 : memref<128xi32, #tpu.memory_space<hbm>>) target(%arg6 : memref<128xi32, #tpu.memory_space<vmem>>) target_semaphore(%arg17 : memref<!tpu.dma_semaphore, #tpu.memory_space<semaphore_mem>>)
        %dma_start3A_96 = tpu.memref_slice %arg4[%add3A_94] : memref<320000xi32, #tpu.memory_space<hbm>> -> memref<128xi32, #tpu.memory_space<hbm>>
        %dma_start3A_97 = tpu.memref_slice %arg4[%add3A_94] : memref<320000xi32, #tpu.memory_space<hbm>> -> memref<128xi32, #tpu.memory_space<hbm>>
        tpu.enqueue_dma source(%dma_start3A_97 : memref<128xi32, #tpu.memory_space<hbm>>) target(%arg7 : memref<128xi32, #tpu.memory_space<vmem>>) target_semaphore(%arg17 : memref<!tpu.dma_semaphore, #tpu.memory_space<semaphore_mem>>)
        %dma_wait3A = tpu.memref_slice %arg3[%add3A_94] : memref<320000xi32, #tpu.memory_space<hbm>> -> memref<128xi32, #tpu.memory_space<hbm>>
        %dma_wait3A_98 = tpu.memref_slice %arg3[%add3A_94] : memref<320000xi32, #tpu.memory_space<hbm>> -> memref<128xi32, #tpu.memory_space<hbm>>
        tpu.wait_dma2 semaphore(%arg17 : memref<!tpu.dma_semaphore, #tpu.memory_space<semaphore_mem>>) src(%dma_wait3A_98 : memref<128xi32, #tpu.memory_space<hbm>>) dst(%arg6 : memref<128xi32, #tpu.memory_space<vmem>>)
        %dma_wait3A_99 = tpu.memref_slice %arg4[%add3A_94] : memref<320000xi32, #tpu.memory_space<hbm>> -> memref<128xi32, #tpu.memory_space<hbm>>
        %dma_wait3A_100 = tpu.memref_slice %arg4[%add3A_94] : memref<320000xi32, #tpu.memory_space<hbm>> -> memref<128xi32, #tpu.memory_space<hbm>>
        tpu.wait_dma2 semaphore(%arg17 : memref<!tpu.dma_semaphore, #tpu.memory_space<semaphore_mem>>) src(%dma_wait3A_100 : memref<128xi32, #tpu.memory_space<hbm>>) dst(%arg7 : memref<128xi32, #tpu.memory_space<vmem>>)
        %dma_start3A_101 = arith.constant 0 : i32
        %dma_start3A_102 = arith.constant 0 : i32
        %dma_start3A_103 = tpu.memref_slice %arg2[%dma_start3A_101, %dma_start3A_102] : memref<10000x128xf32, #tpu.memory_space<hbm>> -> memref<10000x128xf32, #tpu.memory_space<hbm>>
        tpu.enqueue_indirect_dma source(%dma_start3A_103 : memref<10000x128xf32, #tpu.memory_space<hbm>>) target(%arg10 : memref<128x128xf32, #tpu.memory_space<vmem>>) offsets(%arg6 : memref<128xi32, #tpu.memory_space<vmem>>) semaphore(%arg13 : memref<!tpu.dma_semaphore, #tpu.memory_space<semaphore_mem>>)
      } else {
      }
      %ge3A_64 = arith.constant 2 : i32
      %ge3A_65 = arith.cmpi sge, %add3A_40, %ge3A_64 : i32
      %sub3A_66 = arith.constant 1 : i32
      %sub3A_67 = arith.subi %add3A_40, %sub3A_66 : i32
      %mul3A_68 = arith.constant 16 : i32
      %mul3A_69 = arith.muli %sub3A_67, %mul3A_68 : i32
      %add3A_70 = arith.addi %arg1, %mul3A_69 : i32
      %lt3A_71 = arith.constant 1250 : i32
      %lt3A_72 = arith.cmpi slt, %add3A_70, %lt3A_71 : i32
      %and3A_73 = arith.andi %ge3A_65, %lt3A_72 : i1
      %convert_element_type3A_74 = arith.extui %and3A_73 : i1 to i32
      %cond3A_75 = arith.constant 0 : i32
      %cond3A_76 = arith.cmpi ne, %convert_element_type3A_74, %cond3A_75 : i32
      scf.if %cond3A_76 {
        %dma_wait3A = arith.constant 0 : i32
        %dma_wait3A_92 = arith.constant 0 : i32
        %dma_wait3A_93 = tpu.memref_slice %arg12[%dma_wait3A, %dma_wait3A_92] : memref<10008x128xf32, #tpu.memory_space<vmem_shared>> -> memref<10008x128xf32, #tpu.memory_space<vmem_shared>>
        tpu.wait_indirect_dma semaphore(%arg16 : memref<!tpu.dma_semaphore, #tpu.memory_space<semaphore_mem>>) src(%arg11 : memref<128x128xf32, #tpu.memory_space<vmem>>) dst(%dma_wait3A_93 : memref<10008x128xf32, #tpu.memory_space<vmem_shared>>)
      } else {
      }
      %lt3A_77 = arith.constant 1250 : i32
      %lt3A_78 = arith.cmpi slt, %add3A_48, %lt3A_77 : i32
      %convert_element_type3A_79 = arith.extui %lt3A_78 : i1 to i32
      %cond3A_80 = arith.constant 0 : i32
      %cond3A_81 = arith.cmpi ne, %convert_element_type3A_79, %cond3A_80 : i32
      scf.if %cond3A_81 {
        %mul3A_92 = arith.constant 128 : i32
        %mul3A_93 = arith.muli %add3A_48, %mul3A_92 : i32
        %add3A_94 = arith.addi %mul3A_18, %mul3A_93 : i32
        %dma_start3A = tpu.memref_slice %arg3[%add3A_94] : memref<320000xi32, #tpu.memory_space<hbm>> -> memref<128xi32, #tpu.memory_space<hbm>>
        %dma_start3A_95 = tpu.memref_slice %arg3[%add3A_94] : memref<320000xi32, #tpu.memory_space<hbm>> -> memref<128xi32, #tpu.memory_space<hbm>>
        tpu.enqueue_dma source(%dma_start3A_95 : memref<128xi32, #tpu.memory_space<hbm>>) target(%arg8 : memref<128xi32, #tpu.memory_space<vmem>>) target_semaphore(%arg18 : memref<!tpu.dma_semaphore, #tpu.memory_space<semaphore_mem>>)
        %dma_start3A_96 = tpu.memref_slice %arg4[%add3A_94] : memref<320000xi32, #tpu.memory_space<hbm>> -> memref<128xi32, #tpu.memory_space<hbm>>
        %dma_start3A_97 = tpu.memref_slice %arg4[%add3A_94] : memref<320000xi32, #tpu.memory_space<hbm>> -> memref<128xi32, #tpu.memory_space<hbm>>
        tpu.enqueue_dma source(%dma_start3A_97 : memref<128xi32, #tpu.memory_space<hbm>>) target(%arg9 : memref<128xi32, #tpu.memory_space<vmem>>) target_semaphore(%arg18 : memref<!tpu.dma_semaphore, #tpu.memory_space<semaphore_mem>>)
        %dma_wait3A = tpu.memref_slice %arg3[%add3A_94] : memref<320000xi32, #tpu.memory_space<hbm>> -> memref<128xi32, #tpu.memory_space<hbm>>
        %dma_wait3A_98 = tpu.memref_slice %arg3[%add3A_94] : memref<320000xi32, #tpu.memory_space<hbm>> -> memref<128xi32, #tpu.memory_space<hbm>>
        tpu.wait_dma2 semaphore(%arg18 : memref<!tpu.dma_semaphore, #tpu.memory_space<semaphore_mem>>) src(%dma_wait3A_98 : memref<128xi32, #tpu.memory_space<hbm>>) dst(%arg8 : memref<128xi32, #tpu.memory_space<vmem>>)
        %dma_wait3A_99 = tpu.memref_slice %arg4[%add3A_94] : memref<320000xi32, #tpu.memory_space<hbm>> -> memref<128xi32, #tpu.memory_space<hbm>>
        %dma_wait3A_100 = tpu.memref_slice %arg4[%add3A_94] : memref<320000xi32, #tpu.memory_space<hbm>> -> memref<128xi32, #tpu.memory_space<hbm>>
        tpu.wait_dma2 semaphore(%arg18 : memref<!tpu.dma_semaphore, #tpu.memory_space<semaphore_mem>>) src(%dma_wait3A_100 : memref<128xi32, #tpu.memory_space<hbm>>) dst(%arg9 : memref<128xi32, #tpu.memory_space<vmem>>)
        %dma_start3A_101 = arith.constant 0 : i32
        %dma_start3A_102 = arith.constant 0 : i32
        %dma_start3A_103 = tpu.memref_slice %arg2[%dma_start3A_101, %dma_start3A_102] : memref<10000x128xf32, #tpu.memory_space<hbm>> -> memref<10000x128xf32, #tpu.memory_space<hbm>>
        tpu.enqueue_indirect_dma source(%dma_start3A_103 : memref<10000x128xf32, #tpu.memory_space<hbm>>) target(%arg11 : memref<128x128xf32, #tpu.memory_space<vmem>>) offsets(%arg8 : memref<128xi32, #tpu.memory_space<vmem>>) semaphore(%arg14 : memref<!tpu.dma_semaphore, #tpu.memory_space<semaphore_mem>>)
      } else {
      }
      %lt3A_82 = arith.constant 1250 : i32
      %lt3A_83 = arith.cmpi slt, %add3A_43, %lt3A_82 : i32
      %convert_element_type3A_84 = arith.extui %lt3A_83 : i1 to i32
      %cond3A_85 = arith.constant 0 : i32
      %cond3A_86 = arith.cmpi ne, %convert_element_type3A_84, %cond3A_85 : i32
      scf.if %cond3A_86 {
        %dma_wait3A = arith.constant 0 : i32
        %dma_wait3A_92 = arith.constant 0 : i32
        %dma_wait3A_93 = tpu.memref_slice %arg2[%dma_wait3A, %dma_wait3A_92] : memref<10000x128xf32, #tpu.memory_space<hbm>> -> memref<10000x128xf32, #tpu.memory_space<hbm>>
        tpu.wait_indirect_dma semaphore(%arg13 : memref<!tpu.dma_semaphore, #tpu.memory_space<semaphore_mem>>) src(%dma_wait3A_93 : memref<10000x128xf32, #tpu.memory_space<hbm>>) dst(%arg10 : memref<128x128xf32, #tpu.memory_space<vmem>>)
        %dma_start3A = arith.constant 0 : i32
        %dma_start3A_94 = arith.constant 0 : i32
        %dma_start3A_95 = tpu.memref_slice %arg12[%dma_start3A, %dma_start3A_94] : memref<10008x128xf32, #tpu.memory_space<vmem_shared>> -> memref<10008x128xf32, #tpu.memory_space<vmem_shared>>
        tpu.enqueue_indirect_dma source(%arg10 : memref<128x128xf32, #tpu.memory_space<vmem>>) target(%dma_start3A_95 : memref<10008x128xf32, #tpu.memory_space<vmem_shared>>) offsets(%arg7 : memref<128xi32, #tpu.memory_space<vmem>>) semaphore(%arg15 : memref<!tpu.dma_semaphore, #tpu.memory_space<semaphore_mem>>) {add = true}
      } else {
      }
      %lt3A_87 = arith.constant 1250 : i32
      %lt3A_88 = arith.cmpi slt, %add3A_48, %lt3A_87 : i32
      %convert_element_type3A_89 = arith.extui %lt3A_88 : i1 to i32
      %cond3A_90 = arith.constant 0 : i32
      %cond3A_91 = arith.cmpi ne, %convert_element_type3A_89, %cond3A_90 : i32
      scf.if %cond3A_91 {
        %dma_wait3A = arith.constant 0 : i32
        %dma_wait3A_92 = arith.constant 0 : i32
        %dma_wait3A_93 = tpu.memref_slice %arg2[%dma_wait3A, %dma_wait3A_92] : memref<10000x128xf32, #tpu.memory_space<hbm>> -> memref<10000x128xf32, #tpu.memory_space<hbm>>
        tpu.wait_indirect_dma semaphore(%arg14 : memref<!tpu.dma_semaphore, #tpu.memory_space<semaphore_mem>>) src(%dma_wait3A_93 : memref<10000x128xf32, #tpu.memory_space<hbm>>) dst(%arg11 : memref<128x128xf32, #tpu.memory_space<vmem>>)
        %dma_start3A = arith.constant 0 : i32
        %dma_start3A_94 = arith.constant 0 : i32
        %dma_start3A_95 = tpu.memref_slice %arg12[%dma_start3A, %dma_start3A_94] : memref<10008x128xf32, #tpu.memory_space<vmem_shared>> -> memref<10008x128xf32, #tpu.memory_space<vmem_shared>>
        tpu.enqueue_indirect_dma source(%arg11 : memref<128x128xf32, #tpu.memory_space<vmem>>) target(%dma_start3A_95 : memref<10008x128xf32, #tpu.memory_space<vmem_shared>>) offsets(%arg9 : memref<128xi32, #tpu.memory_space<vmem>>) semaphore(%arg16 : memref<!tpu.dma_semaphore, #tpu.memory_space<semaphore_mem>>) {add = true}
      } else {
      }
    }
    %scan3A_23 = arith.constant 40 : i32
    %add3A_24 = arith.constant 1248 : i32
    %add3A_25 = arith.addi %arg1, %add3A_24 : i32
    %lt3A = arith.constant 1250 : i32
    %lt3A_26 = arith.cmpi slt, %add3A_25, %lt3A : i32
    %convert_element_type3A_27 = arith.extui %lt3A_26 : i1 to i32
    %cond3A_28 = arith.constant 0 : i32
    %cond3A_29 = arith.cmpi ne, %convert_element_type3A_27, %cond3A_28 : i32
    scf.if %cond3A_29 {
      %dma_wait3A = arith.constant 0 : i32
      %dma_wait3A_36 = arith.constant 0 : i32
      %dma_wait3A_37 = tpu.memref_slice %arg12[%dma_wait3A, %dma_wait3A_36] : memref<10008x128xf32, #tpu.memory_space<vmem_shared>> -> memref<10008x128xf32, #tpu.memory_space<vmem_shared>>
      tpu.wait_indirect_dma semaphore(%arg15 : memref<!tpu.dma_semaphore, #tpu.memory_space<semaphore_mem>>) src(%arg10 : memref<128x128xf32, #tpu.memory_space<vmem>>) dst(%dma_wait3A_37 : memref<10008x128xf32, #tpu.memory_space<vmem_shared>>)
    } else {
    }
    %barrier3A_30 = arith.constant 0 : index
    tpu.barrier barrier_id(%barrier3A_30)
    "tpu.region"() ({
      %run_scoped3A = tpu.sem_alloc : memref<!tpu.dma_semaphore, #tpu.memory_space<semaphore_mem>>
      %dma_start3A = arith.constant 0 : i32
      %dma_start3A_36 = tpu.memref_slice %arg5[%arg0, %mul3A_2, %dma_start3A] : memref<2x10000x128xf32, #tpu.memory_space<hbm>> -> memref<1x624x128xf32, #tpu.memory_space<hbm>>
      %dma_start3A_37 = tpu.memref_squeeze %dma_start3A_36 : memref<1x624x128xf32, #tpu.memory_space<hbm>> -> memref<624x128xf32, #tpu.memory_space<hbm>>
      %dma_start3A_38 = arith.constant 0 : i32
      %dma_start3A_39 = tpu.memref_slice %arg12[%mul3A_2, %dma_start3A_38] : memref<10008x128xf32, #tpu.memory_space<vmem_shared>> -> memref<624x128xf32, #tpu.memory_space<vmem_shared>>
      tpu.enqueue_dma source(%dma_start3A_39 : memref<624x128xf32, #tpu.memory_space<vmem_shared>>) target(%dma_start3A_37 : memref<624x128xf32, #tpu.memory_space<hbm>>) target_semaphore(%run_scoped3A : memref<!tpu.dma_semaphore, #tpu.memory_space<semaphore_mem>>)
      %dma_wait3A = arith.constant 0 : i32
      %dma_wait3A_40 = tpu.memref_slice %arg5[%arg0, %mul3A_2, %dma_wait3A] : memref<2x10000x128xf32, #tpu.memory_space<hbm>> -> memref<1x624x128xf32, #tpu.memory_space<hbm>>
      %dma_wait3A_41 = tpu.memref_squeeze %dma_wait3A_40 : memref<1x624x128xf32, #tpu.memory_space<hbm>> -> memref<624x128xf32, #tpu.memory_space<hbm>>
      %dma_wait3A_42 = arith.constant 0 : i32
      %dma_wait3A_43 = tpu.memref_slice %arg12[%mul3A_2, %dma_wait3A_42] : memref<10008x128xf32, #tpu.memory_space<vmem_shared>> -> memref<624x128xf32, #tpu.memory_space<vmem_shared>>
      tpu.wait_dma2 semaphore(%run_scoped3A : memref<!tpu.dma_semaphore, #tpu.memory_space<semaphore_mem>>) src(%dma_wait3A_43 : memref<624x128xf32, #tpu.memory_space<vmem_shared>>) dst(%dma_wait3A_41 : memref<624x128xf32, #tpu.memory_space<hbm>>)
      tpu.yield
    }) : () -> ()
    %eq3A_31 = arith.constant 15 : i32
    %eq3A_32 = arith.cmpi eq, %arg1, %eq3A_31 : i32
    %convert_element_type3A_33 = arith.extui %eq3A_32 : i1 to i32
    %cond3A_34 = arith.constant 0 : i32
    %cond3A_35 = arith.cmpi ne, %convert_element_type3A_33, %cond3A_34 : i32
    scf.if %cond3A_35 {
      "tpu.region"() ({
        %run_scoped3A = tpu.sem_alloc : memref<!tpu.dma_semaphore, #tpu.memory_space<semaphore_mem>>
        %dma_start3A = arith.constant 9984 : i32
        %dma_start3A_36 = arith.constant 0 : i32
        %dma_start3A_37 = tpu.memref_slice %arg5[%arg0, %dma_start3A, %dma_start3A_36] : memref<2x10000x128xf32, #tpu.memory_space<hbm>> -> memref<1x16x128xf32, #tpu.memory_space<hbm>>
        %dma_start3A_38 = tpu.memref_squeeze %dma_start3A_37 : memref<1x16x128xf32, #tpu.memory_space<hbm>> -> memref<16x128xf32, #tpu.memory_space<hbm>>
        %dma_start3A_39 = arith.constant 9984 : i32
        %dma_start3A_40 = arith.constant 0 : i32
        %dma_start3A_41 = tpu.memref_slice %arg12[%dma_start3A_39, %dma_start3A_40] : memref<10008x128xf32, #tpu.memory_space<vmem_shared>> -> memref<16x128xf32, #tpu.memory_space<vmem_shared>>
        tpu.enqueue_dma source(%dma_start3A_41 : memref<16x128xf32, #tpu.memory_space<vmem_shared>>) target(%dma_start3A_38 : memref<16x128xf32, #tpu.memory_space<hbm>>) target_semaphore(%run_scoped3A : memref<!tpu.dma_semaphore, #tpu.memory_space<semaphore_mem>>)
        %dma_wait3A = arith.constant 9984 : i32
        %dma_wait3A_42 = arith.constant 0 : i32
        %dma_wait3A_43 = tpu.memref_slice %arg5[%arg0, %dma_wait3A, %dma_wait3A_42] : memref<2x10000x128xf32, #tpu.memory_space<hbm>> -> memref<1x16x128xf32, #tpu.memory_space<hbm>>
        %dma_wait3A_44 = tpu.memref_squeeze %dma_wait3A_43 : memref<1x16x128xf32, #tpu.memory_space<hbm>> -> memref<16x128xf32, #tpu.memory_space<hbm>>
        %dma_wait3A_45 = arith.constant 9984 : i32
        %dma_wait3A_46 = arith.constant 0 : i32
        %dma_wait3A_47 = tpu.memref_slice %arg12[%dma_wait3A_45, %dma_wait3A_46] : memref<10008x128xf32, #tpu.memory_space<vmem_shared>> -> memref<16x128xf32, #tpu.memory_space<vmem_shared>>
        tpu.wait_dma2 semaphore(%run_scoped3A : memref<!tpu.dma_semaphore, #tpu.memory_space<semaphore_mem>>) src(%dma_wait3A_47 : memref<16x128xf32, #tpu.memory_space<vmem_shared>>) dst(%dma_wait3A_44 : memref<16x128xf32, #tpu.memory_space<hbm>>)
        tpu.yield
      }) : () -> ()
    } else {
    }
    return
  }
}

module attributes {stable_mosaic.version = 14 : i64} {
  func.func @_scales_t1_body(%arg0: memref<32x2x10000xf32, #tpu.memory_space<vmem>>, %arg1: memref<10000x128xf32, #tpu.memory_space<vmem>>, %arg2: memref<10000x128xf32, #tpu.memory_space<vmem>>, %arg3: memref<10000x1xf32, #tpu.memory_space<vmem>>, %arg4: memref<10000x1xf32, #tpu.memory_space<vmem>>) attributes {dimension_semantics = [], scalar_prefetch = 0 : i64, scratch_operands = 0 : i64, tpu.core_type = #tpu.core_type<tc>} {
    %get3A = arith.constant 0 : index
    %get3A_0 = arith.constant 0 : index
    %get3A_1 = arith.constant 0 : index
    %get3A_2 = vector.load %arg0[%get3A, %get3A_0, %get3A_1] : memref<32x2x10000xf32, #tpu.memory_space<vmem>>, vector<32x2x10000xf32>
    %reduce_sum3A = arith.constant dense<0.000000e+00> : vector<2x10000xf32>
    %reduce_sum3A_3 = vector.multi_reduction <add>, %get3A_2, %reduce_sum3A [0] : vector<32x2x10000xf32> to vector<2x10000xf32>
    %slice3A = vector.extract_strided_slice %reduce_sum3A_3 {offsets = [0, 0], sizes = [1, 10000], strides = [1, 1]} : vector<2x10000xf32> to vector<1x10000xf32>
    %squeeze3A = vector.shape_cast %slice3A : vector<1x10000xf32> to vector<10000xf32>
    %max3A = arith.constant 1.000000e+00 : f32
    %max3A_4 = vector.broadcast %max3A : f32 to vector<10000xf32>
    %max3A_5 = arith.maximumf %squeeze3A, %max3A_4 : vector<10000xf32>
    %rsqrt3A = math.rsqrt %max3A_5 : vector<10000xf32>
    %broadcast_in_dim3A = vector.shape_cast %rsqrt3A : vector<10000xf32> to vector<10000x1xf32>
    %swap3A = arith.constant 0 : index
    %swap3A_6 = arith.constant 0 : index
    %swap3A_7 = vector.load %arg3[%swap3A, %swap3A_6] : memref<10000x1xf32, #tpu.memory_space<vmem>>, vector<10000x1xf32>
    tpu.vector_store %arg3[%swap3A, %swap3A_6], %broadcast_in_dim3A {strides = array<i32>} : memref<10000x1xf32, #tpu.memory_space<vmem>>, vector<10000x1xf32>,
    %slice3A_8 = vector.extract_strided_slice %reduce_sum3A_3 {offsets = [1, 0], sizes = [1, 10000], strides = [1, 1]} : vector<2x10000xf32> to vector<1x10000xf32>
    %squeeze3A_9 = vector.shape_cast %slice3A_8 : vector<1x10000xf32> to vector<10000xf32>
    %max3A_10 = arith.constant 1.000000e+00 : f32
    %max3A_11 = vector.broadcast %max3A_10 : f32 to vector<10000xf32>
    %max3A_12 = arith.maximumf %squeeze3A_9, %max3A_11 : vector<10000xf32>
    %rsqrt3A_13 = math.rsqrt %max3A_12 : vector<10000xf32>
    %broadcast_in_dim3A_14 = vector.shape_cast %rsqrt3A_13 : vector<10000xf32> to vector<10000x1xf32>
    %swap3A_15 = arith.constant 0 : index
    %swap3A_16 = arith.constant 0 : index
    %swap3A_17 = vector.load %arg4[%swap3A_15, %swap3A_16] : memref<10000x1xf32, #tpu.memory_space<vmem>>, vector<10000x1xf32>
    tpu.vector_store %arg4[%swap3A_15, %swap3A_16], %broadcast_in_dim3A_14 {strides = array<i32>} : memref<10000x1xf32, #tpu.memory_space<vmem>>, vector<10000x1xf32>,
    %get3A_18 = arith.constant 0 : index
    %get3A_19 = arith.constant 0 : index
    %get3A_20 = vector.load %arg1[%get3A_18, %get3A_19] : memref<10000x128xf32, #tpu.memory_space<vmem>>, vector<10000x128xf32>
    %mul3A = vector.broadcast %broadcast_in_dim3A : vector<10000x1xf32> to vector<10000x128xf32>
    %mul3A_21 = arith.mulf %get3A_20, %mul3A : vector<10000x128xf32>
    %swap3A_22 = arith.constant 0 : index
    %swap3A_23 = arith.constant 0 : index
    %swap3A_24 = vector.load %arg2[%swap3A_22, %swap3A_23] : memref<10000x128xf32, #tpu.memory_space<vmem>>, vector<10000x128xf32>
    tpu.vector_store %arg2[%swap3A_22, %swap3A_23], %mul3A_21 {strides = array<i32>} : memref<10000x128xf32, #tpu.memory_space<vmem>>, vector<10000x128xf32>,
    return
  }
}

module attributes {stable_mosaic.version = 14 : i64} {
  func.func @_step2_body(%arg0: memref<2x10000x128xf32, #tpu.memory_space<vmem>>, %arg1: memref<10000x1xf32, #tpu.memory_space<vmem>>, %arg2: memref<10000x1xf32, #tpu.memory_space<vmem>>, %arg3: memref<128x256xf32, #tpu.memory_space<vmem>>, %arg4: memref<1x256xf32, #tpu.memory_space<vmem>>, %arg5: memref<256x128xf32, #tpu.memory_space<vmem>>, %arg6: memref<10000x128xf32, #tpu.memory_space<vmem>>) attributes {dimension_semantics = [], scalar_prefetch = 0 : i64, scratch_operands = 0 : i64, tpu.core_type = #tpu.core_type<tc>} {
    %get3A = arith.constant 0 : index
    %get3A_0 = arith.constant 0 : index
    %get3A_1 = arith.constant 0 : index
    %get3A_2 = vector.load %arg0[%get3A, %get3A_0, %get3A_1] : memref<2x10000x128xf32, #tpu.memory_space<vmem>>, vector<1x10000x128xf32>
    %get3A_3 = vector.shape_cast %get3A_2 : vector<1x10000x128xf32> to vector<10000x128xf32>
    %get3A_4 = arith.constant 1 : index
    %get3A_5 = arith.constant 0 : index
    %get3A_6 = arith.constant 0 : index
    %get3A_7 = vector.load %arg0[%get3A_4, %get3A_5, %get3A_6] : memref<2x10000x128xf32, #tpu.memory_space<vmem>>, vector<1x10000x128xf32>
    %get3A_8 = vector.shape_cast %get3A_7 : vector<1x10000x128xf32> to vector<10000x128xf32>
    %add3A = arith.addf %get3A_3, %get3A_8 : vector<10000x128xf32>
    %get3A_9 = arith.constant 0 : index
    %get3A_10 = arith.constant 0 : index
    %get3A_11 = vector.load %arg1[%get3A_9, %get3A_10] : memref<10000x1xf32, #tpu.memory_space<vmem>>, vector<10000x1xf32>
    %mul3A = vector.broadcast %get3A_11 : vector<10000x1xf32> to vector<10000x128xf32>
    %mul3A_12 = arith.mulf %add3A, %mul3A : vector<10000x128xf32>
    %get3A_13 = arith.constant 0 : index
    %get3A_14 = arith.constant 0 : index
    %get3A_15 = vector.load %arg3[%get3A_13, %get3A_14] : memref<128x256xf32, #tpu.memory_space<vmem>>, vector<128x256xf32>
    %dot_general3A = arith.constant dense<0.000000e+00> : vector<10000x256xf32>
    %dot_general3A_16 = tpu.matmul %mul3A_12, %get3A_15, %dot_general3A {dimension_numbers = #tpu.dot_dimension_numbers<[1], [0], [0], [1], [0, 0, 1, 1], [], []>, transpose_lhs_hint = false} : vector<10000x128xf32>, vector<128x256xf32>, vector<10000x256xf32> -> vector<10000x256xf32>
    %get3A_17 = arith.constant 0 : index
    %get3A_18 = arith.constant 0 : index
    %get3A_19 = vector.load %arg4[%get3A_17, %get3A_18] : memref<1x256xf32, #tpu.memory_space<vmem>>, vector<1x256xf32>
    %add3A_20 = vector.broadcast %get3A_19 : vector<1x256xf32> to vector<10000x256xf32>
    %add3A_21 = arith.addf %dot_general3A_16, %add3A_20 : vector<10000x256xf32>
    %max3A = arith.constant 0.000000e+00 : f32
    %max3A_22 = vector.broadcast %max3A : f32 to vector<10000x256xf32>
    %max3A_23 = arith.maximumf %add3A_21, %max3A_22 : vector<10000x256xf32>
    %get3A_24 = arith.constant 0 : index
    %get3A_25 = arith.constant 0 : index
    %get3A_26 = vector.load %arg2[%get3A_24, %get3A_25] : memref<10000x1xf32, #tpu.memory_space<vmem>>, vector<10000x1xf32>
    %mul3A_27 = vector.broadcast %get3A_26 : vector<10000x1xf32> to vector<10000x256xf32>
    %mul3A_28 = arith.mulf %max3A_23, %mul3A_27 : vector<10000x256xf32>
    %get3A_29 = arith.constant 0 : index
    %get3A_30 = arith.constant 0 : index
    %get3A_31 = vector.load %arg5[%get3A_29, %get3A_30] : memref<256x128xf32, #tpu.memory_space<vmem>>, vector<256x128xf32>
    %dot_general3A_32 = arith.constant dense<0.000000e+00> : vector<10000x128xf32>
    %dot_general3A_33 = tpu.matmul %mul3A_28, %get3A_31, %dot_general3A_32 {dimension_numbers = #tpu.dot_dimension_numbers<[1], [0], [0], [1], [0, 0, 1, 1], [], []>, transpose_lhs_hint = false} : vector<10000x256xf32>, vector<256x128xf32>, vector<10000x128xf32> -> vector<10000x128xf32>
    %swap3A = arith.constant 0 : index
    %swap3A_34 = arith.constant 0 : index
    %swap3A_35 = vector.load %arg6[%swap3A, %swap3A_34] : memref<10000x128xf32, #tpu.memory_space<vmem>>, vector<10000x128xf32>
    tpu.vector_store %arg6[%swap3A, %swap3A_34], %dot_general3A_33 {strides = array<i32>} : memref<10000x128xf32, #tpu.memory_space<vmem>>, vector<10000x128xf32>,
    return
  }
}

module attributes {stable_mosaic.version = 14 : i64} {
  func.func @_step_body(%arg0: memref<2x10000x128xf32, #tpu.memory_space<vmem>>, %arg1: memref<10000x1xf32, #tpu.memory_space<vmem>>, %arg2: memref<10000x1xf32, #tpu.memory_space<vmem>>, %arg3: memref<1x128xf32, #tpu.memory_space<vmem>>, %arg4: memref<128x128xf32, #tpu.memory_space<vmem>>, %arg5: memref<10000x128xf32, #tpu.memory_space<vmem>>) attributes {dimension_semantics = [], scalar_prefetch = 0 : i64, scratch_operands = 0 : i64, tpu.core_type = #tpu.core_type<tc>} {
    %get3A = arith.constant 0 : index
    %get3A_0 = arith.constant 0 : index
    %get3A_1 = arith.constant 0 : index
    %get3A_2 = vector.load %arg0[%get3A, %get3A_0, %get3A_1] : memref<2x10000x128xf32, #tpu.memory_space<vmem>>, vector<1x10000x128xf32>
    %get3A_3 = vector.shape_cast %get3A_2 : vector<1x10000x128xf32> to vector<10000x128xf32>
    %get3A_4 = arith.constant 1 : index
    %get3A_5 = arith.constant 0 : index
    %get3A_6 = arith.constant 0 : index
    %get3A_7 = vector.load %arg0[%get3A_4, %get3A_5, %get3A_6] : memref<2x10000x128xf32, #tpu.memory_space<vmem>>, vector<1x10000x128xf32>
    %get3A_8 = vector.shape_cast %get3A_7 : vector<1x10000x128xf32> to vector<10000x128xf32>
    %add3A = arith.addf %get3A_3, %get3A_8 : vector<10000x128xf32>
    %get3A_9 = arith.constant 0 : index
    %get3A_10 = arith.constant 0 : index
    %get3A_11 = vector.load %arg1[%get3A_9, %get3A_10] : memref<10000x1xf32, #tpu.memory_space<vmem>>, vector<10000x1xf32>
    %mul3A = vector.broadcast %get3A_11 : vector<10000x1xf32> to vector<10000x128xf32>
    %mul3A_12 = arith.mulf %add3A, %mul3A : vector<10000x128xf32>
    %get3A_13 = arith.constant 0 : index
    %get3A_14 = arith.constant 0 : index
    %get3A_15 = vector.load %arg3[%get3A_13, %get3A_14] : memref<1x128xf32, #tpu.memory_space<vmem>>, vector<1x128xf32>
    %add3A_16 = vector.broadcast %get3A_15 : vector<1x128xf32> to vector<10000x128xf32>
    %add3A_17 = arith.addf %mul3A_12, %add3A_16 : vector<10000x128xf32>
    %max3A = arith.constant 0.000000e+00 : f32
    %max3A_18 = vector.broadcast %max3A : f32 to vector<10000x128xf32>
    %max3A_19 = arith.maximumf %add3A_17, %max3A_18 : vector<10000x128xf32>
    %get3A_20 = arith.constant 0 : index
    %get3A_21 = arith.constant 0 : index
    %get3A_22 = vector.load %arg2[%get3A_20, %get3A_21] : memref<10000x1xf32, #tpu.memory_space<vmem>>, vector<10000x1xf32>
    %mul3A_23 = vector.broadcast %get3A_22 : vector<10000x1xf32> to vector<10000x128xf32>
    %mul3A_24 = arith.mulf %max3A_19, %mul3A_23 : vector<10000x128xf32>
    %get3A_25 = arith.constant 0 : index
    %get3A_26 = arith.constant 0 : index
    %get3A_27 = vector.load %arg4[%get3A_25, %get3A_26] : memref<128x128xf32, #tpu.memory_space<vmem>>, vector<128x128xf32>
    %dot_general3A = arith.constant dense<0.000000e+00> : vector<10000x128xf32>
    %dot_general3A_28 = tpu.matmul %mul3A_24, %get3A_27, %dot_general3A {dimension_numbers = #tpu.dot_dimension_numbers<[1], [0], [0], [1], [0, 0, 1, 1], [], []>, transpose_lhs_hint = false} : vector<10000x128xf32>, vector<128x128xf32>, vector<10000x128xf32> -> vector<10000x128xf32>
    %swap3A = arith.constant 0 : index
    %swap3A_29 = arith.constant 0 : index
    %swap3A_30 = vector.load %arg5[%swap3A, %swap3A_29] : memref<10000x128xf32, #tpu.memory_space<vmem>>, vector<10000x128xf32>
    tpu.vector_store %arg5[%swap3A, %swap3A_29], %dot_general3A_28 {strides = array<i32>} : memref<10000x128xf32, #tpu.memory_space<vmem>>, vector<10000x128xf32>,
    return
  }
}

module attributes {stable_mosaic.version = 14 : i64} {
  func.func @_final_body(%arg0: memref<2x10000x128xf32, #tpu.memory_space<vmem>>, %arg1: memref<10000x1xf32, #tpu.memory_space<vmem>>, %arg2: memref<1x16xf32, #tpu.memory_space<vmem>>, %arg3: memref<10000x16xf32, #tpu.memory_space<vmem>>) attributes {dimension_semantics = [], scalar_prefetch = 0 : i64, scratch_operands = 0 : i64, tpu.core_type = #tpu.core_type<tc>} {
    %get3A = arith.constant 0 : index
    %get3A_0 = arith.constant 0 : index
    %get3A_1 = arith.constant 0 : index
    %get3A_2 = vector.load %arg0[%get3A, %get3A_0, %get3A_1] : memref<2x10000x128xf32, #tpu.memory_space<vmem>>, vector<1x10000x16xf32>
    %get3A_3 = vector.shape_cast %get3A_2 : vector<1x10000x16xf32> to vector<10000x16xf32>
    %get3A_4 = arith.constant 1 : index
    %get3A_5 = arith.constant 0 : index
    %get3A_6 = arith.constant 0 : index
    %get3A_7 = vector.load %arg0[%get3A_4, %get3A_5, %get3A_6] : memref<2x10000x128xf32, #tpu.memory_space<vmem>>, vector<1x10000x16xf32>
    %get3A_8 = vector.shape_cast %get3A_7 : vector<1x10000x16xf32> to vector<10000x16xf32>
    %add3A = arith.addf %get3A_3, %get3A_8 : vector<10000x16xf32>
    %get3A_9 = arith.constant 0 : index
    %get3A_10 = arith.constant 0 : index
    %get3A_11 = vector.load %arg1[%get3A_9, %get3A_10] : memref<10000x1xf32, #tpu.memory_space<vmem>>, vector<10000x1xf32>
    %mul3A = vector.broadcast %get3A_11 : vector<10000x1xf32> to vector<10000x16xf32>
    %mul3A_12 = arith.mulf %add3A, %mul3A : vector<10000x16xf32>
    %get3A_13 = arith.constant 0 : index
    %get3A_14 = arith.constant 0 : index
    %get3A_15 = vector.load %arg2[%get3A_13, %get3A_14] : memref<1x16xf32, #tpu.memory_space<vmem>>, vector<1x16xf32>
    %add3A_16 = vector.broadcast %get3A_15 : vector<1x16xf32> to vector<10000x16xf32>
    %add3A_17 = arith.addf %mul3A_12, %add3A_16 : vector<10000x16xf32>
    %max3A = arith.constant 0.000000e+00 : f32
    %max3A_18 = vector.broadcast %max3A : f32 to vector<10000x16xf32>
    %max3A_19 = arith.maximumf %add3A_17, %max3A_18 : vector<10000x16xf32>
    %swap3A = arith.constant 0 : index
    %swap3A_20 = arith.constant 0 : index
    %swap3A_21 = vector.load %arg3[%swap3A, %swap3A_20] : memref<10000x16xf32, #tpu.memory_space<vmem>>, vector<10000x16xf32>
    tpu.vector_store %arg3[%swap3A, %swap3A_20], %max3A_19 {strides = array<i32>} : memref<10000x16xf32, #tpu.memory_space<vmem>>, vector<10000x16xf32>,
    return
  }
}

</mosaic_0001>

<sc_bundles>
// kernel: kernel.14.cloned.1.call-start
scs
__scs_entry_jumppad:
0x0: {  	(pc) =	sbr.rel $0x88, $3  }
0x1: {  	(tag) =	ssettag $0x0;
	lr =	simm.s32 $0x1  }
0x2: {  	[smem:$0x3F95] =	sst lr;
	_ =	strace $0xD0000000  }
0x3: {  	_ = 	snop  }
0x4: {  	_ = 	snop  }
0x5: {  	_ = 	snop  }
0x6: {  	_ = 	snop  }
0x7: {  	_ = 	snop  }
__scs_overlays_trampoline_lowered:
0x8: {  	[smem:$0x3FA4] =	sst s0  }
0x9: {  	[smem:$0x3FA5] =	sst s1  }
0xa: {  	[smem:$0x3FA6] =	sst s2  }
0xb: {  	[smem:$0x3FA7] =	sst s3  }
0xc: {  	[smem:$0x3FA8] =	sst s4  }
0xd: {  	[smem:$0x3FA9] =	sst s5  }
0xe: {  	[smem:$0x3FAA] =	sst s6  }
0xf: {  	[smem:$0x3FAB] =	sst s7  }
0x10: {  	[smem:$0x3FAC] =	sst s8  }
0x11: {  	[smem:$0x3FAD] =	sst s9;
	s0 =	simm.s32 @!p0 $0x0  }
0x12: {  	s1 =	sld [smem:$0x3F93];
	s0 =	simm.s32 @p0 $0x1  }
0x13: {  	[smem:$0x3FAE] =	sst s0;
	s0 =	simm.s32 @!p1 $0x0  }
0x14: {  	s2 =	sld [smem:$0x3F92];
	s0 =	simm.s32 @p1 $0x1  }
0x15: {  	[smem:$0x3FAF] =	sst s0;
	s0 =	simm.s32 @!p2 $0x0  }
0x16: {  	s3 =	sld [smem:$0x3FDB];
	s0 =	simm.s32 @p2 $0x1  }
0x17: {  	s4 =	simm.s32 $0x1BF5;
	[smem:$0x3FB1] =	sst s0  }
0x18: {  	s0 =	sld [smem:$0x3F94];
	_ =	swait.ge [sflag:s4], $0x0  }
0x19: {  	s7 =	sld [smem:$0x3F95]  }
0x1a: {  	s8 =	sadd.s32 $0xFFFFE003, lr  }
0x1b: {  	s9 =	sadd.s32 $0xFFFFFEF7, lr;
	s5 =	simm.s32 $0xFFFFFFFF;
	p2 =	slt.u32 s8, $0xFFFFF086  }
0x1c: {  	p1 =	slt.u32 s9, $0xF7A;
	s5 =	simm.s32 @!p2 $0x0  }
0x1d: {  	s5 =	simm.s32 @p1 $0x1;
	p0 =	seq.s32 s7, s2  }
0x1e: {  	s7 =	smul.u32 @!p0 $0xF7A, s2;
	p2 =	seq.s32 @!p0 s5, $0x0  }
0x1f: {  	s9 =	smul.u32 $0xF7A, s1;
	s8 =	simm.s32 @!p0 $0x1BF5;
	p2 =	por !p2, p0  }
0x20: {  	[sflag:s8] =	ssyncset.s32 @!p0 $0xFFFFF086;
	s6 =	sadd.s32 @!p0 s3, s7;
	s7 =	simm.s32 @!p0 $0x108  }
0x21: {  	s3 =	sadd.s32 s3, s9;
	s6 =	sadd.s32 @!p0 $0x88, s6;
	s7 =	simm.s32 @p2 $0x1082  }
0x22: {  	[simem:s7], [sflag:s8] =	dma.local @!p0 [hbm:s6], $0xF7A  }
0x23: {  	s9 =	sor.u32 $0xD0000000, s2;
	s6 =	simm.s32 $0x108;
	_ =	swait.ge @!p0 [sflag:s8], $0x0  }
0x24: {  	s3 =	sadd.s32 $0x88, s3;
	s6 =	simm.s32 @!p1 $0x1082;
	[sflag:s4] =	ssyncset.s32 $0xFFFFF086  }
0x25: {  	[simem:s6], [sflag:s4] =	dma.local [hbm:s3], $0xF7A  }
0x26: {  	[smem:$0x3F95] =	sst s1;
	(tag) =	ssettag s2;
	_ =	strace s9  }
0x27: {  	s1 =	sld [smem:$0x3FA5]  }
0x28: {  	s2 =	sld [smem:$0x3FA6]  }
0x29: {  	s4 =	sld [smem:$0x3FA8]  }
0x2a: {  	p0 =	seq.s32 s5, $0x0;
	s5 =	sld [smem:$0x3FA9]  }
0x2b: {  	s6 =	sld [smem:$0x3FAA]  }
0x2c: {  	s7 =	sld [smem:$0x3FAB]  }
0x2d: {  	s3 =	simm.s32 $0x108;
	s8 =	sld [smem:$0x3FAC]  }
0x2e: {  	s3 =	simm.s32 @!p0 $0x1082;
	s9 =	sld [smem:$0x3FAD]  }
0x2f: {  	lr =	sadd.s32 s0, s3;
	s0 =	sld [smem:$0x3FA4]  }
0x30: {  	s3 =	sld [smem:$0x3FA7]  }
0x31: {  	[smem:$0x3FB0] =	sst s10  }
0x32: {  	s10 =	sld [smem:$0x3FAE];
	_ =	sdelay $0x3  }
0x33: {  	p0 =	seq.s32 s10, $0x1;
	s10 =	sld [smem:$0x3FB0];
	_ =	sdelay $0x3  }
0x34: {  	[smem:$0x3FB0] =	sst s10  }
0x35: {  	s10 =	sld [smem:$0x3FAF];
	_ =	sdelay $0x3  }
0x36: {  	p1 =	seq.s32 s10, $0x1;
	s10 =	sld [smem:$0x3FB0];
	_ =	sdelay $0x3  }
0x37: {  	[smem:$0x3FB0] =	sst s10  }
0x38: {  	s10 =	sld [smem:$0x3FB1]  }
0x39: {  	_ = 	snop;
	(pc) =	sbr.ind lr, $3  }
0x3a: {  	_ = 	snop  }
0x3b: {  	_ = 	snop  }
0x3c: {  	p2 =	seq.s32 s10, $0x1;
	s10 =	sld [smem:$0x3FB0]  }
0x3d: {  	_ =	shalt  }
0x3e: {  	_ =	shalt  }
0x3f: {  	_ =	shalt  }
0x40: {  	_ =	shalt  }
0x41: {  	_ =	shalt  }
0x42: {  	_ =	shalt  }
0x43: {  	_ =	shalt  }
0x44: {  	_ =	shalt  }
0x45: {  	_ =	shalt  }
0x46: {  	_ =	shalt  }
0x47: {  	_ =	shalt  }
0x48: {  	_ =	shalt  }
0x49: {  	_ =	shalt  }
0x4a: {  	_ =	shalt  }
0x4b: {  	_ =	shalt  }
0x4c: {  	_ =	shalt  }
0x4d: {  	_ =	shalt  }
0x4e: {  	_ =	shalt  }
0x4f: {  	_ =	shalt  }
0x50: {  	_ =	shalt  }
0x51: {  	_ =	shalt  }
0x52: {  	_ =	shalt  }
0x53: {  	_ =	shalt  }
0x54: {  	_ =	shalt  }
0x55: {  	_ =	shalt  }
0x56: {  	_ =	shalt  }
0x57: {  	_ =	shalt  }
0x58: {  	_ =	shalt  }
0x59: {  	_ =	shalt  }
0x5a: {  	_ =	shalt  }
0x5b: {  	_ =	shalt  }
0x5c: {  	_ =	shalt  }
0x5d: {  	_ =	shalt  }
0x5e: {  	_ =	shalt  }
0x5f: {  	_ =	shalt  }
0x60: {  	_ =	shalt  }
0x61: {  	_ =	shalt  }
0x62: {  	_ =	shalt  }
0x63: {  	_ =	shalt  }
0x64: {  	_ =	shalt  }
0x65: {  	_ =	shalt  }
0x66: {  	_ =	shalt  }
0x67: {  	_ =	shalt  }
0x68: {  	_ =	shalt  }
0x69: {  	_ =	shalt  }
0x6a: {  	_ =	shalt  }
0x6b: {  	_ =	shalt  }
0x6c: {  	_ =	shalt  }
0x6d: {  	_ =	shalt  }
0x6e: {  	_ =	shalt  }
0x6f: {  	_ =	shalt  }
0x70: {  	_ =	shalt  }
0x71: {  	_ =	shalt  }
0x72: {  	_ =	shalt  }
0x73: {  	_ =	shalt  }
0x74: {  	_ =	shalt  }
0x75: {  	_ =	shalt  }
0x76: {  	_ =	shalt  }
0x77: {  	_ =	shalt  }
0x78: {  	_ =	shalt  }
0x79: {  	_ =	shalt  }
0x7a: {  	_ =	shalt  }
0x7b: {  	_ =	shalt  }
0x7c: {  	_ =	shalt  }
0x7d: {  	_ =	shalt  }
0x7e: {  	_ =	shalt  }
0x7f: {  	_ =	shalt  }
0x80: {  	_ =	shalt  }
0x81: {  	_ =	shalt  }
0x82: {  	_ =	shalt  }
0x83: {  	_ =	shalt  }
0x84: {  	_ =	shalt  }
0x85: {  	_ =	shalt  }
0x86: {  	_ =	shalt  }
0x87: {  	_ =	shalt  }
.Lfunc_end0:
.L_simem_size_0:
called_computation_lowered:
.L_overlay_start_0:
0x88: {  	s2 =	sld [smem:$0x3FD9]  }
0x89: {  	s3 =	sld [smem:$0x3FFE];
	_ =	sdelay $0x1  }
0x8a: {  	s1 =	srdreg.scid  }
0x8b: {  	s0 =	sand.u32 $0x1, s1  }
0x8c: {  	s16 =	sshll.u32 s0, $0xA;
	s2 =	sadd.s32 s3, s2  }
0x8d: {  	s2 =	sadd.s32 s2, s16  }
0x8e: {  	[smem:$0x3FBC] =	sst s2  }
0x8f: {  	_ = 	snop  }
0x90: {  	(tm) =	ssettm $0x1  }
0x91: {  	s17 =	sld [smem:$0x3FFB];
	_ =	sdelay $0x3  }
0x92: {  	_ =	strace s17  }
0x93: {  	s2 =	sld [smem:$0x3FFC];
	_ =	sdelay $0x3  }
0x94: {  	_ =	strace s2  }
0x95: {  	s2 =	sld [smem:$0x3FFD];
	_ =	sdelay $0x3  }
0x96: {  	_ =	strace s2  }
0x97: {  	_ =	strace $0x8FFFFFFF  }
0x98: {  	s18 =	sld [smem:$0x3FDB];
	_ =	sdelay $0x1  }
0x99: {  	s19 =	simm.s32 $_scs_section_size  }
0x9a: {  	s4 =	simm.s32 $_size__tile_overlayer_lowered;
	s5 =	simm.s32 $_tile_overlayer_lowered  }
0x9b: {  	s22 =	simm.s32 $0x1BFF;
	s21 =	sshll.u32 s5, $0x1;
	s2 =	sadd.s32 s19, s18  }
0x9c: {  	s6 =	simm.s32 $0x0;
	s20 =	sshll.u32 s4, $0x1;
	s4 =	sadd.s32 s21, s2  }
0x9d: {  	[timem:s6], [sflag:s22] =	dma.local [hbm:s4], s20  }
0x9e: {  	_ =	swait.ge [sflag:s22], s20  }
0x9f: {  	s3 =	ssub.s32 $0x0, s20;
	[sflag:s22] =	ssyncset.done $0x0  }
0xa0: {  	[sflag:s22] =	ssyncadd.s32 s3;
	_ =	sdelay $0x1  }
0xa1: {  	s23 =	simm.s32 $0x1B8B  }
0xa2: {  	_ =	swait.ge [sflag:s23], $0x1  }
0xa3: {  	[sflag:s23] =	ssyncset.done $0x0  }
0xa4: {  	s25 =	simm.s32 $0x1B8E;
	s24 =	sld [smem:$0x3FFE];
	[sflag:s23] =	ssyncadd.s32 $0xFFFFFFFF  }
0xa5: {  	s26 =	simm.s32 $execute0_lowered;
	[smem:$0x3FD2] =	sst s25  }
0xa6: {  	s4 =	sshll.u32 s26, $0x1;
	_ =	strace $0x80000046;
	[dreg:$0x1] =	wrdreg $0xFFFFFFFF  }
0xa7: {  	s28 =	simm.s32 $_size_execute0_lowered;
	s2 =	sadd.s32 s2, s4;
	[dreg:$0x0] =	wrdreg $0x0  }
0xa8: {  	s4 =	sshll.u32 s28, $0x1;
	[dreg:$0x2] =	wrdreg s2  }
0xa9: {  	[dreg:$0x3] =	wrdreg s4  }
0xaa: {  	[dreg:$0x4] =	wrdreg $0xC0  }
0xab: {  	_ =	task [dreg:s6], $0x5FFFF  }
0xac: {  	[dreg:$0x1] =	wrdreg $0xFFFFFFFF  }
0xad: {  	[dreg:$0x0] =	wrdreg $0x60  }
0xae: {  	[dreg:$0x2] =	wrdreg s24  }
0xaf: {  	[dreg:$0x3] =	wrdreg $0x9  }
0xb0: {  	_ =	task.clear_ibuf [dreg:s6], $0x4FFFF;
	_ =	strace $0x90000046  }
0xb1: {  	s29 =	simm.s32 $0x9;
	_ =	strace $0x80000048  }
0xb2: {  	_ =	swait.ge [sflag:s29], $0x1  }
0xb3: {  	[sflag:s29] =	ssyncadd.s32 $0xFFFFFFFF  }
0xb4: {  	_ =	strace $0x90000048  }
0xb5: {  	_ =	sfence  }
0xb6: {  	s30 =	sld [smem:$0x0];
	_ =	sdelay $0x2  }
0xb7: {  	s31 =	sshll.u32 s1, $0xD;
	s1 =	sshrl.u32 s1, $0x2  }
0xb8: {  	s3 =	sand.u32 $0x4000, s31;
	s1 =	sadd.s32 s1, s30  }
0xb9: {  	s0 =	sor.u32 s3, s0;
	s1 =	sshll.u32 s1, $0x11  }
0xba: {  	s0 =	sor.u32 s1, s0  }
0xbb: {  	s0 =	sadd.s32 $0x8F2B, s0  }
0xbc: {  	[sflag:s0] =	ssyncadd.remote.s32 $0x1  }
0xbd: {  	_ =	sfence.sel $0xFFFF  }
0xbe: {  	[dreg:$0x0] =	wrdreg $0xFFFFFFFF;
	(pc) =	sbr.abs _section_cstart, $3  }
0xbf: {  	[dreg:$0x1] =	wrdreg $0xFFFFFFFF  }
0xc0: {  	_ =	task.clear_ibuf [dreg:s6], $0x2FFFF;
	_ =	strace $0x9FFFFFFF  }
0xc1: {  	(tm) =	ssettm $0x7FFFFFFF  }
tec
execute0_lowered:
.L_overlay_start_1:
0x0: {  	(tag) =	ssettag $0x1  }
0x1: {  	s1 =	srdreg.scid  }
0x2: {  	s0 =	stileid.u32;
	s4 =	rddreg [dreg:$0x0];
	s2 =	simm.s32 $0x0  }
0x3: {  	s8 =	simm.s32 $0x2780;
	s3 =	sand.u32 $0x1, s1;
	s30 =	sshll.u32 s0, $0x1  }
0x4: {  	s9 =	simm.s32 $0x4F00;
	s10 =	simm.s32 $0x0;
	s5 =	sor.u32 s3, s30  }
0x5: {  	s1 =	rddreg [dreg:$0x1];
	s3 =	ssub.s32 $0x2, s3;
	s6 =	smul.u32 $0x4E2, s5  }
0x6: {  	[smem:$0x7FF] =	sst s2;
	s5 =	smul.u32 $0x9D0, s5;
	s31 =	sshrl.u32 s3, $0x1  }
0x7: {  	_ =	strace $0x80000047;
	s7 =	ssub.s32 s3, s31;
	s6 =	sadd.s32 s6, s4  }
0x8: {  	s5 =	sadd.s32 s5, s4;
	s3 =	sadd.s32 $0xCA00, s6;
	s4 =	sadd.s32 $0x2C00, s6  }
0x9: {  	v0 =	vimm.f32 $0.0e+00;
	v1 =	vimm.f32 $1.000000000e+00;
	s5 =	sadd.s32 $0x16800, s5;
	s6 =	smax.u32 s7, $0x1;
	s7 =	simm.s32 $0x1  }
.LBB2_1:
0xa: {  	[tilespmem:s2], [sflag:$0x1] =	stream.linear.gather [hbm4b:s3+s2], $0x2710, $0x38;
	[tilespmem:$0x9D80] =	vst v63  }
0xb: {  	_ =	swait.ge [sflag:s7], $0x2710  }
0xc: {  	[sflag:s7] =	ssyncset.done $0x0  }
0xd: {  	[sflag:s7] =	ssyncadd.s32 $0xFFFFD8F0  }
0xe: {  	[tilespmem:s8], [sflag:$0x1] =	stream.linear.gather [hbm4b:s4+s2], $0x2710, $0x38;
	[tilespmem:$0x9D80] =	vst v63  }
0xf: {  	_ =	swait.ge [sflag:s7], $0x2710  }
0x10: {  	[sflag:s7] =	ssyncset.done $0x0  }
0x11: {  	s11 =	simm.s32 $0x0;
	[sflag:s7] =	ssyncadd.s32 $0xFFFFD8F0  }
.LBB2_2:
0x12: {  	p0 =	sne.s32 s11, $0x13840  }
.Ltmp0:
0x13: {  	_ = 	snop;
	(pc) =	sbr.rel @p0 .LBB2_2-.Ltmp0, $3  }
0x14: {  	_ =	sdelay $0x1  }
0x15: {  	s12 =	sshra.s32 s11, $0x2  }
0x16: {  	s11 =	sadd.s32 $0x40, s11;
	[tilespmem:s12+$0x4F00] =	vst v0  }
0x17: {  	s11 =	simm.s32 $0x0  }
.LBB2_4:
0x18: {  	s12 =	sshra.s32 s11, $0x2  }
0x19: {  	v2 =	vld [tilespmem:s12+$0x0];
	_ =	sdelay $0x7  }
0x1a: {  	[tilespmem:v2+s9+$0x0] =	vst.idx.add.f32.msk $0xffff, v1  }
0x1b: {  	v2 =	vld [tilespmem:s12+$0x2780];
	_ =	sdelay $0x4  }
0x1c: {  	p0 =	sne.s32 s11, $0x9C00;
	v2 =	vadd.s32 $0x2710, v2  }
.Ltmp1:
0x1d: {  	_ = 	snop;
	(pc) =	sbr.rel @p0 .LBB2_4-.Ltmp1, $2  }
0x1e: {  	_ =	sdelay $0x2  }
0x1f: {  	s11 =	sadd.s32 $0x40, s11;
	[tilespmem:v2+s9+$0x0] =	vst.idx.add.f32.msk $0xffff, v1  }
0x20: {  	s10 =	sadd.s32 $0x1, s10  }
0x21: {  	p0 =	sne.s32 s10, s6  }
.Ltmp2:
0x22: {  	_ = 	snop;
	(pc) =	sbr.rel @p0 .LBB2_1-.Ltmp2, $4  }
0x23: {  	[hbm4b:s5+s2] =	stream.linear.scatter [tilespmem:s9], [sflag:$0x1], $0x4E80, $0x38;
	[tilespmem:$0x9D80] =	vst v63  }
0x24: {  	_ =	swait.ge [sflag:s7], $0x4E80  }
0x25: {  	[sflag:s7] =	ssyncset.done $0x0  }
0x26: {  	[sflag:s7] =	ssyncadd.s32 $0xFFFFB180  }
0x27: {  	_ =	sfence.sel $0x180000  }
0x28: {  	[bflag:$0x0] =	sbarrier.arrive $0xFFFF  }
0x29: {  	p0 =	sne.s32 s0, $0x0;
	_ =	strace $0x90000047  }
0x2a: {  	s0 =	sadd.s32 @!p0 $0x100000, s1;
	[bflag:$0x2] =	sbarrier.arrive $0xFFFF  }
0x2b: {  	[sflag:s0] =	ssyncadd.tile.s32 @!p0 $0x1;
	_ =	shalt  }
.Lfunc_end2:
_tile_overlayer_lowered:
.L_overlay_start_2:
0x2c: {  	(tag) =	ssettag $0x2  }
0x2d: {  	s0 =	rddreg [dreg:$0x0];
	s2 =	stileid.u32  }
0x2e: {  	s1 =	rddreg [dreg:$0x1];
	p0 =	sne.s32 s2, $0x0  }
0x2f: {  	s3 =	rddreg [dreg:$0x2];
	[bflag:$0x3] =	sbarrier.arrive $0xFFFF;
	s2 =	simm.s32 @!p0 $0x1C01  }
0x30: {  	[timem:s3], [sflag:s2] =	dma.local @!p0 [hbm:s0], s1  }
0x31: {  	s0 =	simm.s32 @!p0 $0x1  }
0x32: {  	_ =	swait.ge @!p0 [sflag:s0], s1  }
0x33: {  	s1 =	ssub.s32 @!p0 $0x0, s1;
	[sflag:s0] =	ssyncset.done @!p0 $0x0  }
0x34: {  	[sflag:s0] =	ssyncadd.s32 @!p0 s1  }
0x35: {  	[bflag:$0x3] =	sbarrier.arrive $0xFFFF  }
0x36: {  	_ =	shalt  }

// kernel: kernel.17.cloned.1.call-start
scs
__scs_entry_jumppad:
0x0: {  	(pc) =	sbr.rel $0x88, $3  }
0x1: {  	(tag) =	ssettag $0x0;
	lr =	simm.s32 $0x1  }
0x2: {  	[smem:$0x3F95] =	sst lr;
	_ =	strace $0xD0000000  }
0x3: {  	_ = 	snop  }
0x4: {  	_ = 	snop  }
0x5: {  	_ = 	snop  }
0x6: {  	_ = 	snop  }
0x7: {  	_ = 	snop  }
__scs_overlays_trampoline_lowered:
0x8: {  	[smem:$0x3FA4] =	sst s0  }
0x9: {  	[smem:$0x3FA5] =	sst s1  }
0xa: {  	[smem:$0x3FA6] =	sst s2  }
0xb: {  	[smem:$0x3FA7] =	sst s3  }
0xc: {  	[smem:$0x3FA8] =	sst s4  }
0xd: {  	[smem:$0x3FA9] =	sst s5  }
0xe: {  	[smem:$0x3FAA] =	sst s6  }
0xf: {  	[smem:$0x3FAB] =	sst s7  }
0x10: {  	[smem:$0x3FAC] =	sst s8  }
0x11: {  	[smem:$0x3FAD] =	sst s9;
	s0 =	simm.s32 @!p0 $0x0  }
0x12: {  	s1 =	sld [smem:$0x3F93];
	s0 =	simm.s32 @p0 $0x1  }
0x13: {  	[smem:$0x3FAE] =	sst s0;
	s0 =	simm.s32 @!p1 $0x0  }
0x14: {  	s2 =	sld [smem:$0x3F92];
	s0 =	simm.s32 @p1 $0x1  }
0x15: {  	[smem:$0x3FAF] =	sst s0;
	s0 =	simm.s32 @!p2 $0x0  }
0x16: {  	s3 =	sld [smem:$0x3FDB];
	s0 =	simm.s32 @p2 $0x1  }
0x17: {  	s4 =	simm.s32 $0x1BF5;
	[smem:$0x3FB1] =	sst s0  }
0x18: {  	s0 =	sld [smem:$0x3F94];
	_ =	swait.ge [sflag:s4], $0x0  }
0x19: {  	s7 =	sld [smem:$0x3F95]  }
0x1a: {  	s8 =	sadd.s32 $0xFFFFE003, lr  }
0x1b: {  	s9 =	sadd.s32 $0xFFFFFEF7, lr;
	s5 =	simm.s32 $0xFFFFFFFF;
	p2 =	slt.u32 s8, $0xFFFFF086  }
0x1c: {  	p1 =	slt.u32 s9, $0xF7A;
	s5 =	simm.s32 @!p2 $0x0  }
0x1d: {  	s5 =	simm.s32 @p1 $0x1;
	p0 =	seq.s32 s7, s2  }
0x1e: {  	s7 =	smul.u32 @!p0 $0xF7A, s2;
	p2 =	seq.s32 @!p0 s5, $0x0  }
0x1f: {  	s9 =	smul.u32 $0xF7A, s1;
	s8 =	simm.s32 @!p0 $0x1BF5;
	p2 =	por !p2, p0  }
0x20: {  	[sflag:s8] =	ssyncset.s32 @!p0 $0xFFFFF086;
	s6 =	sadd.s32 @!p0 s3, s7;
	s7 =	simm.s32 @!p0 $0x108  }
0x21: {  	s3 =	sadd.s32 s3, s9;
	s6 =	sadd.s32 @!p0 $0x88, s6;
	s7 =	simm.s32 @p2 $0x1082  }
0x22: {  	[simem:s7], [sflag:s8] =	dma.local @!p0 [hbm:s6], $0xF7A  }
0x23: {  	s9 =	sor.u32 $0xD0000000, s2;
	s6 =	simm.s32 $0x108;
	_ =	swait.ge @!p0 [sflag:s8], $0x0  }
0x24: {  	s3 =	sadd.s32 $0x88, s3;
	s6 =	simm.s32 @!p1 $0x1082;
	[sflag:s4] =	ssyncset.s32 $0xFFFFF086  }
0x25: {  	[simem:s6], [sflag:s4] =	dma.local [hbm:s3], $0xF7A  }
0x26: {  	[smem:$0x3F95] =	sst s1;
	(tag) =	ssettag s2;
	_ =	strace s9  }
0x27: {  	s1 =	sld [smem:$0x3FA5]  }
0x28: {  	s2 =	sld [smem:$0x3FA6]  }
0x29: {  	s4 =	sld [smem:$0x3FA8]  }
0x2a: {  	p0 =	seq.s32 s5, $0x0;
	s5 =	sld [smem:$0x3FA9]  }
0x2b: {  	s6 =	sld [smem:$0x3FAA]  }
0x2c: {  	s7 =	sld [smem:$0x3FAB]  }
0x2d: {  	s3 =	simm.s32 $0x108;
	s8 =	sld [smem:$0x3FAC]  }
0x2e: {  	s3 =	simm.s32 @!p0 $0x1082;
	s9 =	sld [smem:$0x3FAD]  }
0x2f: {  	lr =	sadd.s32 s0, s3;
	s0 =	sld [smem:$0x3FA4]  }
0x30: {  	s3 =	sld [smem:$0x3FA7]  }
0x31: {  	[smem:$0x3FB0] =	sst s10  }
0x32: {  	s10 =	sld [smem:$0x3FAE];
	_ =	sdelay $0x3  }
0x33: {  	p0 =	seq.s32 s10, $0x1;
	s10 =	sld [smem:$0x3FB0];
	_ =	sdelay $0x3  }
0x34: {  	[smem:$0x3FB0] =	sst s10  }
0x35: {  	s10 =	sld [smem:$0x3FAF];
	_ =	sdelay $0x3  }
0x36: {  	p1 =	seq.s32 s10, $0x1;
	s10 =	sld [smem:$0x3FB0];
	_ =	sdelay $0x3  }
0x37: {  	[smem:$0x3FB0] =	sst s10  }
0x38: {  	s10 =	sld [smem:$0x3FB1]  }
0x39: {  	_ = 	snop;
	(pc) =	sbr.ind lr, $3  }
0x3a: {  	_ = 	snop  }
0x3b: {  	_ = 	snop  }
0x3c: {  	p2 =	seq.s32 s10, $0x1;
	s10 =	sld [smem:$0x3FB0]  }
0x3d: {  	_ =	shalt  }
0x3e: {  	_ =	shalt  }
0x3f: {  	_ =	shalt  }
0x40: {  	_ =	shalt  }
0x41: {  	_ =	shalt  }
0x42: {  	_ =	shalt  }
0x43: {  	_ =	shalt  }
0x44: {  	_ =	shalt  }
0x45: {  	_ =	shalt  }
0x46: {  	_ =	shalt  }
0x47: {  	_ =	shalt  }
0x48: {  	_ =	shalt  }
0x49: {  	_ =	shalt  }
0x4a: {  	_ =	shalt  }
0x4b: {  	_ =	shalt  }
0x4c: {  	_ =	shalt  }
0x4d: {  	_ =	shalt  }
0x4e: {  	_ =	shalt  }
0x4f: {  	_ =	shalt  }
0x50: {  	_ =	shalt  }
0x51: {  	_ =	shalt  }
0x52: {  	_ =	shalt  }
0x53: {  	_ =	shalt  }
0x54: {  	_ =	shalt  }
0x55: {  	_ =	shalt  }
0x56: {  	_ =	shalt  }
0x57: {  	_ =	shalt  }
0x58: {  	_ =	shalt  }
0x59: {  	_ =	shalt  }
0x5a: {  	_ =	shalt  }
0x5b: {  	_ =	shalt  }
0x5c: {  	_ =	shalt  }
0x5d: {  	_ =	shalt  }
0x5e: {  	_ =	shalt  }
0x5f: {  	_ =	shalt  }
0x60: {  	_ =	shalt  }
0x61: {  	_ =	shalt  }
0x62: {  	_ =	shalt  }
0x63: {  	_ =	shalt  }
0x64: {  	_ =	shalt  }
0x65: {  	_ =	shalt  }
0x66: {  	_ =	shalt  }
0x67: {  	_ =	shalt  }
0x68: {  	_ =	shalt  }
0x69: {  	_ =	shalt  }
0x6a: {  	_ =	shalt  }
0x6b: {  	_ =	shalt  }
0x6c: {  	_ =	shalt  }
0x6d: {  	_ =	shalt  }
0x6e: {  	_ =	shalt  }
0x6f: {  	_ =	shalt  }
0x70: {  	_ =	shalt  }
0x71: {  	_ =	shalt  }
0x72: {  	_ =	shalt  }
0x73: {  	_ =	shalt  }
0x74: {  	_ =	shalt  }
0x75: {  	_ =	shalt  }
0x76: {  	_ =	shalt  }
0x77: {  	_ =	shalt  }
0x78: {  	_ =	shalt  }
0x79: {  	_ =	shalt  }
0x7a: {  	_ =	shalt  }
0x7b: {  	_ =	shalt  }
0x7c: {  	_ =	shalt  }
0x7d: {  	_ =	shalt  }
0x7e: {  	_ =	shalt  }
0x7f: {  	_ =	shalt  }
0x80: {  	_ =	shalt  }
0x81: {  	_ =	shalt  }
0x82: {  	_ =	shalt  }
0x83: {  	_ =	shalt  }
0x84: {  	_ =	shalt  }
0x85: {  	_ =	shalt  }
0x86: {  	_ =	shalt  }
0x87: {  	_ =	shalt  }
.Lfunc_end0:
.L_simem_size_0:
called_computation.1_lowered:
.L_overlay_start_0:
0x88: {  	s2 =	sld [smem:$0x3FD9]  }
0x89: {  	s3 =	sld [smem:$0x3FFE];
	_ =	sdelay $0x1  }
0x8a: {  	s1 =	srdreg.scid  }
0x8b: {  	s0 =	sand.u32 $0x1, s1  }
0x8c: {  	s16 =	sshll.u32 s0, $0xA;
	s2 =	sadd.s32 s3, s2  }
0x8d: {  	s2 =	sadd.s32 s2, s16  }
0x8e: {  	[smem:$0x3FBC] =	sst s2  }
0x8f: {  	_ = 	snop  }
0x90: {  	(tm) =	ssettm $0x1  }
0x91: {  	s17 =	sld [smem:$0x3FFB];
	_ =	sdelay $0x3  }
0x92: {  	_ =	strace s17  }
0x93: {  	s2 =	sld [smem:$0x3FFC];
	_ =	sdelay $0x3  }
0x94: {  	_ =	strace s2  }
0x95: {  	s2 =	sld [smem:$0x3FFD];
	_ =	sdelay $0x3  }
0x96: {  	_ =	strace s2  }
0x97: {  	_ =	strace $0x8FFFFFFF  }
0x98: {  	s18 =	sld [smem:$0x3FDB];
	_ =	sdelay $0x1  }
0x99: {  	s19 =	simm.s32 $_scs_section_size  }
0x9a: {  	s4 =	simm.s32 $_size__tile_overlayer_lowered;
	s5 =	simm.s32 $_tile_overlayer_lowered  }
0x9b: {  	s22 =	simm.s32 $0x1BFF;
	s21 =	sshll.u32 s5, $0x1;
	s2 =	sadd.s32 s19, s18  }
0x9c: {  	s6 =	simm.s32 $0x0;
	s20 =	sshll.u32 s4, $0x1;
	s4 =	sadd.s32 s21, s2  }
0x9d: {  	[timem:s6], [sflag:s22] =	dma.local [hbm:s4], s20  }
0x9e: {  	_ =	swait.ge [sflag:s22], s20  }
0x9f: {  	s3 =	ssub.s32 $0x0, s20;
	[sflag:s22] =	ssyncset.done $0x0  }
0xa0: {  	[sflag:s22] =	ssyncadd.s32 s3;
	_ =	sdelay $0x1  }
0xa1: {  	s23 =	simm.s32 $0x1B8B  }
0xa2: {  	_ =	swait.ge [sflag:s23], $0x1  }
0xa3: {  	[sflag:s23] =	ssyncset.done $0x0  }
0xa4: {  	s25 =	simm.s32 $0x1B8E;
	s24 =	sld [smem:$0x3FFE];
	[sflag:s23] =	ssyncadd.s32 $0xFFFFFFFF  }
0xa5: {  	s26 =	simm.s32 $execute0_lowered;
	[smem:$0x3FD2] =	sst s25  }
0xa6: {  	s4 =	sshll.u32 s26, $0x1;
	_ =	strace $0x80000049;
	[dreg:$0x1] =	wrdreg $0xFFFFFFFF  }
0xa7: {  	s28 =	simm.s32 $_size_execute0_lowered;
	s2 =	sadd.s32 s2, s4;
	[dreg:$0x0] =	wrdreg $0x0  }
0xa8: {  	s4 =	sshll.u32 s28, $0x1;
	[dreg:$0x2] =	wrdreg s2  }
0xa9: {  	[dreg:$0x3] =	wrdreg s4  }
0xaa: {  	[dreg:$0x4] =	wrdreg $0xC0  }
0xab: {  	_ =	task [dreg:s6], $0x5FFFF  }
0xac: {  	[dreg:$0x1] =	wrdreg $0xFFFFFFFF  }
0xad: {  	[dreg:$0x0] =	wrdreg $0x60  }
0xae: {  	[dreg:$0x2] =	wrdreg s24  }
0xaf: {  	[dreg:$0x3] =	wrdreg $0x82000  }
0xb0: {  	[dreg:$0x4] =	wrdreg $0x9  }
0xb1: {  	_ =	task.clear_ibuf [dreg:s6], $0x5FFFF;
	_ =	strace $0x90000049  }
0xb2: {  	s29 =	simm.s32 $0x9;
	_ =	strace $0x8000004B  }
0xb3: {  	_ =	swait.ge [sflag:s29], $0x1  }
0xb4: {  	[sflag:s29] =	ssyncadd.s32 $0xFFFFFFFF  }
0xb5: {  	_ =	strace $0x9000004B  }
0xb6: {  	_ =	sfence  }
0xb7: {  	s30 =	sld [smem:$0x0];
	_ =	sdelay $0x2  }
0xb8: {  	s31 =	sshll.u32 s1, $0xD;
	s1 =	sshrl.u32 s1, $0x2  }
0xb9: {  	s3 =	sand.u32 $0x4000, s31;
	s1 =	sadd.s32 s1, s30  }
0xba: {  	s0 =	sor.u32 s3, s0;
	s1 =	sshll.u32 s1, $0x11  }
0xbb: {  	s0 =	sor.u32 s1, s0  }
0xbc: {  	s0 =	sadd.s32 $0x8F2B, s0  }
0xbd: {  	[sflag:s0] =	ssyncadd.remote.s32 $0x1  }
0xbe: {  	_ =	sfence.sel $0xFFFF  }
0xbf: {  	[dreg:$0x0] =	wrdreg $0xFFFFFFFF;
	(pc) =	sbr.abs _section_cstart, $3  }
0xc0: {  	[dreg:$0x1] =	wrdreg $0xFFFFFFFF  }
0xc1: {  	_ =	task.clear_ibuf [dreg:s6], $0x2FFFF;
	_ =	strace $0x9FFFFFFF  }
0xc2: {  	(tm) =	ssettm $0x7FFFFFFF  }
0xc3: {  	_ =	shalt  }
tec
execute0_lowered:
.L_overlay_start_1:
0x0: {  	(tag) =	ssettag $0x1  }
0x1: {  	s0 =	rddreg [dreg:$0x0]  }
0x2: {  	s1 =	rddreg [dreg:$0x1];
	s3 =	simm.s32 $0x0;
	s12 =	stileid.u32  }
0x3: {  	s2 =	srdreg.scid;
	s29 =	simm.s32 $0x180;
	s30 =	simm.s32 $0x6  }
0x4: {  	s31 =	simm.s32 $0x4200;
	[smem:$0x7FF] =	sst s3;
	s4 =	sadd.s32 $0x16800, s0  }
0x5: {  	s7 =	smul.u32 $0x4E000, s12;
	s5 =	sadd.s32 $0xCA00, s0;
	s6 =	sadd.s32 $0x2C00, s0  }
0x6: {  	s2 =	sand.u32 $0x1, s2;
	s11 =	smul.u32 $0x13800, s12;
	s0 =	sadd.s32 $0x3DA00, s0  }
0x7: {  	s16 =	sshll.u32 s12, $0x7;
	p0 =	sne.s32 s12, $0xF;
	p1 =	sgt.u32 s12, $0x1  }
0x8: {  	_ =	strace $0x8000004A;
	s8 =	ssub.s32 $0x2, s2;
	s7 =	sshrl.u32 s7, $0x2  }
0x9: {  	s10 =	smul.u32 $0x138800, s2;
	s9 =	sshrl.u32 s8, $0x1;
	s7 =	sadd.s32 s7, s1  }
0xa: {  	s2 =	smul.u32 $0x27100, s2;
	s8 =	ssub.s32 s8, s9;
	s14 =	sadd.s32 $0x10000, s7  }
0xb: {  	s9 =	sadd.s32 $0x138000, s1;
	s8 =	smax.u32 s8, $0x1;
	[dreg:$0x4] =	wrdreg s14  }
0xc: {  	s11 =	sadd.s32 s11, s10;
	s17 =	sadd.s32 $0x4000, s7;
	[dreg:$0x7] =	wrdreg s8  }
0xd: {  	s10 =	sshrl.u32 s10, $0x3;
	s18 =	sadd.s32 $0x8000, s7;
	[dreg:$0x8] =	wrdreg s17  }
0xe: {  	s11 =	sshrl.u32 s11, $0x3;
	s19 =	sadd.s32 $0xC000, s7;
	[dreg:$0x9] =	wrdreg s18  }
0xf: {  	s10 =	sadd.s32 s0, s10;
	s0 =	sadd.s32 s0, s11;
	[dreg:$0xa] =	wrdreg s19  }
0x10: {  	s15 =	sadd.s32 $0x27000, s10;
	s8 =	simm.s32 $0x3;
	[dreg:$0x5] =	wrdreg s0  }
0x11: {  	s10 =	simm.s32 $0x4;
	[dreg:$0x6] =	wrdreg s15;
	s0 =	sadd.s32 s2, s16  }
0x12: {  	s20 =	sshrl.u32 s0, $0x3;
	s22 =	sadd.s32 $0x800, s0;
	s23 =	sadd.s32 $0x1800, s0  }
0x13: {  	s21 =	sadd.s32 s5, s20;
	s2 =	sadd.s32 s6, s20;
	s24 =	sshrl.u32 s22, $0x3  }
0x14: {  	s25 =	sshrl.u32 s23, $0x3;
	s20 =	sadd.s32 $0x1000, s0;
	s22 =	sor.u32 $0x30, s12  }
0x15: {  	s23 =	simm.s32 $0x200;
	s0 =	simm.s32 $0x1;
	[dreg:$0xb] =	wrdreg s21  }
0x16: {  	[dreg:$0xc] =	wrdreg s2;
	s26 =	sadd.s32 s5, s24;
	s2 =	sadd.s32 s6, s24  }
0x17: {  	s28 =	sadd.s32 s25, s5;
	s21 =	sadd.s32 s25, s6;
	[dreg:$0xd] =	wrdreg s26  }
0x18: {  	s24 =	simm.s32 $0x7;
	s25 =	simm.s32 $0x80;
	[dreg:$0xe] =	wrdreg s2  }
0x19: {  	v0 =	vimm.f32 $0.0e+00;
	[dreg:$0x3] =	wrdreg s28;
	s26 =	simm.s32 $0x5;
	s2 =	simm.s32 $0x2  }
.LBB2_1:
0x1a: {  	s11 =	simm.s32 $0x0;
	s12 =	simm.s32 $0x200  }
.LBB2_2:
0x1b: {  	p2 =	sne.s32 s12, $0xFE00;
	[tilespmem:s11+$0x270] =	vst v0  }
0x1c: {  	[tilespmem:s11+$0x200] =	vst v0  }
0x1d: {  	[tilespmem:s11+$0x210] =	vst v0  }
.Ltmp0:
0x1e: {  	[tilespmem:s11+$0x220] =	vst v0;
	(pc) =	sbr.rel @p2 .LBB2_2-.Ltmp0, $4  }
0x1f: {  	[tilespmem:s11+$0x230] =	vst v0  }
0x20: {  	[tilespmem:s11+$0x240] =	vst v0  }
0x21: {  	[tilespmem:s11+$0x250] =	vst v0  }
0x22: {  	[tilespmem:s11+$0x260] =	vst v0;
	s11 =	sshra.s32 s12, $0x2;
	s12 =	sadd.s32 $0x200, s12  }
0x23: {  	[tilespmem:s11+$0x270] =	vst v0  }
0x24: {  	[tilespmem:s11+$0x200] =	vst v0  }
0x25: {  	[tilespmem:s11+$0x210] =	vst v0  }
0x26: {  	[tilespmem:s11+$0x220] =	vst v0  }
0x27: {  	[tilespmem:s11+$0x230] =	vst v0  }
0x28: {  	[tilespmem:s11+$0x240] =	vst v0  }
0x29: {  	[tilespmem:s11+$0x250] =	vst v0  }
0x2a: {  	[tilespmem:s11+$0x260] =	vst v0  }
0x2b: {  	[spmem:s7] =	stream.linear.scatter [tilespmem:s23], [sflag:$0x7], $0x4000, $0x38;
	[tilespmem:$0x1BAC0] =	vst v63  }
0x2c: {  	_ =	swait.ge [sflag:s24], $0x4000  }
0x2d: {  	[sflag:s24] =	ssyncset.done $0x0  }
0x2e: {  	s12 =	rddreg [dreg:$0x8];
	[sflag:s24] =	ssyncadd.s32 $0xFFFFC000  }
0x2f: {  	[spmem:s12] =	stream.linear.scatter [tilespmem:s23], [sflag:$0x7], $0x4000, $0x38;
	[tilespmem:$0x1BAC0] =	vst v63  }
0x30: {  	_ =	swait.ge [sflag:s24], $0x4000  }
0x31: {  	[sflag:s24] =	ssyncset.done $0x0  }
0x32: {  	s13 =	rddreg [dreg:$0x9];
	[sflag:s24] =	ssyncadd.s32 $0xFFFFC000  }
0x33: {  	[spmem:s13] =	stream.linear.scatter [tilespmem:s23], [sflag:$0x7], $0x4000, $0x38;
	[tilespmem:$0x1BAC0] =	vst v63  }
0x34: {  	_ =	swait.ge [sflag:s24], $0x4000  }
0x35: {  	[sflag:s24] =	ssyncset.done $0x0  }
0x36: {  	s14 =	rddreg [dreg:$0xa];
	[sflag:s24] =	ssyncadd.s32 $0xFFFFC000  }
0x37: {  	[spmem:s14] =	stream.linear.scatter [tilespmem:s23], [sflag:$0x7], $0x4000, $0x38;
	[tilespmem:$0x1BAC0] =	vst v63  }
0x38: {  	_ =	swait.ge [sflag:s24], $0x4000  }
0x39: {  	[sflag:s24] =	ssyncset.done $0x0  }
0x3a: {  	s15 =	rddreg [dreg:$0x4];
	[sflag:s24] =	ssyncadd.s32 $0xFFFFC000  }
0x3b: {  	[spmem:s15] =	stream.linear.scatter [tilespmem:s23], [sflag:$0x7], $0x3800, $0x38;
	[tilespmem:$0x1BAC0] =	vst v63  }
0x3c: {  	_ =	swait.ge [sflag:s24], $0x3800  }
0x3d: {  	[sflag:s24] =	ssyncset.done $0x0  }
0x3e: {  	s11 =	simm.s32 @!p0 $0x200;
	[sflag:s24] =	ssyncadd.s32 $0xFFFFC800  }
0x3f: {  	[spmem:s9] =	stream.linear.scatter @!p0 [tilespmem:s11], [sflag:$0x7], $0xC00, $0x38;
	[tilespmem:$0x1BAC0] =	vst v63  }
0x40: {  	s11 =	simm.s32 @!p0 $0x7  }
0x41: {  	_ =	swait.ge @!p0 [sflag:s11], $0xC00  }
0x42: {  	[sflag:s11] =	ssyncset.done @!p0 $0x0  }
0x43: {  	[sflag:s11] =	ssyncadd.s32 @!p0 $0xFFFFF400  }
0x44: {  	[bflag:$0x0] =	sbarrier.arrive $0xFFFF  }
0x45: {  	s16 =	simm.s32 $0x0;
	s12 =	rddreg [dreg:$0xb]  }
0x46: {  	[tilespmem:s16], [sflag:$0x5] =	stream.linear.gather [hbm4b:s12+s16], $0x80, $0x38;
	[tilespmem:$0x1BAC0] =	vst v63  }
0x47: {  	s17 =	rddreg [dreg:$0xc]  }
0x48: {  	[tilespmem:s25], [sflag:$0x5] =	stream.linear.gather [hbm4b:s17+s16], $0x80, $0x38;
	[tilespmem:$0x1BAC0] =	vst v63  }
0x49: {  	_ =	swait.ge [sflag:s26], $0x80  }
0x4a: {  	[sflag:s26] =	ssyncset.done $0x0  }
0x4b: {  	[sflag:s26] =	ssyncadd.s32 $0xFFFFFF80  }
0x4c: {  	_ =	swait.ge [sflag:s26], $0x80  }
0x4d: {  	[sflag:s26] =	ssyncset.done $0x0  }
0x4e: {  	[sflag:s26] =	ssyncadd.s32 $0xFFFFFF80  }
0x4f: {  	[tilespmem:s23], [sflag:$0x1] =	stream.indirect.gather [hbm4b:s4+s25], $0x80, s16, s25, $0xb8;
	[tilespmem:$0x1BAC0] =	vst v63  }
0x50: {  	s13 =	simm.s32 $0x100;
	s18 =	rddreg [dreg:$0xd]  }
0x51: {  	[tilespmem:s13], [sflag:$0x6] =	stream.linear.gather [hbm4b:s18+s16], $0x80, $0x38;
	[tilespmem:$0x1BAC0] =	vst v63  }
0x52: {  	s19 =	rddreg [dreg:$0xe]  }
0x53: {  	[tilespmem:s29], [sflag:$0x6] =	stream.linear.gather [hbm4b:s19+s16], $0x80, $0x38;
	[tilespmem:$0x1BAC0] =	vst v63  }
0x54: {  	_ =	swait.ge [sflag:s30], $0x80  }
0x55: {  	[sflag:s30] =	ssyncset.done $0x0  }
0x56: {  	[sflag:s30] =	ssyncadd.s32 $0xFFFFFF80  }
0x57: {  	_ =	swait.ge [sflag:s30], $0x80  }
0x58: {  	[sflag:s30] =	ssyncset.done $0x0  }
0x59: {  	[sflag:s30] =	ssyncadd.s32 $0xFFFFFF80  }
0x5a: {  	[tilespmem:s31], [sflag:$0x2] =	stream.indirect.gather [hbm4b:s4+s25], $0x80, s13, s25, $0xb8;
	[tilespmem:$0x1BAC0] =	vst v63  }
0x5b: {  	_ =	swait.ge [sflag:s0], $0x4000  }
0x5c: {  	[sflag:s0] =	ssyncset.done $0x0  }
0x5d: {  	[sflag:s0] =	ssyncadd.s32 $0xFFFFC000  }
0x5e: {  	[spmem:s1] =	stream.indirect.scatter.add.f32 [tilespmem:s23], [sflag:$0x3], $0x80, s25, s25, $0xb8;
	[tilespmem:$0x1BAC0] =	vst v63  }
0x5f: {  	_ =	swait.ge [sflag:s2], $0x4000  }
0x60: {  	[sflag:s2] =	ssyncset.done $0x0  }
0x61: {  	s28 =	sadd.s32 $0xFFFFFFF0, s22;
	[sflag:s2] =	ssyncadd.s32 $0xFFFFC000  }
0x62: {  	[spmem:s1] =	stream.indirect.scatter.add.f32 [tilespmem:s31], [sflag:$0x4], $0x80, s29, s25, $0xb8;
	[tilespmem:$0x1BAC0] =	vst v63  }
0x63: {  	p2 =	sgt.u32 s28, $0x4E1;
	_ =	swait.ge [sflag:s8], $0x4000  }
0x64: {  	s11 =	sshrl.u32 @!p2 s20, $0x3;
	[sflag:s8] =	ssyncset.done $0x0  }
0x65: {  	s12 =	sadd.s32 @!p2 s5, s11;
	s13 =	simm.s32 @!p2 $0x0;
	[sflag:s8] =	ssyncadd.s32 $0xFFFFC000  }
0x66: {  	[tilespmem:s13], [sflag:$0x5] =	stream.linear.gather @!p2 [hbm4b:s12+s13], $0x80, $0x38;
	[tilespmem:$0x1BAC0] =	vst v63  }
0x67: {  	s14 =	simm.s32 @!p2 $0x80;
	s11 =	sadd.s32 @!p2 s6, s11;
	s12 =	simm.s32 @!p2 $0x5  }
0x68: {  	[tilespmem:s14], [sflag:$0x5] =	stream.linear.gather @!p2 [hbm4b:s11+s13], $0x80, $0x38;
	[tilespmem:$0x1BAC0] =	vst v63  }
0x69: {  	_ =	swait.ge @!p2 [sflag:s12], $0x80  }
0x6a: {  	[sflag:s12] =	ssyncset.done @!p2 $0x0  }
0x6b: {  	[sflag:s12] =	ssyncadd.s32 @!p2 $0xFFFFFF80  }
0x6c: {  	_ =	swait.ge @!p2 [sflag:s12], $0x80  }
0x6d: {  	[sflag:s12] =	ssyncset.done @!p2 $0x0  }
0x6e: {  	s16 =	simm.s32 @!p2 $0x200;
	[sflag:s12] =	ssyncadd.s32 @!p2 $0xFFFFFF80  }
0x6f: {  	[tilespmem:s16], [sflag:$0x1] =	stream.indirect.gather @!p2 [hbm4b:s4+s14], $0x80, s13, s14, $0xb8;
	[tilespmem:$0x1BAC0] =	vst v63  }
0x70: {  	p3 =	sgt.u32 s22, $0x4E1;
	_ =	swait.ge [sflag:s10], $0x4000  }
0x71: {  	s12 =	simm.s32 @!p3 $0x0;
	s11 =	rddreg [dreg:$0x3];
	[sflag:s10] =	ssyncset.done $0x0  }
0x72: {  	s13 =	simm.s32 @!p3 $0x100;
	[sflag:s10] =	ssyncadd.s32 $0xFFFFC000;
	s11 =	sadd.s32 @!p3 $0x0, s11  }
0x73: {  	[tilespmem:s13], [sflag:$0x6] =	stream.linear.gather @!p3 [hbm4b:s11+s12], $0x80, $0x38;
	[tilespmem:$0x1BAC0] =	vst v63  }
0x74: {  	s15 =	simm.s32 @!p3 $0x180;
	s17 =	simm.s32 @!p3 $0x6;
	s11 =	sadd.s32 @!p3 $0x0, s21  }
0x75: {  	[tilespmem:s15], [sflag:$0x6] =	stream.linear.gather @!p3 [hbm4b:s11+s12], $0x80, $0x38;
	[tilespmem:$0x1BAC0] =	vst v63  }
0x76: {  	_ =	swait.ge @!p3 [sflag:s17], $0x80  }
0x77: {  	[sflag:s17] =	ssyncset.done @!p3 $0x0  }
0x78: {  	[sflag:s17] =	ssyncadd.s32 @!p3 $0xFFFFFF80  }
0x79: {  	_ =	swait.ge @!p3 [sflag:s17], $0x80  }
0x7a: {  	s11 =	simm.s32 @!p3 $0x80;
	[sflag:s17] =	ssyncset.done @!p3 $0x0  }
0x7b: {  	s12 =	simm.s32 @!p3 $0x4200;
	s15 =	simm.s32 @!p2 $0x1;
	[sflag:s17] =	ssyncadd.s32 @!p3 $0xFFFFFF80  }
0x7c: {  	[tilespmem:s12], [sflag:$0x2] =	stream.indirect.gather @!p3 [hbm4b:s4+s11], $0x80, s13, s11, $0xb8;
	[tilespmem:$0x1BAC0] =	vst v63  }
0x7d: {  	p3 =	sgt.u32 @!p2 s22, $0x4E1;
	_ =	swait.ge @!p2 [sflag:s15], $0x4000  }
0x7e: {  	s11 =	simm.s32 $0x200;
	p4 =	por p3, p2;
	[sflag:s15] =	ssyncset.done @!p2 $0x0  }
0x7f: {  	s12 =	sadd.s32 $0x1000, s20;
	[sflag:s15] =	ssyncadd.s32 @!p2 $0xFFFFC000;
	s15 =	simm.s32 @!p4 $0x2  }
0x80: {  	[spmem:s1] =	stream.indirect.scatter.add.f32 @!p2 [tilespmem:s16], [sflag:$0x3], $0x80, s14, s14, $0xb8;
	[tilespmem:$0x1BAC0] =	vst v63  }
0x81: {  	s13 =	sadd.s32 $0x20, s22;
	s17 =	simm.s32 @!p4 $0x180;
	_ =	swait.ge @!p4 [sflag:s15], $0x4000  }
0x82: {  	s14 =	simm.s32 @!p4 $0x4200;
	s16 =	simm.s32 @!p4 $0x80;
	[sflag:s15] =	ssyncset.done @!p4 $0x0  }
.LBB2_4:
0x83: {  	s18 =	sadd.s32 $0xFFFFFFF0, s13;
	[sflag:s15] =	ssyncadd.s32 @!p4 $0xFFFFC000  }
0x84: {  	[spmem:s1] =	stream.indirect.scatter.add.f32 @!p4 [tilespmem:s14], [sflag:$0x4], $0x80, s17, s16, $0xb8;
	[tilespmem:$0x1BAC0] =	vst v63  }
0x85: {  	p3 =	sgt.u32 s18, $0x4E1;
	_ =	swait.ge [sflag:s8], $0x4000  }
0x86: {  	s14 =	sshrl.u32 @!p3 s12, $0x3;
	[sflag:s8] =	ssyncset.done $0x0  }
0x87: {  	s17 =	simm.s32 @!p3 $0x0;
	s16 =	sadd.s32 @!p3 s5, s14;
	[sflag:s8] =	ssyncadd.s32 $0xFFFFC000  }
0x88: {  	[tilespmem:s17], [sflag:$0x5] =	stream.linear.gather @!p3 [hbm4b:s16+s17], $0x80, $0x38;
	[tilespmem:$0x1BAC0] =	vst v63  }
0x89: {  	s18 =	simm.s32 @!p3 $0x5;
	s16 =	sadd.s32 @!p3 s6, s14;
	s14 =	simm.s32 @!p3 $0x80  }
0x8a: {  	[tilespmem:s14], [sflag:$0x5] =	stream.linear.gather @!p3 [hbm4b:s16+s17], $0x80, $0x38;
	[tilespmem:$0x1BAC0] =	vst v63  }
0x8b: {  	_ =	swait.ge @!p3 [sflag:s18], $0x80  }
0x8c: {  	[sflag:s18] =	ssyncset.done @!p3 $0x0  }
0x8d: {  	[sflag:s18] =	ssyncadd.s32 @!p3 $0xFFFFFF80  }
0x8e: {  	_ =	swait.ge @!p3 [sflag:s18], $0x80  }
0x8f: {  	[sflag:s18] =	ssyncset.done @!p3 $0x0  }
0x90: {  	s16 =	simm.s32 @!p3 $0x200;
	[sflag:s18] =	ssyncadd.s32 @!p3 $0xFFFFFF80  }
0x91: {  	[tilespmem:s16], [sflag:$0x1] =	stream.indirect.gather @!p3 [hbm4b:s4+s14], $0x80, s17, s14, $0xb8;
	[tilespmem:$0x1BAC0] =	vst v63  }
0x92: {  	s15 =	smov.u32 s11;
	p5 =	sgt.u32 s13, $0x4E1;
	_ =	swait.ge [sflag:s10], $0x4000  }
0x93: {  	s19 =	simm.s32 @!p5 $0x100;
	s17 =	rddreg [dreg:$0x3];
	[sflag:s10] =	ssyncset.done $0x0  }
0x94: {  	s18 =	simm.s32 @!p5 $0x0;
	[sflag:s10] =	ssyncadd.s32 $0xFFFFC000;
	s17 =	sadd.s32 @!p5 s15, s17  }
0x95: {  	[tilespmem:s19], [sflag:$0x6] =	stream.linear.gather @!p5 [hbm4b:s17+s18], $0x80, $0x38;
	[tilespmem:$0x1BAC0] =	vst v63  }
0x96: {  	s28 =	simm.s32 @!p5 $0x180;
	s15 =	sadd.s32 @!p5 s15, s21;
	s17 =	simm.s32 @!p5 $0x6  }
0x97: {  	[tilespmem:s28], [sflag:$0x6] =	stream.linear.gather @!p5 [hbm4b:s15+s18], $0x80, $0x38;
	[tilespmem:$0x1BAC0] =	vst v63  }
0x98: {  	_ =	swait.ge @!p5 [sflag:s17], $0x80  }
0x99: {  	[sflag:s17] =	ssyncset.done @!p5 $0x0  }
0x9a: {  	[sflag:s17] =	ssyncadd.s32 @!p5 $0xFFFFFF80  }
0x9b: {  	_ =	swait.ge @!p5 [sflag:s17], $0x80  }
0x9c: {  	s11 =	sadd.s32 $0x200, s11;
	s15 =	simm.s32 @!p5 $0x80;
	[sflag:s17] =	ssyncset.done @!p5 $0x0  }
0x9d: {  	s18 =	simm.s32 @!p5 $0x4200;
	[sflag:s17] =	ssyncadd.s32 @!p5 $0xFFFFFF80;
	s17 =	simm.s32 @!p3 $0x1  }
0x9e: {  	[tilespmem:s18], [sflag:$0x2] =	stream.indirect.gather @!p5 [hbm4b:s4+s15], $0x80, s19, s15, $0xb8;
	[tilespmem:$0x1BAC0] =	vst v63  }
0x9f: {  	p2 =	sne.s32 s11, $0x4E00;
	p4 =	sgt.u32 @!p3 s13, $0x4E1;
	_ =	swait.ge @!p3 [sflag:s17], $0x4000  }
.Ltmp1:
0xa0: {  	p4 =	por p4, p3;
	[sflag:s17] =	ssyncset.done @!p3 $0x0;
	(pc) =	sbr.rel @p2 .LBB2_4-.Ltmp1, $4  }
0xa1: {  	s12 =	sadd.s32 $0x1000, s12;
	s15 =	simm.s32 @!p4 $0x2;
	[sflag:s17] =	ssyncadd.s32 @!p3 $0xFFFFC000  }
0xa2: {  	[spmem:s1] =	stream.indirect.scatter.add.f32 @!p3 [tilespmem:s16], [sflag:$0x3], $0x80, s14, s14, $0xb8;
	[tilespmem:$0x1BAC0] =	vst v63  }
0xa3: {  	s13 =	sadd.s32 $0x20, s13;
	s17 =	simm.s32 @!p4 $0x180;
	_ =	swait.ge @!p4 [sflag:s15], $0x4000  }
0xa4: {  	s14 =	simm.s32 @!p4 $0x4200;
	s16 =	simm.s32 @!p4 $0x80;
	[sflag:s15] =	ssyncset.done @!p4 $0x0  }
0xa5: {  	[sflag:s15] =	ssyncadd.s32 @!p4 $0xFFFFC000;
	s11 =	simm.s32 @!p1 $0x3  }
0xa6: {  	[spmem:s1] =	stream.indirect.scatter.add.f32 @!p4 [tilespmem:s14], [sflag:$0x4], $0x80, s17, s16, $0xb8;
	[tilespmem:$0x1BAC0] =	vst v63  }
0xa7: {  	_ =	swait.ge @!p1 [sflag:s11], $0x4000  }
0xa8: {  	[sflag:s11] =	ssyncset.done @!p1 $0x0  }
0xa9: {  	s19 =	stileid.u32;
	[sflag:s11] =	ssyncadd.s32 @!p1 $0xFFFFC000  }
0xaa: {  	s11 =	sshll.u32 s19, $0x6;
	[bflag:$0x0] =	sbarrier.arrive $0xFFFF  }
0xab: {  	s12 =	sshrl.u32 s7, $0x3;
	s11 =	sor.u32 $0x1C07, s11;
	s13 =	rddreg [dreg:$0x5]  }
0xac: {  	[hbm:s13], [sflag:s11] =	dma.local [spmem:s12], $0x2700  }
0xad: {  	_ =	swait.ge [sflag:s24], $0x2700  }
0xae: {  	[sflag:s24] =	ssyncset.done $0x0  }
0xaf: {  	s12 =	sshrl.u32 @!p0 s9, $0x3;
	s13 =	rddreg [dreg:$0x6];
	[sflag:s24] =	ssyncadd.s32 $0xFFFFD900  }
0xb0: {  	[hbm:s13], [sflag:s11] =	dma.local @!p0 [spmem:s12], $0x100  }
0xb1: {  	s11 =	simm.s32 @!p0 $0x7  }
0xb2: {  	_ =	swait.ge @!p0 [sflag:s11], $0x100  }
0xb3: {  	s3 =	sadd.s32 $0x1, s3;
	s28 =	rddreg [dreg:$0x7]  }
0xb4: {  	p2 =	sne.s32 s3, s28  }
.Ltmp2:
0xb5: {  	_ = 	snop;
	(pc) =	sbr.rel @p2 .LBB2_1-.Ltmp2, $3  }
0xb6: {  	_ =	sdelay $0x1  }
0xb7: {  	[sflag:s11] =	ssyncset.done @!p0 $0x0  }
0xb8: {  	[sflag:s11] =	ssyncadd.s32 @!p0 $0xFFFFFF00  }
0xb9: {  	_ =	sfence.sel $0x180000  }
0xba: {  	[bflag:$0x0] =	sbarrier.arrive $0xFFFF  }
0xbb: {  	_ =	strace $0x9000004A  }
0xbc: {  	s0 =	stileid.u32;
	[bflag:$0x2] =	sbarrier.arrive $0xFFFF  }
0xbd: {  	p0 =	sne.s32 s0, $0x0;
	s0 =	rddreg [dreg:$0x2]  }
0xbe: {  	s0 =	sadd.s32 @!p0 $0x100000, s0  }
0xbf: {  	[sflag:s0] =	ssyncadd.tile.s32 @!p0 $0x1;
	_ =	shalt  }
.Lfunc_end2:
_tile_overlayer_lowered:
.L_overlay_start_2:
0xc0: {  	(tag) =	ssettag $0x2  }
0xc1: {  	s0 =	rddreg [dreg:$0x0];
	s2 =	stileid.u32  }
0xc2: {  	s1 =	rddreg [dreg:$0x1];
	p0 =	sne.s32 s2, $0x0  }
0xc3: {  	s3 =	rddreg [dreg:$0x2];
	[bflag:$0x3] =	sbarrier.arrive $0xFFFF;
	s2 =	simm.s32 @!p0 $0x1C07  }
0xc4: {  	[timem:s3], [sflag:s2] =	dma.local @!p0 [hbm:s0], s1  }
0xc5: {  	s0 =	simm.s32 @!p0 $0x7  }
0xc6: {  	_ =	swait.ge @!p0 [sflag:s0], s1  }
0xc7: {  	s1 =	ssub.s32 @!p0 $0x0, s1;
	[sflag:s0] =	ssyncset.done @!p0 $0x0  }
0xc8: {  	[sflag:s0] =	ssyncadd.s32 @!p0 s1  }
0xc9: {  	[bflag:$0x3] =	sbarrier.arrive $0xFFFF  }
0xca: {  	_ =	shalt  }

// kernel: kernel.20.cloned.1.call-start
scs
__scs_entry_jumppad:
0x0: {  	(pc) =	sbr.rel $0x88, $3  }
0x1: {  	(tag) =	ssettag $0x0;
	lr =	simm.s32 $0x1  }
0x2: {  	[smem:$0x3F95] =	sst lr;
	_ =	strace $0xD0000000  }
0x3: {  	_ = 	snop  }
0x4: {  	_ = 	snop  }
0x5: {  	_ = 	snop  }
0x6: {  	_ = 	snop  }
0x7: {  	_ = 	snop  }
__scs_overlays_trampoline_lowered:
0x8: {  	[smem:$0x3FA4] =	sst s0  }
0x9: {  	[smem:$0x3FA5] =	sst s1  }
0xa: {  	[smem:$0x3FA6] =	sst s2  }
0xb: {  	[smem:$0x3FA7] =	sst s3  }
0xc: {  	[smem:$0x3FA8] =	sst s4  }
0xd: {  	[smem:$0x3FA9] =	sst s5  }
0xe: {  	[smem:$0x3FAA] =	sst s6  }
0xf: {  	[smem:$0x3FAB] =	sst s7  }
0x10: {  	[smem:$0x3FAC] =	sst s8  }
0x11: {  	[smem:$0x3FAD] =	sst s9;
	s0 =	simm.s32 @!p0 $0x0  }
0x12: {  	s1 =	sld [smem:$0x3F93];
	s0 =	simm.s32 @p0 $0x1  }
0x13: {  	[smem:$0x3FAE] =	sst s0;
	s0 =	simm.s32 @!p1 $0x0  }
0x14: {  	s2 =	sld [smem:$0x3F92];
	s0 =	simm.s32 @p1 $0x1  }
0x15: {  	[smem:$0x3FAF] =	sst s0;
	s0 =	simm.s32 @!p2 $0x0  }
0x16: {  	s3 =	sld [smem:$0x3FDB];
	s0 =	simm.s32 @p2 $0x1  }
0x17: {  	s4 =	simm.s32 $0x1BF5;
	[smem:$0x3FB1] =	sst s0  }
0x18: {  	s0 =	sld [smem:$0x3F94];
	_ =	swait.ge [sflag:s4], $0x0  }
0x19: {  	s7 =	sld [smem:$0x3F95]  }
0x1a: {  	s8 =	sadd.s32 $0xFFFFE003, lr  }
0x1b: {  	s9 =	sadd.s32 $0xFFFFFEF7, lr;
	s5 =	simm.s32 $0xFFFFFFFF;
	p2 =	slt.u32 s8, $0xFFFFF086  }
0x1c: {  	p1 =	slt.u32 s9, $0xF7A;
	s5 =	simm.s32 @!p2 $0x0  }
0x1d: {  	s5 =	simm.s32 @p1 $0x1;
	p0 =	seq.s32 s7, s2  }
0x1e: {  	s7 =	smul.u32 @!p0 $0xF7A, s2;
	p2 =	seq.s32 @!p0 s5, $0x0  }
0x1f: {  	s9 =	smul.u32 $0xF7A, s1;
	s8 =	simm.s32 @!p0 $0x1BF5;
	p2 =	por !p2, p0  }
0x20: {  	[sflag:s8] =	ssyncset.s32 @!p0 $0xFFFFF086;
	s6 =	sadd.s32 @!p0 s3, s7;
	s7 =	simm.s32 @!p0 $0x108  }
0x21: {  	s3 =	sadd.s32 s3, s9;
	s6 =	sadd.s32 @!p0 $0x88, s6;
	s7 =	simm.s32 @p2 $0x1082  }
0x22: {  	[simem:s7], [sflag:s8] =	dma.local @!p0 [hbm:s6], $0xF7A  }
0x23: {  	s9 =	sor.u32 $0xD0000000, s2;
	s6 =	simm.s32 $0x108;
	_ =	swait.ge @!p0 [sflag:s8], $0x0  }
0x24: {  	s3 =	sadd.s32 $0x88, s3;
	s6 =	simm.s32 @!p1 $0x1082;
	[sflag:s4] =	ssyncset.s32 $0xFFFFF086  }
0x25: {  	[simem:s6], [sflag:s4] =	dma.local [hbm:s3], $0xF7A  }
0x26: {  	[smem:$0x3F95] =	sst s1;
	(tag) =	ssettag s2;
	_ =	strace s9  }
0x27: {  	s1 =	sld [smem:$0x3FA5]  }
0x28: {  	s2 =	sld [smem:$0x3FA6]  }
0x29: {  	s4 =	sld [smem:$0x3FA8]  }
0x2a: {  	p0 =	seq.s32 s5, $0x0;
	s5 =	sld [smem:$0x3FA9]  }
0x2b: {  	s6 =	sld [smem:$0x3FAA]  }
0x2c: {  	s7 =	sld [smem:$0x3FAB]  }
0x2d: {  	s3 =	simm.s32 $0x108;
	s8 =	sld [smem:$0x3FAC]  }
0x2e: {  	s3 =	simm.s32 @!p0 $0x1082;
	s9 =	sld [smem:$0x3FAD]  }
0x2f: {  	lr =	sadd.s32 s0, s3;
	s0 =	sld [smem:$0x3FA4]  }
0x30: {  	s3 =	sld [smem:$0x3FA7]  }
0x31: {  	[smem:$0x3FB0] =	sst s10  }
0x32: {  	s10 =	sld [smem:$0x3FAE];
	_ =	sdelay $0x3  }
0x33: {  	p0 =	seq.s32 s10, $0x1;
	s10 =	sld [smem:$0x3FB0];
	_ =	sdelay $0x3  }
0x34: {  	[smem:$0x3FB0] =	sst s10  }
0x35: {  	s10 =	sld [smem:$0x3FAF];
	_ =	sdelay $0x3  }
0x36: {  	p1 =	seq.s32 s10, $0x1;
	s10 =	sld [smem:$0x3FB0];
	_ =	sdelay $0x3  }
0x37: {  	[smem:$0x3FB0] =	sst s10  }
0x38: {  	s10 =	sld [smem:$0x3FB1]  }
0x39: {  	_ = 	snop;
	(pc) =	sbr.ind lr, $3  }
0x3a: {  	_ = 	snop  }
0x3b: {  	_ = 	snop  }
0x3c: {  	p2 =	seq.s32 s10, $0x1;
	s10 =	sld [smem:$0x3FB0]  }
0x3d: {  	_ =	shalt  }
0x3e: {  	_ =	shalt  }
0x3f: {  	_ =	shalt  }
0x40: {  	_ =	shalt  }
0x41: {  	_ =	shalt  }
0x42: {  	_ =	shalt  }
0x43: {  	_ =	shalt  }
0x44: {  	_ =	shalt  }
0x45: {  	_ =	shalt  }
0x46: {  	_ =	shalt  }
0x47: {  	_ =	shalt  }
0x48: {  	_ =	shalt  }
0x49: {  	_ =	shalt  }
0x4a: {  	_ =	shalt  }
0x4b: {  	_ =	shalt  }
0x4c: {  	_ =	shalt  }
0x4d: {  	_ =	shalt  }
0x4e: {  	_ =	shalt  }
0x4f: {  	_ =	shalt  }
0x50: {  	_ =	shalt  }
0x51: {  	_ =	shalt  }
0x52: {  	_ =	shalt  }
0x53: {  	_ =	shalt  }
0x54: {  	_ =	shalt  }
0x55: {  	_ =	shalt  }
0x56: {  	_ =	shalt  }
0x57: {  	_ =	shalt  }
0x58: {  	_ =	shalt  }
0x59: {  	_ =	shalt  }
0x5a: {  	_ =	shalt  }
0x5b: {  	_ =	shalt  }
0x5c: {  	_ =	shalt  }
0x5d: {  	_ =	shalt  }
0x5e: {  	_ =	shalt  }
0x5f: {  	_ =	shalt  }
0x60: {  	_ =	shalt  }
0x61: {  	_ =	shalt  }
0x62: {  	_ =	shalt  }
0x63: {  	_ =	shalt  }
0x64: {  	_ =	shalt  }
0x65: {  	_ =	shalt  }
0x66: {  	_ =	shalt  }
0x67: {  	_ =	shalt  }
0x68: {  	_ =	shalt  }
0x69: {  	_ =	shalt  }
0x6a: {  	_ =	shalt  }
0x6b: {  	_ =	shalt  }
0x6c: {  	_ =	shalt  }
0x6d: {  	_ =	shalt  }
0x6e: {  	_ =	shalt  }
0x6f: {  	_ =	shalt  }
0x70: {  	_ =	shalt  }
0x71: {  	_ =	shalt  }
0x72: {  	_ =	shalt  }
0x73: {  	_ =	shalt  }
0x74: {  	_ =	shalt  }
0x75: {  	_ =	shalt  }
0x76: {  	_ =	shalt  }
0x77: {  	_ =	shalt  }
0x78: {  	_ =	shalt  }
0x79: {  	_ =	shalt  }
0x7a: {  	_ =	shalt  }
0x7b: {  	_ =	shalt  }
0x7c: {  	_ =	shalt  }
0x7d: {  	_ =	shalt  }
0x7e: {  	_ =	shalt  }
0x7f: {  	_ =	shalt  }
0x80: {  	_ =	shalt  }
0x81: {  	_ =	shalt  }
0x82: {  	_ =	shalt  }
0x83: {  	_ =	shalt  }
0x84: {  	_ =	shalt  }
0x85: {  	_ =	shalt  }
0x86: {  	_ =	shalt  }
0x87: {  	_ =	shalt  }
.Lfunc_end0:
.L_simem_size_0:
called_computation.2_lowered:
.L_overlay_start_0:
0x88: {  	s2 =	sld [smem:$0x3FD9]  }
0x89: {  	s3 =	sld [smem:$0x3FFE];
	_ =	sdelay $0x1  }
0x8a: {  	s1 =	srdreg.scid  }
0x8b: {  	s0 =	sand.u32 $0x1, s1  }
0x8c: {  	s16 =	sshll.u32 s0, $0xA;
	s2 =	sadd.s32 s3, s2  }
0x8d: {  	s2 =	sadd.s32 s2, s16  }
0x8e: {  	[smem:$0x3FBC] =	sst s2  }
0x8f: {  	_ = 	snop  }
0x90: {  	(tm) =	ssettm $0x1  }
0x91: {  	s17 =	sld [smem:$0x3FFB];
	_ =	sdelay $0x3  }
0x92: {  	_ =	strace s17  }
0x93: {  	s2 =	sld [smem:$0x3FFC];
	_ =	sdelay $0x3  }
0x94: {  	_ =	strace s2  }
0x95: {  	s2 =	sld [smem:$0x3FFD];
	_ =	sdelay $0x3  }
0x96: {  	_ =	strace s2  }
0x97: {  	_ =	strace $0x8FFFFFFF  }
0x98: {  	s18 =	sld [smem:$0x3FDB];
	_ =	sdelay $0x1  }
0x99: {  	s19 =	simm.s32 $_scs_section_size  }
0x9a: {  	s4 =	simm.s32 $_size__tile_overlayer_lowered;
	s5 =	simm.s32 $_tile_overlayer_lowered  }
0x9b: {  	s22 =	simm.s32 $0x1BFF;
	s21 =	sshll.u32 s5, $0x1;
	s2 =	sadd.s32 s19, s18  }
0x9c: {  	s6 =	simm.s32 $0x0;
	s20 =	sshll.u32 s4, $0x1;
	s4 =	sadd.s32 s21, s2  }
0x9d: {  	[timem:s6], [sflag:s22] =	dma.local [hbm:s4], s20  }
0x9e: {  	_ =	swait.ge [sflag:s22], s20  }
0x9f: {  	s3 =	ssub.s32 $0x0, s20;
	[sflag:s22] =	ssyncset.done $0x0  }
0xa0: {  	[sflag:s22] =	ssyncadd.s32 s3;
	_ =	sdelay $0x1  }
0xa1: {  	s23 =	simm.s32 $0x1B8B  }
0xa2: {  	_ =	swait.ge [sflag:s23], $0x1  }
0xa3: {  	[sflag:s23] =	ssyncset.done $0x0  }
0xa4: {  	s25 =	simm.s32 $0x1B8E;
	s24 =	sld [smem:$0x3FFE];
	[sflag:s23] =	ssyncadd.s32 $0xFFFFFFFF  }
0xa5: {  	s26 =	simm.s32 $execute0_lowered;
	[smem:$0x3FD2] =	sst s25  }
0xa6: {  	s4 =	sshll.u32 s26, $0x1;
	_ =	strace $0x8000004C;
	[dreg:$0x1] =	wrdreg $0xFFFFFFFF  }
0xa7: {  	s28 =	simm.s32 $_size_execute0_lowered;
	s2 =	sadd.s32 s2, s4;
	[dreg:$0x0] =	wrdreg $0x0  }
0xa8: {  	s4 =	sshll.u32 s28, $0x1;
	[dreg:$0x2] =	wrdreg s2  }
0xa9: {  	[dreg:$0x3] =	wrdreg s4  }
0xaa: {  	[dreg:$0x4] =	wrdreg $0xC0  }
0xab: {  	_ =	task [dreg:s6], $0x5FFFF  }
0xac: {  	[dreg:$0x1] =	wrdreg $0xFFFFFFFF  }
0xad: {  	[dreg:$0x0] =	wrdreg $0x60  }
0xae: {  	[dreg:$0x2] =	wrdreg s24  }
0xaf: {  	[dreg:$0x3] =	wrdreg $0x82000  }
0xb0: {  	[dreg:$0x4] =	wrdreg $0x9  }
0xb1: {  	_ =	task.clear_ibuf [dreg:s6], $0x5FFFF;
	_ =	strace $0x9000004C  }
0xb2: {  	s29 =	simm.s32 $0x9;
	_ =	strace $0x8000004E  }
0xb3: {  	_ =	swait.ge [sflag:s29], $0x1  }
0xb4: {  	[sflag:s29] =	ssyncadd.s32 $0xFFFFFFFF  }
0xb5: {  	_ =	strace $0x9000004E  }
0xb6: {  	_ =	sfence  }
0xb7: {  	s30 =	sld [smem:$0x0];
	_ =	sdelay $0x2  }
0xb8: {  	s31 =	sshll.u32 s1, $0xD;
	s1 =	sshrl.u32 s1, $0x2  }
0xb9: {  	s3 =	sand.u32 $0x4000, s31;
	s1 =	sadd.s32 s1, s30  }
0xba: {  	s0 =	sor.u32 s3, s0;
	s1 =	sshll.u32 s1, $0x11  }
0xbb: {  	s0 =	sor.u32 s1, s0  }
0xbc: {  	s0 =	sadd.s32 $0x8F2B, s0  }
0xbd: {  	[sflag:s0] =	ssyncadd.remote.s32 $0x1  }
0xbe: {  	_ =	sfence.sel $0xFFFF  }
0xbf: {  	[dreg:$0x0] =	wrdreg $0xFFFFFFFF;
	(pc) =	sbr.abs _section_cstart, $3  }
0xc0: {  	[dreg:$0x1] =	wrdreg $0xFFFFFFFF  }
0xc1: {  	_ =	task.clear_ibuf [dreg:s6], $0x2FFFF;
	_ =	strace $0x9FFFFFFF  }
0xc2: {  	(tm) =	ssettm $0x7FFFFFFF  }
0xc3: {  	_ =	shalt  }
tec
execute0_lowered:
.L_overlay_start_1:
0x0: {  	(tag) =	ssettag $0x1  }
0x1: {  	s0 =	rddreg [dreg:$0x0]  }
0x2: {  	s1 =	rddreg [dreg:$0x1];
	s3 =	simm.s32 $0x0;
	s12 =	stileid.u32  }
0x3: {  	s2 =	srdreg.scid;
	s29 =	simm.s32 $0x180;
	s30 =	simm.s32 $0x6  }
0x4: {  	s31 =	simm.s32 $0x4200;
	[smem:$0x7FF] =	sst s3;
	s4 =	sadd.s32 $0x16800, s0  }
0x5: {  	s7 =	smul.u32 $0x4E000, s12;
	s5 =	sadd.s32 $0xCA00, s0;
	s6 =	sadd.s32 $0x2C00, s0  }
0x6: {  	s2 =	sand.u32 $0x1, s2;
	s11 =	smul.u32 $0x13800, s12;
	s0 =	sadd.s32 $0x3DA00, s0  }
0x7: {  	s16 =	sshll.u32 s12, $0x7;
	p0 =	sne.s32 s12, $0xF;
	p1 =	sgt.u32 s12, $0x1  }
0x8: {  	_ =	strace $0x8000004D;
	s8 =	ssub.s32 $0x2, s2;
	s7 =	sshrl.u32 s7, $0x2  }
0x9: {  	s10 =	smul.u32 $0x138800, s2;
	s9 =	sshrl.u32 s8, $0x1;
	s7 =	sadd.s32 s7, s1  }
0xa: {  	s2 =	smul.u32 $0x27100, s2;
	s8 =	ssub.s32 s8, s9;
	s14 =	sadd.s32 $0x10000, s7  }
0xb: {  	s9 =	sadd.s32 $0x138000, s1;
	s8 =	smax.u32 s8, $0x1;
	[dreg:$0x4] =	wrdreg s14  }
0xc: {  	s11 =	sadd.s32 s11, s10;
	s17 =	sadd.s32 $0x4000, s7;
	[dreg:$0x7] =	wrdreg s8  }
0xd: {  	s10 =	sshrl.u32 s10, $0x3;
	s18 =	sadd.s32 $0x8000, s7;
	[dreg:$0x8] =	wrdreg s17  }
0xe: {  	s11 =	sshrl.u32 s11, $0x3;
	s19 =	sadd.s32 $0xC000, s7;
	[dreg:$0x9] =	wrdreg s18  }
0xf: {  	s10 =	sadd.s32 s0, s10;
	s0 =	sadd.s32 s0, s11;
	[dreg:$0xa] =	wrdreg s19  }
0x10: {  	s15 =	sadd.s32 $0x27000, s10;
	s8 =	simm.s32 $0x3;
	[dreg:$0x5] =	wrdreg s0  }
0x11: {  	s10 =	simm.s32 $0x4;
	[dreg:$0x6] =	wrdreg s15;
	s0 =	sadd.s32 s2, s16  }
0x12: {  	s20 =	sshrl.u32 s0, $0x3;
	s22 =	sadd.s32 $0x800, s0;
	s23 =	sadd.s32 $0x1800, s0  }
0x13: {  	s21 =	sadd.s32 s5, s20;
	s2 =	sadd.s32 s6, s20;
	s24 =	sshrl.u32 s22, $0x3  }
0x14: {  	s25 =	sshrl.u32 s23, $0x3;
	s20 =	sadd.s32 $0x1000, s0;
	s22 =	sor.u32 $0x30, s12  }
0x15: {  	s23 =	simm.s32 $0x200;
	s0 =	simm.s32 $0x1;
	[dreg:$0xb] =	wrdreg s21  }
0x16: {  	[dreg:$0xc] =	wrdreg s2;
	s26 =	sadd.s32 s5, s24;
	s2 =	sadd.s32 s6, s24  }
0x17: {  	s28 =	sadd.s32 s25, s5;
	s21 =	sadd.s32 s25, s6;
	[dreg:$0xd] =	wrdreg s26  }
0x18: {  	s24 =	simm.s32 $0x7;
	s25 =	simm.s32 $0x80;
	[dreg:$0xe] =	wrdreg s2  }
0x19: {  	v0 =	vimm.f32 $0.0e+00;
	[dreg:$0x3] =	wrdreg s28;
	s26 =	simm.s32 $0x5;
	s2 =	simm.s32 $0x2  }
.LBB2_1:
0x1a: {  	s11 =	simm.s32 $0x0;
	s12 =	simm.s32 $0x200  }
.LBB2_2:
0x1b: {  	p2 =	sne.s32 s12, $0xFE00;
	[tilespmem:s11+$0x270] =	vst v0  }
0x1c: {  	[tilespmem:s11+$0x200] =	vst v0  }
0x1d: {  	[tilespmem:s11+$0x210] =	vst v0  }
.Ltmp0:
0x1e: {  	[tilespmem:s11+$0x220] =	vst v0;
	(pc) =	sbr.rel @p2 .LBB2_2-.Ltmp0, $4  }
0x1f: {  	[tilespmem:s11+$0x230] =	vst v0  }
0x20: {  	[tilespmem:s11+$0x240] =	vst v0  }
0x21: {  	[tilespmem:s11+$0x250] =	vst v0  }
0x22: {  	[tilespmem:s11+$0x260] =	vst v0;
	s11 =	sshra.s32 s12, $0x2;
	s12 =	sadd.s32 $0x200, s12  }
0x23: {  	[tilespmem:s11+$0x270] =	vst v0  }
0x24: {  	[tilespmem:s11+$0x200] =	vst v0  }
0x25: {  	[tilespmem:s11+$0x210] =	vst v0  }
0x26: {  	[tilespmem:s11+$0x220] =	vst v0  }
0x27: {  	[tilespmem:s11+$0x230] =	vst v0  }
0x28: {  	[tilespmem:s11+$0x240] =	vst v0  }
0x29: {  	[tilespmem:s11+$0x250] =	vst v0  }
0x2a: {  	[tilespmem:s11+$0x260] =	vst v0  }
0x2b: {  	[spmem:s7] =	stream.linear.scatter [tilespmem:s23], [sflag:$0x7], $0x4000, $0x38;
	[tilespmem:$0x1BAC0] =	vst v63  }
0x2c: {  	_ =	swait.ge [sflag:s24], $0x4000  }
0x2d: {  	[sflag:s24] =	ssyncset.done $0x0  }
0x2e: {  	s12 =	rddreg [dreg:$0x8];
	[sflag:s24] =	ssyncadd.s32 $0xFFFFC000  }
0x2f: {  	[spmem:s12] =	stream.linear.scatter [tilespmem:s23], [sflag:$0x7], $0x4000, $0x38;
	[tilespmem:$0x1BAC0] =	vst v63  }
0x30: {  	_ =	swait.ge [sflag:s24], $0x4000  }
0x31: {  	[sflag:s24] =	ssyncset.done $0x0  }
0x32: {  	s13 =	rddreg [dreg:$0x9];
	[sflag:s24] =	ssyncadd.s32 $0xFFFFC000  }
0x33: {  	[spmem:s13] =	stream.linear.scatter [tilespmem:s23], [sflag:$0x7], $0x4000, $0x38;
	[tilespmem:$0x1BAC0] =	vst v63  }
0x34: {  	_ =	swait.ge [sflag:s24], $0x4000  }
0x35: {  	[sflag:s24] =	ssyncset.done $0x0  }
0x36: {  	s14 =	rddreg [dreg:$0xa];
	[sflag:s24] =	ssyncadd.s32 $0xFFFFC000  }
0x37: {  	[spmem:s14] =	stream.linear.scatter [tilespmem:s23], [sflag:$0x7], $0x4000, $0x38;
	[tilespmem:$0x1BAC0] =	vst v63  }
0x38: {  	_ =	swait.ge [sflag:s24], $0x4000  }
0x39: {  	[sflag:s24] =	ssyncset.done $0x0  }
0x3a: {  	s15 =	rddreg [dreg:$0x4];
	[sflag:s24] =	ssyncadd.s32 $0xFFFFC000  }
0x3b: {  	[spmem:s15] =	stream.linear.scatter [tilespmem:s23], [sflag:$0x7], $0x3800, $0x38;
	[tilespmem:$0x1BAC0] =	vst v63  }
0x3c: {  	_ =	swait.ge [sflag:s24], $0x3800  }
0x3d: {  	[sflag:s24] =	ssyncset.done $0x0  }
0x3e: {  	s11 =	simm.s32 @!p0 $0x200;
	[sflag:s24] =	ssyncadd.s32 $0xFFFFC800  }
0x3f: {  	[spmem:s9] =	stream.linear.scatter @!p0 [tilespmem:s11], [sflag:$0x7], $0xC00, $0x38;
	[tilespmem:$0x1BAC0] =	vst v63  }
0x40: {  	s11 =	simm.s32 @!p0 $0x7  }
0x41: {  	_ =	swait.ge @!p0 [sflag:s11], $0xC00  }
0x42: {  	[sflag:s11] =	ssyncset.done @!p0 $0x0  }
0x43: {  	[sflag:s11] =	ssyncadd.s32 @!p0 $0xFFFFF400  }
0x44: {  	[bflag:$0x0] =	sbarrier.arrive $0xFFFF  }
0x45: {  	s16 =	simm.s32 $0x0;
	s12 =	rddreg [dreg:$0xb]  }
0x46: {  	[tilespmem:s16], [sflag:$0x5] =	stream.linear.gather [hbm4b:s12+s16], $0x80, $0x38;
	[tilespmem:$0x1BAC0] =	vst v63  }
0x47: {  	s17 =	rddreg [dreg:$0xc]  }
0x48: {  	[tilespmem:s25], [sflag:$0x5] =	stream.linear.gather [hbm4b:s17+s16], $0x80, $0x38;
	[tilespmem:$0x1BAC0] =	vst v63  }
0x49: {  	_ =	swait.ge [sflag:s26], $0x80  }
0x4a: {  	[sflag:s26] =	ssyncset.done $0x0  }
0x4b: {  	[sflag:s26] =	ssyncadd.s32 $0xFFFFFF80  }
0x4c: {  	_ =	swait.ge [sflag:s26], $0x80  }
0x4d: {  	[sflag:s26] =	ssyncset.done $0x0  }
0x4e: {  	[sflag:s26] =	ssyncadd.s32 $0xFFFFFF80  }
0x4f: {  	[tilespmem:s23], [sflag:$0x1] =	stream.indirect.gather [hbm4b:s4+s25], $0x80, s16, s25, $0xb8;
	[tilespmem:$0x1BAC0] =	vst v63  }
0x50: {  	s13 =	simm.s32 $0x100;
	s18 =	rddreg [dreg:$0xd]  }
0x51: {  	[tilespmem:s13], [sflag:$0x6] =	stream.linear.gather [hbm4b:s18+s16], $0x80, $0x38;
	[tilespmem:$0x1BAC0] =	vst v63  }
0x52: {  	s19 =	rddreg [dreg:$0xe]  }
0x53: {  	[tilespmem:s29], [sflag:$0x6] =	stream.linear.gather [hbm4b:s19+s16], $0x80, $0x38;
	[tilespmem:$0x1BAC0] =	vst v63  }
0x54: {  	_ =	swait.ge [sflag:s30], $0x80  }
0x55: {  	[sflag:s30] =	ssyncset.done $0x0  }
0x56: {  	[sflag:s30] =	ssyncadd.s32 $0xFFFFFF80  }
0x57: {  	_ =	swait.ge [sflag:s30], $0x80  }
0x58: {  	[sflag:s30] =	ssyncset.done $0x0  }
0x59: {  	[sflag:s30] =	ssyncadd.s32 $0xFFFFFF80  }
0x5a: {  	[tilespmem:s31], [sflag:$0x2] =	stream.indirect.gather [hbm4b:s4+s25], $0x80, s13, s25, $0xb8;
	[tilespmem:$0x1BAC0] =	vst v63  }
0x5b: {  	_ =	swait.ge [sflag:s0], $0x4000  }
0x5c: {  	[sflag:s0] =	ssyncset.done $0x0  }
0x5d: {  	[sflag:s0] =	ssyncadd.s32 $0xFFFFC000  }
0x5e: {  	[spmem:s1] =	stream.indirect.scatter.add.f32 [tilespmem:s23], [sflag:$0x3], $0x80, s25, s25, $0xb8;
	[tilespmem:$0x1BAC0] =	vst v63  }
0x5f: {  	_ =	swait.ge [sflag:s2], $0x4000  }
0x60: {  	[sflag:s2] =	ssyncset.done $0x0  }
0x61: {  	s28 =	sadd.s32 $0xFFFFFFF0, s22;
	[sflag:s2] =	ssyncadd.s32 $0xFFFFC000  }
0x62: {  	[spmem:s1] =	stream.indirect.scatter.add.f32 [tilespmem:s31], [sflag:$0x4], $0x80, s29, s25, $0xb8;
	[tilespmem:$0x1BAC0] =	vst v63  }
0x63: {  	p2 =	sgt.u32 s28, $0x4E1;
	_ =	swait.ge [sflag:s8], $0x4000  }
0x64: {  	s11 =	sshrl.u32 @!p2 s20, $0x3;
	[sflag:s8] =	ssyncset.done $0x0  }
0x65: {  	s12 =	sadd.s32 @!p2 s5, s11;
	s13 =	simm.s32 @!p2 $0x0;
	[sflag:s8] =	ssyncadd.s32 $0xFFFFC000  }
0x66: {  	[tilespmem:s13], [sflag:$0x5] =	stream.linear.gather @!p2 [hbm4b:s12+s13], $0x80, $0x38;
	[tilespmem:$0x1BAC0] =	vst v63  }
0x67: {  	s14 =	simm.s32 @!p2 $0x80;
	s11 =	sadd.s32 @!p2 s6, s11;
	s12 =	simm.s32 @!p2 $0x5  }
0x68: {  	[tilespmem:s14], [sflag:$0x5] =	stream.linear.gather @!p2 [hbm4b:s11+s13], $0x80, $0x38;
	[tilespmem:$0x1BAC0] =	vst v63  }
0x69: {  	_ =	swait.ge @!p2 [sflag:s12], $0x80  }
0x6a: {  	[sflag:s12] =	ssyncset.done @!p2 $0x0  }
0x6b: {  	[sflag:s12] =	ssyncadd.s32 @!p2 $0xFFFFFF80  }
0x6c: {  	_ =	swait.ge @!p2 [sflag:s12], $0x80  }
0x6d: {  	[sflag:s12] =	ssyncset.done @!p2 $0x0  }
0x6e: {  	s16 =	simm.s32 @!p2 $0x200;
	[sflag:s12] =	ssyncadd.s32 @!p2 $0xFFFFFF80  }
0x6f: {  	[tilespmem:s16], [sflag:$0x1] =	stream.indirect.gather @!p2 [hbm4b:s4+s14], $0x80, s13, s14, $0xb8;
	[tilespmem:$0x1BAC0] =	vst v63  }
0x70: {  	p3 =	sgt.u32 s22, $0x4E1;
	_ =	swait.ge [sflag:s10], $0x4000  }
0x71: {  	s12 =	simm.s32 @!p3 $0x0;
	s11 =	rddreg [dreg:$0x3];
	[sflag:s10] =	ssyncset.done $0x0  }
0x72: {  	s13 =	simm.s32 @!p3 $0x100;
	[sflag:s10] =	ssyncadd.s32 $0xFFFFC000;
	s11 =	sadd.s32 @!p3 $0x0, s11  }
0x73: {  	[tilespmem:s13], [sflag:$0x6] =	stream.linear.gather @!p3 [hbm4b:s11+s12], $0x80, $0x38;
	[tilespmem:$0x1BAC0] =	vst v63  }
0x74: {  	s15 =	simm.s32 @!p3 $0x180;
	s17 =	simm.s32 @!p3 $0x6;
	s11 =	sadd.s32 @!p3 $0x0, s21  }
0x75: {  	[tilespmem:s15], [sflag:$0x6] =	stream.linear.gather @!p3 [hbm4b:s11+s12], $0x80, $0x38;
	[tilespmem:$0x1BAC0] =	vst v63  }
0x76: {  	_ =	swait.ge @!p3 [sflag:s17], $0x80  }
0x77: {  	[sflag:s17] =	ssyncset.done @!p3 $0x0  }
0x78: {  	[sflag:s17] =	ssyncadd.s32 @!p3 $0xFFFFFF80  }
0x79: {  	_ =	swait.ge @!p3 [sflag:s17], $0x80  }
0x7a: {  	s11 =	simm.s32 @!p3 $0x80;
	[sflag:s17] =	ssyncset.done @!p3 $0x0  }
0x7b: {  	s12 =	simm.s32 @!p3 $0x4200;
	s15 =	simm.s32 @!p2 $0x1;
	[sflag:s17] =	ssyncadd.s32 @!p3 $0xFFFFFF80  }
0x7c: {  	[tilespmem:s12], [sflag:$0x2] =	stream.indirect.gather @!p3 [hbm4b:s4+s11], $0x80, s13, s11, $0xb8;
	[tilespmem:$0x1BAC0] =	vst v63  }
0x7d: {  	p3 =	sgt.u32 @!p2 s22, $0x4E1;
	_ =	swait.ge @!p2 [sflag:s15], $0x4000  }
0x7e: {  	s11 =	simm.s32 $0x200;
	p4 =	por p3, p2;
	[sflag:s15] =	ssyncset.done @!p2 $0x0  }
0x7f: {  	s12 =	sadd.s32 $0x1000, s20;
	[sflag:s15] =	ssyncadd.s32 @!p2 $0xFFFFC000;
	s15 =	simm.s32 @!p4 $0x2  }
0x80: {  	[spmem:s1] =	stream.indirect.scatter.add.f32 @!p2 [tilespmem:s16], [sflag:$0x3], $0x80, s14, s14, $0xb8;
	[tilespmem:$0x1BAC0] =	vst v63  }
0x81: {  	s13 =	sadd.s32 $0x20, s22;
	s17 =	simm.s32 @!p4 $0x180;
	_ =	swait.ge @!p4 [sflag:s15], $0x4000  }
0x82: {  	s14 =	simm.s32 @!p4 $0x4200;
	s16 =	simm.s32 @!p4 $0x80;
	[sflag:s15] =	ssyncset.done @!p4 $0x0  }
.LBB2_4:
0x83: {  	s18 =	sadd.s32 $0xFFFFFFF0, s13;
	[sflag:s15] =	ssyncadd.s32 @!p4 $0xFFFFC000  }
0x84: {  	[spmem:s1] =	stream.indirect.scatter.add.f32 @!p4 [tilespmem:s14], [sflag:$0x4], $0x80, s17, s16, $0xb8;
	[tilespmem:$0x1BAC0] =	vst v63  }
0x85: {  	p3 =	sgt.u32 s18, $0x4E1;
	_ =	swait.ge [sflag:s8], $0x4000  }
0x86: {  	s14 =	sshrl.u32 @!p3 s12, $0x3;
	[sflag:s8] =	ssyncset.done $0x0  }
0x87: {  	s17 =	simm.s32 @!p3 $0x0;
	s16 =	sadd.s32 @!p3 s5, s14;
	[sflag:s8] =	ssyncadd.s32 $0xFFFFC000  }
0x88: {  	[tilespmem:s17], [sflag:$0x5] =	stream.linear.gather @!p3 [hbm4b:s16+s17], $0x80, $0x38;
	[tilespmem:$0x1BAC0] =	vst v63  }
0x89: {  	s18 =	simm.s32 @!p3 $0x5;
	s16 =	sadd.s32 @!p3 s6, s14;
	s14 =	simm.s32 @!p3 $0x80  }
0x8a: {  	[tilespmem:s14], [sflag:$0x5] =	stream.linear.gather @!p3 [hbm4b:s16+s17], $0x80, $0x38;
	[tilespmem:$0x1BAC0] =	vst v63  }
0x8b: {  	_ =	swait.ge @!p3 [sflag:s18], $0x80  }
0x8c: {  	[sflag:s18] =	ssyncset.done @!p3 $0x0  }
0x8d: {  	[sflag:s18] =	ssyncadd.s32 @!p3 $0xFFFFFF80  }
0x8e: {  	_ =	swait.ge @!p3 [sflag:s18], $0x80  }
0x8f: {  	[sflag:s18] =	ssyncset.done @!p3 $0x0  }
0x90: {  	s16 =	simm.s32 @!p3 $0x200;
	[sflag:s18] =	ssyncadd.s32 @!p3 $0xFFFFFF80  }
0x91: {  	[tilespmem:s16], [sflag:$0x1] =	stream.indirect.gather @!p3 [hbm4b:s4+s14], $0x80, s17, s14, $0xb8;
	[tilespmem:$0x1BAC0] =	vst v63  }
0x92: {  	s15 =	smov.u32 s11;
	p5 =	sgt.u32 s13, $0x4E1;
	_ =	swait.ge [sflag:s10], $0x4000  }
0x93: {  	s19 =	simm.s32 @!p5 $0x100;
	s17 =	rddreg [dreg:$0x3];
	[sflag:s10] =	ssyncset.done $0x0  }
0x94: {  	s18 =	simm.s32 @!p5 $0x0;
	[sflag:s10] =	ssyncadd.s32 $0xFFFFC000;
	s17 =	sadd.s32 @!p5 s15, s17  }
0x95: {  	[tilespmem:s19], [sflag:$0x6] =	stream.linear.gather @!p5 [hbm4b:s17+s18], $0x80, $0x38;
	[tilespmem:$0x1BAC0] =	vst v63  }
0x96: {  	s28 =	simm.s32 @!p5 $0x180;
	s15 =	sadd.s32 @!p5 s15, s21;
	s17 =	simm.s32 @!p5 $0x6  }
0x97: {  	[tilespmem:s28], [sflag:$0x6] =	stream.linear.gather @!p5 [hbm4b:s15+s18], $0x80, $0x38;
	[tilespmem:$0x1BAC0] =	vst v63  }
0x98: {  	_ =	swait.ge @!p5 [sflag:s17], $0x80  }
0x99: {  	[sflag:s17] =	ssyncset.done @!p5 $0x0  }
0x9a: {  	[sflag:s17] =	ssyncadd.s32 @!p5 $0xFFFFFF80  }
0x9b: {  	_ =	swait.ge @!p5 [sflag:s17], $0x80  }
0x9c: {  	s11 =	sadd.s32 $0x200, s11;
	s15 =	simm.s32 @!p5 $0x80;
	[sflag:s17] =	ssyncset.done @!p5 $0x0  }
0x9d: {  	s18 =	simm.s32 @!p5 $0x4200;
	[sflag:s17] =	ssyncadd.s32 @!p5 $0xFFFFFF80;
	s17 =	simm.s32 @!p3 $0x1  }
0x9e: {  	[tilespmem:s18], [sflag:$0x2] =	stream.indirect.gather @!p5 [hbm4b:s4+s15], $0x80, s19, s15, $0xb8;
	[tilespmem:$0x1BAC0] =	vst v63  }
0x9f: {  	p2 =	sne.s32 s11, $0x4E00;
	p4 =	sgt.u32 @!p3 s13, $0x4E1;
	_ =	swait.ge @!p3 [sflag:s17], $0x4000  }
.Ltmp1:
0xa0: {  	p4 =	por p4, p3;
	[sflag:s17] =	ssyncset.done @!p3 $0x0;
	(pc) =	sbr.rel @p2 .LBB2_4-.Ltmp1, $4  }
0xa1: {  	s12 =	sadd.s32 $0x1000, s12;
	s15 =	simm.s32 @!p4 $0x2;
	[sflag:s17] =	ssyncadd.s32 @!p3 $0xFFFFC000  }
0xa2: {  	[spmem:s1] =	stream.indirect.scatter.add.f32 @!p3 [tilespmem:s16], [sflag:$0x3], $0x80, s14, s14, $0xb8;
	[tilespmem:$0x1BAC0] =	vst v63  }
0xa3: {  	s13 =	sadd.s32 $0x20, s13;
	s17 =	simm.s32 @!p4 $0x180;
	_ =	swait.ge @!p4 [sflag:s15], $0x4000  }
0xa4: {  	s14 =	simm.s32 @!p4 $0x4200;
	s16 =	simm.s32 @!p4 $0x80;
	[sflag:s15] =	ssyncset.done @!p4 $0x0  }
0xa5: {  	[sflag:s15] =	ssyncadd.s32 @!p4 $0xFFFFC000;
	s11 =	simm.s32 @!p1 $0x3  }
0xa6: {  	[spmem:s1] =	stream.indirect.scatter.add.f32 @!p4 [tilespmem:s14], [sflag:$0x4], $0x80, s17, s16, $0xb8;
	[tilespmem:$0x1BAC0] =	vst v63  }
0xa7: {  	_ =	swait.ge @!p1 [sflag:s11], $0x4000  }
0xa8: {  	[sflag:s11] =	ssyncset.done @!p1 $0x0  }
0xa9: {  	s19 =	stileid.u32;
	[sflag:s11] =	ssyncadd.s32 @!p1 $0xFFFFC000  }
0xaa: {  	s11 =	sshll.u32 s19, $0x6;
	[bflag:$0x0] =	sbarrier.arrive $0xFFFF  }
0xab: {  	s12 =	sshrl.u32 s7, $0x3;
	s11 =	sor.u32 $0x1C07, s11;
	s13 =	rddreg [dreg:$0x5]  }
0xac: {  	[hbm:s13], [sflag:s11] =	dma.local [spmem:s12], $0x2700  }
0xad: {  	_ =	swait.ge [sflag:s24], $0x2700  }
0xae: {  	[sflag:s24] =	ssyncset.done $0x0  }
0xaf: {  	s12 =	sshrl.u32 @!p0 s9, $0x3;
	s13 =	rddreg [dreg:$0x6];
	[sflag:s24] =	ssyncadd.s32 $0xFFFFD900  }
0xb0: {  	[hbm:s13], [sflag:s11] =	dma.local @!p0 [spmem:s12], $0x100  }
0xb1: {  	s11 =	simm.s32 @!p0 $0x7  }
0xb2: {  	_ =	swait.ge @!p0 [sflag:s11], $0x100  }
0xb3: {  	s3 =	sadd.s32 $0x1, s3;
	s28 =	rddreg [dreg:$0x7]  }
0xb4: {  	p2 =	sne.s32 s3, s28  }
.Ltmp2:
0xb5: {  	_ = 	snop;
	(pc) =	sbr.rel @p2 .LBB2_1-.Ltmp2, $3  }
0xb6: {  	_ =	sdelay $0x1  }
0xb7: {  	[sflag:s11] =	ssyncset.done @!p0 $0x0  }
0xb8: {  	[sflag:s11] =	ssyncadd.s32 @!p0 $0xFFFFFF00  }
0xb9: {  	_ =	sfence.sel $0x180000  }
0xba: {  	[bflag:$0x0] =	sbarrier.arrive $0xFFFF  }
0xbb: {  	_ =	strace $0x9000004D  }
0xbc: {  	s0 =	stileid.u32;
	[bflag:$0x2] =	sbarrier.arrive $0xFFFF  }
0xbd: {  	p0 =	sne.s32 s0, $0x0;
	s0 =	rddreg [dreg:$0x2]  }
0xbe: {  	s0 =	sadd.s32 @!p0 $0x100000, s0  }
0xbf: {  	[sflag:s0] =	ssyncadd.tile.s32 @!p0 $0x1;
	_ =	shalt  }
.Lfunc_end2:
_tile_overlayer_lowered:
.L_overlay_start_2:
0xc0: {  	(tag) =	ssettag $0x2  }
0xc1: {  	s0 =	rddreg [dreg:$0x0];
	s2 =	stileid.u32  }
0xc2: {  	s1 =	rddreg [dreg:$0x1];
	p0 =	sne.s32 s2, $0x0  }
0xc3: {  	s3 =	rddreg [dreg:$0x2];
	[bflag:$0x3] =	sbarrier.arrive $0xFFFF;
	s2 =	simm.s32 @!p0 $0x1C07  }
0xc4: {  	[timem:s3], [sflag:s2] =	dma.local @!p0 [hbm:s0], s1  }
0xc5: {  	s0 =	simm.s32 @!p0 $0x7  }
0xc6: {  	_ =	swait.ge @!p0 [sflag:s0], s1  }
0xc7: {  	s1 =	ssub.s32 @!p0 $0x0, s1;
	[sflag:s0] =	ssyncset.done @!p0 $0x0  }
0xc8: {  	[sflag:s0] =	ssyncadd.s32 @!p0 s1  }
0xc9: {  	[bflag:$0x3] =	sbarrier.arrive $0xFFFF  }
0xca: {  	_ =	shalt  }

// kernel: kernel.23.cloned.1.call-start
scs
__scs_entry_jumppad:
0x0: {  	(pc) =	sbr.rel $0x88, $3  }
0x1: {  	(tag) =	ssettag $0x0;
	lr =	simm.s32 $0x1  }
0x2: {  	[smem:$0x3F95] =	sst lr;
	_ =	strace $0xD0000000  }
0x3: {  	_ = 	snop  }
0x4: {  	_ = 	snop  }
0x5: {  	_ = 	snop  }
0x6: {  	_ = 	snop  }
0x7: {  	_ = 	snop  }
__scs_overlays_trampoline_lowered:
0x8: {  	[smem:$0x3FA4] =	sst s0  }
0x9: {  	[smem:$0x3FA5] =	sst s1  }
0xa: {  	[smem:$0x3FA6] =	sst s2  }
0xb: {  	[smem:$0x3FA7] =	sst s3  }
0xc: {  	[smem:$0x3FA8] =	sst s4  }
0xd: {  	[smem:$0x3FA9] =	sst s5  }
0xe: {  	[smem:$0x3FAA] =	sst s6  }
0xf: {  	[smem:$0x3FAB] =	sst s7  }
0x10: {  	[smem:$0x3FAC] =	sst s8  }
0x11: {  	[smem:$0x3FAD] =	sst s9;
	s0 =	simm.s32 @!p0 $0x0  }
0x12: {  	s1 =	sld [smem:$0x3F93];
	s0 =	simm.s32 @p0 $0x1  }
0x13: {  	[smem:$0x3FAE] =	sst s0;
	s0 =	simm.s32 @!p1 $0x0  }
0x14: {  	s2 =	sld [smem:$0x3F92];
	s0 =	simm.s32 @p1 $0x1  }
0x15: {  	[smem:$0x3FAF] =	sst s0;
	s0 =	simm.s32 @!p2 $0x0  }
0x16: {  	s3 =	sld [smem:$0x3FDB];
	s0 =	simm.s32 @p2 $0x1  }
0x17: {  	s4 =	simm.s32 $0x1BF5;
	[smem:$0x3FB1] =	sst s0  }
0x18: {  	s0 =	sld [smem:$0x3F94];
	_ =	swait.ge [sflag:s4], $0x0  }
0x19: {  	s7 =	sld [smem:$0x3F95]  }
0x1a: {  	s8 =	sadd.s32 $0xFFFFE003, lr  }
0x1b: {  	s9 =	sadd.s32 $0xFFFFFEF7, lr;
	s5 =	simm.s32 $0xFFFFFFFF;
	p2 =	slt.u32 s8, $0xFFFFF086  }
0x1c: {  	p1 =	slt.u32 s9, $0xF7A;
	s5 =	simm.s32 @!p2 $0x0  }
0x1d: {  	s5 =	simm.s32 @p1 $0x1;
	p0 =	seq.s32 s7, s2  }
0x1e: {  	s7 =	smul.u32 @!p0 $0xF7A, s2;
	p2 =	seq.s32 @!p0 s5, $0x0  }
0x1f: {  	s9 =	smul.u32 $0xF7A, s1;
	s8 =	simm.s32 @!p0 $0x1BF5;
	p2 =	por !p2, p0  }
0x20: {  	[sflag:s8] =	ssyncset.s32 @!p0 $0xFFFFF086;
	s6 =	sadd.s32 @!p0 s3, s7;
	s7 =	simm.s32 @!p0 $0x108  }
0x21: {  	s3 =	sadd.s32 s3, s9;
	s6 =	sadd.s32 @!p0 $0x88, s6;
	s7 =	simm.s32 @p2 $0x1082  }
0x22: {  	[simem:s7], [sflag:s8] =	dma.local @!p0 [hbm:s6], $0xF7A  }
0x23: {  	s9 =	sor.u32 $0xD0000000, s2;
	s6 =	simm.s32 $0x108;
	_ =	swait.ge @!p0 [sflag:s8], $0x0  }
0x24: {  	s3 =	sadd.s32 $0x88, s3;
	s6 =	simm.s32 @!p1 $0x1082;
	[sflag:s4] =	ssyncset.s32 $0xFFFFF086  }
0x25: {  	[simem:s6], [sflag:s4] =	dma.local [hbm:s3], $0xF7A  }
0x26: {  	[smem:$0x3F95] =	sst s1;
	(tag) =	ssettag s2;
	_ =	strace s9  }
0x27: {  	s1 =	sld [smem:$0x3FA5]  }
0x28: {  	s2 =	sld [smem:$0x3FA6]  }
0x29: {  	s4 =	sld [smem:$0x3FA8]  }
0x2a: {  	p0 =	seq.s32 s5, $0x0;
	s5 =	sld [smem:$0x3FA9]  }
0x2b: {  	s6 =	sld [smem:$0x3FAA]  }
0x2c: {  	s7 =	sld [smem:$0x3FAB]  }
0x2d: {  	s3 =	simm.s32 $0x108;
	s8 =	sld [smem:$0x3FAC]  }
0x2e: {  	s3 =	simm.s32 @!p0 $0x1082;
	s9 =	sld [smem:$0x3FAD]  }
0x2f: {  	lr =	sadd.s32 s0, s3;
	s0 =	sld [smem:$0x3FA4]  }
0x30: {  	s3 =	sld [smem:$0x3FA7]  }
0x31: {  	[smem:$0x3FB0] =	sst s10  }
0x32: {  	s10 =	sld [smem:$0x3FAE];
	_ =	sdelay $0x3  }
0x33: {  	p0 =	seq.s32 s10, $0x1;
	s10 =	sld [smem:$0x3FB0];
	_ =	sdelay $0x3  }
0x34: {  	[smem:$0x3FB0] =	sst s10  }
0x35: {  	s10 =	sld [smem:$0x3FAF];
	_ =	sdelay $0x3  }
0x36: {  	p1 =	seq.s32 s10, $0x1;
	s10 =	sld [smem:$0x3FB0];
	_ =	sdelay $0x3  }
0x37: {  	[smem:$0x3FB0] =	sst s10  }
0x38: {  	s10 =	sld [smem:$0x3FB1]  }
0x39: {  	_ = 	snop;
	(pc) =	sbr.ind lr, $3  }
0x3a: {  	_ = 	snop  }
0x3b: {  	_ = 	snop  }
0x3c: {  	p2 =	seq.s32 s10, $0x1;
	s10 =	sld [smem:$0x3FB0]  }
0x3d: {  	_ =	shalt  }
0x3e: {  	_ =	shalt  }
0x3f: {  	_ =	shalt  }
0x40: {  	_ =	shalt  }
0x41: {  	_ =	shalt  }
0x42: {  	_ =	shalt  }
0x43: {  	_ =	shalt  }
0x44: {  	_ =	shalt  }
0x45: {  	_ =	shalt  }
0x46: {  	_ =	shalt  }
0x47: {  	_ =	shalt  }
0x48: {  	_ =	shalt  }
0x49: {  	_ =	shalt  }
0x4a: {  	_ =	shalt  }
0x4b: {  	_ =	shalt  }
0x4c: {  	_ =	shalt  }
0x4d: {  	_ =	shalt  }
0x4e: {  	_ =	shalt  }
0x4f: {  	_ =	shalt  }
0x50: {  	_ =	shalt  }
0x51: {  	_ =	shalt  }
0x52: {  	_ =	shalt  }
0x53: {  	_ =	shalt  }
0x54: {  	_ =	shalt  }
0x55: {  	_ =	shalt  }
0x56: {  	_ =	shalt  }
0x57: {  	_ =	shalt  }
0x58: {  	_ =	shalt  }
0x59: {  	_ =	shalt  }
0x5a: {  	_ =	shalt  }
0x5b: {  	_ =	shalt  }
0x5c: {  	_ =	shalt  }
0x5d: {  	_ =	shalt  }
0x5e: {  	_ =	shalt  }
0x5f: {  	_ =	shalt  }
0x60: {  	_ =	shalt  }
0x61: {  	_ =	shalt  }
0x62: {  	_ =	shalt  }
0x63: {  	_ =	shalt  }
0x64: {  	_ =	shalt  }
0x65: {  	_ =	shalt  }
0x66: {  	_ =	shalt  }
0x67: {  	_ =	shalt  }
0x68: {  	_ =	shalt  }
0x69: {  	_ =	shalt  }
0x6a: {  	_ =	shalt  }
0x6b: {  	_ =	shalt  }
0x6c: {  	_ =	shalt  }
0x6d: {  	_ =	shalt  }
0x6e: {  	_ =	shalt  }
0x6f: {  	_ =	shalt  }
0x70: {  	_ =	shalt  }
0x71: {  	_ =	shalt  }
0x72: {  	_ =	shalt  }
0x73: {  	_ =	shalt  }
0x74: {  	_ =	shalt  }
0x75: {  	_ =	shalt  }
0x76: {  	_ =	shalt  }
0x77: {  	_ =	shalt  }
0x78: {  	_ =	shalt  }
0x79: {  	_ =	shalt  }
0x7a: {  	_ =	shalt  }
0x7b: {  	_ =	shalt  }
0x7c: {  	_ =	shalt  }
0x7d: {  	_ =	shalt  }
0x7e: {  	_ =	shalt  }
0x7f: {  	_ =	shalt  }
0x80: {  	_ =	shalt  }
0x81: {  	_ =	shalt  }
0x82: {  	_ =	shalt  }
0x83: {  	_ =	shalt  }
0x84: {  	_ =	shalt  }
0x85: {  	_ =	shalt  }
0x86: {  	_ =	shalt  }
0x87: {  	_ =	shalt  }
.Lfunc_end0:
.L_simem_size_0:
called_computation.3_lowered:
.L_overlay_start_0:
0x88: {  	s2 =	sld [smem:$0x3FD9]  }
0x89: {  	s3 =	sld [smem:$0x3FFE];
	_ =	sdelay $0x1  }
0x8a: {  	s1 =	srdreg.scid  }
0x8b: {  	s0 =	sand.u32 $0x1, s1  }
0x8c: {  	s16 =	sshll.u32 s0, $0xA;
	s2 =	sadd.s32 s3, s2  }
0x8d: {  	s2 =	sadd.s32 s2, s16  }
0x8e: {  	[smem:$0x3FBC] =	sst s2  }
0x8f: {  	_ = 	snop  }
0x90: {  	(tm) =	ssettm $0x1  }
0x91: {  	s17 =	sld [smem:$0x3FFB];
	_ =	sdelay $0x3  }
0x92: {  	_ =	strace s17  }
0x93: {  	s2 =	sld [smem:$0x3FFC];
	_ =	sdelay $0x3  }
0x94: {  	_ =	strace s2  }
0x95: {  	s2 =	sld [smem:$0x3FFD];
	_ =	sdelay $0x3  }
0x96: {  	_ =	strace s2  }
0x97: {  	_ =	strace $0x8FFFFFFF  }
0x98: {  	s18 =	sld [smem:$0x3FDB];
	_ =	sdelay $0x1  }
0x99: {  	s19 =	simm.s32 $_scs_section_size  }
0x9a: {  	s4 =	simm.s32 $_size__tile_overlayer_lowered;
	s5 =	simm.s32 $_tile_overlayer_lowered  }
0x9b: {  	s22 =	simm.s32 $0x1BFF;
	s21 =	sshll.u32 s5, $0x1;
	s2 =	sadd.s32 s19, s18  }
0x9c: {  	s6 =	simm.s32 $0x0;
	s20 =	sshll.u32 s4, $0x1;
	s4 =	sadd.s32 s21, s2  }
0x9d: {  	[timem:s6], [sflag:s22] =	dma.local [hbm:s4], s20  }
0x9e: {  	_ =	swait.ge [sflag:s22], s20  }
0x9f: {  	s3 =	ssub.s32 $0x0, s20;
	[sflag:s22] =	ssyncset.done $0x0  }
0xa0: {  	[sflag:s22] =	ssyncadd.s32 s3;
	_ =	sdelay $0x1  }
0xa1: {  	s23 =	simm.s32 $0x1B8B  }
0xa2: {  	_ =	swait.ge [sflag:s23], $0x1  }
0xa3: {  	[sflag:s23] =	ssyncset.done $0x0  }
0xa4: {  	s25 =	simm.s32 $0x1B8E;
	s24 =	sld [smem:$0x3FFE];
	[sflag:s23] =	ssyncadd.s32 $0xFFFFFFFF  }
0xa5: {  	s26 =	simm.s32 $execute0_lowered;
	[smem:$0x3FD2] =	sst s25  }
0xa6: {  	s4 =	sshll.u32 s26, $0x1;
	_ =	strace $0x8000004F;
	[dreg:$0x1] =	wrdreg $0xFFFFFFFF  }
0xa7: {  	s28 =	simm.s32 $_size_execute0_lowered;
	s2 =	sadd.s32 s2, s4;
	[dreg:$0x0] =	wrdreg $0x0  }
0xa8: {  	s4 =	sshll.u32 s28, $0x1;
	[dreg:$0x2] =	wrdreg s2  }
0xa9: {  	[dreg:$0x3] =	wrdreg s4  }
0xaa: {  	[dreg:$0x4] =	wrdreg $0xC0  }
0xab: {  	_ =	task [dreg:s6], $0x5FFFF  }
0xac: {  	[dreg:$0x1] =	wrdreg $0xFFFFFFFF  }
0xad: {  	[dreg:$0x0] =	wrdreg $0x60  }
0xae: {  	[dreg:$0x2] =	wrdreg s24  }
0xaf: {  	[dreg:$0x3] =	wrdreg $0x82000  }
0xb0: {  	[dreg:$0x4] =	wrdreg $0x9  }
0xb1: {  	_ =	task.clear_ibuf [dreg:s6], $0x5FFFF;
	_ =	strace $0x9000004F  }
0xb2: {  	s29 =	simm.s32 $0x9;
	_ =	strace $0x80000051  }
0xb3: {  	_ =	swait.ge [sflag:s29], $0x1  }
0xb4: {  	[sflag:s29] =	ssyncadd.s32 $0xFFFFFFFF  }
0xb5: {  	_ =	strace $0x90000051  }
0xb6: {  	_ =	sfence  }
0xb7: {  	s30 =	sld [smem:$0x0];
	_ =	sdelay $0x2  }
0xb8: {  	s31 =	sshll.u32 s1, $0xD;
	s1 =	sshrl.u32 s1, $0x2  }
0xb9: {  	s3 =	sand.u32 $0x4000, s31;
	s1 =	sadd.s32 s1, s30  }
0xba: {  	s0 =	sor.u32 s3, s0;
	s1 =	sshll.u32 s1, $0x11  }
0xbb: {  	s0 =	sor.u32 s1, s0  }
0xbc: {  	s0 =	sadd.s32 $0x8F2B, s0  }
0xbd: {  	[sflag:s0] =	ssyncadd.remote.s32 $0x1  }
0xbe: {  	_ =	sfence.sel $0xFFFF  }
0xbf: {  	[dreg:$0x0] =	wrdreg $0xFFFFFFFF;
	(pc) =	sbr.abs _section_cstart, $3  }
0xc0: {  	[dreg:$0x1] =	wrdreg $0xFFFFFFFF  }
0xc1: {  	_ =	task.clear_ibuf [dreg:s6], $0x2FFFF;
	_ =	strace $0x9FFFFFFF  }
0xc2: {  	(tm) =	ssettm $0x7FFFFFFF  }
0xc3: {  	_ =	shalt  }
tec
execute0_lowered:
.L_overlay_start_1:
0x0: {  	(tag) =	ssettag $0x1  }
0x1: {  	s0 =	rddreg [dreg:$0x0]  }
0x2: {  	s1 =	rddreg [dreg:$0x1];
	s3 =	simm.s32 $0x0;
	s12 =	stileid.u32  }
0x3: {  	s2 =	srdreg.scid;
	s29 =	simm.s32 $0x180;
	s30 =	simm.s32 $0x6  }
0x4: {  	s31 =	simm.s32 $0x4200;
	[smem:$0x7FF] =	sst s3;
	s4 =	sadd.s32 $0x16800, s0  }
0x5: {  	s7 =	smul.u32 $0x4E000, s12;
	s5 =	sadd.s32 $0xCA00, s0;
	s6 =	sadd.s32 $0x2C00, s0  }
0x6: {  	s2 =	sand.u32 $0x1, s2;
	s11 =	smul.u32 $0x13800, s12;
	s0 =	sadd.s32 $0x3DA00, s0  }
0x7: {  	s16 =	sshll.u32 s12, $0x7;
	p0 =	sne.s32 s12, $0xF;
	p1 =	sgt.u32 s12, $0x1  }
0x8: {  	_ =	strace $0x80000050;
	s8 =	ssub.s32 $0x2, s2;
	s7 =	sshrl.u32 s7, $0x2  }
0x9: {  	s10 =	smul.u32 $0x138800, s2;
	s9 =	sshrl.u32 s8, $0x1;
	s7 =	sadd.s32 s7, s1  }
0xa: {  	s2 =	smul.u32 $0x27100, s2;
	s8 =	ssub.s32 s8, s9;
	s14 =	sadd.s32 $0x10000, s7  }
0xb: {  	s9 =	sadd.s32 $0x138000, s1;
	s8 =	smax.u32 s8, $0x1;
	[dreg:$0x4] =	wrdreg s14  }
0xc: {  	s11 =	sadd.s32 s11, s10;
	s17 =	sadd.s32 $0x4000, s7;
	[dreg:$0x7] =	wrdreg s8  }
0xd: {  	s10 =	sshrl.u32 s10, $0x3;
	s18 =	sadd.s32 $0x8000, s7;
	[dreg:$0x8] =	wrdreg s17  }
0xe: {  	s11 =	sshrl.u32 s11, $0x3;
	s19 =	sadd.s32 $0xC000, s7;
	[dreg:$0x9] =	wrdreg s18  }
0xf: {  	s10 =	sadd.s32 s0, s10;
	s0 =	sadd.s32 s0, s11;
	[dreg:$0xa] =	wrdreg s19  }
0x10: {  	s15 =	sadd.s32 $0x27000, s10;
	s8 =	simm.s32 $0x3;
	[dreg:$0x5] =	wrdreg s0  }
0x11: {  	s10 =	simm.s32 $0x4;
	[dreg:$0x6] =	wrdreg s15;
	s0 =	sadd.s32 s2, s16  }
0x12: {  	s20 =	sshrl.u32 s0, $0x3;
	s22 =	sadd.s32 $0x800, s0;
	s23 =	sadd.s32 $0x1800, s0  }
0x13: {  	s21 =	sadd.s32 s5, s20;
	s2 =	sadd.s32 s6, s20;
	s24 =	sshrl.u32 s22, $0x3  }
0x14: {  	s25 =	sshrl.u32 s23, $0x3;
	s20 =	sadd.s32 $0x1000, s0;
	s22 =	sor.u32 $0x30, s12  }
0x15: {  	s23 =	simm.s32 $0x200;
	s0 =	simm.s32 $0x1;
	[dreg:$0xb] =	wrdreg s21  }
0x16: {  	[dreg:$0xc] =	wrdreg s2;
	s26 =	sadd.s32 s5, s24;
	s2 =	sadd.s32 s6, s24  }
0x17: {  	s28 =	sadd.s32 s25, s5;
	s21 =	sadd.s32 s25, s6;
	[dreg:$0xd] =	wrdreg s26  }
0x18: {  	s24 =	simm.s32 $0x7;
	s25 =	simm.s32 $0x80;
	[dreg:$0xe] =	wrdreg s2  }
0x19: {  	v0 =	vimm.f32 $0.0e+00;
	[dreg:$0x3] =	wrdreg s28;
	s26 =	simm.s32 $0x5;
	s2 =	simm.s32 $0x2  }
.LBB2_1:
0x1a: {  	s11 =	simm.s32 $0x0;
	s12 =	simm.s32 $0x200  }
.LBB2_2:
0x1b: {  	p2 =	sne.s32 s12, $0xFE00;
	[tilespmem:s11+$0x270] =	vst v0  }
0x1c: {  	[tilespmem:s11+$0x200] =	vst v0  }
0x1d: {  	[tilespmem:s11+$0x210] =	vst v0  }
.Ltmp0:
0x1e: {  	[tilespmem:s11+$0x220] =	vst v0;
	(pc) =	sbr.rel @p2 .LBB2_2-.Ltmp0, $4  }
0x1f: {  	[tilespmem:s11+$0x230] =	vst v0  }
0x20: {  	[tilespmem:s11+$0x240] =	vst v0  }
0x21: {  	[tilespmem:s11+$0x250] =	vst v0  }
0x22: {  	[tilespmem:s11+$0x260] =	vst v0;
	s11 =	sshra.s32 s12, $0x2;
	s12 =	sadd.s32 $0x200, s12  }
0x23: {  	[tilespmem:s11+$0x270] =	vst v0  }
0x24: {  	[tilespmem:s11+$0x200] =	vst v0  }
0x25: {  	[tilespmem:s11+$0x210] =	vst v0  }
0x26: {  	[tilespmem:s11+$0x220] =	vst v0  }
0x27: {  	[tilespmem:s11+$0x230] =	vst v0  }
0x28: {  	[tilespmem:s11+$0x240] =	vst v0  }
0x29: {  	[tilespmem:s11+$0x250] =	vst v0  }
0x2a: {  	[tilespmem:s11+$0x260] =	vst v0  }
0x2b: {  	[spmem:s7] =	stream.linear.scatter [tilespmem:s23], [sflag:$0x7], $0x4000, $0x38;
	[tilespmem:$0x1BAC0] =	vst v63  }
0x2c: {  	_ =	swait.ge [sflag:s24], $0x4000  }
0x2d: {  	[sflag:s24] =	ssyncset.done $0x0  }
0x2e: {  	s12 =	rddreg [dreg:$0x8];
	[sflag:s24] =	ssyncadd.s32 $0xFFFFC000  }
0x2f: {  	[spmem:s12] =	stream.linear.scatter [tilespmem:s23], [sflag:$0x7], $0x4000, $0x38;
	[tilespmem:$0x1BAC0] =	vst v63  }
0x30: {  	_ =	swait.ge [sflag:s24], $0x4000  }
0x31: {  	[sflag:s24] =	ssyncset.done $0x0  }
0x32: {  	s13 =	rddreg [dreg:$0x9];
	[sflag:s24] =	ssyncadd.s32 $0xFFFFC000  }
0x33: {  	[spmem:s13] =	stream.linear.scatter [tilespmem:s23], [sflag:$0x7], $0x4000, $0x38;
	[tilespmem:$0x1BAC0] =	vst v63  }
0x34: {  	_ =	swait.ge [sflag:s24], $0x4000  }
0x35: {  	[sflag:s24] =	ssyncset.done $0x0  }
0x36: {  	s14 =	rddreg [dreg:$0xa];
	[sflag:s24] =	ssyncadd.s32 $0xFFFFC000  }
0x37: {  	[spmem:s14] =	stream.linear.scatter [tilespmem:s23], [sflag:$0x7], $0x4000, $0x38;
	[tilespmem:$0x1BAC0] =	vst v63  }
0x38: {  	_ =	swait.ge [sflag:s24], $0x4000  }
0x39: {  	[sflag:s24] =	ssyncset.done $0x0  }
0x3a: {  	s15 =	rddreg [dreg:$0x4];
	[sflag:s24] =	ssyncadd.s32 $0xFFFFC000  }
0x3b: {  	[spmem:s15] =	stream.linear.scatter [tilespmem:s23], [sflag:$0x7], $0x3800, $0x38;
	[tilespmem:$0x1BAC0] =	vst v63  }
0x3c: {  	_ =	swait.ge [sflag:s24], $0x3800  }
0x3d: {  	[sflag:s24] =	ssyncset.done $0x0  }
0x3e: {  	s11 =	simm.s32 @!p0 $0x200;
	[sflag:s24] =	ssyncadd.s32 $0xFFFFC800  }
0x3f: {  	[spmem:s9] =	stream.linear.scatter @!p0 [tilespmem:s11], [sflag:$0x7], $0xC00, $0x38;
	[tilespmem:$0x1BAC0] =	vst v63  }
0x40: {  	s11 =	simm.s32 @!p0 $0x7  }
0x41: {  	_ =	swait.ge @!p0 [sflag:s11], $0xC00  }
0x42: {  	[sflag:s11] =	ssyncset.done @!p0 $0x0  }
0x43: {  	[sflag:s11] =	ssyncadd.s32 @!p0 $0xFFFFF400  }
0x44: {  	[bflag:$0x0] =	sbarrier.arrive $0xFFFF  }
0x45: {  	s16 =	simm.s32 $0x0;
	s12 =	rddreg [dreg:$0xb]  }
0x46: {  	[tilespmem:s16], [sflag:$0x5] =	stream.linear.gather [hbm4b:s12+s16], $0x80, $0x38;
	[tilespmem:$0x1BAC0] =	vst v63  }
0x47: {  	s17 =	rddreg [dreg:$0xc]  }
0x48: {  	[tilespmem:s25], [sflag:$0x5] =	stream.linear.gather [hbm4b:s17+s16], $0x80, $0x38;
	[tilespmem:$0x1BAC0] =	vst v63  }
0x49: {  	_ =	swait.ge [sflag:s26], $0x80  }
0x4a: {  	[sflag:s26] =	ssyncset.done $0x0  }
0x4b: {  	[sflag:s26] =	ssyncadd.s32 $0xFFFFFF80  }
0x4c: {  	_ =	swait.ge [sflag:s26], $0x80  }
0x4d: {  	[sflag:s26] =	ssyncset.done $0x0  }
0x4e: {  	[sflag:s26] =	ssyncadd.s32 $0xFFFFFF80  }
0x4f: {  	[tilespmem:s23], [sflag:$0x1] =	stream.indirect.gather [hbm4b:s4+s25], $0x80, s16, s25, $0xb8;
	[tilespmem:$0x1BAC0] =	vst v63  }
0x50: {  	s13 =	simm.s32 $0x100;
	s18 =	rddreg [dreg:$0xd]  }
0x51: {  	[tilespmem:s13], [sflag:$0x6] =	stream.linear.gather [hbm4b:s18+s16], $0x80, $0x38;
	[tilespmem:$0x1BAC0] =	vst v63  }
0x52: {  	s19 =	rddreg [dreg:$0xe]  }
0x53: {  	[tilespmem:s29], [sflag:$0x6] =	stream.linear.gather [hbm4b:s19+s16], $0x80, $0x38;
	[tilespmem:$0x1BAC0] =	vst v63  }
0x54: {  	_ =	swait.ge [sflag:s30], $0x80  }
0x55: {  	[sflag:s30] =	ssyncset.done $0x0  }
0x56: {  	[sflag:s30] =	ssyncadd.s32 $0xFFFFFF80  }
0x57: {  	_ =	swait.ge [sflag:s30], $0x80  }
0x58: {  	[sflag:s30] =	ssyncset.done $0x0  }
0x59: {  	[sflag:s30] =	ssyncadd.s32 $0xFFFFFF80  }
0x5a: {  	[tilespmem:s31], [sflag:$0x2] =	stream.indirect.gather [hbm4b:s4+s25], $0x80, s13, s25, $0xb8;
	[tilespmem:$0x1BAC0] =	vst v63  }
0x5b: {  	_ =	swait.ge [sflag:s0], $0x4000  }
0x5c: {  	[sflag:s0] =	ssyncset.done $0x0  }
0x5d: {  	[sflag:s0] =	ssyncadd.s32 $0xFFFFC000  }
0x5e: {  	[spmem:s1] =	stream.indirect.scatter.add.f32 [tilespmem:s23], [sflag:$0x3], $0x80, s25, s25, $0xb8;
	[tilespmem:$0x1BAC0] =	vst v63  }
0x5f: {  	_ =	swait.ge [sflag:s2], $0x4000  }
0x60: {  	[sflag:s2] =	ssyncset.done $0x0  }
0x61: {  	s28 =	sadd.s32 $0xFFFFFFF0, s22;
	[sflag:s2] =	ssyncadd.s32 $0xFFFFC000  }
0x62: {  	[spmem:s1] =	stream.indirect.scatter.add.f32 [tilespmem:s31], [sflag:$0x4], $0x80, s29, s25, $0xb8;
	[tilespmem:$0x1BAC0] =	vst v63  }
0x63: {  	p2 =	sgt.u32 s28, $0x4E1;
	_ =	swait.ge [sflag:s8], $0x4000  }
0x64: {  	s11 =	sshrl.u32 @!p2 s20, $0x3;
	[sflag:s8] =	ssyncset.done $0x0  }
0x65: {  	s12 =	sadd.s32 @!p2 s5, s11;
	s13 =	simm.s32 @!p2 $0x0;
	[sflag:s8] =	ssyncadd.s32 $0xFFFFC000  }
0x66: {  	[tilespmem:s13], [sflag:$0x5] =	stream.linear.gather @!p2 [hbm4b:s12+s13], $0x80, $0x38;
	[tilespmem:$0x1BAC0] =	vst v63  }
0x67: {  	s14 =	simm.s32 @!p2 $0x80;
	s11 =	sadd.s32 @!p2 s6, s11;
	s12 =	simm.s32 @!p2 $0x5  }
0x68: {  	[tilespmem:s14], [sflag:$0x5] =	stream.linear.gather @!p2 [hbm4b:s11+s13], $0x80, $0x38;
	[tilespmem:$0x1BAC0] =	vst v63  }
0x69: {  	_ =	swait.ge @!p2 [sflag:s12], $0x80  }
0x6a: {  	[sflag:s12] =	ssyncset.done @!p2 $0x0  }
0x6b: {  	[sflag:s12] =	ssyncadd.s32 @!p2 $0xFFFFFF80  }
0x6c: {  	_ =	swait.ge @!p2 [sflag:s12], $0x80  }
0x6d: {  	[sflag:s12] =	ssyncset.done @!p2 $0x0  }
0x6e: {  	s16 =	simm.s32 @!p2 $0x200;
	[sflag:s12] =	ssyncadd.s32 @!p2 $0xFFFFFF80  }
0x6f: {  	[tilespmem:s16], [sflag:$0x1] =	stream.indirect.gather @!p2 [hbm4b:s4+s14], $0x80, s13, s14, $0xb8;
	[tilespmem:$0x1BAC0] =	vst v63  }
0x70: {  	p3 =	sgt.u32 s22, $0x4E1;
	_ =	swait.ge [sflag:s10], $0x4000  }
0x71: {  	s12 =	simm.s32 @!p3 $0x0;
	s11 =	rddreg [dreg:$0x3];
	[sflag:s10] =	ssyncset.done $0x0  }
0x72: {  	s13 =	simm.s32 @!p3 $0x100;
	[sflag:s10] =	ssyncadd.s32 $0xFFFFC000;
	s11 =	sadd.s32 @!p3 $0x0, s11  }
0x73: {  	[tilespmem:s13], [sflag:$0x6] =	stream.linear.gather @!p3 [hbm4b:s11+s12], $0x80, $0x38;
	[tilespmem:$0x1BAC0] =	vst v63  }
0x74: {  	s15 =	simm.s32 @!p3 $0x180;
	s17 =	simm.s32 @!p3 $0x6;
	s11 =	sadd.s32 @!p3 $0x0, s21  }
0x75: {  	[tilespmem:s15], [sflag:$0x6] =	stream.linear.gather @!p3 [hbm4b:s11+s12], $0x80, $0x38;
	[tilespmem:$0x1BAC0] =	vst v63  }
0x76: {  	_ =	swait.ge @!p3 [sflag:s17], $0x80  }
0x77: {  	[sflag:s17] =	ssyncset.done @!p3 $0x0  }
0x78: {  	[sflag:s17] =	ssyncadd.s32 @!p3 $0xFFFFFF80  }
0x79: {  	_ =	swait.ge @!p3 [sflag:s17], $0x80  }
0x7a: {  	s11 =	simm.s32 @!p3 $0x80;
	[sflag:s17] =	ssyncset.done @!p3 $0x0  }
0x7b: {  	s12 =	simm.s32 @!p3 $0x4200;
	s15 =	simm.s32 @!p2 $0x1;
	[sflag:s17] =	ssyncadd.s32 @!p3 $0xFFFFFF80  }
0x7c: {  	[tilespmem:s12], [sflag:$0x2] =	stream.indirect.gather @!p3 [hbm4b:s4+s11], $0x80, s13, s11, $0xb8;
	[tilespmem:$0x1BAC0] =	vst v63  }
0x7d: {  	p3 =	sgt.u32 @!p2 s22, $0x4E1;
	_ =	swait.ge @!p2 [sflag:s15], $0x4000  }
0x7e: {  	s11 =	simm.s32 $0x200;
	p4 =	por p3, p2;
	[sflag:s15] =	ssyncset.done @!p2 $0x0  }
0x7f: {  	s12 =	sadd.s32 $0x1000, s20;
	[sflag:s15] =	ssyncadd.s32 @!p2 $0xFFFFC000;
	s15 =	simm.s32 @!p4 $0x2  }
0x80: {  	[spmem:s1] =	stream.indirect.scatter.add.f32 @!p2 [tilespmem:s16], [sflag:$0x3], $0x80, s14, s14, $0xb8;
	[tilespmem:$0x1BAC0] =	vst v63  }
0x81: {  	s13 =	sadd.s32 $0x20, s22;
	s17 =	simm.s32 @!p4 $0x180;
	_ =	swait.ge @!p4 [sflag:s15], $0x4000  }
0x82: {  	s14 =	simm.s32 @!p4 $0x4200;
	s16 =	simm.s32 @!p4 $0x80;
	[sflag:s15] =	ssyncset.done @!p4 $0x0  }
.LBB2_4:
0x83: {  	s18 =	sadd.s32 $0xFFFFFFF0, s13;
	[sflag:s15] =	ssyncadd.s32 @!p4 $0xFFFFC000  }
0x84: {  	[spmem:s1] =	stream.indirect.scatter.add.f32 @!p4 [tilespmem:s14], [sflag:$0x4], $0x80, s17, s16, $0xb8;
	[tilespmem:$0x1BAC0] =	vst v63  }
0x85: {  	p3 =	sgt.u32 s18, $0x4E1;
	_ =	swait.ge [sflag:s8], $0x4000  }
0x86: {  	s14 =	sshrl.u32 @!p3 s12, $0x3;
	[sflag:s8] =	ssyncset.done $0x0  }
0x87: {  	s17 =	simm.s32 @!p3 $0x0;
	s16 =	sadd.s32 @!p3 s5, s14;
	[sflag:s8] =	ssyncadd.s32 $0xFFFFC000  }
0x88: {  	[tilespmem:s17], [sflag:$0x5] =	stream.linear.gather @!p3 [hbm4b:s16+s17], $0x80, $0x38;
	[tilespmem:$0x1BAC0] =	vst v63  }
0x89: {  	s18 =	simm.s32 @!p3 $0x5;
	s16 =	sadd.s32 @!p3 s6, s14;
	s14 =	simm.s32 @!p3 $0x80  }
0x8a: {  	[tilespmem:s14], [sflag:$0x5] =	stream.linear.gather @!p3 [hbm4b:s16+s17], $0x80, $0x38;
	[tilespmem:$0x1BAC0] =	vst v63  }
0x8b: {  	_ =	swait.ge @!p3 [sflag:s18], $0x80  }
0x8c: {  	[sflag:s18] =	ssyncset.done @!p3 $0x0  }
0x8d: {  	[sflag:s18] =	ssyncadd.s32 @!p3 $0xFFFFFF80  }
0x8e: {  	_ =	swait.ge @!p3 [sflag:s18], $0x80  }
0x8f: {  	[sflag:s18] =	ssyncset.done @!p3 $0x0  }
0x90: {  	s16 =	simm.s32 @!p3 $0x200;
	[sflag:s18] =	ssyncadd.s32 @!p3 $0xFFFFFF80  }
0x91: {  	[tilespmem:s16], [sflag:$0x1] =	stream.indirect.gather @!p3 [hbm4b:s4+s14], $0x80, s17, s14, $0xb8;
	[tilespmem:$0x1BAC0] =	vst v63  }
0x92: {  	s15 =	smov.u32 s11;
	p5 =	sgt.u32 s13, $0x4E1;
	_ =	swait.ge [sflag:s10], $0x4000  }
0x93: {  	s19 =	simm.s32 @!p5 $0x100;
	s17 =	rddreg [dreg:$0x3];
	[sflag:s10] =	ssyncset.done $0x0  }
0x94: {  	s18 =	simm.s32 @!p5 $0x0;
	[sflag:s10] =	ssyncadd.s32 $0xFFFFC000;
	s17 =	sadd.s32 @!p5 s15, s17  }
0x95: {  	[tilespmem:s19], [sflag:$0x6] =	stream.linear.gather @!p5 [hbm4b:s17+s18], $0x80, $0x38;
	[tilespmem:$0x1BAC0] =	vst v63  }
0x96: {  	s28 =	simm.s32 @!p5 $0x180;
	s15 =	sadd.s32 @!p5 s15, s21;
	s17 =	simm.s32 @!p5 $0x6  }
0x97: {  	[tilespmem:s28], [sflag:$0x6] =	stream.linear.gather @!p5 [hbm4b:s15+s18], $0x80, $0x38;
	[tilespmem:$0x1BAC0] =	vst v63  }
0x98: {  	_ =	swait.ge @!p5 [sflag:s17], $0x80  }
0x99: {  	[sflag:s17] =	ssyncset.done @!p5 $0x0  }
0x9a: {  	[sflag:s17] =	ssyncadd.s32 @!p5 $0xFFFFFF80  }
0x9b: {  	_ =	swait.ge @!p5 [sflag:s17], $0x80  }
0x9c: {  	s11 =	sadd.s32 $0x200, s11;
	s15 =	simm.s32 @!p5 $0x80;
	[sflag:s17] =	ssyncset.done @!p5 $0x0  }
0x9d: {  	s18 =	simm.s32 @!p5 $0x4200;
	[sflag:s17] =	ssyncadd.s32 @!p5 $0xFFFFFF80;
	s17 =	simm.s32 @!p3 $0x1  }
0x9e: {  	[tilespmem:s18], [sflag:$0x2] =	stream.indirect.gather @!p5 [hbm4b:s4+s15], $0x80, s19, s15, $0xb8;
	[tilespmem:$0x1BAC0] =	vst v63  }
0x9f: {  	p2 =	sne.s32 s11, $0x4E00;
	p4 =	sgt.u32 @!p3 s13, $0x4E1;
	_ =	swait.ge @!p3 [sflag:s17], $0x4000  }
.Ltmp1:
0xa0: {  	p4 =	por p4, p3;
	[sflag:s17] =	ssyncset.done @!p3 $0x0;
	(pc) =	sbr.rel @p2 .LBB2_4-.Ltmp1, $4  }
0xa1: {  	s12 =	sadd.s32 $0x1000, s12;
	s15 =	simm.s32 @!p4 $0x2;
	[sflag:s17] =	ssyncadd.s32 @!p3 $0xFFFFC000  }
0xa2: {  	[spmem:s1] =	stream.indirect.scatter.add.f32 @!p3 [tilespmem:s16], [sflag:$0x3], $0x80, s14, s14, $0xb8;
	[tilespmem:$0x1BAC0] =	vst v63  }
0xa3: {  	s13 =	sadd.s32 $0x20, s13;
	s17 =	simm.s32 @!p4 $0x180;
	_ =	swait.ge @!p4 [sflag:s15], $0x4000  }
0xa4: {  	s14 =	simm.s32 @!p4 $0x4200;
	s16 =	simm.s32 @!p4 $0x80;
	[sflag:s15] =	ssyncset.done @!p4 $0x0  }
0xa5: {  	[sflag:s15] =	ssyncadd.s32 @!p4 $0xFFFFC000;
	s11 =	simm.s32 @!p1 $0x3  }
0xa6: {  	[spmem:s1] =	stream.indirect.scatter.add.f32 @!p4 [tilespmem:s14], [sflag:$0x4], $0x80, s17, s16, $0xb8;
	[tilespmem:$0x1BAC0] =	vst v63  }
0xa7: {  	_ =	swait.ge @!p1 [sflag:s11], $0x4000  }
0xa8: {  	[sflag:s11] =	ssyncset.done @!p1 $0x0  }
0xa9: {  	s19 =	stileid.u32;
	[sflag:s11] =	ssyncadd.s32 @!p1 $0xFFFFC000  }
0xaa: {  	s11 =	sshll.u32 s19, $0x6;
	[bflag:$0x0] =	sbarrier.arrive $0xFFFF  }
0xab: {  	s12 =	sshrl.u32 s7, $0x3;
	s11 =	sor.u32 $0x1C07, s11;
	s13 =	rddreg [dreg:$0x5]  }
0xac: {  	[hbm:s13], [sflag:s11] =	dma.local [spmem:s12], $0x2700  }
0xad: {  	_ =	swait.ge [sflag:s24], $0x2700  }
0xae: {  	[sflag:s24] =	ssyncset.done $0x0  }
0xaf: {  	s12 =	sshrl.u32 @!p0 s9, $0x3;
	s13 =	rddreg [dreg:$0x6];
	[sflag:s24] =	ssyncadd.s32 $0xFFFFD900  }
0xb0: {  	[hbm:s13], [sflag:s11] =	dma.local @!p0 [spmem:s12], $0x100  }
0xb1: {  	s11 =	simm.s32 @!p0 $0x7  }
0xb2: {  	_ =	swait.ge @!p0 [sflag:s11], $0x100  }
0xb3: {  	s3 =	sadd.s32 $0x1, s3;
	s28 =	rddreg [dreg:$0x7]  }
0xb4: {  	p2 =	sne.s32 s3, s28  }
.Ltmp2:
0xb5: {  	_ = 	snop;
	(pc) =	sbr.rel @p2 .LBB2_1-.Ltmp2, $3  }
0xb6: {  	_ =	sdelay $0x1  }
0xb7: {  	[sflag:s11] =	ssyncset.done @!p0 $0x0  }
0xb8: {  	[sflag:s11] =	ssyncadd.s32 @!p0 $0xFFFFFF00  }
0xb9: {  	_ =	sfence.sel $0x180000  }
0xba: {  	[bflag:$0x0] =	sbarrier.arrive $0xFFFF  }
0xbb: {  	_ =	strace $0x90000050  }
0xbc: {  	s0 =	stileid.u32;
	[bflag:$0x2] =	sbarrier.arrive $0xFFFF  }
0xbd: {  	p0 =	sne.s32 s0, $0x0;
	s0 =	rddreg [dreg:$0x2]  }
0xbe: {  	s0 =	sadd.s32 @!p0 $0x100000, s0  }
0xbf: {  	[sflag:s0] =	ssyncadd.tile.s32 @!p0 $0x1;
	_ =	shalt  }
.Lfunc_end2:
_tile_overlayer_lowered:
.L_overlay_start_2:
0xc0: {  	(tag) =	ssettag $0x2  }
0xc1: {  	s0 =	rddreg [dreg:$0x0];
	s2 =	stileid.u32  }
0xc2: {  	s1 =	rddreg [dreg:$0x1];
	p0 =	sne.s32 s2, $0x0  }
0xc3: {  	s3 =	rddreg [dreg:$0x2];
	[bflag:$0x3] =	sbarrier.arrive $0xFFFF;
	s2 =	simm.s32 @!p0 $0x1C07  }
0xc4: {  	[timem:s3], [sflag:s2] =	dma.local @!p0 [hbm:s0], s1  }
0xc5: {  	s0 =	simm.s32 @!p0 $0x7  }
0xc6: {  	_ =	swait.ge @!p0 [sflag:s0], s1  }
0xc7: {  	s1 =	ssub.s32 @!p0 $0x0, s1;
	[sflag:s0] =	ssyncset.done @!p0 $0x0  }
0xc8: {  	[sflag:s0] =	ssyncadd.s32 @!p0 s1  }
0xc9: {  	[bflag:$0x3] =	sbarrier.arrive $0xFFFF  }
0xca: {  	_ =	shalt  }

// kernel: kernel.26.cloned.1.call-start
scs
__scs_entry_jumppad:
0x0: {  	(pc) =	sbr.rel $0x88, $3  }
0x1: {  	(tag) =	ssettag $0x0;
	lr =	simm.s32 $0x1  }
0x2: {  	[smem:$0x3F95] =	sst lr;
	_ =	strace $0xD0000000  }
0x3: {  	_ = 	snop  }
0x4: {  	_ = 	snop  }
0x5: {  	_ = 	snop  }
0x6: {  	_ = 	snop  }
0x7: {  	_ = 	snop  }
__scs_overlays_trampoline_lowered:
0x8: {  	[smem:$0x3FA4] =	sst s0  }
0x9: {  	[smem:$0x3FA5] =	sst s1  }
0xa: {  	[smem:$0x3FA6] =	sst s2  }
0xb: {  	[smem:$0x3FA7] =	sst s3  }
0xc: {  	[smem:$0x3FA8] =	sst s4  }
0xd: {  	[smem:$0x3FA9] =	sst s5  }
0xe: {  	[smem:$0x3FAA] =	sst s6  }
0xf: {  	[smem:$0x3FAB] =	sst s7  }
0x10: {  	[smem:$0x3FAC] =	sst s8  }
0x11: {  	[smem:$0x3FAD] =	sst s9;
	s0 =	simm.s32 @!p0 $0x0  }
0x12: {  	s1 =	sld [smem:$0x3F93];
	s0 =	simm.s32 @p0 $0x1  }
0x13: {  	[smem:$0x3FAE] =	sst s0;
	s0 =	simm.s32 @!p1 $0x0  }
0x14: {  	s2 =	sld [smem:$0x3F92];
	s0 =	simm.s32 @p1 $0x1  }
0x15: {  	[smem:$0x3FAF] =	sst s0;
	s0 =	simm.s32 @!p2 $0x0  }
0x16: {  	s3 =	sld [smem:$0x3FDB];
	s0 =	simm.s32 @p2 $0x1  }
0x17: {  	s4 =	simm.s32 $0x1BF5;
	[smem:$0x3FB1] =	sst s0  }
0x18: {  	s0 =	sld [smem:$0x3F94];
	_ =	swait.ge [sflag:s4], $0x0  }
0x19: {  	s7 =	sld [smem:$0x3F95]  }
0x1a: {  	s8 =	sadd.s32 $0xFFFFE003, lr  }
0x1b: {  	s9 =	sadd.s32 $0xFFFFFEF7, lr;
	s5 =	simm.s32 $0xFFFFFFFF;
	p2 =	slt.u32 s8, $0xFFFFF086  }
0x1c: {  	p1 =	slt.u32 s9, $0xF7A;
	s5 =	simm.s32 @!p2 $0x0  }
0x1d: {  	s5 =	simm.s32 @p1 $0x1;
	p0 =	seq.s32 s7, s2  }
0x1e: {  	s7 =	smul.u32 @!p0 $0xF7A, s2;
	p2 =	seq.s32 @!p0 s5, $0x0  }
0x1f: {  	s9 =	smul.u32 $0xF7A, s1;
	s8 =	simm.s32 @!p0 $0x1BF5;
	p2 =	por !p2, p0  }
0x20: {  	[sflag:s8] =	ssyncset.s32 @!p0 $0xFFFFF086;
	s6 =	sadd.s32 @!p0 s3, s7;
	s7 =	simm.s32 @!p0 $0x108  }
0x21: {  	s3 =	sadd.s32 s3, s9;
	s6 =	sadd.s32 @!p0 $0x88, s6;
	s7 =	simm.s32 @p2 $0x1082  }
0x22: {  	[simem:s7], [sflag:s8] =	dma.local @!p0 [hbm:s6], $0xF7A  }
0x23: {  	s9 =	sor.u32 $0xD0000000, s2;
	s6 =	simm.s32 $0x108;
	_ =	swait.ge @!p0 [sflag:s8], $0x0  }
0x24: {  	s3 =	sadd.s32 $0x88, s3;
	s6 =	simm.s32 @!p1 $0x1082;
	[sflag:s4] =	ssyncset.s32 $0xFFFFF086  }
0x25: {  	[simem:s6], [sflag:s4] =	dma.local [hbm:s3], $0xF7A  }
0x26: {  	[smem:$0x3F95] =	sst s1;
	(tag) =	ssettag s2;
	_ =	strace s9  }
0x27: {  	s1 =	sld [smem:$0x3FA5]  }
0x28: {  	s2 =	sld [smem:$0x3FA6]  }
0x29: {  	s4 =	sld [smem:$0x3FA8]  }
0x2a: {  	p0 =	seq.s32 s5, $0x0;
	s5 =	sld [smem:$0x3FA9]  }
0x2b: {  	s6 =	sld [smem:$0x3FAA]  }
0x2c: {  	s7 =	sld [smem:$0x3FAB]  }
0x2d: {  	s3 =	simm.s32 $0x108;
	s8 =	sld [smem:$0x3FAC]  }
0x2e: {  	s3 =	simm.s32 @!p0 $0x1082;
	s9 =	sld [smem:$0x3FAD]  }
0x2f: {  	lr =	sadd.s32 s0, s3;
	s0 =	sld [smem:$0x3FA4]  }
0x30: {  	s3 =	sld [smem:$0x3FA7]  }
0x31: {  	[smem:$0x3FB0] =	sst s10  }
0x32: {  	s10 =	sld [smem:$0x3FAE];
	_ =	sdelay $0x3  }
0x33: {  	p0 =	seq.s32 s10, $0x1;
	s10 =	sld [smem:$0x3FB0];
	_ =	sdelay $0x3  }
0x34: {  	[smem:$0x3FB0] =	sst s10  }
0x35: {  	s10 =	sld [smem:$0x3FAF];
	_ =	sdelay $0x3  }
0x36: {  	p1 =	seq.s32 s10, $0x1;
	s10 =	sld [smem:$0x3FB0];
	_ =	sdelay $0x3  }
0x37: {  	[smem:$0x3FB0] =	sst s10  }
0x38: {  	s10 =	sld [smem:$0x3FB1]  }
0x39: {  	_ = 	snop;
	(pc) =	sbr.ind lr, $3  }
0x3a: {  	_ = 	snop  }
0x3b: {  	_ = 	snop  }
0x3c: {  	p2 =	seq.s32 s10, $0x1;
	s10 =	sld [smem:$0x3FB0]  }
0x3d: {  	_ =	shalt  }
0x3e: {  	_ =	shalt  }
0x3f: {  	_ =	shalt  }
0x40: {  	_ =	shalt  }
0x41: {  	_ =	shalt  }
0x42: {  	_ =	shalt  }
0x43: {  	_ =	shalt  }
0x44: {  	_ =	shalt  }
0x45: {  	_ =	shalt  }
0x46: {  	_ =	shalt  }
0x47: {  	_ =	shalt  }
0x48: {  	_ =	shalt  }
0x49: {  	_ =	shalt  }
0x4a: {  	_ =	shalt  }
0x4b: {  	_ =	shalt  }
0x4c: {  	_ =	shalt  }
0x4d: {  	_ =	shalt  }
0x4e: {  	_ =	shalt  }
0x4f: {  	_ =	shalt  }
0x50: {  	_ =	shalt  }
0x51: {  	_ =	shalt  }
0x52: {  	_ =	shalt  }
0x53: {  	_ =	shalt  }
0x54: {  	_ =	shalt  }
0x55: {  	_ =	shalt  }
0x56: {  	_ =	shalt  }
0x57: {  	_ =	shalt  }
0x58: {  	_ =	shalt  }
0x59: {  	_ =	shalt  }
0x5a: {  	_ =	shalt  }
0x5b: {  	_ =	shalt  }
0x5c: {  	_ =	shalt  }
0x5d: {  	_ =	shalt  }
0x5e: {  	_ =	shalt  }
0x5f: {  	_ =	shalt  }
0x60: {  	_ =	shalt  }
0x61: {  	_ =	shalt  }
0x62: {  	_ =	shalt  }
0x63: {  	_ =	shalt  }
0x64: {  	_ =	shalt  }
0x65: {  	_ =	shalt  }
0x66: {  	_ =	shalt  }
0x67: {  	_ =	shalt  }
0x68: {  	_ =	shalt  }
0x69: {  	_ =	shalt  }
0x6a: {  	_ =	shalt  }
0x6b: {  	_ =	shalt  }
0x6c: {  	_ =	shalt  }
0x6d: {  	_ =	shalt  }
0x6e: {  	_ =	shalt  }
0x6f: {  	_ =	shalt  }
0x70: {  	_ =	shalt  }
0x71: {  	_ =	shalt  }
0x72: {  	_ =	shalt  }
0x73: {  	_ =	shalt  }
0x74: {  	_ =	shalt  }
0x75: {  	_ =	shalt  }
0x76: {  	_ =	shalt  }
0x77: {  	_ =	shalt  }
0x78: {  	_ =	shalt  }
0x79: {  	_ =	shalt  }
0x7a: {  	_ =	shalt  }
0x7b: {  	_ =	shalt  }
0x7c: {  	_ =	shalt  }
0x7d: {  	_ =	shalt  }
0x7e: {  	_ =	shalt  }
0x7f: {  	_ =	shalt  }
0x80: {  	_ =	shalt  }
0x81: {  	_ =	shalt  }
0x82: {  	_ =	shalt  }
0x83: {  	_ =	shalt  }
0x84: {  	_ =	shalt  }
0x85: {  	_ =	shalt  }
0x86: {  	_ =	shalt  }
0x87: {  	_ =	shalt  }
.Lfunc_end0:
.L_simem_size_0:
called_computation.4_lowered:
.L_overlay_start_0:
0x88: {  	s2 =	sld [smem:$0x3FD9]  }
0x89: {  	s3 =	sld [smem:$0x3FFE];
	_ =	sdelay $0x1  }
0x8a: {  	s1 =	srdreg.scid  }
0x8b: {  	s0 =	sand.u32 $0x1, s1  }
0x8c: {  	s16 =	sshll.u32 s0, $0xA;
	s2 =	sadd.s32 s3, s2  }
0x8d: {  	s2 =	sadd.s32 s2, s16  }
0x8e: {  	[smem:$0x3FBC] =	sst s2  }
0x8f: {  	_ = 	snop  }
0x90: {  	(tm) =	ssettm $0x1  }
0x91: {  	s17 =	sld [smem:$0x3FFB];
	_ =	sdelay $0x3  }
0x92: {  	_ =	strace s17  }
0x93: {  	s2 =	sld [smem:$0x3FFC];
	_ =	sdelay $0x3  }
0x94: {  	_ =	strace s2  }
0x95: {  	s2 =	sld [smem:$0x3FFD];
	_ =	sdelay $0x3  }
0x96: {  	_ =	strace s2  }
0x97: {  	_ =	strace $0x8FFFFFFF  }
0x98: {  	s18 =	sld [smem:$0x3FDB];
	_ =	sdelay $0x1  }
0x99: {  	s19 =	simm.s32 $_scs_section_size  }
0x9a: {  	s4 =	simm.s32 $_size__tile_overlayer_lowered;
	s5 =	simm.s32 $_tile_overlayer_lowered  }
0x9b: {  	s22 =	simm.s32 $0x1BFF;
	s21 =	sshll.u32 s5, $0x1;
	s2 =	sadd.s32 s19, s18  }
0x9c: {  	s6 =	simm.s32 $0x0;
	s20 =	sshll.u32 s4, $0x1;
	s4 =	sadd.s32 s21, s2  }
0x9d: {  	[timem:s6], [sflag:s22] =	dma.local [hbm:s4], s20  }
0x9e: {  	_ =	swait.ge [sflag:s22], s20  }
0x9f: {  	s3 =	ssub.s32 $0x0, s20;
	[sflag:s22] =	ssyncset.done $0x0  }
0xa0: {  	[sflag:s22] =	ssyncadd.s32 s3;
	_ =	sdelay $0x1  }
0xa1: {  	s23 =	simm.s32 $0x1B8B  }
0xa2: {  	_ =	swait.ge [sflag:s23], $0x1  }
0xa3: {  	[sflag:s23] =	ssyncset.done $0x0  }
0xa4: {  	s25 =	simm.s32 $0x1B8E;
	s24 =	sld [smem:$0x3FFE];
	[sflag:s23] =	ssyncadd.s32 $0xFFFFFFFF  }
0xa5: {  	s26 =	simm.s32 $execute0_lowered;
	[smem:$0x3FD2] =	sst s25  }
0xa6: {  	s4 =	sshll.u32 s26, $0x1;
	_ =	strace $0x80000052;
	[dreg:$0x1] =	wrdreg $0xFFFFFFFF  }
0xa7: {  	s28 =	simm.s32 $_size_execute0_lowered;
	s2 =	sadd.s32 s2, s4;
	[dreg:$0x0] =	wrdreg $0x0  }
0xa8: {  	s4 =	sshll.u32 s28, $0x1;
	[dreg:$0x2] =	wrdreg s2  }
0xa9: {  	[dreg:$0x3] =	wrdreg s4  }
0xaa: {  	[dreg:$0x4] =	wrdreg $0xC0  }
0xab: {  	_ =	task [dreg:s6], $0x5FFFF  }
0xac: {  	[dreg:$0x1] =	wrdreg $0xFFFFFFFF  }
0xad: {  	[dreg:$0x0] =	wrdreg $0x60  }
0xae: {  	[dreg:$0x2] =	wrdreg s24  }
0xaf: {  	[dreg:$0x3] =	wrdreg $0x82000  }
0xb0: {  	[dreg:$0x4] =	wrdreg $0x9  }
0xb1: {  	_ =	task.clear_ibuf [dreg:s6], $0x5FFFF;
	_ =	strace $0x90000052  }
0xb2: {  	s29 =	simm.s32 $0x9;
	_ =	strace $0x80000054  }
0xb3: {  	_ =	swait.ge [sflag:s29], $0x1  }
0xb4: {  	[sflag:s29] =	ssyncadd.s32 $0xFFFFFFFF  }
0xb5: {  	_ =	strace $0x90000054  }
0xb6: {  	_ =	sfence  }
0xb7: {  	s30 =	sld [smem:$0x0];
	_ =	sdelay $0x2  }
0xb8: {  	s31 =	sshll.u32 s1, $0xD;
	s1 =	sshrl.u32 s1, $0x2  }
0xb9: {  	s3 =	sand.u32 $0x4000, s31;
	s1 =	sadd.s32 s1, s30  }
0xba: {  	s0 =	sor.u32 s3, s0;
	s1 =	sshll.u32 s1, $0x11  }
0xbb: {  	s0 =	sor.u32 s1, s0  }
0xbc: {  	s0 =	sadd.s32 $0x8F2B, s0  }
0xbd: {  	[sflag:s0] =	ssyncadd.remote.s32 $0x1  }
0xbe: {  	_ =	sfence.sel $0xFFFF  }
0xbf: {  	[dreg:$0x0] =	wrdreg $0xFFFFFFFF;
	(pc) =	sbr.abs _section_cstart, $3  }
0xc0: {  	[dreg:$0x1] =	wrdreg $0xFFFFFFFF  }
0xc1: {  	_ =	task.clear_ibuf [dreg:s6], $0x2FFFF;
	_ =	strace $0x9FFFFFFF  }
0xc2: {  	(tm) =	ssettm $0x7FFFFFFF  }
0xc3: {  	_ =	shalt  }
tec
execute0_lowered:
.L_overlay_start_1:
0x0: {  	(tag) =	ssettag $0x1  }
0x1: {  	s0 =	rddreg [dreg:$0x0]  }
0x2: {  	s1 =	rddreg [dreg:$0x1];
	s3 =	simm.s32 $0x0;
	s12 =	stileid.u32  }
0x3: {  	s2 =	srdreg.scid;
	s29 =	simm.s32 $0x180;
	s30 =	simm.s32 $0x6  }
0x4: {  	s31 =	simm.s32 $0x4200;
	[smem:$0x7FF] =	sst s3;
	s4 =	sadd.s32 $0x16800, s0  }
0x5: {  	s7 =	smul.u32 $0x4E000, s12;
	s5 =	sadd.s32 $0xCA00, s0;
	s6 =	sadd.s32 $0x2C00, s0  }
0x6: {  	s2 =	sand.u32 $0x1, s2;
	s11 =	smul.u32 $0x13800, s12;
	s0 =	sadd.s32 $0x3DA00, s0  }
0x7: {  	s16 =	sshll.u32 s12, $0x7;
	p0 =	sne.s32 s12, $0xF;
	p1 =	sgt.u32 s12, $0x1  }
0x8: {  	_ =	strace $0x80000053;
	s8 =	ssub.s32 $0x2, s2;
	s7 =	sshrl.u32 s7, $0x2  }
0x9: {  	s10 =	smul.u32 $0x138800, s2;
	s9 =	sshrl.u32 s8, $0x1;
	s7 =	sadd.s32 s7, s1  }
0xa: {  	s2 =	smul.u32 $0x27100, s2;
	s8 =	ssub.s32 s8, s9;
	s14 =	sadd.s32 $0x10000, s7  }
0xb: {  	s9 =	sadd.s32 $0x138000, s1;
	s8 =	smax.u32 s8, $0x1;
	[dreg:$0x4] =	wrdreg s14  }
0xc: {  	s11 =	sadd.s32 s11, s10;
	s17 =	sadd.s32 $0x4000, s7;
	[dreg:$0x7] =	wrdreg s8  }
0xd: {  	s10 =	sshrl.u32 s10, $0x3;
	s18 =	sadd.s32 $0x8000, s7;
	[dreg:$0x8] =	wrdreg s17  }
0xe: {  	s11 =	sshrl.u32 s11, $0x3;
	s19 =	sadd.s32 $0xC000, s7;
	[dreg:$0x9] =	wrdreg s18  }
0xf: {  	s10 =	sadd.s32 s0, s10;
	s0 =	sadd.s32 s0, s11;
	[dreg:$0xa] =	wrdreg s19  }
0x10: {  	s15 =	sadd.s32 $0x27000, s10;
	s8 =	simm.s32 $0x3;
	[dreg:$0x5] =	wrdreg s0  }
0x11: {  	s10 =	simm.s32 $0x4;
	[dreg:$0x6] =	wrdreg s15;
	s0 =	sadd.s32 s2, s16  }
0x12: {  	s20 =	sshrl.u32 s0, $0x3;
	s22 =	sadd.s32 $0x800, s0;
	s23 =	sadd.s32 $0x1800, s0  }
0x13: {  	s21 =	sadd.s32 s5, s20;
	s2 =	sadd.s32 s6, s20;
	s24 =	sshrl.u32 s22, $0x3  }
0x14: {  	s25 =	sshrl.u32 s23, $0x3;
	s20 =	sadd.s32 $0x1000, s0;
	s22 =	sor.u32 $0x30, s12  }
0x15: {  	s23 =	simm.s32 $0x200;
	s0 =	simm.s32 $0x1;
	[dreg:$0xb] =	wrdreg s21  }
0x16: {  	[dreg:$0xc] =	wrdreg s2;
	s26 =	sadd.s32 s5, s24;
	s2 =	sadd.s32 s6, s24  }
0x17: {  	s28 =	sadd.s32 s25, s5;
	s21 =	sadd.s32 s25, s6;
	[dreg:$0xd] =	wrdreg s26  }
0x18: {  	s24 =	simm.s32 $0x7;
	s25 =	simm.s32 $0x80;
	[dreg:$0xe] =	wrdreg s2  }
0x19: {  	v0 =	vimm.f32 $0.0e+00;
	[dreg:$0x3] =	wrdreg s28;
	s26 =	simm.s32 $0x5;
	s2 =	simm.s32 $0x2  }
.LBB2_1:
0x1a: {  	s11 =	simm.s32 $0x0;
	s12 =	simm.s32 $0x200  }
.LBB2_2:
0x1b: {  	p2 =	sne.s32 s12, $0xFE00;
	[tilespmem:s11+$0x270] =	vst v0  }
0x1c: {  	[tilespmem:s11+$0x200] =	vst v0  }
0x1d: {  	[tilespmem:s11+$0x210] =	vst v0  }
.Ltmp0:
0x1e: {  	[tilespmem:s11+$0x220] =	vst v0;
	(pc) =	sbr.rel @p2 .LBB2_2-.Ltmp0, $4  }
0x1f: {  	[tilespmem:s11+$0x230] =	vst v0  }
0x20: {  	[tilespmem:s11+$0x240] =	vst v0  }
0x21: {  	[tilespmem:s11+$0x250] =	vst v0  }
0x22: {  	[tilespmem:s11+$0x260] =	vst v0;
	s11 =	sshra.s32 s12, $0x2;
	s12 =	sadd.s32 $0x200, s12  }
0x23: {  	[tilespmem:s11+$0x270] =	vst v0  }
0x24: {  	[tilespmem:s11+$0x200] =	vst v0  }
0x25: {  	[tilespmem:s11+$0x210] =	vst v0  }
0x26: {  	[tilespmem:s11+$0x220] =	vst v0  }
0x27: {  	[tilespmem:s11+$0x230] =	vst v0  }
0x28: {  	[tilespmem:s11+$0x240] =	vst v0  }
0x29: {  	[tilespmem:s11+$0x250] =	vst v0  }
0x2a: {  	[tilespmem:s11+$0x260] =	vst v0  }
0x2b: {  	[spmem:s7] =	stream.linear.scatter [tilespmem:s23], [sflag:$0x7], $0x4000, $0x38;
	[tilespmem:$0x1BAC0] =	vst v63  }
0x2c: {  	_ =	swait.ge [sflag:s24], $0x4000  }
0x2d: {  	[sflag:s24] =	ssyncset.done $0x0  }
0x2e: {  	s12 =	rddreg [dreg:$0x8];
	[sflag:s24] =	ssyncadd.s32 $0xFFFFC000  }
0x2f: {  	[spmem:s12] =	stream.linear.scatter [tilespmem:s23], [sflag:$0x7], $0x4000, $0x38;
	[tilespmem:$0x1BAC0] =	vst v63  }
0x30: {  	_ =	swait.ge [sflag:s24], $0x4000  }
0x31: {  	[sflag:s24] =	ssyncset.done $0x0  }
0x32: {  	s13 =	rddreg [dreg:$0x9];
	[sflag:s24] =	ssyncadd.s32 $0xFFFFC000  }
0x33: {  	[spmem:s13] =	stream.linear.scatter [tilespmem:s23], [sflag:$0x7], $0x4000, $0x38;
	[tilespmem:$0x1BAC0] =	vst v63  }
0x34: {  	_ =	swait.ge [sflag:s24], $0x4000  }
0x35: {  	[sflag:s24] =	ssyncset.done $0x0  }
0x36: {  	s14 =	rddreg [dreg:$0xa];
	[sflag:s24] =	ssyncadd.s32 $0xFFFFC000  }
0x37: {  	[spmem:s14] =	stream.linear.scatter [tilespmem:s23], [sflag:$0x7], $0x4000, $0x38;
	[tilespmem:$0x1BAC0] =	vst v63  }
0x38: {  	_ =	swait.ge [sflag:s24], $0x4000  }
0x39: {  	[sflag:s24] =	ssyncset.done $0x0  }
0x3a: {  	s15 =	rddreg [dreg:$0x4];
	[sflag:s24] =	ssyncadd.s32 $0xFFFFC000  }
0x3b: {  	[spmem:s15] =	stream.linear.scatter [tilespmem:s23], [sflag:$0x7], $0x3800, $0x38;
	[tilespmem:$0x1BAC0] =	vst v63  }
0x3c: {  	_ =	swait.ge [sflag:s24], $0x3800  }
0x3d: {  	[sflag:s24] =	ssyncset.done $0x0  }
0x3e: {  	s11 =	simm.s32 @!p0 $0x200;
	[sflag:s24] =	ssyncadd.s32 $0xFFFFC800  }
0x3f: {  	[spmem:s9] =	stream.linear.scatter @!p0 [tilespmem:s11], [sflag:$0x7], $0xC00, $0x38;
	[tilespmem:$0x1BAC0] =	vst v63  }
0x40: {  	s11 =	simm.s32 @!p0 $0x7  }
0x41: {  	_ =	swait.ge @!p0 [sflag:s11], $0xC00  }
0x42: {  	[sflag:s11] =	ssyncset.done @!p0 $0x0  }
0x43: {  	[sflag:s11] =	ssyncadd.s32 @!p0 $0xFFFFF400  }
0x44: {  	[bflag:$0x0] =	sbarrier.arrive $0xFFFF  }
0x45: {  	s16 =	simm.s32 $0x0;
	s12 =	rddreg [dreg:$0xb]  }
0x46: {  	[tilespmem:s16], [sflag:$0x5] =	stream.linear.gather [hbm4b:s12+s16], $0x80, $0x38;
	[tilespmem:$0x1BAC0] =	vst v63  }
0x47: {  	s17 =	rddreg [dreg:$0xc]  }
0x48: {  	[tilespmem:s25], [sflag:$0x5] =	stream.linear.gather [hbm4b:s17+s16], $0x80, $0x38;
	[tilespmem:$0x1BAC0] =	vst v63  }
0x49: {  	_ =	swait.ge [sflag:s26], $0x80  }
0x4a: {  	[sflag:s26] =	ssyncset.done $0x0  }
0x4b: {  	[sflag:s26] =	ssyncadd.s32 $0xFFFFFF80  }
0x4c: {  	_ =	swait.ge [sflag:s26], $0x80  }
0x4d: {  	[sflag:s26] =	ssyncset.done $0x0  }
0x4e: {  	[sflag:s26] =	ssyncadd.s32 $0xFFFFFF80  }
0x4f: {  	[tilespmem:s23], [sflag:$0x1] =	stream.indirect.gather [hbm4b:s4+s25], $0x80, s16, s25, $0xb8;
	[tilespmem:$0x1BAC0] =	vst v63  }
0x50: {  	s13 =	simm.s32 $0x100;
	s18 =	rddreg [dreg:$0xd]  }
0x51: {  	[tilespmem:s13], [sflag:$0x6] =	stream.linear.gather [hbm4b:s18+s16], $0x80, $0x38;
	[tilespmem:$0x1BAC0] =	vst v63  }
0x52: {  	s19 =	rddreg [dreg:$0xe]  }
0x53: {  	[tilespmem:s29], [sflag:$0x6] =	stream.linear.gather [hbm4b:s19+s16], $0x80, $0x38;
	[tilespmem:$0x1BAC0] =	vst v63  }
0x54: {  	_ =	swait.ge [sflag:s30], $0x80  }
0x55: {  	[sflag:s30] =	ssyncset.done $0x0  }
0x56: {  	[sflag:s30] =	ssyncadd.s32 $0xFFFFFF80  }
0x57: {  	_ =	swait.ge [sflag:s30], $0x80  }
0x58: {  	[sflag:s30] =	ssyncset.done $0x0  }
0x59: {  	[sflag:s30] =	ssyncadd.s32 $0xFFFFFF80  }
0x5a: {  	[tilespmem:s31], [sflag:$0x2] =	stream.indirect.gather [hbm4b:s4+s25], $0x80, s13, s25, $0xb8;
	[tilespmem:$0x1BAC0] =	vst v63  }
0x5b: {  	_ =	swait.ge [sflag:s0], $0x4000  }
0x5c: {  	[sflag:s0] =	ssyncset.done $0x0  }
0x5d: {  	[sflag:s0] =	ssyncadd.s32 $0xFFFFC000  }
0x5e: {  	[spmem:s1] =	stream.indirect.scatter.add.f32 [tilespmem:s23], [sflag:$0x3], $0x80, s25, s25, $0xb8;
	[tilespmem:$0x1BAC0] =	vst v63  }
0x5f: {  	_ =	swait.ge [sflag:s2], $0x4000  }
0x60: {  	[sflag:s2] =	ssyncset.done $0x0  }
0x61: {  	s28 =	sadd.s32 $0xFFFFFFF0, s22;
	[sflag:s2] =	ssyncadd.s32 $0xFFFFC000  }
0x62: {  	[spmem:s1] =	stream.indirect.scatter.add.f32 [tilespmem:s31], [sflag:$0x4], $0x80, s29, s25, $0xb8;
	[tilespmem:$0x1BAC0] =	vst v63  }
0x63: {  	p2 =	sgt.u32 s28, $0x4E1;
	_ =	swait.ge [sflag:s8], $0x4000  }
0x64: {  	s11 =	sshrl.u32 @!p2 s20, $0x3;
	[sflag:s8] =	ssyncset.done $0x0  }
0x65: {  	s12 =	sadd.s32 @!p2 s5, s11;
	s13 =	simm.s32 @!p2 $0x0;
	[sflag:s8] =	ssyncadd.s32 $0xFFFFC000  }
0x66: {  	[tilespmem:s13], [sflag:$0x5] =	stream.linear.gather @!p2 [hbm4b:s12+s13], $0x80, $0x38;
	[tilespmem:$0x1BAC0] =	vst v63  }
0x67: {  	s14 =	simm.s32 @!p2 $0x80;
	s11 =	sadd.s32 @!p2 s6, s11;
	s12 =	simm.s32 @!p2 $0x5  }
0x68: {  	[tilespmem:s14], [sflag:$0x5] =	stream.linear.gather @!p2 [hbm4b:s11+s13], $0x80, $0x38;
	[tilespmem:$0x1BAC0] =	vst v63  }
0x69: {  	_ =	swait.ge @!p2 [sflag:s12], $0x80  }
0x6a: {  	[sflag:s12] =	ssyncset.done @!p2 $0x0  }
0x6b: {  	[sflag:s12] =	ssyncadd.s32 @!p2 $0xFFFFFF80  }
0x6c: {  	_ =	swait.ge @!p2 [sflag:s12], $0x80  }
0x6d: {  	[sflag:s12] =	ssyncset.done @!p2 $0x0  }
0x6e: {  	s16 =	simm.s32 @!p2 $0x200;
	[sflag:s12] =	ssyncadd.s32 @!p2 $0xFFFFFF80  }
0x6f: {  	[tilespmem:s16], [sflag:$0x1] =	stream.indirect.gather @!p2 [hbm4b:s4+s14], $0x80, s13, s14, $0xb8;
	[tilespmem:$0x1BAC0] =	vst v63  }
0x70: {  	p3 =	sgt.u32 s22, $0x4E1;
	_ =	swait.ge [sflag:s10], $0x4000  }
0x71: {  	s12 =	simm.s32 @!p3 $0x0;
	s11 =	rddreg [dreg:$0x3];
	[sflag:s10] =	ssyncset.done $0x0  }
0x72: {  	s13 =	simm.s32 @!p3 $0x100;
	[sflag:s10] =	ssyncadd.s32 $0xFFFFC000;
	s11 =	sadd.s32 @!p3 $0x0, s11  }
0x73: {  	[tilespmem:s13], [sflag:$0x6] =	stream.linear.gather @!p3 [hbm4b:s11+s12], $0x80, $0x38;
	[tilespmem:$0x1BAC0] =	vst v63  }
0x74: {  	s15 =	simm.s32 @!p3 $0x180;
	s17 =	simm.s32 @!p3 $0x6;
	s11 =	sadd.s32 @!p3 $0x0, s21  }
0x75: {  	[tilespmem:s15], [sflag:$0x6] =	stream.linear.gather @!p3 [hbm4b:s11+s12], $0x80, $0x38;
	[tilespmem:$0x1BAC0] =	vst v63  }
0x76: {  	_ =	swait.ge @!p3 [sflag:s17], $0x80  }
0x77: {  	[sflag:s17] =	ssyncset.done @!p3 $0x0  }
0x78: {  	[sflag:s17] =	ssyncadd.s32 @!p3 $0xFFFFFF80  }
0x79: {  	_ =	swait.ge @!p3 [sflag:s17], $0x80  }
0x7a: {  	s11 =	simm.s32 @!p3 $0x80;
	[sflag:s17] =	ssyncset.done @!p3 $0x0  }
0x7b: {  	s12 =	simm.s32 @!p3 $0x4200;
	s15 =	simm.s32 @!p2 $0x1;
	[sflag:s17] =	ssyncadd.s32 @!p3 $0xFFFFFF80  }
0x7c: {  	[tilespmem:s12], [sflag:$0x2] =	stream.indirect.gather @!p3 [hbm4b:s4+s11], $0x80, s13, s11, $0xb8;
	[tilespmem:$0x1BAC0] =	vst v63  }
0x7d: {  	p3 =	sgt.u32 @!p2 s22, $0x4E1;
	_ =	swait.ge @!p2 [sflag:s15], $0x4000  }
0x7e: {  	s11 =	simm.s32 $0x200;
	p4 =	por p3, p2;
	[sflag:s15] =	ssyncset.done @!p2 $0x0  }
0x7f: {  	s12 =	sadd.s32 $0x1000, s20;
	[sflag:s15] =	ssyncadd.s32 @!p2 $0xFFFFC000;
	s15 =	simm.s32 @!p4 $0x2  }
0x80: {  	[spmem:s1] =	stream.indirect.scatter.add.f32 @!p2 [tilespmem:s16], [sflag:$0x3], $0x80, s14, s14, $0xb8;
	[tilespmem:$0x1BAC0] =	vst v63  }
0x81: {  	s13 =	sadd.s32 $0x20, s22;
	s17 =	simm.s32 @!p4 $0x180;
	_ =	swait.ge @!p4 [sflag:s15], $0x4000  }
0x82: {  	s14 =	simm.s32 @!p4 $0x4200;
	s16 =	simm.s32 @!p4 $0x80;
	[sflag:s15] =	ssyncset.done @!p4 $0x0  }
.LBB2_4:
0x83: {  	s18 =	sadd.s32 $0xFFFFFFF0, s13;
	[sflag:s15] =	ssyncadd.s32 @!p4 $0xFFFFC000  }
0x84: {  	[spmem:s1] =	stream.indirect.scatter.add.f32 @!p4 [tilespmem:s14], [sflag:$0x4], $0x80, s17, s16, $0xb8;
	[tilespmem:$0x1BAC0] =	vst v63  }
0x85: {  	p3 =	sgt.u32 s18, $0x4E1;
	_ =	swait.ge [sflag:s8], $0x4000  }
0x86: {  	s14 =	sshrl.u32 @!p3 s12, $0x3;
	[sflag:s8] =	ssyncset.done $0x0  }
0x87: {  	s17 =	simm.s32 @!p3 $0x0;
	s16 =	sadd.s32 @!p3 s5, s14;
	[sflag:s8] =	ssyncadd.s32 $0xFFFFC000  }
0x88: {  	[tilespmem:s17], [sflag:$0x5] =	stream.linear.gather @!p3 [hbm4b:s16+s17], $0x80, $0x38;
	[tilespmem:$0x1BAC0] =	vst v63  }
0x89: {  	s18 =	simm.s32 @!p3 $0x5;
	s16 =	sadd.s32 @!p3 s6, s14;
	s14 =	simm.s32 @!p3 $0x80  }
0x8a: {  	[tilespmem:s14], [sflag:$0x5] =	stream.linear.gather @!p3 [hbm4b:s16+s17], $0x80, $0x38;
	[tilespmem:$0x1BAC0] =	vst v63  }
0x8b: {  	_ =	swait.ge @!p3 [sflag:s18], $0x80  }
0x8c: {  	[sflag:s18] =	ssyncset.done @!p3 $0x0  }
0x8d: {  	[sflag:s18] =	ssyncadd.s32 @!p3 $0xFFFFFF80  }
0x8e: {  	_ =	swait.ge @!p3 [sflag:s18], $0x80  }
0x8f: {  	[sflag:s18] =	ssyncset.done @!p3 $0x0  }
0x90: {  	s16 =	simm.s32 @!p3 $0x200;
	[sflag:s18] =	ssyncadd.s32 @!p3 $0xFFFFFF80  }
0x91: {  	[tilespmem:s16], [sflag:$0x1] =	stream.indirect.gather @!p3 [hbm4b:s4+s14], $0x80, s17, s14, $0xb8;
	[tilespmem:$0x1BAC0] =	vst v63  }
0x92: {  	s15 =	smov.u32 s11;
	p5 =	sgt.u32 s13, $0x4E1;
	_ =	swait.ge [sflag:s10], $0x4000  }
0x93: {  	s19 =	simm.s32 @!p5 $0x100;
	s17 =	rddreg [dreg:$0x3];
	[sflag:s10] =	ssyncset.done $0x0  }
0x94: {  	s18 =	simm.s32 @!p5 $0x0;
	[sflag:s10] =	ssyncadd.s32 $0xFFFFC000;
	s17 =	sadd.s32 @!p5 s15, s17  }
0x95: {  	[tilespmem:s19], [sflag:$0x6] =	stream.linear.gather @!p5 [hbm4b:s17+s18], $0x80, $0x38;
	[tilespmem:$0x1BAC0] =	vst v63  }
0x96: {  	s28 =	simm.s32 @!p5 $0x180;
	s15 =	sadd.s32 @!p5 s15, s21;
	s17 =	simm.s32 @!p5 $0x6  }
0x97: {  	[tilespmem:s28], [sflag:$0x6] =	stream.linear.gather @!p5 [hbm4b:s15+s18], $0x80, $0x38;
	[tilespmem:$0x1BAC0] =	vst v63  }
0x98: {  	_ =	swait.ge @!p5 [sflag:s17], $0x80  }
0x99: {  	[sflag:s17] =	ssyncset.done @!p5 $0x0  }
0x9a: {  	[sflag:s17] =	ssyncadd.s32 @!p5 $0xFFFFFF80  }
0x9b: {  	_ =	swait.ge @!p5 [sflag:s17], $0x80  }
0x9c: {  	s11 =	sadd.s32 $0x200, s11;
	s15 =	simm.s32 @!p5 $0x80;
	[sflag:s17] =	ssyncset.done @!p5 $0x0  }
0x9d: {  	s18 =	simm.s32 @!p5 $0x4200;
	[sflag:s17] =	ssyncadd.s32 @!p5 $0xFFFFFF80;
	s17 =	simm.s32 @!p3 $0x1  }
0x9e: {  	[tilespmem:s18], [sflag:$0x2] =	stream.indirect.gather @!p5 [hbm4b:s4+s15], $0x80, s19, s15, $0xb8;
	[tilespmem:$0x1BAC0] =	vst v63  }
0x9f: {  	p2 =	sne.s32 s11, $0x4E00;
	p4 =	sgt.u32 @!p3 s13, $0x4E1;
	_ =	swait.ge @!p3 [sflag:s17], $0x4000  }
.Ltmp1:
0xa0: {  	p4 =	por p4, p3;
	[sflag:s17] =	ssyncset.done @!p3 $0x0;
	(pc) =	sbr.rel @p2 .LBB2_4-.Ltmp1, $4  }
0xa1: {  	s12 =	sadd.s32 $0x1000, s12;
	s15 =	simm.s32 @!p4 $0x2;
	[sflag:s17] =	ssyncadd.s32 @!p3 $0xFFFFC000  }
0xa2: {  	[spmem:s1] =	stream.indirect.scatter.add.f32 @!p3 [tilespmem:s16], [sflag:$0x3], $0x80, s14, s14, $0xb8;
	[tilespmem:$0x1BAC0] =	vst v63  }
0xa3: {  	s13 =	sadd.s32 $0x20, s13;
	s17 =	simm.s32 @!p4 $0x180;
	_ =	swait.ge @!p4 [sflag:s15], $0x4000  }
0xa4: {  	s14 =	simm.s32 @!p4 $0x4200;
	s16 =	simm.s32 @!p4 $0x80;
	[sflag:s15] =	ssyncset.done @!p4 $0x0  }
0xa5: {  	[sflag:s15] =	ssyncadd.s32 @!p4 $0xFFFFC000;
	s11 =	simm.s32 @!p1 $0x3  }
0xa6: {  	[spmem:s1] =	stream.indirect.scatter.add.f32 @!p4 [tilespmem:s14], [sflag:$0x4], $0x80, s17, s16, $0xb8;
	[tilespmem:$0x1BAC0] =	vst v63  }
0xa7: {  	_ =	swait.ge @!p1 [sflag:s11], $0x4000  }
0xa8: {  	[sflag:s11] =	ssyncset.done @!p1 $0x0  }
0xa9: {  	s19 =	stileid.u32;
	[sflag:s11] =	ssyncadd.s32 @!p1 $0xFFFFC000  }
0xaa: {  	s11 =	sshll.u32 s19, $0x6;
	[bflag:$0x0] =	sbarrier.arrive $0xFFFF  }
0xab: {  	s12 =	sshrl.u32 s7, $0x3;
	s11 =	sor.u32 $0x1C07, s11;
	s13 =	rddreg [dreg:$0x5]  }
0xac: {  	[hbm:s13], [sflag:s11] =	dma.local [spmem:s12], $0x2700  }
0xad: {  	_ =	swait.ge [sflag:s24], $0x2700  }
0xae: {  	[sflag:s24] =	ssyncset.done $0x0  }
0xaf: {  	s12 =	sshrl.u32 @!p0 s9, $0x3;
	s13 =	rddreg [dreg:$0x6];
	[sflag:s24] =	ssyncadd.s32 $0xFFFFD900  }
0xb0: {  	[hbm:s13], [sflag:s11] =	dma.local @!p0 [spmem:s12], $0x100  }
0xb1: {  	s11 =	simm.s32 @!p0 $0x7  }
0xb2: {  	_ =	swait.ge @!p0 [sflag:s11], $0x100  }
0xb3: {  	s3 =	sadd.s32 $0x1, s3;
	s28 =	rddreg [dreg:$0x7]  }
0xb4: {  	p2 =	sne.s32 s3, s28  }
.Ltmp2:
0xb5: {  	_ = 	snop;
	(pc) =	sbr.rel @p2 .LBB2_1-.Ltmp2, $3  }
0xb6: {  	_ =	sdelay $0x1  }
0xb7: {  	[sflag:s11] =	ssyncset.done @!p0 $0x0  }
0xb8: {  	[sflag:s11] =	ssyncadd.s32 @!p0 $0xFFFFFF00  }
0xb9: {  	_ =	sfence.sel $0x180000  }
0xba: {  	[bflag:$0x0] =	sbarrier.arrive $0xFFFF  }
0xbb: {  	_ =	strace $0x90000053  }
0xbc: {  	s0 =	stileid.u32;
	[bflag:$0x2] =	sbarrier.arrive $0xFFFF  }
0xbd: {  	p0 =	sne.s32 s0, $0x0;
	s0 =	rddreg [dreg:$0x2]  }
0xbe: {  	s0 =	sadd.s32 @!p0 $0x100000, s0  }
0xbf: {  	[sflag:s0] =	ssyncadd.tile.s32 @!p0 $0x1;
	_ =	shalt  }
.Lfunc_end2:
_tile_overlayer_lowered:
.L_overlay_start_2:
0xc0: {  	(tag) =	ssettag $0x2  }
0xc1: {  	s0 =	rddreg [dreg:$0x0];
	s2 =	stileid.u32  }
0xc2: {  	s1 =	rddreg [dreg:$0x1];
	p0 =	sne.s32 s2, $0x0  }
0xc3: {  	s3 =	rddreg [dreg:$0x2];
	[bflag:$0x3] =	sbarrier.arrive $0xFFFF;
	s2 =	simm.s32 @!p0 $0x1C07  }
0xc4: {  	[timem:s3], [sflag:s2] =	dma.local @!p0 [hbm:s0], s1  }
0xc5: {  	s0 =	simm.s32 @!p0 $0x7  }
0xc6: {  	_ =	swait.ge @!p0 [sflag:s0], s1  }
0xc7: {  	s1 =	ssub.s32 @!p0 $0x0, s1;
	[sflag:s0] =	ssyncset.done @!p0 $0x0  }
0xc8: {  	[sflag:s0] =	ssyncadd.s32 @!p0 s1  }
0xc9: {  	[bflag:$0x3] =	sbarrier.arrive $0xFFFF  }
0xca: {  	_ =	shalt  }

// kernel: kernel.29.cloned.1.call-start
scs
__scs_entry_jumppad:
0x0: {  	(pc) =	sbr.rel $0x88, $3  }
0x1: {  	(tag) =	ssettag $0x0;
	lr =	simm.s32 $0x1  }
0x2: {  	[smem:$0x3F95] =	sst lr;
	_ =	strace $0xD0000000  }
0x3: {  	_ = 	snop  }
0x4: {  	_ = 	snop  }
0x5: {  	_ = 	snop  }
0x6: {  	_ = 	snop  }
0x7: {  	_ = 	snop  }
__scs_overlays_trampoline_lowered:
0x8: {  	[smem:$0x3FA4] =	sst s0  }
0x9: {  	[smem:$0x3FA5] =	sst s1  }
0xa: {  	[smem:$0x3FA6] =	sst s2  }
0xb: {  	[smem:$0x3FA7] =	sst s3  }
0xc: {  	[smem:$0x3FA8] =	sst s4  }
0xd: {  	[smem:$0x3FA9] =	sst s5  }
0xe: {  	[smem:$0x3FAA] =	sst s6  }
0xf: {  	[smem:$0x3FAB] =	sst s7  }
0x10: {  	[smem:$0x3FAC] =	sst s8  }
0x11: {  	[smem:$0x3FAD] =	sst s9;
	s0 =	simm.s32 @!p0 $0x0  }
0x12: {  	s1 =	sld [smem:$0x3F93];
	s0 =	simm.s32 @p0 $0x1  }
0x13: {  	[smem:$0x3FAE] =	sst s0;
	s0 =	simm.s32 @!p1 $0x0  }
0x14: {  	s2 =	sld [smem:$0x3F92];
	s0 =	simm.s32 @p1 $0x1  }
0x15: {  	[smem:$0x3FAF] =	sst s0;
	s0 =	simm.s32 @!p2 $0x0  }
0x16: {  	s3 =	sld [smem:$0x3FDB];
	s0 =	simm.s32 @p2 $0x1  }
0x17: {  	s4 =	simm.s32 $0x1BF5;
	[smem:$0x3FB1] =	sst s0  }
0x18: {  	s0 =	sld [smem:$0x3F94];
	_ =	swait.ge [sflag:s4], $0x0  }
0x19: {  	s7 =	sld [smem:$0x3F95]  }
0x1a: {  	s8 =	sadd.s32 $0xFFFFE003, lr  }
0x1b: {  	s9 =	sadd.s32 $0xFFFFFEF7, lr;
	s5 =	simm.s32 $0xFFFFFFFF;
	p2 =	slt.u32 s8, $0xFFFFF086  }
0x1c: {  	p1 =	slt.u32 s9, $0xF7A;
	s5 =	simm.s32 @!p2 $0x0  }
0x1d: {  	s5 =	simm.s32 @p1 $0x1;
	p0 =	seq.s32 s7, s2  }
0x1e: {  	s7 =	smul.u32 @!p0 $0xF7A, s2;
	p2 =	seq.s32 @!p0 s5, $0x0  }
0x1f: {  	s9 =	smul.u32 $0xF7A, s1;
	s8 =	simm.s32 @!p0 $0x1BF5;
	p2 =	por !p2, p0  }
0x20: {  	[sflag:s8] =	ssyncset.s32 @!p0 $0xFFFFF086;
	s6 =	sadd.s32 @!p0 s3, s7;
	s7 =	simm.s32 @!p0 $0x108  }
0x21: {  	s3 =	sadd.s32 s3, s9;
	s6 =	sadd.s32 @!p0 $0x88, s6;
	s7 =	simm.s32 @p2 $0x1082  }
0x22: {  	[simem:s7], [sflag:s8] =	dma.local @!p0 [hbm:s6], $0xF7A  }
0x23: {  	s9 =	sor.u32 $0xD0000000, s2;
	s6 =	simm.s32 $0x108;
	_ =	swait.ge @!p0 [sflag:s8], $0x0  }
0x24: {  	s3 =	sadd.s32 $0x88, s3;
	s6 =	simm.s32 @!p1 $0x1082;
	[sflag:s4] =	ssyncset.s32 $0xFFFFF086  }
0x25: {  	[simem:s6], [sflag:s4] =	dma.local [hbm:s3], $0xF7A  }
0x26: {  	[smem:$0x3F95] =	sst s1;
	(tag) =	ssettag s2;
	_ =	strace s9  }
0x27: {  	s1 =	sld [smem:$0x3FA5]  }
0x28: {  	s2 =	sld [smem:$0x3FA6]  }
0x29: {  	s4 =	sld [smem:$0x3FA8]  }
0x2a: {  	p0 =	seq.s32 s5, $0x0;
	s5 =	sld [smem:$0x3FA9]  }
0x2b: {  	s6 =	sld [smem:$0x3FAA]  }
0x2c: {  	s7 =	sld [smem:$0x3FAB]  }
0x2d: {  	s3 =	simm.s32 $0x108;
	s8 =	sld [smem:$0x3FAC]  }
0x2e: {  	s3 =	simm.s32 @!p0 $0x1082;
	s9 =	sld [smem:$0x3FAD]  }
0x2f: {  	lr =	sadd.s32 s0, s3;
	s0 =	sld [smem:$0x3FA4]  }
0x30: {  	s3 =	sld [smem:$0x3FA7]  }
0x31: {  	[smem:$0x3FB0] =	sst s10  }
0x32: {  	s10 =	sld [smem:$0x3FAE];
	_ =	sdelay $0x3  }
0x33: {  	p0 =	seq.s32 s10, $0x1;
	s10 =	sld [smem:$0x3FB0];
	_ =	sdelay $0x3  }
0x34: {  	[smem:$0x3FB0] =	sst s10  }
0x35: {  	s10 =	sld [smem:$0x3FAF];
	_ =	sdelay $0x3  }
0x36: {  	p1 =	seq.s32 s10, $0x1;
	s10 =	sld [smem:$0x3FB0];
	_ =	sdelay $0x3  }
0x37: {  	[smem:$0x3FB0] =	sst s10  }
0x38: {  	s10 =	sld [smem:$0x3FB1]  }
0x39: {  	_ = 	snop;
	(pc) =	sbr.ind lr, $3  }
0x3a: {  	_ = 	snop  }
0x3b: {  	_ = 	snop  }
0x3c: {  	p2 =	seq.s32 s10, $0x1;
	s10 =	sld [smem:$0x3FB0]  }
0x3d: {  	_ =	shalt  }
0x3e: {  	_ =	shalt  }
0x3f: {  	_ =	shalt  }
0x40: {  	_ =	shalt  }
0x41: {  	_ =	shalt  }
0x42: {  	_ =	shalt  }
0x43: {  	_ =	shalt  }
0x44: {  	_ =	shalt  }
0x45: {  	_ =	shalt  }
0x46: {  	_ =	shalt  }
0x47: {  	_ =	shalt  }
0x48: {  	_ =	shalt  }
0x49: {  	_ =	shalt  }
0x4a: {  	_ =	shalt  }
0x4b: {  	_ =	shalt  }
0x4c: {  	_ =	shalt  }
0x4d: {  	_ =	shalt  }
0x4e: {  	_ =	shalt  }
0x4f: {  	_ =	shalt  }
0x50: {  	_ =	shalt  }
0x51: {  	_ =	shalt  }
0x52: {  	_ =	shalt  }
0x53: {  	_ =	shalt  }
0x54: {  	_ =	shalt  }
0x55: {  	_ =	shalt  }
0x56: {  	_ =	shalt  }
0x57: {  	_ =	shalt  }
0x58: {  	_ =	shalt  }
0x59: {  	_ =	shalt  }
0x5a: {  	_ =	shalt  }
0x5b: {  	_ =	shalt  }
0x5c: {  	_ =	shalt  }
0x5d: {  	_ =	shalt  }
0x5e: {  	_ =	shalt  }
0x5f: {  	_ =	shalt  }
0x60: {  	_ =	shalt  }
0x61: {  	_ =	shalt  }
0x62: {  	_ =	shalt  }
0x63: {  	_ =	shalt  }
0x64: {  	_ =	shalt  }
0x65: {  	_ =	shalt  }
0x66: {  	_ =	shalt  }
0x67: {  	_ =	shalt  }
0x68: {  	_ =	shalt  }
0x69: {  	_ =	shalt  }
0x6a: {  	_ =	shalt  }
0x6b: {  	_ =	shalt  }
0x6c: {  	_ =	shalt  }
0x6d: {  	_ =	shalt  }
0x6e: {  	_ =	shalt  }
0x6f: {  	_ =	shalt  }
0x70: {  	_ =	shalt  }
0x71: {  	_ =	shalt  }
0x72: {  	_ =	shalt  }
0x73: {  	_ =	shalt  }
0x74: {  	_ =	shalt  }
0x75: {  	_ =	shalt  }
0x76: {  	_ =	shalt  }
0x77: {  	_ =	shalt  }
0x78: {  	_ =	shalt  }
0x79: {  	_ =	shalt  }
0x7a: {  	_ =	shalt  }
0x7b: {  	_ =	shalt  }
0x7c: {  	_ =	shalt  }
0x7d: {  	_ =	shalt  }
0x7e: {  	_ =	shalt  }
0x7f: {  	_ =	shalt  }
0x80: {  	_ =	shalt  }
0x81: {  	_ =	shalt  }
0x82: {  	_ =	shalt  }
0x83: {  	_ =	shalt  }
0x84: {  	_ =	shalt  }
0x85: {  	_ =	shalt  }
0x86: {  	_ =	shalt  }
0x87: {  	_ =	shalt  }
.Lfunc_end0:
.L_simem_size_0:
called_computation.5_lowered:
.L_overlay_start_0:
0x88: {  	s2 =	sld [smem:$0x3FD9]  }
0x89: {  	s3 =	sld [smem:$0x3FFE];
	_ =	sdelay $0x1  }
0x8a: {  	s1 =	srdreg.scid  }
0x8b: {  	s0 =	sand.u32 $0x1, s1  }
0x8c: {  	s16 =	sshll.u32 s0, $0xA;
	s2 =	sadd.s32 s3, s2  }
0x8d: {  	s2 =	sadd.s32 s2, s16  }
0x8e: {  	[smem:$0x3FBC] =	sst s2  }
0x8f: {  	_ = 	snop  }
0x90: {  	(tm) =	ssettm $0x1  }
0x91: {  	s17 =	sld [smem:$0x3FFB];
	_ =	sdelay $0x3  }
0x92: {  	_ =	strace s17  }
0x93: {  	s2 =	sld [smem:$0x3FFC];
	_ =	sdelay $0x3  }
0x94: {  	_ =	strace s2  }
0x95: {  	s2 =	sld [smem:$0x3FFD];
	_ =	sdelay $0x3  }
0x96: {  	_ =	strace s2  }
0x97: {  	_ =	strace $0x8FFFFFFF  }
0x98: {  	s18 =	sld [smem:$0x3FDB];
	_ =	sdelay $0x1  }
0x99: {  	s19 =	simm.s32 $_scs_section_size  }
0x9a: {  	s4 =	simm.s32 $_size__tile_overlayer_lowered;
	s5 =	simm.s32 $_tile_overlayer_lowered  }
0x9b: {  	s22 =	simm.s32 $0x1BFF;
	s21 =	sshll.u32 s5, $0x1;
	s2 =	sadd.s32 s19, s18  }
0x9c: {  	s6 =	simm.s32 $0x0;
	s20 =	sshll.u32 s4, $0x1;
	s4 =	sadd.s32 s21, s2  }
0x9d: {  	[timem:s6], [sflag:s22] =	dma.local [hbm:s4], s20  }
0x9e: {  	_ =	swait.ge [sflag:s22], s20  }
0x9f: {  	s3 =	ssub.s32 $0x0, s20;
	[sflag:s22] =	ssyncset.done $0x0  }
0xa0: {  	[sflag:s22] =	ssyncadd.s32 s3;
	_ =	sdelay $0x1  }
0xa1: {  	s23 =	simm.s32 $0x1B8B  }
0xa2: {  	_ =	swait.ge [sflag:s23], $0x1  }
0xa3: {  	[sflag:s23] =	ssyncset.done $0x0  }
0xa4: {  	s25 =	simm.s32 $0x1B8E;
	s24 =	sld [smem:$0x3FFE];
	[sflag:s23] =	ssyncadd.s32 $0xFFFFFFFF  }
0xa5: {  	s26 =	simm.s32 $execute0_lowered;
	[smem:$0x3FD2] =	sst s25  }
0xa6: {  	s4 =	sshll.u32 s26, $0x1;
	_ =	strace $0x80000055;
	[dreg:$0x1] =	wrdreg $0xFFFFFFFF  }
0xa7: {  	s28 =	simm.s32 $_size_execute0_lowered;
	s2 =	sadd.s32 s2, s4;
	[dreg:$0x0] =	wrdreg $0x0  }
0xa8: {  	s4 =	sshll.u32 s28, $0x1;
	[dreg:$0x2] =	wrdreg s2  }
0xa9: {  	[dreg:$0x3] =	wrdreg s4  }
0xaa: {  	[dreg:$0x4] =	wrdreg $0xC0  }
0xab: {  	_ =	task [dreg:s6], $0x5FFFF  }
0xac: {  	[dreg:$0x1] =	wrdreg $0xFFFFFFFF  }
0xad: {  	[dreg:$0x0] =	wrdreg $0x60  }
0xae: {  	[dreg:$0x2] =	wrdreg s24  }
0xaf: {  	[dreg:$0x3] =	wrdreg $0x82000  }
0xb0: {  	[dreg:$0x4] =	wrdreg $0x9  }
0xb1: {  	_ =	task.clear_ibuf [dreg:s6], $0x5FFFF;
	_ =	strace $0x90000055  }
0xb2: {  	s29 =	simm.s32 $0x9;
	_ =	strace $0x80000057  }
0xb3: {  	_ =	swait.ge [sflag:s29], $0x1  }
0xb4: {  	[sflag:s29] =	ssyncadd.s32 $0xFFFFFFFF  }
0xb5: {  	_ =	strace $0x90000057  }
0xb6: {  	_ =	sfence  }
0xb7: {  	s30 =	sld [smem:$0x0];
	_ =	sdelay $0x2  }
0xb8: {  	s31 =	sshll.u32 s1, $0xD;
	s1 =	sshrl.u32 s1, $0x2  }
0xb9: {  	s3 =	sand.u32 $0x4000, s31;
	s1 =	sadd.s32 s1, s30  }
0xba: {  	s0 =	sor.u32 s3, s0;
	s1 =	sshll.u32 s1, $0x11  }
0xbb: {  	s0 =	sor.u32 s1, s0  }
0xbc: {  	s0 =	sadd.s32 $0x8F2B, s0  }
0xbd: {  	[sflag:s0] =	ssyncadd.remote.s32 $0x1  }
0xbe: {  	_ =	sfence.sel $0xFFFF  }
0xbf: {  	[dreg:$0x0] =	wrdreg $0xFFFFFFFF;
	(pc) =	sbr.abs _section_cstart, $3  }
0xc0: {  	[dreg:$0x1] =	wrdreg $0xFFFFFFFF  }
0xc1: {  	_ =	task.clear_ibuf [dreg:s6], $0x2FFFF;
	_ =	strace $0x9FFFFFFF  }
0xc2: {  	(tm) =	ssettm $0x7FFFFFFF  }
0xc3: {  	_ =	shalt  }
tec
execute0_lowered:
.L_overlay_start_1:
0x0: {  	(tag) =	ssettag $0x1  }
0x1: {  	s0 =	rddreg [dreg:$0x0]  }
0x2: {  	s1 =	rddreg [dreg:$0x1];
	s3 =	simm.s32 $0x0;
	s12 =	stileid.u32  }
0x3: {  	s2 =	srdreg.scid;
	s29 =	simm.s32 $0x180;
	s30 =	simm.s32 $0x6  }
0x4: {  	s31 =	simm.s32 $0x4200;
	[smem:$0x7FF] =	sst s3;
	s4 =	sadd.s32 $0x16800, s0  }
0x5: {  	s7 =	smul.u32 $0x4E000, s12;
	s5 =	sadd.s32 $0xCA00, s0;
	s6 =	sadd.s32 $0x2C00, s0  }
0x6: {  	s2 =	sand.u32 $0x1, s2;
	s11 =	smul.u32 $0x13800, s12;
	s0 =	sadd.s32 $0x3DA00, s0  }
0x7: {  	s16 =	sshll.u32 s12, $0x7;
	p0 =	sne.s32 s12, $0xF;
	p1 =	sgt.u32 s12, $0x1  }
0x8: {  	_ =	strace $0x80000056;
	s8 =	ssub.s32 $0x2, s2;
	s7 =	sshrl.u32 s7, $0x2  }
0x9: {  	s10 =	smul.u32 $0x138800, s2;
	s9 =	sshrl.u32 s8, $0x1;
	s7 =	sadd.s32 s7, s1  }
0xa: {  	s2 =	smul.u32 $0x27100, s2;
	s8 =	ssub.s32 s8, s9;
	s14 =	sadd.s32 $0x10000, s7  }
0xb: {  	s9 =	sadd.s32 $0x138000, s1;
	s8 =	smax.u32 s8, $0x1;
	[dreg:$0x4] =	wrdreg s14  }
0xc: {  	s11 =	sadd.s32 s11, s10;
	s17 =	sadd.s32 $0x4000, s7;
	[dreg:$0x7] =	wrdreg s8  }
0xd: {  	s10 =	sshrl.u32 s10, $0x3;
	s18 =	sadd.s32 $0x8000, s7;
	[dreg:$0x8] =	wrdreg s17  }
0xe: {  	s11 =	sshrl.u32 s11, $0x3;
	s19 =	sadd.s32 $0xC000, s7;
	[dreg:$0x9] =	wrdreg s18  }
0xf: {  	s10 =	sadd.s32 s0, s10;
	s0 =	sadd.s32 s0, s11;
	[dreg:$0xa] =	wrdreg s19  }
0x10: {  	s15 =	sadd.s32 $0x27000, s10;
	s8 =	simm.s32 $0x3;
	[dreg:$0x5] =	wrdreg s0  }
0x11: {  	s10 =	simm.s32 $0x4;
	[dreg:$0x6] =	wrdreg s15;
	s0 =	sadd.s32 s2, s16  }
0x12: {  	s20 =	sshrl.u32 s0, $0x3;
	s22 =	sadd.s32 $0x800, s0;
	s23 =	sadd.s32 $0x1800, s0  }
0x13: {  	s21 =	sadd.s32 s5, s20;
	s2 =	sadd.s32 s6, s20;
	s24 =	sshrl.u32 s22, $0x3  }
0x14: {  	s25 =	sshrl.u32 s23, $0x3;
	s20 =	sadd.s32 $0x1000, s0;
	s22 =	sor.u32 $0x30, s12  }
0x15: {  	s23 =	simm.s32 $0x200;
	s0 =	simm.s32 $0x1;
	[dreg:$0xb] =	wrdreg s21  }
0x16: {  	[dreg:$0xc] =	wrdreg s2;
	s26 =	sadd.s32 s5, s24;
	s2 =	sadd.s32 s6, s24  }
0x17: {  	s28 =	sadd.s32 s25, s5;
	s21 =	sadd.s32 s25, s6;
	[dreg:$0xd] =	wrdreg s26  }
0x18: {  	s24 =	simm.s32 $0x7;
	s25 =	simm.s32 $0x80;
	[dreg:$0xe] =	wrdreg s2  }
0x19: {  	v0 =	vimm.f32 $0.0e+00;
	[dreg:$0x3] =	wrdreg s28;
	s26 =	simm.s32 $0x5;
	s2 =	simm.s32 $0x2  }
.LBB2_1:
0x1a: {  	s11 =	simm.s32 $0x0;
	s12 =	simm.s32 $0x200  }
.LBB2_2:
0x1b: {  	p2 =	sne.s32 s12, $0xFE00;
	[tilespmem:s11+$0x270] =	vst v0  }
0x1c: {  	[tilespmem:s11+$0x200] =	vst v0  }
0x1d: {  	[tilespmem:s11+$0x210] =	vst v0  }
.Ltmp0:
0x1e: {  	[tilespmem:s11+$0x220] =	vst v0;
	(pc) =	sbr.rel @p2 .LBB2_2-.Ltmp0, $4  }
0x1f: {  	[tilespmem:s11+$0x230] =	vst v0  }
0x20: {  	[tilespmem:s11+$0x240] =	vst v0  }
0x21: {  	[tilespmem:s11+$0x250] =	vst v0  }
0x22: {  	[tilespmem:s11+$0x260] =	vst v0;
	s11 =	sshra.s32 s12, $0x2;
	s12 =	sadd.s32 $0x200, s12  }
0x23: {  	[tilespmem:s11+$0x270] =	vst v0  }
0x24: {  	[tilespmem:s11+$0x200] =	vst v0  }
0x25: {  	[tilespmem:s11+$0x210] =	vst v0  }
0x26: {  	[tilespmem:s11+$0x220] =	vst v0  }
0x27: {  	[tilespmem:s11+$0x230] =	vst v0  }
0x28: {  	[tilespmem:s11+$0x240] =	vst v0  }
0x29: {  	[tilespmem:s11+$0x250] =	vst v0  }
0x2a: {  	[tilespmem:s11+$0x260] =	vst v0  }
0x2b: {  	[spmem:s7] =	stream.linear.scatter [tilespmem:s23], [sflag:$0x7], $0x4000, $0x38;
	[tilespmem:$0x1BAC0] =	vst v63  }
0x2c: {  	_ =	swait.ge [sflag:s24], $0x4000  }
0x2d: {  	[sflag:s24] =	ssyncset.done $0x0  }
0x2e: {  	s12 =	rddreg [dreg:$0x8];
	[sflag:s24] =	ssyncadd.s32 $0xFFFFC000  }
0x2f: {  	[spmem:s12] =	stream.linear.scatter [tilespmem:s23], [sflag:$0x7], $0x4000, $0x38;
	[tilespmem:$0x1BAC0] =	vst v63  }
0x30: {  	_ =	swait.ge [sflag:s24], $0x4000  }
0x31: {  	[sflag:s24] =	ssyncset.done $0x0  }
0x32: {  	s13 =	rddreg [dreg:$0x9];
	[sflag:s24] =	ssyncadd.s32 $0xFFFFC000  }
0x33: {  	[spmem:s13] =	stream.linear.scatter [tilespmem:s23], [sflag:$0x7], $0x4000, $0x38;
	[tilespmem:$0x1BAC0] =	vst v63  }
0x34: {  	_ =	swait.ge [sflag:s24], $0x4000  }
0x35: {  	[sflag:s24] =	ssyncset.done $0x0  }
0x36: {  	s14 =	rddreg [dreg:$0xa];
	[sflag:s24] =	ssyncadd.s32 $0xFFFFC000  }
0x37: {  	[spmem:s14] =	stream.linear.scatter [tilespmem:s23], [sflag:$0x7], $0x4000, $0x38;
	[tilespmem:$0x1BAC0] =	vst v63  }
0x38: {  	_ =	swait.ge [sflag:s24], $0x4000  }
0x39: {  	[sflag:s24] =	ssyncset.done $0x0  }
0x3a: {  	s15 =	rddreg [dreg:$0x4];
	[sflag:s24] =	ssyncadd.s32 $0xFFFFC000  }
0x3b: {  	[spmem:s15] =	stream.linear.scatter [tilespmem:s23], [sflag:$0x7], $0x3800, $0x38;
	[tilespmem:$0x1BAC0] =	vst v63  }
0x3c: {  	_ =	swait.ge [sflag:s24], $0x3800  }
0x3d: {  	[sflag:s24] =	ssyncset.done $0x0  }
0x3e: {  	s11 =	simm.s32 @!p0 $0x200;
	[sflag:s24] =	ssyncadd.s32 $0xFFFFC800  }
0x3f: {  	[spmem:s9] =	stream.linear.scatter @!p0 [tilespmem:s11], [sflag:$0x7], $0xC00, $0x38;
	[tilespmem:$0x1BAC0] =	vst v63  }
0x40: {  	s11 =	simm.s32 @!p0 $0x7  }
0x41: {  	_ =	swait.ge @!p0 [sflag:s11], $0xC00  }
0x42: {  	[sflag:s11] =	ssyncset.done @!p0 $0x0  }
0x43: {  	[sflag:s11] =	ssyncadd.s32 @!p0 $0xFFFFF400  }
0x44: {  	[bflag:$0x0] =	sbarrier.arrive $0xFFFF  }
0x45: {  	s16 =	simm.s32 $0x0;
	s12 =	rddreg [dreg:$0xb]  }
0x46: {  	[tilespmem:s16], [sflag:$0x5] =	stream.linear.gather [hbm4b:s12+s16], $0x80, $0x38;
	[tilespmem:$0x1BAC0] =	vst v63  }
0x47: {  	s17 =	rddreg [dreg:$0xc]  }
0x48: {  	[tilespmem:s25], [sflag:$0x5] =	stream.linear.gather [hbm4b:s17+s16], $0x80, $0x38;
	[tilespmem:$0x1BAC0] =	vst v63  }
0x49: {  	_ =	swait.ge [sflag:s26], $0x80  }
0x4a: {  	[sflag:s26] =	ssyncset.done $0x0  }
0x4b: {  	[sflag:s26] =	ssyncadd.s32 $0xFFFFFF80  }
0x4c: {  	_ =	swait.ge [sflag:s26], $0x80  }
0x4d: {  	[sflag:s26] =	ssyncset.done $0x0  }
0x4e: {  	[sflag:s26] =	ssyncadd.s32 $0xFFFFFF80  }
0x4f: {  	[tilespmem:s23], [sflag:$0x1] =	stream.indirect.gather [hbm4b:s4+s25], $0x80, s16, s25, $0xb8;
	[tilespmem:$0x1BAC0] =	vst v63  }
0x50: {  	s13 =	simm.s32 $0x100;
	s18 =	rddreg [dreg:$0xd]  }
0x51: {  	[tilespmem:s13], [sflag:$0x6] =	stream.linear.gather [hbm4b:s18+s16], $0x80, $0x38;
	[tilespmem:$0x1BAC0] =	vst v63  }
0x52: {  	s19 =	rddreg [dreg:$0xe]  }
0x53: {  	[tilespmem:s29], [sflag:$0x6] =	stream.linear.gather [hbm4b:s19+s16], $0x80, $0x38;
	[tilespmem:$0x1BAC0] =	vst v63  }
0x54: {  	_ =	swait.ge [sflag:s30], $0x80  }
0x55: {  	[sflag:s30] =	ssyncset.done $0x0  }
0x56: {  	[sflag:s30] =	ssyncadd.s32 $0xFFFFFF80  }
0x57: {  	_ =	swait.ge [sflag:s30], $0x80  }
0x58: {  	[sflag:s30] =	ssyncset.done $0x0  }
0x59: {  	[sflag:s30] =	ssyncadd.s32 $0xFFFFFF80  }
0x5a: {  	[tilespmem:s31], [sflag:$0x2] =	stream.indirect.gather [hbm4b:s4+s25], $0x80, s13, s25, $0xb8;
	[tilespmem:$0x1BAC0] =	vst v63  }
0x5b: {  	_ =	swait.ge [sflag:s0], $0x4000  }
0x5c: {  	[sflag:s0] =	ssyncset.done $0x0  }
0x5d: {  	[sflag:s0] =	ssyncadd.s32 $0xFFFFC000  }
0x5e: {  	[spmem:s1] =	stream.indirect.scatter.add.f32 [tilespmem:s23], [sflag:$0x3], $0x80, s25, s25, $0xb8;
	[tilespmem:$0x1BAC0] =	vst v63  }
0x5f: {  	_ =	swait.ge [sflag:s2], $0x4000  }
0x60: {  	[sflag:s2] =	ssyncset.done $0x0  }
0x61: {  	s28 =	sadd.s32 $0xFFFFFFF0, s22;
	[sflag:s2] =	ssyncadd.s32 $0xFFFFC000  }
0x62: {  	[spmem:s1] =	stream.indirect.scatter.add.f32 [tilespmem:s31], [sflag:$0x4], $0x80, s29, s25, $0xb8;
	[tilespmem:$0x1BAC0] =	vst v63  }
0x63: {  	p2 =	sgt.u32 s28, $0x4E1;
	_ =	swait.ge [sflag:s8], $0x4000  }
0x64: {  	s11 =	sshrl.u32 @!p2 s20, $0x3;
	[sflag:s8] =	ssyncset.done $0x0  }
0x65: {  	s12 =	sadd.s32 @!p2 s5, s11;
	s13 =	simm.s32 @!p2 $0x0;
	[sflag:s8] =	ssyncadd.s32 $0xFFFFC000  }
0x66: {  	[tilespmem:s13], [sflag:$0x5] =	stream.linear.gather @!p2 [hbm4b:s12+s13], $0x80, $0x38;
	[tilespmem:$0x1BAC0] =	vst v63  }
0x67: {  	s14 =	simm.s32 @!p2 $0x80;
	s11 =	sadd.s32 @!p2 s6, s11;
	s12 =	simm.s32 @!p2 $0x5  }
0x68: {  	[tilespmem:s14], [sflag:$0x5] =	stream.linear.gather @!p2 [hbm4b:s11+s13], $0x80, $0x38;
	[tilespmem:$0x1BAC0] =	vst v63  }
0x69: {  	_ =	swait.ge @!p2 [sflag:s12], $0x80  }
0x6a: {  	[sflag:s12] =	ssyncset.done @!p2 $0x0  }
0x6b: {  	[sflag:s12] =	ssyncadd.s32 @!p2 $0xFFFFFF80  }
0x6c: {  	_ =	swait.ge @!p2 [sflag:s12], $0x80  }
0x6d: {  	[sflag:s12] =	ssyncset.done @!p2 $0x0  }
0x6e: {  	s16 =	simm.s32 @!p2 $0x200;
	[sflag:s12] =	ssyncadd.s32 @!p2 $0xFFFFFF80  }
0x6f: {  	[tilespmem:s16], [sflag:$0x1] =	stream.indirect.gather @!p2 [hbm4b:s4+s14], $0x80, s13, s14, $0xb8;
	[tilespmem:$0x1BAC0] =	vst v63  }
0x70: {  	p3 =	sgt.u32 s22, $0x4E1;
	_ =	swait.ge [sflag:s10], $0x4000  }
0x71: {  	s12 =	simm.s32 @!p3 $0x0;
	s11 =	rddreg [dreg:$0x3];
	[sflag:s10] =	ssyncset.done $0x0  }
0x72: {  	s13 =	simm.s32 @!p3 $0x100;
	[sflag:s10] =	ssyncadd.s32 $0xFFFFC000;
	s11 =	sadd.s32 @!p3 $0x0, s11  }
0x73: {  	[tilespmem:s13], [sflag:$0x6] =	stream.linear.gather @!p3 [hbm4b:s11+s12], $0x80, $0x38;
	[tilespmem:$0x1BAC0] =	vst v63  }
0x74: {  	s15 =	simm.s32 @!p3 $0x180;
	s17 =	simm.s32 @!p3 $0x6;
	s11 =	sadd.s32 @!p3 $0x0, s21  }
0x75: {  	[tilespmem:s15], [sflag:$0x6] =	stream.linear.gather @!p3 [hbm4b:s11+s12], $0x80, $0x38;
	[tilespmem:$0x1BAC0] =	vst v63  }
0x76: {  	_ =	swait.ge @!p3 [sflag:s17], $0x80  }
0x77: {  	[sflag:s17] =	ssyncset.done @!p3 $0x0  }
0x78: {  	[sflag:s17] =	ssyncadd.s32 @!p3 $0xFFFFFF80  }
0x79: {  	_ =	swait.ge @!p3 [sflag:s17], $0x80  }
0x7a: {  	s11 =	simm.s32 @!p3 $0x80;
	[sflag:s17] =	ssyncset.done @!p3 $0x0  }
0x7b: {  	s12 =	simm.s32 @!p3 $0x4200;
	s15 =	simm.s32 @!p2 $0x1;
	[sflag:s17] =	ssyncadd.s32 @!p3 $0xFFFFFF80  }
0x7c: {  	[tilespmem:s12], [sflag:$0x2] =	stream.indirect.gather @!p3 [hbm4b:s4+s11], $0x80, s13, s11, $0xb8;
	[tilespmem:$0x1BAC0] =	vst v63  }
0x7d: {  	p3 =	sgt.u32 @!p2 s22, $0x4E1;
	_ =	swait.ge @!p2 [sflag:s15], $0x4000  }
0x7e: {  	s11 =	simm.s32 $0x200;
	p4 =	por p3, p2;
	[sflag:s15] =	ssyncset.done @!p2 $0x0  }
0x7f: {  	s12 =	sadd.s32 $0x1000, s20;
	[sflag:s15] =	ssyncadd.s32 @!p2 $0xFFFFC000;
	s15 =	simm.s32 @!p4 $0x2  }
0x80: {  	[spmem:s1] =	stream.indirect.scatter.add.f32 @!p2 [tilespmem:s16], [sflag:$0x3], $0x80, s14, s14, $0xb8;
	[tilespmem:$0x1BAC0] =	vst v63  }
0x81: {  	s13 =	sadd.s32 $0x20, s22;
	s17 =	simm.s32 @!p4 $0x180;
	_ =	swait.ge @!p4 [sflag:s15], $0x4000  }
0x82: {  	s14 =	simm.s32 @!p4 $0x4200;
	s16 =	simm.s32 @!p4 $0x80;
	[sflag:s15] =	ssyncset.done @!p4 $0x0  }
.LBB2_4:
0x83: {  	s18 =	sadd.s32 $0xFFFFFFF0, s13;
	[sflag:s15] =	ssyncadd.s32 @!p4 $0xFFFFC000  }
0x84: {  	[spmem:s1] =	stream.indirect.scatter.add.f32 @!p4 [tilespmem:s14], [sflag:$0x4], $0x80, s17, s16, $0xb8;
	[tilespmem:$0x1BAC0] =	vst v63  }
0x85: {  	p3 =	sgt.u32 s18, $0x4E1;
	_ =	swait.ge [sflag:s8], $0x4000  }
0x86: {  	s14 =	sshrl.u32 @!p3 s12, $0x3;
	[sflag:s8] =	ssyncset.done $0x0  }
0x87: {  	s17 =	simm.s32 @!p3 $0x0;
	s16 =	sadd.s32 @!p3 s5, s14;
	[sflag:s8] =	ssyncadd.s32 $0xFFFFC000  }
0x88: {  	[tilespmem:s17], [sflag:$0x5] =	stream.linear.gather @!p3 [hbm4b:s16+s17], $0x80, $0x38;
	[tilespmem:$0x1BAC0] =	vst v63  }
0x89: {  	s18 =	simm.s32 @!p3 $0x5;
	s16 =	sadd.s32 @!p3 s6, s14;
	s14 =	simm.s32 @!p3 $0x80  }
0x8a: {  	[tilespmem:s14], [sflag:$0x5] =	stream.linear.gather @!p3 [hbm4b:s16+s17], $0x80, $0x38;
	[tilespmem:$0x1BAC0] =	vst v63  }
0x8b: {  	_ =	swait.ge @!p3 [sflag:s18], $0x80  }
0x8c: {  	[sflag:s18] =	ssyncset.done @!p3 $0x0  }
0x8d: {  	[sflag:s18] =	ssyncadd.s32 @!p3 $0xFFFFFF80  }
0x8e: {  	_ =	swait.ge @!p3 [sflag:s18], $0x80  }
0x8f: {  	[sflag:s18] =	ssyncset.done @!p3 $0x0  }
0x90: {  	s16 =	simm.s32 @!p3 $0x200;
	[sflag:s18] =	ssyncadd.s32 @!p3 $0xFFFFFF80  }
0x91: {  	[tilespmem:s16], [sflag:$0x1] =	stream.indirect.gather @!p3 [hbm4b:s4+s14], $0x80, s17, s14, $0xb8;
	[tilespmem:$0x1BAC0] =	vst v63  }
0x92: {  	s15 =	smov.u32 s11;
	p5 =	sgt.u32 s13, $0x4E1;
	_ =	swait.ge [sflag:s10], $0x4000  }
0x93: {  	s19 =	simm.s32 @!p5 $0x100;
	s17 =	rddreg [dreg:$0x3];
	[sflag:s10] =	ssyncset.done $0x0  }
0x94: {  	s18 =	simm.s32 @!p5 $0x0;
	[sflag:s10] =	ssyncadd.s32 $0xFFFFC000;
	s17 =	sadd.s32 @!p5 s15, s17  }
0x95: {  	[tilespmem:s19], [sflag:$0x6] =	stream.linear.gather @!p5 [hbm4b:s17+s18], $0x80, $0x38;
	[tilespmem:$0x1BAC0] =	vst v63  }
0x96: {  	s28 =	simm.s32 @!p5 $0x180;
	s15 =	sadd.s32 @!p5 s15, s21;
	s17 =	simm.s32 @!p5 $0x6  }
0x97: {  	[tilespmem:s28], [sflag:$0x6] =	stream.linear.gather @!p5 [hbm4b:s15+s18], $0x80, $0x38;
	[tilespmem:$0x1BAC0] =	vst v63  }
0x98: {  	_ =	swait.ge @!p5 [sflag:s17], $0x80  }
0x99: {  	[sflag:s17] =	ssyncset.done @!p5 $0x0  }
0x9a: {  	[sflag:s17] =	ssyncadd.s32 @!p5 $0xFFFFFF80  }
0x9b: {  	_ =	swait.ge @!p5 [sflag:s17], $0x80  }
0x9c: {  	s11 =	sadd.s32 $0x200, s11;
	s15 =	simm.s32 @!p5 $0x80;
	[sflag:s17] =	ssyncset.done @!p5 $0x0  }
0x9d: {  	s18 =	simm.s32 @!p5 $0x4200;
	[sflag:s17] =	ssyncadd.s32 @!p5 $0xFFFFFF80;
	s17 =	simm.s32 @!p3 $0x1  }
0x9e: {  	[tilespmem:s18], [sflag:$0x2] =	stream.indirect.gather @!p5 [hbm4b:s4+s15], $0x80, s19, s15, $0xb8;
	[tilespmem:$0x1BAC0] =	vst v63  }
0x9f: {  	p2 =	sne.s32 s11, $0x4E00;
	p4 =	sgt.u32 @!p3 s13, $0x4E1;
	_ =	swait.ge @!p3 [sflag:s17], $0x4000  }
.Ltmp1:
0xa0: {  	p4 =	por p4, p3;
	[sflag:s17] =	ssyncset.done @!p3 $0x0;
	(pc) =	sbr.rel @p2 .LBB2_4-.Ltmp1, $4  }
0xa1: {  	s12 =	sadd.s32 $0x1000, s12;
	s15 =	simm.s32 @!p4 $0x2;
	[sflag:s17] =	ssyncadd.s32 @!p3 $0xFFFFC000  }
0xa2: {  	[spmem:s1] =	stream.indirect.scatter.add.f32 @!p3 [tilespmem:s16], [sflag:$0x3], $0x80, s14, s14, $0xb8;
	[tilespmem:$0x1BAC0] =	vst v63  }
0xa3: {  	s13 =	sadd.s32 $0x20, s13;
	s17 =	simm.s32 @!p4 $0x180;
	_ =	swait.ge @!p4 [sflag:s15], $0x4000  }
0xa4: {  	s14 =	simm.s32 @!p4 $0x4200;
	s16 =	simm.s32 @!p4 $0x80;
	[sflag:s15] =	ssyncset.done @!p4 $0x0  }
0xa5: {  	[sflag:s15] =	ssyncadd.s32 @!p4 $0xFFFFC000;
	s11 =	simm.s32 @!p1 $0x3  }
0xa6: {  	[spmem:s1] =	stream.indirect.scatter.add.f32 @!p4 [tilespmem:s14], [sflag:$0x4], $0x80, s17, s16, $0xb8;
	[tilespmem:$0x1BAC0] =	vst v63  }
0xa7: {  	_ =	swait.ge @!p1 [sflag:s11], $0x4000  }
0xa8: {  	[sflag:s11] =	ssyncset.done @!p1 $0x0  }
0xa9: {  	s19 =	stileid.u32;
	[sflag:s11] =	ssyncadd.s32 @!p1 $0xFFFFC000  }
0xaa: {  	s11 =	sshll.u32 s19, $0x6;
	[bflag:$0x0] =	sbarrier.arrive $0xFFFF  }
0xab: {  	s12 =	sshrl.u32 s7, $0x3;
	s11 =	sor.u32 $0x1C07, s11;
	s13 =	rddreg [dreg:$0x5]  }
0xac: {  	[hbm:s13], [sflag:s11] =	dma.local [spmem:s12], $0x2700  }
0xad: {  	_ =	swait.ge [sflag:s24], $0x2700  }
0xae: {  	[sflag:s24] =	ssyncset.done $0x0  }
0xaf: {  	s12 =	sshrl.u32 @!p0 s9, $0x3;
	s13 =	rddreg [dreg:$0x6];
	[sflag:s24] =	ssyncadd.s32 $0xFFFFD900  }
0xb0: {  	[hbm:s13], [sflag:s11] =	dma.local @!p0 [spmem:s12], $0x100  }
0xb1: {  	s11 =	simm.s32 @!p0 $0x7  }
0xb2: {  	_ =	swait.ge @!p0 [sflag:s11], $0x100  }
0xb3: {  	s3 =	sadd.s32 $0x1, s3;
	s28 =	rddreg [dreg:$0x7]  }
0xb4: {  	p2 =	sne.s32 s3, s28  }
.Ltmp2:
0xb5: {  	_ = 	snop;
	(pc) =	sbr.rel @p2 .LBB2_1-.Ltmp2, $3  }
0xb6: {  	_ =	sdelay $0x1  }
0xb7: {  	[sflag:s11] =	ssyncset.done @!p0 $0x0  }
0xb8: {  	[sflag:s11] =	ssyncadd.s32 @!p0 $0xFFFFFF00  }
0xb9: {  	_ =	sfence.sel $0x180000  }
0xba: {  	[bflag:$0x0] =	sbarrier.arrive $0xFFFF  }
0xbb: {  	_ =	strace $0x90000056  }
0xbc: {  	s0 =	stileid.u32;
	[bflag:$0x2] =	sbarrier.arrive $0xFFFF  }
0xbd: {  	p0 =	sne.s32 s0, $0x0;
	s0 =	rddreg [dreg:$0x2]  }
0xbe: {  	s0 =	sadd.s32 @!p0 $0x100000, s0  }
0xbf: {  	[sflag:s0] =	ssyncadd.tile.s32 @!p0 $0x1;
	_ =	shalt  }
.Lfunc_end2:
_tile_overlayer_lowered:
.L_overlay_start_2:
0xc0: {  	(tag) =	ssettag $0x2  }
0xc1: {  	s0 =	rddreg [dreg:$0x0];
	s2 =	stileid.u32  }
0xc2: {  	s1 =	rddreg [dreg:$0x1];
	p0 =	sne.s32 s2, $0x0  }
0xc3: {  	s3 =	rddreg [dreg:$0x2];
	[bflag:$0x3] =	sbarrier.arrive $0xFFFF;
	s2 =	simm.s32 @!p0 $0x1C07  }
0xc4: {  	[timem:s3], [sflag:s2] =	dma.local @!p0 [hbm:s0], s1  }
0xc5: {  	s0 =	simm.s32 @!p0 $0x7  }
0xc6: {  	_ =	swait.ge @!p0 [sflag:s0], s1  }
0xc7: {  	s1 =	ssub.s32 @!p0 $0x0, s1;
	[sflag:s0] =	ssyncset.done @!p0 $0x0  }
0xc8: {  	[sflag:s0] =	ssyncadd.s32 @!p0 s1  }
0xc9: {  	[bflag:$0x3] =	sbarrier.arrive $0xFFFF  }
0xca: {  	_ =	shalt  }

</sc_bundles>
